<compile_context>
chip_gen: v7x
topology: tpu7x:2x2x1
jax: 0.10.2.dev20260603
libtpu: 0.0.44.dev20260713+nightly
codegen_flags: <defaults>
</compile_context>

<pallas_src>
import functools

import jax
import jax.numpy as jnp
from jax import lax
from jax.experimental import pallas as pl
from jax.experimental.pallas import tpu as pltpu
from jax.experimental.pallas import tpu_sc as plsc

B = 4096
D = 32
H = 128
OUT = 64

_BM = 512
_CH = 16


def _sc_gather_rows(tables, idxs, dep):
    n = len(tables)
    info = plsc.get_sparse_core_info()
    nc, ns = info.num_cores, info.num_subcores
    nw = nc * ns
    bpw = B // nw

    mesh = plsc.VectorSubcoreMesh(core_axis_name="c", subcore_axis_name="s")
    out_type = jax.ShapeDtypeStruct((B, n * D), jnp.float32)
    scratch_types = (
        [pltpu.VMEM((bpw,), jnp.int32) for _ in range(n)]
        + [pltpu.VMEM((bpw, D), jnp.float32) for _ in range(n)]
        + [pltpu.SemaphoreType.DMA]
    )

    @functools.partial(
        pl.kernel, mesh=mesh, out_type=out_type, scratch_types=scratch_types,
        compiler_params=pltpu.CompilerParams(use_tc_tiling_on_sc=False),
    )
    def k(*refs):
        t = refs[0:n]
        ix = refs[n:2 * n]
        o = refs[2 * n + 1]
        iv = refs[2 * n + 2:3 * n + 2]
        rv = refs[3 * n + 2:4 * n + 2]
        sem = refs[4 * n + 2]
        wid = lax.axis_index("s") * nc + lax.axis_index("c")
        base = wid * bpw
        for j in range(n):
            pltpu.sync_copy(ix[j].at[pl.ds(base, bpw)], iv[j])
        copies = [pltpu.async_copy(t[j].at[iv[j]], rv[j], sem) for j in range(n)]
        for c in copies:
            c.wait()
        for j in range(n):
            pltpu.sync_copy(
                rv[j], o.at[pl.ds(base, bpw), pl.ds(j * D, D)]
            )

    return k(*tables, *idxs, dep)


def _sc_gather_big(tables_t, idxs):
    n = len(tables_t)
    info = plsc.get_sparse_core_info()
    nc, ns = info.num_cores, info.num_subcores
    nw = nc * ns
    bpw = B // nw
    nch = bpw // _CH

    mesh = plsc.VectorSubcoreMesh(core_axis_name="c", subcore_axis_name="s")
    out_type = [jax.ShapeDtypeStruct((D, B), jnp.float32) for _ in range(n)]
    scratch_types = (
        [pltpu.VMEM((bpw,), jnp.int32) for _ in range(n)]
        + [pltpu.VMEM((_CH, D, 128), jnp.float32)]
        + [pltpu.VMEM((D, bpw), jnp.float32)]
        + [pltpu.SemaphoreType.DMA]
    )

    @functools.partial(
        pl.kernel, mesh=mesh, out_type=out_type, scratch_types=scratch_types,
        compiler_params=pltpu.CompilerParams(
            use_tc_tiling_on_sc=True, needs_layout_passes=False
        ),
    )
    def k(*refs):
        t = refs[0:n]
        ix = refs[n:2 * n]
        o = refs[2 * n:3 * n]
        iv = refs[3 * n:4 * n]
        stage = refs[4 * n]
        outT = refs[4 * n + 1]
        sem = refs[4 * n + 2]
        wid = lax.axis_index("s") * nc + lax.axis_index("c")
        base = wid * bpw
        for j in range(n):
            pltpu.sync_copy(ix[j].at[pl.ds(base, bpw)], iv[j])

        lanes = lax.iota(jnp.int32, 16)
        for j in range(n):
            def chunk(c, _, j=j):
                v16 = iv[j][pl.ds(c * _CH, 16)]
                for l in range(_CH):
                    col = pl.multiple_of((v16[l] >> 7) * 128, 128)
                    pltpu.async_copy(
                        t[j].at[:, pl.ds(col, 128)], stage.at[l], sem
                    )
                for l in range(_CH):
                    pltpu.make_async_copy(
                        t[j].at[:, pl.ds(0, 128)], stage.at[l], sem
                    ).wait()
                sub = v16 & 127
                for f in range(D):
                    fv = jnp.full((16,), f, jnp.int32)
                    vals = plsc.load_gather(stage, [lanes, fv, sub])
                    outT[f, pl.ds(c * _CH, 16)] = vals
                return ()

            lax.fori_loop(0, nch, chunk, ())
            pltpu.sync_copy(outT, o[j].at[:, pl.ds(base, bpw)])

    return k(*tables_t, *idxs)


def _tower_block(g0T, g1, g2, W1, b1, W2, b2):
    x = (
        lax.dot_general(g0T, W1[0:D, :], (((0,), (0,)), ((), ())),
                        preferred_element_type=jnp.float32)
        + jnp.dot(g1, W1[D:2 * D, :], preferred_element_type=jnp.float32)
        + jnp.dot(g2, W1[2 * D:3 * D, :], preferred_element_type=jnp.float32)
    )
    h = jnp.maximum(x + b1[None, :], 0.0)
    e = jnp.dot(h, W2, preferred_element_type=jnp.float32) + b2[None, :]
    nrm = jnp.sqrt(jnp.sum(e * e, axis=-1, keepdims=True))
    return (e / jnp.maximum(nrm, 1e-12)).astype(jnp.bfloat16)


def _tc_kernel(
    ug0, ig0, small,
    u_W1, u_b1, u_W2, u_b2, i_W1, i_b1, i_W2, i_b2, inv_t,
    out_ref, u_emb, i_emb,
):
    pid = pl.program_id(0)

    @pl.when(pid == 0)
    def _():
        s = small[...]
        u_emb[...] = _tower_block(
            ug0[...], s[:, 0:D], s[:, D:2 * D],
            u_W1[...], u_b1[...], u_W2[...], u_b2[...]
        )
        i_emb[...] = _tower_block(
            ig0[...], s[:, 2 * D:3 * D], s[:, 3 * D:4 * D],
            i_W1[...], i_b1[...], i_W2[...], i_b2[...]
        ).T

    ub = u_emb[pl.ds(pid * _BM, _BM), :]
    scores = lax.dot_general(
        ub, i_emb[...], (((1,), (0,)), ((), ())), preferred_element_type=jnp.float32
    )
    out_ref[...] = scores * inv_t[0, 0]


def kernel(user_id, user_geo, user_age, item_id, item_category, item_brand,
           u_tab_id, u_tab_geo, u_tab_age, i_tab_id, i_tab_cat, i_tab_brand,
           u_W1, u_b1, u_W2, u_b2, i_W1, i_b1, i_W2, i_b2, temperature):
    g_big = _sc_gather_big(
        [u_tab_id.T, i_tab_id.T], [user_id, item_id],
    )
    g_small = _sc_gather_rows(
        [u_tab_geo, u_tab_age, i_tab_cat, i_tab_brand],
        [user_geo, user_age, item_category, item_brand],
        g_big[0],
    )

    inv_t = (1.0 / temperature).astype(jnp.float32).reshape(1, 1)

    fullT = pl.BlockSpec((D, B), lambda i: (0, 0))
    wspec = lambda shape: pl.BlockSpec(shape, lambda i: tuple(0 for _ in shape))
    grid_spec = pltpu.PrefetchScalarGridSpec(
        num_scalar_prefetch=0,
        grid=(B // _BM,),
        in_specs=[
            fullT, fullT, pl.BlockSpec((B, 4 * D), lambda i: (0, 0)),
            wspec((3 * D, H)), wspec((H,)), wspec((H, OUT)), wspec((OUT,)),
            wspec((3 * D, H)), wspec((H,)), wspec((H, OUT)), wspec((OUT,)),
            pl.BlockSpec(memory_space=pltpu.SMEM),
        ],
        out_specs=pl.BlockSpec((_BM, B), lambda i: (i, 0)),
        scratch_shapes=[
            pltpu.VMEM((B, OUT), jnp.bfloat16),
            pltpu.VMEM((OUT, B), jnp.bfloat16),
        ],
    )

    scores = pl.pallas_call(
        _tc_kernel,
        grid_spec=grid_spec,
        out_shape=jax.ShapeDtypeStruct((B, B), jnp.float32),
    )(g_big[0], g_big[1], g_small,
      u_W1, u_b1, u_W2, u_b2, i_W1, i_b1, i_W2, i_b2, inv_t)

    return scores

# --- scband reference (transcript-rebuilt; emitter-appended) ---
"""Pipeline reference for scband-two-tower-retrieval-28656021799017 (READ-ONLY COPY).

The authoritative reference and input builder live on the scoring server;
editing this copy changes nothing except your own understanding.
"""

import jax, jax.numpy as jnp
import numpy as np

B = 4096
D = 32
H = 128
OUT = 64
F = 3 * D


def _tower(idx_list, tables, W1, b1, W2, b2):
    embs = [jnp.take(t, i, axis=0) for t, i in zip(tables, idx_list)]
    x = jnp.concatenate(embs, axis=-1)
    h = jax.nn.relu(x @ W1 + b1)
    e = h @ W2 + b2
    n = jnp.linalg.norm(e, axis=-1, keepdims=True)
    return e / jnp.maximum(n, 1e-12)


def setup_inputs(seed: int = 0) -> dict:
    key = jax.random.key(seed)
    ks = jax.random.split(key, 24)
    inp = {}
    inp["user_id"] = jax.random.randint(ks[0], (B,), 0, 1000000)
    inp["user_geo"] = jax.random.randint(ks[1], (B,), 0, 10000)
    inp["user_age"] = jax.random.randint(ks[2], (B,), 0, 100)
    inp["item_id"] = jax.random.randint(ks[3], (B,), 0, 1000000)
    inp["item_category"] = jax.random.randint(ks[4], (B,), 0, 1000)
    inp["item_brand"] = jax.random.randint(ks[5], (B,), 0, 100000)
    inp["u_tab_id"] = jax.random.normal(ks[6], (1000000, D), dtype=jnp.float32) * 0.01
    inp["u_tab_geo"] = jax.random.normal(ks[7], (10000, D), dtype=jnp.float32) * 0.01
    inp["u_tab_age"] = jax.random.normal(ks[8], (100, D), dtype=jnp.float32) * 0.01
    inp["i_tab_id"] = jax.random.normal(ks[9], (1000000, D), dtype=jnp.float32) * 0.01
    inp["i_tab_cat"] = jax.random.normal(ks[10], (1000, D), dtype=jnp.float32) * 0.01
    inp["i_tab_brand"] = jax.random.normal(ks[11], (100000, D), dtype=jnp.float32) * 0.01
    inp["u_W1"] = jax.random.normal(ks[12], (F, H), dtype=jnp.float32) * (1.0 / np.sqrt(F))
    inp["u_b1"] = jnp.zeros((H,), dtype=jnp.float32)
    inp["u_W2"] = jax.random.normal(ks[13], (H, OUT), dtype=jnp.float32) * (1.0 / np.sqrt(H))
    inp["u_b2"] = jnp.zeros((OUT,), dtype=jnp.float32)
    inp["i_W1"] = jax.random.normal(ks[14], (F, H), dtype=jnp.float32) * (1.0 / np.sqrt(F))
    inp["i_b1"] = jnp.zeros((H,), dtype=jnp.float32)
    inp["i_W2"] = jax.random.normal(ks[15], (H, OUT), dtype=jnp.float32) * (1.0 / np.sqrt(H))
    inp["i_b2"] = jnp.zeros((OUT,), dtype=jnp.float32)
    inp["temperature"] = jnp.asarray(0.05, dtype=jnp.float32)
    return inp


def reference(user_id, user_geo, user_age, item_id, item_category, item_brand,
              u_tab_id, u_tab_geo, u_tab_age, i_tab_id, i_tab_cat, i_tab_brand,
              u_W1, u_b1, u_W2, u_b2, i_W1, i_b1, i_W2, i_b2, temperature):
    user_emb = _tower([user_id, user_geo, user_age],
                      [u_tab_id, u_tab_geo, u_tab_age], u_W1, u_b1, u_W2, u_b2)
    item_emb = _tower([item_id, item_category, item_brand],
                      [i_tab_id, i_tab_cat, i_tab_brand], i_W1, i_b1, i_W2, i_b2)
    scores = user_emb @ item_emb.T
    return scores / temperature

if __name__ == "__main__":
    import jax
    _d = setup_inputs()
    print(jax.jit(kernel)(*tuple(_d.values())))

</pallas_src>

<mosaic_0001>
#map = affine_map<(d0, d1) -> (0, 0)>
#map1 = affine_map<(d0, d1) -> (0)>
module attributes {stable_mosaic.version = 14 : i64} {
  func.func @k(%arg0: i32, %arg1: i32, %arg2: memref<10000x32xf32, #tpu.memory_space<hbm>>, %arg3: memref<100x32xf32, #tpu.memory_space<hbm>>, %arg4: memref<1000x32xf32, #tpu.memory_space<hbm>>, %arg5: memref<100000x32xf32, #tpu.memory_space<hbm>>, %arg6: memref<4096xi32, #tpu.memory_space<hbm>>, %arg7: memref<4096xi32, #tpu.memory_space<hbm>>, %arg8: memref<4096xi32, #tpu.memory_space<hbm>>, %arg9: memref<4096xi32, #tpu.memory_space<hbm>>, %arg10: memref<32x4096xf32, #tpu.memory_space<hbm>>, %arg11: memref<4096x128xf32, #tpu.memory_space<hbm>>, %arg12: memref<128xi32, #tpu.memory_space<vmem>>, %arg13: memref<128xi32, #tpu.memory_space<vmem>>, %arg14: memref<128xi32, #tpu.memory_space<vmem>>, %arg15: memref<128xi32, #tpu.memory_space<vmem>>, %arg16: memref<128x32xf32, #tpu.memory_space<vmem>>, %arg17: memref<128x32xf32, #tpu.memory_space<vmem>>, %arg18: memref<128x32xf32, #tpu.memory_space<vmem>>, %arg19: memref<128x32xf32, #tpu.memory_space<vmem>>, %arg20: memref<!tpu.dma_semaphore, #tpu.memory_space<semaphore_mem>>) attributes {dimension_semantics = [#tpu.dimension_semantics<core_parallel>, #tpu.dimension_semantics<subcore_parallel>], iteration_bounds = array<i64: 2, 16>, scalar_prefetch = 0 : i64, scratch_operands = 9 : i64, tpu.core_type = #tpu.core_type<sc_vector_subcore>, window_params = [{transform_indices = #map}, {transform_indices = #map}, {transform_indices = #map}, {transform_indices = #map}, {transform_indices = #map1}, {transform_indices = #map1}, {transform_indices = #map1}, {transform_indices = #map1}, {transform_indices = #map}, {transform_indices = #map}]} {
    %mul3A = arith.constant 2 : i32
    %mul3A_0 = arith.muli %arg1, %mul3A : i32
    %add3A = arith.addi %mul3A_0, %arg0 : i32
    %mul3A_1 = arith.constant 128 : i32
    %mul3A_2 = arith.muli %add3A, %mul3A_1 : i32
    "tpu.region"() ({
      %run_scoped3A = tpu.sem_alloc : memref<!tpu.dma_semaphore, #tpu.memory_space<semaphore_mem>>
      %dma_start3A_25 = tpu.memref_slice %arg6[%mul3A_2] : memref<4096xi32, #tpu.memory_space<hbm>> -> memref<128xi32, #tpu.memory_space<hbm>>
      %dma_start3A_26 = tpu.memref_slice %arg6[%mul3A_2] : memref<4096xi32, #tpu.memory_space<hbm>> -> memref<128xi32, #tpu.memory_space<hbm>>
      tpu.enqueue_dma source(%dma_start3A_26 : memref<128xi32, #tpu.memory_space<hbm>>) target(%arg12 : memref<128xi32, #tpu.memory_space<vmem>>) target_semaphore(%run_scoped3A : memref<!tpu.dma_semaphore, #tpu.memory_space<semaphore_mem>>)
      %dma_wait3A_27 = tpu.memref_slice %arg6[%mul3A_2] : memref<4096xi32, #tpu.memory_space<hbm>> -> memref<128xi32, #tpu.memory_space<hbm>>
      %dma_wait3A_28 = tpu.memref_slice %arg6[%mul3A_2] : memref<4096xi32, #tpu.memory_space<hbm>> -> memref<128xi32, #tpu.memory_space<hbm>>
      tpu.wait_dma2 semaphore(%run_scoped3A : memref<!tpu.dma_semaphore, #tpu.memory_space<semaphore_mem>>) src(%dma_wait3A_28 : memref<128xi32, #tpu.memory_space<hbm>>) dst(%arg12 : memref<128xi32, #tpu.memory_space<vmem>>)
      tpu.yield
    }) : () -> ()
    "tpu.region"() ({
      %run_scoped3A = tpu.sem_alloc : memref<!tpu.dma_semaphore, #tpu.memory_space<semaphore_mem>>
      %dma_start3A_25 = tpu.memref_slice %arg7[%mul3A_2] : memref<4096xi32, #tpu.memory_space<hbm>> -> memref<128xi32, #tpu.memory_space<hbm>>
      %dma_start3A_26 = tpu.memref_slice %arg7[%mul3A_2] : memref<4096xi32, #tpu.memory_space<hbm>> -> memref<128xi32, #tpu.memory_space<hbm>>
      tpu.enqueue_dma source(%dma_start3A_26 : memref<128xi32, #tpu.memory_space<hbm>>) target(%arg13 : memref<128xi32, #tpu.memory_space<vmem>>) target_semaphore(%run_scoped3A : memref<!tpu.dma_semaphore, #tpu.memory_space<semaphore_mem>>)
      %dma_wait3A_27 = tpu.memref_slice %arg7[%mul3A_2] : memref<4096xi32, #tpu.memory_space<hbm>> -> memref<128xi32, #tpu.memory_space<hbm>>
      %dma_wait3A_28 = tpu.memref_slice %arg7[%mul3A_2] : memref<4096xi32, #tpu.memory_space<hbm>> -> memref<128xi32, #tpu.memory_space<hbm>>
      tpu.wait_dma2 semaphore(%run_scoped3A : memref<!tpu.dma_semaphore, #tpu.memory_space<semaphore_mem>>) src(%dma_wait3A_28 : memref<128xi32, #tpu.memory_space<hbm>>) dst(%arg13 : memref<128xi32, #tpu.memory_space<vmem>>)
      tpu.yield
    }) : () -> ()
    "tpu.region"() ({
      %run_scoped3A = tpu.sem_alloc : memref<!tpu.dma_semaphore, #tpu.memory_space<semaphore_mem>>
      %dma_start3A_25 = tpu.memref_slice %arg8[%mul3A_2] : memref<4096xi32, #tpu.memory_space<hbm>> -> memref<128xi32, #tpu.memory_space<hbm>>
      %dma_start3A_26 = tpu.memref_slice %arg8[%mul3A_2] : memref<4096xi32, #tpu.memory_space<hbm>> -> memref<128xi32, #tpu.memory_space<hbm>>
      tpu.enqueue_dma source(%dma_start3A_26 : memref<128xi32, #tpu.memory_space<hbm>>) target(%arg14 : memref<128xi32, #tpu.memory_space<vmem>>) target_semaphore(%run_scoped3A : memref<!tpu.dma_semaphore, #tpu.memory_space<semaphore_mem>>)
      %dma_wait3A_27 = tpu.memref_slice %arg8[%mul3A_2] : memref<4096xi32, #tpu.memory_space<hbm>> -> memref<128xi32, #tpu.memory_space<hbm>>
      %dma_wait3A_28 = tpu.memref_slice %arg8[%mul3A_2] : memref<4096xi32, #tpu.memory_space<hbm>> -> memref<128xi32, #tpu.memory_space<hbm>>
      tpu.wait_dma2 semaphore(%run_scoped3A : memref<!tpu.dma_semaphore, #tpu.memory_space<semaphore_mem>>) src(%dma_wait3A_28 : memref<128xi32, #tpu.memory_space<hbm>>) dst(%arg14 : memref<128xi32, #tpu.memory_space<vmem>>)
      tpu.yield
    }) : () -> ()
    "tpu.region"() ({
      %run_scoped3A = tpu.sem_alloc : memref<!tpu.dma_semaphore, #tpu.memory_space<semaphore_mem>>
      %dma_start3A_25 = tpu.memref_slice %arg9[%mul3A_2] : memref<4096xi32, #tpu.memory_space<hbm>> -> memref<128xi32, #tpu.memory_space<hbm>>
      %dma_start3A_26 = tpu.memref_slice %arg9[%mul3A_2] : memref<4096xi32, #tpu.memory_space<hbm>> -> memref<128xi32, #tpu.memory_space<hbm>>
      tpu.enqueue_dma source(%dma_start3A_26 : memref<128xi32, #tpu.memory_space<hbm>>) target(%arg15 : memref<128xi32, #tpu.memory_space<vmem>>) target_semaphore(%run_scoped3A : memref<!tpu.dma_semaphore, #tpu.memory_space<semaphore_mem>>)
      %dma_wait3A_27 = tpu.memref_slice %arg9[%mul3A_2] : memref<4096xi32, #tpu.memory_space<hbm>> -> memref<128xi32, #tpu.memory_space<hbm>>
      %dma_wait3A_28 = tpu.memref_slice %arg9[%mul3A_2] : memref<4096xi32, #tpu.memory_space<hbm>> -> memref<128xi32, #tpu.memory_space<hbm>>
      tpu.wait_dma2 semaphore(%run_scoped3A : memref<!tpu.dma_semaphore, #tpu.memory_space<semaphore_mem>>) src(%dma_wait3A_28 : memref<128xi32, #tpu.memory_space<hbm>>) dst(%arg15 : memref<128xi32, #tpu.memory_space<vmem>>)
      tpu.yield
    }) : () -> ()
    %dma_start3A = arith.constant 0 : i32
    %dma_start3A_3 = arith.constant 0 : i32
    %dma_start3A_4 = tpu.memref_slice %arg2[%dma_start3A, %dma_start3A_3] : memref<10000x32xf32, #tpu.memory_space<hbm>> -> memref<10000x32xf32, #tpu.memory_space<hbm>>
    tpu.enqueue_indirect_dma source(%dma_start3A_4 : memref<10000x32xf32, #tpu.memory_space<hbm>>) target(%arg16 : memref<128x32xf32, #tpu.memory_space<vmem>>) offsets(%arg12 : memref<128xi32, #tpu.memory_space<vmem>>) semaphore(%arg20 : memref<!tpu.dma_semaphore, #tpu.memory_space<semaphore_mem>>)
    %dma_start3A_5 = arith.constant 0 : i32
    %dma_start3A_6 = arith.constant 0 : i32
    %dma_start3A_7 = tpu.memref_slice %arg3[%dma_start3A_5, %dma_start3A_6] : memref<100x32xf32, #tpu.memory_space<hbm>> -> memref<100x32xf32, #tpu.memory_space<hbm>>
    tpu.enqueue_indirect_dma source(%dma_start3A_7 : memref<100x32xf32, #tpu.memory_space<hbm>>) target(%arg17 : memref<128x32xf32, #tpu.memory_space<vmem>>) offsets(%arg13 : memref<128xi32, #tpu.memory_space<vmem>>) semaphore(%arg20 : memref<!tpu.dma_semaphore, #tpu.memory_space<semaphore_mem>>)
    %dma_start3A_8 = arith.constant 0 : i32
    %dma_start3A_9 = arith.constant 0 : i32
    %dma_start3A_10 = tpu.memref_slice %arg4[%dma_start3A_8, %dma_start3A_9] : memref<1000x32xf32, #tpu.memory_space<hbm>> -> memref<1000x32xf32, #tpu.memory_space<hbm>>
    tpu.enqueue_indirect_dma source(%dma_start3A_10 : memref<1000x32xf32, #tpu.memory_space<hbm>>) target(%arg18 : memref<128x32xf32, #tpu.memory_space<vmem>>) offsets(%arg14 : memref<128xi32, #tpu.memory_space<vmem>>) semaphore(%arg20 : memref<!tpu.dma_semaphore, #tpu.memory_space<semaphore_mem>>)
    %dma_start3A_11 = arith.constant 0 : i32
    %dma_start3A_12 = arith.constant 0 : i32
    %dma_start3A_13 = tpu.memref_slice %arg5[%dma_start3A_11, %dma_start3A_12] : memref<100000x32xf32, #tpu.memory_space<hbm>> -> memref<100000x32xf32, #tpu.memory_space<hbm>>
    tpu.enqueue_indirect_dma source(%dma_start3A_13 : memref<100000x32xf32, #tpu.memory_space<hbm>>) target(%arg19 : memref<128x32xf32, #tpu.memory_space<vmem>>) offsets(%arg15 : memref<128xi32, #tpu.memory_space<vmem>>) semaphore(%arg20 : memref<!tpu.dma_semaphore, #tpu.memory_space<semaphore_mem>>)
    %dma_wait3A = arith.constant 0 : i32
    %dma_wait3A_14 = arith.constant 0 : i32
    %dma_wait3A_15 = tpu.memref_slice %arg2[%dma_wait3A, %dma_wait3A_14] : memref<10000x32xf32, #tpu.memory_space<hbm>> -> memref<10000x32xf32, #tpu.memory_space<hbm>>
    tpu.wait_indirect_dma semaphore(%arg20 : memref<!tpu.dma_semaphore, #tpu.memory_space<semaphore_mem>>) src(%dma_wait3A_15 : memref<10000x32xf32, #tpu.memory_space<hbm>>) dst(%arg16 : memref<128x32xf32, #tpu.memory_space<vmem>>)
    %dma_wait3A_16 = arith.constant 0 : i32
    %dma_wait3A_17 = arith.constant 0 : i32
    %dma_wait3A_18 = tpu.memref_slice %arg3[%dma_wait3A_16, %dma_wait3A_17] : memref<100x32xf32, #tpu.memory_space<hbm>> -> memref<100x32xf32, #tpu.memory_space<hbm>>
    tpu.wait_indirect_dma semaphore(%arg20 : memref<!tpu.dma_semaphore, #tpu.memory_space<semaphore_mem>>) src(%dma_wait3A_18 : memref<100x32xf32, #tpu.memory_space<hbm>>) dst(%arg17 : memref<128x32xf32, #tpu.memory_space<vmem>>)
    %dma_wait3A_19 = arith.constant 0 : i32
    %dma_wait3A_20 = arith.constant 0 : i32
    %dma_wait3A_21 = tpu.memref_slice %arg4[%dma_wait3A_19, %dma_wait3A_20] : memref<1000x32xf32, #tpu.memory_space<hbm>> -> memref<1000x32xf32, #tpu.memory_space<hbm>>
    tpu.wait_indirect_dma semaphore(%arg20 : memref<!tpu.dma_semaphore, #tpu.memory_space<semaphore_mem>>) src(%dma_wait3A_21 : memref<1000x32xf32, #tpu.memory_space<hbm>>) dst(%arg18 : memref<128x32xf32, #tpu.memory_space<vmem>>)
    %dma_wait3A_22 = arith.constant 0 : i32
    %dma_wait3A_23 = arith.constant 0 : i32
    %dma_wait3A_24 = tpu.memref_slice %arg5[%dma_wait3A_22, %dma_wait3A_23] : memref<100000x32xf32, #tpu.memory_space<hbm>> -> memref<100000x32xf32, #tpu.memory_space<hbm>>
    tpu.wait_indirect_dma semaphore(%arg20 : memref<!tpu.dma_semaphore, #tpu.memory_space<semaphore_mem>>) src(%dma_wait3A_24 : memref<100000x32xf32, #tpu.memory_space<hbm>>) dst(%arg19 : memref<128x32xf32, #tpu.memory_space<vmem>>)
    "tpu.region"() ({
      %run_scoped3A = tpu.sem_alloc : memref<!tpu.dma_semaphore, #tpu.memory_space<semaphore_mem>>
      %dma_start3A_25 = arith.constant 0 : i32
      %dma_start3A_26 = tpu.memref_slice %arg11[%mul3A_2, %dma_start3A_25] : memref<4096x128xf32, #tpu.memory_space<hbm>> -> memref<128x32xf32, #tpu.memory_space<hbm>>
      %dma_start3A_27 = arith.constant 0 : i32
      %dma_start3A_28 = tpu.memref_slice %arg11[%mul3A_2, %dma_start3A_27] : memref<4096x128xf32, #tpu.memory_space<hbm>> -> memref<128x32xf32, #tpu.memory_space<hbm>>
      tpu.enqueue_dma source(%arg16 : memref<128x32xf32, #tpu.memory_space<vmem>>) target(%dma_start3A_28 : memref<128x32xf32, #tpu.memory_space<hbm>>) target_semaphore(%run_scoped3A : memref<!tpu.dma_semaphore, #tpu.memory_space<semaphore_mem>>)
      %dma_wait3A_29 = arith.constant 0 : i32
      %dma_wait3A_30 = tpu.memref_slice %arg11[%mul3A_2, %dma_wait3A_29] : memref<4096x128xf32, #tpu.memory_space<hbm>> -> memref<128x32xf32, #tpu.memory_space<hbm>>
      %dma_wait3A_31 = arith.constant 0 : i32
      %dma_wait3A_32 = tpu.memref_slice %arg11[%mul3A_2, %dma_wait3A_31] : memref<4096x128xf32, #tpu.memory_space<hbm>> -> memref<128x32xf32, #tpu.memory_space<hbm>>
      tpu.wait_dma2 semaphore(%run_scoped3A : memref<!tpu.dma_semaphore, #tpu.memory_space<semaphore_mem>>) src(%arg16 : memref<128x32xf32, #tpu.memory_space<vmem>>) dst(%dma_wait3A_32 : memref<128x32xf32, #tpu.memory_space<hbm>>)
      tpu.yield
    }) : () -> ()
    "tpu.region"() ({
      %run_scoped3A = tpu.sem_alloc : memref<!tpu.dma_semaphore, #tpu.memory_space<semaphore_mem>>
      %dma_start3A_25 = arith.constant 32 : i32
      %dma_start3A_26 = tpu.memref_slice %arg11[%mul3A_2, %dma_start3A_25] : memref<4096x128xf32, #tpu.memory_space<hbm>> -> memref<128x32xf32, #tpu.memory_space<hbm>>
      %dma_start3A_27 = arith.constant 32 : i32
      %dma_start3A_28 = tpu.memref_slice %arg11[%mul3A_2, %dma_start3A_27] : memref<4096x128xf32, #tpu.memory_space<hbm>> -> memref<128x32xf32, #tpu.memory_space<hbm>>
      tpu.enqueue_dma source(%arg17 : memref<128x32xf32, #tpu.memory_space<vmem>>) target(%dma_start3A_28 : memref<128x32xf32, #tpu.memory_space<hbm>>) target_semaphore(%run_scoped3A : memref<!tpu.dma_semaphore, #tpu.memory_space<semaphore_mem>>)
      %dma_wait3A_29 = arith.constant 32 : i32
      %dma_wait3A_30 = tpu.memref_slice %arg11[%mul3A_2, %dma_wait3A_29] : memref<4096x128xf32, #tpu.memory_space<hbm>> -> memref<128x32xf32, #tpu.memory_space<hbm>>
      %dma_wait3A_31 = arith.constant 32 : i32
      %dma_wait3A_32 = tpu.memref_slice %arg11[%mul3A_2, %dma_wait3A_31] : memref<4096x128xf32, #tpu.memory_space<hbm>> -> memref<128x32xf32, #tpu.memory_space<hbm>>
      tpu.wait_dma2 semaphore(%run_scoped3A : memref<!tpu.dma_semaphore, #tpu.memory_space<semaphore_mem>>) src(%arg17 : memref<128x32xf32, #tpu.memory_space<vmem>>) dst(%dma_wait3A_32 : memref<128x32xf32, #tpu.memory_space<hbm>>)
      tpu.yield
    }) : () -> ()
    "tpu.region"() ({
      %run_scoped3A = tpu.sem_alloc : memref<!tpu.dma_semaphore, #tpu.memory_space<semaphore_mem>>
      %dma_start3A_25 = arith.constant 64 : i32
      %dma_start3A_26 = tpu.memref_slice %arg11[%mul3A_2, %dma_start3A_25] : memref<4096x128xf32, #tpu.memory_space<hbm>> -> memref<128x32xf32, #tpu.memory_space<hbm>>
      %dma_start3A_27 = arith.constant 64 : i32
      %dma_start3A_28 = tpu.memref_slice %arg11[%mul3A_2, %dma_start3A_27] : memref<4096x128xf32, #tpu.memory_space<hbm>> -> memref<128x32xf32, #tpu.memory_space<hbm>>
      tpu.enqueue_dma source(%arg18 : memref<128x32xf32, #tpu.memory_space<vmem>>) target(%dma_start3A_28 : memref<128x32xf32, #tpu.memory_space<hbm>>) target_semaphore(%run_scoped3A : memref<!tpu.dma_semaphore, #tpu.memory_space<semaphore_mem>>)
      %dma_wait3A_29 = arith.constant 64 : i32
      %dma_wait3A_30 = tpu.memref_slice %arg11[%mul3A_2, %dma_wait3A_29] : memref<4096x128xf32, #tpu.memory_space<hbm>> -> memref<128x32xf32, #tpu.memory_space<hbm>>
      %dma_wait3A_31 = arith.constant 64 : i32
      %dma_wait3A_32 = tpu.memref_slice %arg11[%mul3A_2, %dma_wait3A_31] : memref<4096x128xf32, #tpu.memory_space<hbm>> -> memref<128x32xf32, #tpu.memory_space<hbm>>
      tpu.wait_dma2 semaphore(%run_scoped3A : memref<!tpu.dma_semaphore, #tpu.memory_space<semaphore_mem>>) src(%arg18 : memref<128x32xf32, #tpu.memory_space<vmem>>) dst(%dma_wait3A_32 : memref<128x32xf32, #tpu.memory_space<hbm>>)
      tpu.yield
    }) : () -> ()
    "tpu.region"() ({
      %run_scoped3A = tpu.sem_alloc : memref<!tpu.dma_semaphore, #tpu.memory_space<semaphore_mem>>
      %dma_start3A_25 = arith.constant 96 : i32
      %dma_start3A_26 = tpu.memref_slice %arg11[%mul3A_2, %dma_start3A_25] : memref<4096x128xf32, #tpu.memory_space<hbm>> -> memref<128x32xf32, #tpu.memory_space<hbm>>
      %dma_start3A_27 = arith.constant 96 : i32
      %dma_start3A_28 = tpu.memref_slice %arg11[%mul3A_2, %dma_start3A_27] : memref<4096x128xf32, #tpu.memory_space<hbm>> -> memref<128x32xf32, #tpu.memory_space<hbm>>
      tpu.enqueue_dma source(%arg19 : memref<128x32xf32, #tpu.memory_space<vmem>>) target(%dma_start3A_28 : memref<128x32xf32, #tpu.memory_space<hbm>>) target_semaphore(%run_scoped3A : memref<!tpu.dma_semaphore, #tpu.memory_space<semaphore_mem>>)
      %dma_wait3A_29 = arith.constant 96 : i32
      %dma_wait3A_30 = tpu.memref_slice %arg11[%mul3A_2, %dma_wait3A_29] : memref<4096x128xf32, #tpu.memory_space<hbm>> -> memref<128x32xf32, #tpu.memory_space<hbm>>
      %dma_wait3A_31 = arith.constant 96 : i32
      %dma_wait3A_32 = tpu.memref_slice %arg11[%mul3A_2, %dma_wait3A_31] : memref<4096x128xf32, #tpu.memory_space<hbm>> -> memref<128x32xf32, #tpu.memory_space<hbm>>
      tpu.wait_dma2 semaphore(%run_scoped3A : memref<!tpu.dma_semaphore, #tpu.memory_space<semaphore_mem>>) src(%arg19 : memref<128x32xf32, #tpu.memory_space<vmem>>) dst(%dma_wait3A_32 : memref<128x32xf32, #tpu.memory_space<hbm>>)
      tpu.yield
    }) : () -> ()
    return
  }
}

#map = affine_map<(d0, d1) -> (0, 0)>
#map1 = affine_map<(d0, d1) -> (0)>
module attributes {stable_mosaic.version = 14 : i64} {
  func.func @k(%arg0: i32, %arg1: i32, %arg2: memref<32x1000000xf32, #tpu.memory_space<hbm>>, %arg3: memref<32x1000000xf32, #tpu.memory_space<hbm>>, %arg4: memref<4096xi32, #tpu.memory_space<hbm>>, %arg5: memref<4096xi32, #tpu.memory_space<hbm>>, %arg6: memref<32x4096xf32, #tpu.memory_space<hbm>>, %arg7: memref<32x4096xf32, #tpu.memory_space<hbm>>, %arg8: memref<128xi32, #tpu.memory_space<vmem>>, %arg9: memref<128xi32, #tpu.memory_space<vmem>>, %arg10: memref<16x32x128xf32, #tpu.memory_space<vmem>>, %arg11: memref<32x128xf32, #tpu.memory_space<vmem>>, %arg12: memref<!tpu.dma_semaphore, #tpu.memory_space<semaphore_mem>>) attributes {dimension_semantics = [#tpu.dimension_semantics<core_parallel>, #tpu.dimension_semantics<subcore_parallel>], iteration_bounds = array<i64: 2, 16>, scalar_prefetch = 0 : i64, scratch_operands = 5 : i64, tpu.core_type = #tpu.core_type<sc_vector_subcore>, window_params = [{transform_indices = #map}, {transform_indices = #map}, {transform_indices = #map1}, {transform_indices = #map1}, {transform_indices = #map}, {transform_indices = #map}]} {
    %mul3A = arith.constant 2 : i32
    %mul3A_0 = arith.muli %arg1, %mul3A : i32
    %add3A = arith.addi %mul3A_0, %arg0 : i32
    %mul3A_1 = arith.constant 128 : i32
    %mul3A_2 = arith.muli %add3A, %mul3A_1 : i32
    "tpu.region"() ({
      %run_scoped3A = tpu.sem_alloc : memref<!tpu.dma_semaphore, #tpu.memory_space<semaphore_mem>>
      %dma_start3A = tpu.memref_slice %arg4[%mul3A_2] : memref<4096xi32, #tpu.memory_space<hbm>> -> memref<128xi32, #tpu.memory_space<hbm>>
      %dma_start3A_12 = tpu.memref_slice %arg4[%mul3A_2] : memref<4096xi32, #tpu.memory_space<hbm>> -> memref<128xi32, #tpu.memory_space<hbm>>
      tpu.enqueue_dma source(%dma_start3A_12 : memref<128xi32, #tpu.memory_space<hbm>>) target(%arg8 : memref<128xi32, #tpu.memory_space<vmem>>) target_semaphore(%run_scoped3A : memref<!tpu.dma_semaphore, #tpu.memory_space<semaphore_mem>>)
      %dma_wait3A = tpu.memref_slice %arg4[%mul3A_2] : memref<4096xi32, #tpu.memory_space<hbm>> -> memref<128xi32, #tpu.memory_space<hbm>>
      %dma_wait3A_13 = tpu.memref_slice %arg4[%mul3A_2] : memref<4096xi32, #tpu.memory_space<hbm>> -> memref<128xi32, #tpu.memory_space<hbm>>
      tpu.wait_dma2 semaphore(%run_scoped3A : memref<!tpu.dma_semaphore, #tpu.memory_space<semaphore_mem>>) src(%dma_wait3A_13 : memref<128xi32, #tpu.memory_space<hbm>>) dst(%arg8 : memref<128xi32, #tpu.memory_space<vmem>>)
      tpu.yield
    }) : () -> ()
    "tpu.region"() ({
      %run_scoped3A = tpu.sem_alloc : memref<!tpu.dma_semaphore, #tpu.memory_space<semaphore_mem>>
      %dma_start3A = tpu.memref_slice %arg5[%mul3A_2] : memref<4096xi32, #tpu.memory_space<hbm>> -> memref<128xi32, #tpu.memory_space<hbm>>
      %dma_start3A_12 = tpu.memref_slice %arg5[%mul3A_2] : memref<4096xi32, #tpu.memory_space<hbm>> -> memref<128xi32, #tpu.memory_space<hbm>>
      tpu.enqueue_dma source(%dma_start3A_12 : memref<128xi32, #tpu.memory_space<hbm>>) target(%arg9 : memref<128xi32, #tpu.memory_space<vmem>>) target_semaphore(%run_scoped3A : memref<!tpu.dma_semaphore, #tpu.memory_space<semaphore_mem>>)
      %dma_wait3A = tpu.memref_slice %arg5[%mul3A_2] : memref<4096xi32, #tpu.memory_space<hbm>> -> memref<128xi32, #tpu.memory_space<hbm>>
      %dma_wait3A_13 = tpu.memref_slice %arg5[%mul3A_2] : memref<4096xi32, #tpu.memory_space<hbm>> -> memref<128xi32, #tpu.memory_space<hbm>>
      tpu.wait_dma2 semaphore(%run_scoped3A : memref<!tpu.dma_semaphore, #tpu.memory_space<semaphore_mem>>) src(%dma_wait3A_13 : memref<128xi32, #tpu.memory_space<hbm>>) dst(%arg9 : memref<128xi32, #tpu.memory_space<vmem>>)
      tpu.yield
    }) : () -> ()
    %iota3A = tpu.iota {dimensions = array<i32: 0>} : vector<16xi32>
    %scan3A = arith.constant 0 : i32
    %scan3A_3 = arith.constant 8 : i32
    %scan3A_4 = arith.addi %scan3A, %scan3A_3 : i32
    %scan3A_5 = arith.constant 1 : i32
    scf.for %scan3A_12 = %scan3A to %scan3A_4 step %scan3A_5  : i32 {
      %mul3A_13 = arith.constant 16 : i32
      %mul3A_14 = arith.muli %scan3A_12, %mul3A_13 : i32
      %get3A = arith.index_cast %mul3A_14 : i32 to index
      %get3A_15 = tpu.vector_load %arg8[%get3A] {strides = array<i32>} : memref<128xi32, #tpu.memory_space<vmem>>, vector<16xi32>,
      %slice3A = vector.extract_strided_slice %get3A_15 {offsets = [0], sizes = [1], strides = [1]} : vector<16xi32> to vector<1xi32>
      %squeeze3A = vector.extract %slice3A[0] : i32 from vector<1xi32>
      %shift_right_arithmetic3A = arith.constant 7 : i32
      %shift_right_arithmetic3A_16 = arith.shrsi %squeeze3A, %shift_right_arithmetic3A : i32
      %mul3A_17 = arith.constant 128 : i32
      %mul3A_18 = arith.muli %shift_right_arithmetic3A_16, %mul3A_17 : i32
      %multiple_of3A = tpu.assume_multiple %mul3A_18, 128 : i32
      %dma_start3A = arith.constant 0 : i32
      %dma_start3A_19 = arith.constant 0 : i32
      %dma_start3A_20 = arith.constant 0 : i32
      %dma_start3A_21 = tpu.memref_slice %arg10[%dma_start3A, %dma_start3A_19, %dma_start3A_20] : memref<16x32x128xf32, #tpu.memory_space<vmem>> -> memref<1x32x128xf32, #tpu.memory_space<vmem>>
      %dma_start3A_22 = tpu.memref_squeeze %dma_start3A_21 : memref<1x32x128xf32, #tpu.memory_space<vmem>> -> memref<32x128xf32, #tpu.memory_space<vmem>>
      %dma_start3A_23 = arith.constant 0 : i32
      %dma_start3A_24 = tpu.memref_slice %arg2[%dma_start3A_23, %multiple_of3A] : memref<32x1000000xf32, #tpu.memory_space<hbm>> -> memref<32x128xf32, #tpu.memory_space<hbm>>
      %dma_start3A_25 = arith.constant 0 : i32
      %dma_start3A_26 = arith.constant 0 : i32
      %dma_start3A_27 = tpu.memref_slice %arg10[%dma_start3A, %dma_start3A_25, %dma_start3A_26] : memref<16x32x128xf32, #tpu.memory_space<vmem>> -> memref<1x32x128xf32, #tpu.memory_space<vmem>>
      %dma_start3A_28 = tpu.memref_squeeze %dma_start3A_27 : memref<1x32x128xf32, #tpu.memory_space<vmem>> -> memref<32x128xf32, #tpu.memory_space<vmem>>
      %dma_start3A_29 = arith.constant 0 : i32
      %dma_start3A_30 = tpu.memref_slice %arg2[%dma_start3A_29, %multiple_of3A] : memref<32x1000000xf32, #tpu.memory_space<hbm>> -> memref<32x128xf32, #tpu.memory_space<hbm>>
      tpu.enqueue_dma source(%dma_start3A_30 : memref<32x128xf32, #tpu.memory_space<hbm>>) target(%dma_start3A_28 : memref<32x128xf32, #tpu.memory_space<vmem>>) target_semaphore(%arg12 : memref<!tpu.dma_semaphore, #tpu.memory_space<semaphore_mem>>)
      %slice3A_31 = vector.extract_strided_slice %get3A_15 {offsets = [1], sizes = [1], strides = [1]} : vector<16xi32> to vector<1xi32>
      %squeeze3A_32 = vector.extract %slice3A_31[0] : i32 from vector<1xi32>
      %shift_right_arithmetic3A_33 = arith.constant 7 : i32
      %shift_right_arithmetic3A_34 = arith.shrsi %squeeze3A_32, %shift_right_arithmetic3A_33 : i32
      %mul3A_35 = arith.constant 128 : i32
      %mul3A_36 = arith.muli %shift_right_arithmetic3A_34, %mul3A_35 : i32
      %multiple_of3A_37 = tpu.assume_multiple %mul3A_36, 128 : i32
      %dma_start3A_38 = arith.constant 1 : i32
      %dma_start3A_39 = arith.constant 0 : i32
      %dma_start3A_40 = arith.constant 0 : i32
      %dma_start3A_41 = tpu.memref_slice %arg10[%dma_start3A_38, %dma_start3A_39, %dma_start3A_40] : memref<16x32x128xf32, #tpu.memory_space<vmem>> -> memref<1x32x128xf32, #tpu.memory_space<vmem>>
      %dma_start3A_42 = tpu.memref_squeeze %dma_start3A_41 : memref<1x32x128xf32, #tpu.memory_space<vmem>> -> memref<32x128xf32, #tpu.memory_space<vmem>>
      %dma_start3A_43 = arith.constant 0 : i32
      %dma_start3A_44 = tpu.memref_slice %arg2[%dma_start3A_43, %multiple_of3A_37] : memref<32x1000000xf32, #tpu.memory_space<hbm>> -> memref<32x128xf32, #tpu.memory_space<hbm>>
      %dma_start3A_45 = arith.constant 0 : i32
      %dma_start3A_46 = arith.constant 0 : i32
      %dma_start3A_47 = tpu.memref_slice %arg10[%dma_start3A_38, %dma_start3A_45, %dma_start3A_46] : memref<16x32x128xf32, #tpu.memory_space<vmem>> -> memref<1x32x128xf32, #tpu.memory_space<vmem>>
      %dma_start3A_48 = tpu.memref_squeeze %dma_start3A_47 : memref<1x32x128xf32, #tpu.memory_space<vmem>> -> memref<32x128xf32, #tpu.memory_space<vmem>>
      %dma_start3A_49 = arith.constant 0 : i32
      %dma_start3A_50 = tpu.memref_slice %arg2[%dma_start3A_49, %multiple_of3A_37] : memref<32x1000000xf32, #tpu.memory_space<hbm>> -> memref<32x128xf32, #tpu.memory_space<hbm>>
      tpu.enqueue_dma source(%dma_start3A_50 : memref<32x128xf32, #tpu.memory_space<hbm>>) target(%dma_start3A_48 : memref<32x128xf32, #tpu.memory_space<vmem>>) target_semaphore(%arg12 : memref<!tpu.dma_semaphore, #tpu.memory_space<semaphore_mem>>)
      %slice3A_51 = vector.extract_strided_slice %get3A_15 {offsets = [2], sizes = [1], strides = [1]} : vector<16xi32> to vector<1xi32>
      %squeeze3A_52 = vector.extract %slice3A_51[0] : i32 from vector<1xi32>
      %shift_right_arithmetic3A_53 = arith.constant 7 : i32
      %shift_right_arithmetic3A_54 = arith.shrsi %squeeze3A_52, %shift_right_arithmetic3A_53 : i32
      %mul3A_55 = arith.constant 128 : i32
      %mul3A_56 = arith.muli %shift_right_arithmetic3A_54, %mul3A_55 : i32
      %multiple_of3A_57 = tpu.assume_multiple %mul3A_56, 128 : i32
      %dma_start3A_58 = arith.constant 2 : i32
      %dma_start3A_59 = arith.constant 0 : i32
      %dma_start3A_60 = arith.constant 0 : i32
      %dma_start3A_61 = tpu.memref_slice %arg10[%dma_start3A_58, %dma_start3A_59, %dma_start3A_60] : memref<16x32x128xf32, #tpu.memory_space<vmem>> -> memref<1x32x128xf32, #tpu.memory_space<vmem>>
      %dma_start3A_62 = tpu.memref_squeeze %dma_start3A_61 : memref<1x32x128xf32, #tpu.memory_space<vmem>> -> memref<32x128xf32, #tpu.memory_space<vmem>>
      %dma_start3A_63 = arith.constant 0 : i32
      %dma_start3A_64 = tpu.memref_slice %arg2[%dma_start3A_63, %multiple_of3A_57] : memref<32x1000000xf32, #tpu.memory_space<hbm>> -> memref<32x128xf32, #tpu.memory_space<hbm>>
      %dma_start3A_65 = arith.constant 0 : i32
      %dma_start3A_66 = arith.constant 0 : i32
      %dma_start3A_67 = tpu.memref_slice %arg10[%dma_start3A_58, %dma_start3A_65, %dma_start3A_66] : memref<16x32x128xf32, #tpu.memory_space<vmem>> -> memref<1x32x128xf32, #tpu.memory_space<vmem>>
      %dma_start3A_68 = tpu.memref_squeeze %dma_start3A_67 : memref<1x32x128xf32, #tpu.memory_space<vmem>> -> memref<32x128xf32, #tpu.memory_space<vmem>>
      %dma_start3A_69 = arith.constant 0 : i32
      %dma_start3A_70 = tpu.memref_slice %arg2[%dma_start3A_69, %multiple_of3A_57] : memref<32x1000000xf32, #tpu.memory_space<hbm>> -> memref<32x128xf32, #tpu.memory_space<hbm>>
      tpu.enqueue_dma source(%dma_start3A_70 : memref<32x128xf32, #tpu.memory_space<hbm>>) target(%dma_start3A_68 : memref<32x128xf32, #tpu.memory_space<vmem>>) target_semaphore(%arg12 : memref<!tpu.dma_semaphore, #tpu.memory_space<semaphore_mem>>)
      %slice3A_71 = vector.extract_strided_slice %get3A_15 {offsets = [3], sizes = [1], strides = [1]} : vector<16xi32> to vector<1xi32>
      %squeeze3A_72 = vector.extract %slice3A_71[0] : i32 from vector<1xi32>
      %shift_right_arithmetic3A_73 = arith.constant 7 : i32
      %shift_right_arithmetic3A_74 = arith.shrsi %squeeze3A_72, %shift_right_arithmetic3A_73 : i32
      %mul3A_75 = arith.constant 128 : i32
      %mul3A_76 = arith.muli %shift_right_arithmetic3A_74, %mul3A_75 : i32
      %multiple_of3A_77 = tpu.assume_multiple %mul3A_76, 128 : i32
      %dma_start3A_78 = arith.constant 3 : i32
      %dma_start3A_79 = arith.constant 0 : i32
      %dma_start3A_80 = arith.constant 0 : i32
      %dma_start3A_81 = tpu.memref_slice %arg10[%dma_start3A_78, %dma_start3A_79, %dma_start3A_80] : memref<16x32x128xf32, #tpu.memory_space<vmem>> -> memref<1x32x128xf32, #tpu.memory_space<vmem>>
      %dma_start3A_82 = tpu.memref_squeeze %dma_start3A_81 : memref<1x32x128xf32, #tpu.memory_space<vmem>> -> memref<32x128xf32, #tpu.memory_space<vmem>>
      %dma_start3A_83 = arith.constant 0 : i32
      %dma_start3A_84 = tpu.memref_slice %arg2[%dma_start3A_83, %multiple_of3A_77] : memref<32x1000000xf32, #tpu.memory_space<hbm>> -> memref<32x128xf32, #tpu.memory_space<hbm>>
      %dma_start3A_85 = arith.constant 0 : i32
      %dma_start3A_86 = arith.constant 0 : i32
      %dma_start3A_87 = tpu.memref_slice %arg10[%dma_start3A_78, %dma_start3A_85, %dma_start3A_86] : memref<16x32x128xf32, #tpu.memory_space<vmem>> -> memref<1x32x128xf32, #tpu.memory_space<vmem>>
      %dma_start3A_88 = tpu.memref_squeeze %dma_start3A_87 : memref<1x32x128xf32, #tpu.memory_space<vmem>> -> memref<32x128xf32, #tpu.memory_space<vmem>>
      %dma_start3A_89 = arith.constant 0 : i32
      %dma_start3A_90 = tpu.memref_slice %arg2[%dma_start3A_89, %multiple_of3A_77] : memref<32x1000000xf32, #tpu.memory_space<hbm>> -> memref<32x128xf32, #tpu.memory_space<hbm>>
      tpu.enqueue_dma source(%dma_start3A_90 : memref<32x128xf32, #tpu.memory_space<hbm>>) target(%dma_start3A_88 : memref<32x128xf32, #tpu.memory_space<vmem>>) target_semaphore(%arg12 : memref<!tpu.dma_semaphore, #tpu.memory_space<semaphore_mem>>)
      %slice3A_91 = vector.extract_strided_slice %get3A_15 {offsets = [4], sizes = [1], strides = [1]} : vector<16xi32> to vector<1xi32>
      %squeeze3A_92 = vector.extract %slice3A_91[0] : i32 from vector<1xi32>
      %shift_right_arithmetic3A_93 = arith.constant 7 : i32
      %shift_right_arithmetic3A_94 = arith.shrsi %squeeze3A_92, %shift_right_arithmetic3A_93 : i32
      %mul3A_95 = arith.constant 128 : i32
      %mul3A_96 = arith.muli %shift_right_arithmetic3A_94, %mul3A_95 : i32
      %multiple_of3A_97 = tpu.assume_multiple %mul3A_96, 128 : i32
      %dma_start3A_98 = arith.constant 4 : i32
      %dma_start3A_99 = arith.constant 0 : i32
      %dma_start3A_100 = arith.constant 0 : i32
      %dma_start3A_101 = tpu.memref_slice %arg10[%dma_start3A_98, %dma_start3A_99, %dma_start3A_100] : memref<16x32x128xf32, #tpu.memory_space<vmem>> -> memref<1x32x128xf32, #tpu.memory_space<vmem>>
      %dma_start3A_102 = tpu.memref_squeeze %dma_start3A_101 : memref<1x32x128xf32, #tpu.memory_space<vmem>> -> memref<32x128xf32, #tpu.memory_space<vmem>>
      %dma_start3A_103 = arith.constant 0 : i32
      %dma_start3A_104 = tpu.memref_slice %arg2[%dma_start3A_103, %multiple_of3A_97] : memref<32x1000000xf32, #tpu.memory_space<hbm>> -> memref<32x128xf32, #tpu.memory_space<hbm>>
      %dma_start3A_105 = arith.constant 0 : i32
      %dma_start3A_106 = arith.constant 0 : i32
      %dma_start3A_107 = tpu.memref_slice %arg10[%dma_start3A_98, %dma_start3A_105, %dma_start3A_106] : memref<16x32x128xf32, #tpu.memory_space<vmem>> -> memref<1x32x128xf32, #tpu.memory_space<vmem>>
      %dma_start3A_108 = tpu.memref_squeeze %dma_start3A_107 : memref<1x32x128xf32, #tpu.memory_space<vmem>> -> memref<32x128xf32, #tpu.memory_space<vmem>>
      %dma_start3A_109 = arith.constant 0 : i32
      %dma_start3A_110 = tpu.memref_slice %arg2[%dma_start3A_109, %multiple_of3A_97] : memref<32x1000000xf32, #tpu.memory_space<hbm>> -> memref<32x128xf32, #tpu.memory_space<hbm>>
      tpu.enqueue_dma source(%dma_start3A_110 : memref<32x128xf32, #tpu.memory_space<hbm>>) target(%dma_start3A_108 : memref<32x128xf32, #tpu.memory_space<vmem>>) target_semaphore(%arg12 : memref<!tpu.dma_semaphore, #tpu.memory_space<semaphore_mem>>)
      %slice3A_111 = vector.extract_strided_slice %get3A_15 {offsets = [5], sizes = [1], strides = [1]} : vector<16xi32> to vector<1xi32>
      %squeeze3A_112 = vector.extract %slice3A_111[0] : i32 from vector<1xi32>
      %shift_right_arithmetic3A_113 = arith.constant 7 : i32
      %shift_right_arithmetic3A_114 = arith.shrsi %squeeze3A_112, %shift_right_arithmetic3A_113 : i32
      %mul3A_115 = arith.constant 128 : i32
      %mul3A_116 = arith.muli %shift_right_arithmetic3A_114, %mul3A_115 : i32
      %multiple_of3A_117 = tpu.assume_multiple %mul3A_116, 128 : i32
      %dma_start3A_118 = arith.constant 5 : i32
      %dma_start3A_119 = arith.constant 0 : i32
      %dma_start3A_120 = arith.constant 0 : i32
      %dma_start3A_121 = tpu.memref_slice %arg10[%dma_start3A_118, %dma_start3A_119, %dma_start3A_120] : memref<16x32x128xf32, #tpu.memory_space<vmem>> -> memref<1x32x128xf32, #tpu.memory_space<vmem>>
      %dma_start3A_122 = tpu.memref_squeeze %dma_start3A_121 : memref<1x32x128xf32, #tpu.memory_space<vmem>> -> memref<32x128xf32, #tpu.memory_space<vmem>>
      %dma_start3A_123 = arith.constant 0 : i32
      %dma_start3A_124 = tpu.memref_slice %arg2[%dma_start3A_123, %multiple_of3A_117] : memref<32x1000000xf32, #tpu.memory_space<hbm>> -> memref<32x128xf32, #tpu.memory_space<hbm>>
      %dma_start3A_125 = arith.constant 0 : i32
      %dma_start3A_126 = arith.constant 0 : i32
      %dma_start3A_127 = tpu.memref_slice %arg10[%dma_start3A_118, %dma_start3A_125, %dma_start3A_126] : memref<16x32x128xf32, #tpu.memory_space<vmem>> -> memref<1x32x128xf32, #tpu.memory_space<vmem>>
      %dma_start3A_128 = tpu.memref_squeeze %dma_start3A_127 : memref<1x32x128xf32, #tpu.memory_space<vmem>> -> memref<32x128xf32, #tpu.memory_space<vmem>>
      %dma_start3A_129 = arith.constant 0 : i32
      %dma_start3A_130 = tpu.memref_slice %arg2[%dma_start3A_129, %multiple_of3A_117] : memref<32x1000000xf32, #tpu.memory_space<hbm>> -> memref<32x128xf32, #tpu.memory_space<hbm>>
      tpu.enqueue_dma source(%dma_start3A_130 : memref<32x128xf32, #tpu.memory_space<hbm>>) target(%dma_start3A_128 : memref<32x128xf32, #tpu.memory_space<vmem>>) target_semaphore(%arg12 : memref<!tpu.dma_semaphore, #tpu.memory_space<semaphore_mem>>)
      %slice3A_131 = vector.extract_strided_slice %get3A_15 {offsets = [6], sizes = [1], strides = [1]} : vector<16xi32> to vector<1xi32>
      %squeeze3A_132 = vector.extract %slice3A_131[0] : i32 from vector<1xi32>
      %shift_right_arithmetic3A_133 = arith.constant 7 : i32
      %shift_right_arithmetic3A_134 = arith.shrsi %squeeze3A_132, %shift_right_arithmetic3A_133 : i32
      %mul3A_135 = arith.constant 128 : i32
      %mul3A_136 = arith.muli %shift_right_arithmetic3A_134, %mul3A_135 : i32
      %multiple_of3A_137 = tpu.assume_multiple %mul3A_136, 128 : i32
      %dma_start3A_138 = arith.constant 6 : i32
      %dma_start3A_139 = arith.constant 0 : i32
      %dma_start3A_140 = arith.constant 0 : i32
      %dma_start3A_141 = tpu.memref_slice %arg10[%dma_start3A_138, %dma_start3A_139, %dma_start3A_140] : memref<16x32x128xf32, #tpu.memory_space<vmem>> -> memref<1x32x128xf32, #tpu.memory_space<vmem>>
      %dma_start3A_142 = tpu.memref_squeeze %dma_start3A_141 : memref<1x32x128xf32, #tpu.memory_space<vmem>> -> memref<32x128xf32, #tpu.memory_space<vmem>>
      %dma_start3A_143 = arith.constant 0 : i32
      %dma_start3A_144 = tpu.memref_slice %arg2[%dma_start3A_143, %multiple_of3A_137] : memref<32x1000000xf32, #tpu.memory_space<hbm>> -> memref<32x128xf32, #tpu.memory_space<hbm>>
      %dma_start3A_145 = arith.constant 0 : i32
      %dma_start3A_146 = arith.constant 0 : i32
      %dma_start3A_147 = tpu.memref_slice %arg10[%dma_start3A_138, %dma_start3A_145, %dma_start3A_146] : memref<16x32x128xf32, #tpu.memory_space<vmem>> -> memref<1x32x128xf32, #tpu.memory_space<vmem>>
      %dma_start3A_148 = tpu.memref_squeeze %dma_start3A_147 : memref<1x32x128xf32, #tpu.memory_space<vmem>> -> memref<32x128xf32, #tpu.memory_space<vmem>>
      %dma_start3A_149 = arith.constant 0 : i32
      %dma_start3A_150 = tpu.memref_slice %arg2[%dma_start3A_149, %multiple_of3A_137] : memref<32x1000000xf32, #tpu.memory_space<hbm>> -> memref<32x128xf32, #tpu.memory_space<hbm>>
      tpu.enqueue_dma source(%dma_start3A_150 : memref<32x128xf32, #tpu.memory_space<hbm>>) target(%dma_start3A_148 : memref<32x128xf32, #tpu.memory_space<vmem>>) target_semaphore(%arg12 : memref<!tpu.dma_semaphore, #tpu.memory_space<semaphore_mem>>)
      %slice3A_151 = vector.extract_strided_slice %get3A_15 {offsets = [7], sizes = [1], strides = [1]} : vector<16xi32> to vector<1xi32>
      %squeeze3A_152 = vector.extract %slice3A_151[0] : i32 from vector<1xi32>
      %shift_right_arithmetic3A_153 = arith.constant 7 : i32
      %shift_right_arithmetic3A_154 = arith.shrsi %squeeze3A_152, %shift_right_arithmetic3A_153 : i32
      %mul3A_155 = arith.constant 128 : i32
      %mul3A_156 = arith.muli %shift_right_arithmetic3A_154, %mul3A_155 : i32
      %multiple_of3A_157 = tpu.assume_multiple %mul3A_156, 128 : i32
      %dma_start3A_158 = arith.constant 7 : i32
      %dma_start3A_159 = arith.constant 0 : i32
      %dma_start3A_160 = arith.constant 0 : i32
      %dma_start3A_161 = tpu.memref_slice %arg10[%dma_start3A_158, %dma_start3A_159, %dma_start3A_160] : memref<16x32x128xf32, #tpu.memory_space<vmem>> -> memref<1x32x128xf32, #tpu.memory_space<vmem>>
      %dma_start3A_162 = tpu.memref_squeeze %dma_start3A_161 : memref<1x32x128xf32, #tpu.memory_space<vmem>> -> memref<32x128xf32, #tpu.memory_space<vmem>>
      %dma_start3A_163 = arith.constant 0 : i32
      %dma_start3A_164 = tpu.memref_slice %arg2[%dma_start3A_163, %multiple_of3A_157] : memref<32x1000000xf32, #tpu.memory_space<hbm>> -> memref<32x128xf32, #tpu.memory_space<hbm>>
      %dma_start3A_165 = arith.constant 0 : i32
      %dma_start3A_166 = arith.constant 0 : i32
      %dma_start3A_167 = tpu.memref_slice %arg10[%dma_start3A_158, %dma_start3A_165, %dma_start3A_166] : memref<16x32x128xf32, #tpu.memory_space<vmem>> -> memref<1x32x128xf32, #tpu.memory_space<vmem>>
      %dma_start3A_168 = tpu.memref_squeeze %dma_start3A_167 : memref<1x32x128xf32, #tpu.memory_space<vmem>> -> memref<32x128xf32, #tpu.memory_space<vmem>>
      %dma_start3A_169 = arith.constant 0 : i32
      %dma_start3A_170 = tpu.memref_slice %arg2[%dma_start3A_169, %multiple_of3A_157] : memref<32x1000000xf32, #tpu.memory_space<hbm>> -> memref<32x128xf32, #tpu.memory_space<hbm>>
      tpu.enqueue_dma source(%dma_start3A_170 : memref<32x128xf32, #tpu.memory_space<hbm>>) target(%dma_start3A_168 : memref<32x128xf32, #tpu.memory_space<vmem>>) target_semaphore(%arg12 : memref<!tpu.dma_semaphore, #tpu.memory_space<semaphore_mem>>)
      %slice3A_171 = vector.extract_strided_slice %get3A_15 {offsets = [8], sizes = [1], strides = [1]} : vector<16xi32> to vector<1xi32>
      %squeeze3A_172 = vector.extract %slice3A_171[0] : i32 from vector<1xi32>
      %shift_right_arithmetic3A_173 = arith.constant 7 : i32
      %shift_right_arithmetic3A_174 = arith.shrsi %squeeze3A_172, %shift_right_arithmetic3A_173 : i32
      %mul3A_175 = arith.constant 128 : i32
      %mul3A_176 = arith.muli %shift_right_arithmetic3A_174, %mul3A_175 : i32
      %multiple_of3A_177 = tpu.assume_multiple %mul3A_176, 128 : i32
      %dma_start3A_178 = arith.constant 8 : i32
      %dma_start3A_179 = arith.constant 0 : i32
      %dma_start3A_180 = arith.constant 0 : i32
      %dma_start3A_181 = tpu.memref_slice %arg10[%dma_start3A_178, %dma_start3A_179, %dma_start3A_180] : memref<16x32x128xf32, #tpu.memory_space<vmem>> -> memref<1x32x128xf32, #tpu.memory_space<vmem>>
      %dma_start3A_182 = tpu.memref_squeeze %dma_start3A_181 : memref<1x32x128xf32, #tpu.memory_space<vmem>> -> memref<32x128xf32, #tpu.memory_space<vmem>>
      %dma_start3A_183 = arith.constant 0 : i32
      %dma_start3A_184 = tpu.memref_slice %arg2[%dma_start3A_183, %multiple_of3A_177] : memref<32x1000000xf32, #tpu.memory_space<hbm>> -> memref<32x128xf32, #tpu.memory_space<hbm>>
      %dma_start3A_185 = arith.constant 0 : i32
      %dma_start3A_186 = arith.constant 0 : i32
      %dma_start3A_187 = tpu.memref_slice %arg10[%dma_start3A_178, %dma_start3A_185, %dma_start3A_186] : memref<16x32x128xf32, #tpu.memory_space<vmem>> -> memref<1x32x128xf32, #tpu.memory_space<vmem>>
      %dma_start3A_188 = tpu.memref_squeeze %dma_start3A_187 : memref<1x32x128xf32, #tpu.memory_space<vmem>> -> memref<32x128xf32, #tpu.memory_space<vmem>>
      %dma_start3A_189 = arith.constant 0 : i32
      %dma_start3A_190 = tpu.memref_slice %arg2[%dma_start3A_189, %multiple_of3A_177] : memref<32x1000000xf32, #tpu.memory_space<hbm>> -> memref<32x128xf32, #tpu.memory_space<hbm>>
      tpu.enqueue_dma source(%dma_start3A_190 : memref<32x128xf32, #tpu.memory_space<hbm>>) target(%dma_start3A_188 : memref<32x128xf32, #tpu.memory_space<vmem>>) target_semaphore(%arg12 : memref<!tpu.dma_semaphore, #tpu.memory_space<semaphore_mem>>)
      %slice3A_191 = vector.extract_strided_slice %get3A_15 {offsets = [9], sizes = [1], strides = [1]} : vector<16xi32> to vector<1xi32>
      %squeeze3A_192 = vector.extract %slice3A_191[0] : i32 from vector<1xi32>
      %shift_right_arithmetic3A_193 = arith.constant 7 : i32
      %shift_right_arithmetic3A_194 = arith.shrsi %squeeze3A_192, %shift_right_arithmetic3A_193 : i32
      %mul3A_195 = arith.constant 128 : i32
      %mul3A_196 = arith.muli %shift_right_arithmetic3A_194, %mul3A_195 : i32
      %multiple_of3A_197 = tpu.assume_multiple %mul3A_196, 128 : i32
      %dma_start3A_198 = arith.constant 9 : i32
      %dma_start3A_199 = arith.constant 0 : i32
      %dma_start3A_200 = arith.constant 0 : i32
      %dma_start3A_201 = tpu.memref_slice %arg10[%dma_start3A_198, %dma_start3A_199, %dma_start3A_200] : memref<16x32x128xf32, #tpu.memory_space<vmem>> -> memref<1x32x128xf32, #tpu.memory_space<vmem>>
      %dma_start3A_202 = tpu.memref_squeeze %dma_start3A_201 : memref<1x32x128xf32, #tpu.memory_space<vmem>> -> memref<32x128xf32, #tpu.memory_space<vmem>>
      %dma_start3A_203 = arith.constant 0 : i32
      %dma_start3A_204 = tpu.memref_slice %arg2[%dma_start3A_203, %multiple_of3A_197] : memref<32x1000000xf32, #tpu.memory_space<hbm>> -> memref<32x128xf32, #tpu.memory_space<hbm>>
      %dma_start3A_205 = arith.constant 0 : i32
      %dma_start3A_206 = arith.constant 0 : i32
      %dma_start3A_207 = tpu.memref_slice %arg10[%dma_start3A_198, %dma_start3A_205, %dma_start3A_206] : memref<16x32x128xf32, #tpu.memory_space<vmem>> -> memref<1x32x128xf32, #tpu.memory_space<vmem>>
      %dma_start3A_208 = tpu.memref_squeeze %dma_start3A_207 : memref<1x32x128xf32, #tpu.memory_space<vmem>> -> memref<32x128xf32, #tpu.memory_space<vmem>>
      %dma_start3A_209 = arith.constant 0 : i32
      %dma_start3A_210 = tpu.memref_slice %arg2[%dma_start3A_209, %multiple_of3A_197] : memref<32x1000000xf32, #tpu.memory_space<hbm>> -> memref<32x128xf32, #tpu.memory_space<hbm>>
      tpu.enqueue_dma source(%dma_start3A_210 : memref<32x128xf32, #tpu.memory_space<hbm>>) target(%dma_start3A_208 : memref<32x128xf32, #tpu.memory_space<vmem>>) target_semaphore(%arg12 : memref<!tpu.dma_semaphore, #tpu.memory_space<semaphore_mem>>)
      %slice3A_211 = vector.extract_strided_slice %get3A_15 {offsets = [10], sizes = [1], strides = [1]} : vector<16xi32> to vector<1xi32>
      %squeeze3A_212 = vector.extract %slice3A_211[0] : i32 from vector<1xi32>
      %shift_right_arithmetic3A_213 = arith.constant 7 : i32
      %shift_right_arithmetic3A_214 = arith.shrsi %squeeze3A_212, %shift_right_arithmetic3A_213 : i32
      %mul3A_215 = arith.constant 128 : i32
      %mul3A_216 = arith.muli %shift_right_arithmetic3A_214, %mul3A_215 : i32
      %multiple_of3A_217 = tpu.assume_multiple %mul3A_216, 128 : i32
      %dma_start3A_218 = arith.constant 10 : i32
      %dma_start3A_219 = arith.constant 0 : i32
      %dma_start3A_220 = arith.constant 0 : i32
      %dma_start3A_221 = tpu.memref_slice %arg10[%dma_start3A_218, %dma_start3A_219, %dma_start3A_220] : memref<16x32x128xf32, #tpu.memory_space<vmem>> -> memref<1x32x128xf32, #tpu.memory_space<vmem>>
      %dma_start3A_222 = tpu.memref_squeeze %dma_start3A_221 : memref<1x32x128xf32, #tpu.memory_space<vmem>> -> memref<32x128xf32, #tpu.memory_space<vmem>>
      %dma_start3A_223 = arith.constant 0 : i32
      %dma_start3A_224 = tpu.memref_slice %arg2[%dma_start3A_223, %multiple_of3A_217] : memref<32x1000000xf32, #tpu.memory_space<hbm>> -> memref<32x128xf32, #tpu.memory_space<hbm>>
      %dma_start3A_225 = arith.constant 0 : i32
      %dma_start3A_226 = arith.constant 0 : i32
      %dma_start3A_227 = tpu.memref_slice %arg10[%dma_start3A_218, %dma_start3A_225, %dma_start3A_226] : memref<16x32x128xf32, #tpu.memory_space<vmem>> -> memref<1x32x128xf32, #tpu.memory_space<vmem>>
      %dma_start3A_228 = tpu.memref_squeeze %dma_start3A_227 : memref<1x32x128xf32, #tpu.memory_space<vmem>> -> memref<32x128xf32, #tpu.memory_space<vmem>>
      %dma_start3A_229 = arith.constant 0 : i32
      %dma_start3A_230 = tpu.memref_slice %arg2[%dma_start3A_229, %multiple_of3A_217] : memref<32x1000000xf32, #tpu.memory_space<hbm>> -> memref<32x128xf32, #tpu.memory_space<hbm>>
      tpu.enqueue_dma source(%dma_start3A_230 : memref<32x128xf32, #tpu.memory_space<hbm>>) target(%dma_start3A_228 : memref<32x128xf32, #tpu.memory_space<vmem>>) target_semaphore(%arg12 : memref<!tpu.dma_semaphore, #tpu.memory_space<semaphore_mem>>)
      %slice3A_231 = vector.extract_strided_slice %get3A_15 {offsets = [11], sizes = [1], strides = [1]} : vector<16xi32> to vector<1xi32>
      %squeeze3A_232 = vector.extract %slice3A_231[0] : i32 from vector<1xi32>
      %shift_right_arithmetic3A_233 = arith.constant 7 : i32
      %shift_right_arithmetic3A_234 = arith.shrsi %squeeze3A_232, %shift_right_arithmetic3A_233 : i32
      %mul3A_235 = arith.constant 128 : i32
      %mul3A_236 = arith.muli %shift_right_arithmetic3A_234, %mul3A_235 : i32
      %multiple_of3A_237 = tpu.assume_multiple %mul3A_236, 128 : i32
      %dma_start3A_238 = arith.constant 11 : i32
      %dma_start3A_239 = arith.constant 0 : i32
      %dma_start3A_240 = arith.constant 0 : i32
      %dma_start3A_241 = tpu.memref_slice %arg10[%dma_start3A_238, %dma_start3A_239, %dma_start3A_240] : memref<16x32x128xf32, #tpu.memory_space<vmem>> -> memref<1x32x128xf32, #tpu.memory_space<vmem>>
      %dma_start3A_242 = tpu.memref_squeeze %dma_start3A_241 : memref<1x32x128xf32, #tpu.memory_space<vmem>> -> memref<32x128xf32, #tpu.memory_space<vmem>>
      %dma_start3A_243 = arith.constant 0 : i32
      %dma_start3A_244 = tpu.memref_slice %arg2[%dma_start3A_243, %multiple_of3A_237] : memref<32x1000000xf32, #tpu.memory_space<hbm>> -> memref<32x128xf32, #tpu.memory_space<hbm>>
      %dma_start3A_245 = arith.constant 0 : i32
      %dma_start3A_246 = arith.constant 0 : i32
      %dma_start3A_247 = tpu.memref_slice %arg10[%dma_start3A_238, %dma_start3A_245, %dma_start3A_246] : memref<16x32x128xf32, #tpu.memory_space<vmem>> -> memref<1x32x128xf32, #tpu.memory_space<vmem>>
      %dma_start3A_248 = tpu.memref_squeeze %dma_start3A_247 : memref<1x32x128xf32, #tpu.memory_space<vmem>> -> memref<32x128xf32, #tpu.memory_space<vmem>>
      %dma_start3A_249 = arith.constant 0 : i32
      %dma_start3A_250 = tpu.memref_slice %arg2[%dma_start3A_249, %multiple_of3A_237] : memref<32x1000000xf32, #tpu.memory_space<hbm>> -> memref<32x128xf32, #tpu.memory_space<hbm>>
      tpu.enqueue_dma source(%dma_start3A_250 : memref<32x128xf32, #tpu.memory_space<hbm>>) target(%dma_start3A_248 : memref<32x128xf32, #tpu.memory_space<vmem>>) target_semaphore(%arg12 : memref<!tpu.dma_semaphore, #tpu.memory_space<semaphore_mem>>)
      %slice3A_251 = vector.extract_strided_slice %get3A_15 {offsets = [12], sizes = [1], strides = [1]} : vector<16xi32> to vector<1xi32>
      %squeeze3A_252 = vector.extract %slice3A_251[0] : i32 from vector<1xi32>
      %shift_right_arithmetic3A_253 = arith.constant 7 : i32
      %shift_right_arithmetic3A_254 = arith.shrsi %squeeze3A_252, %shift_right_arithmetic3A_253 : i32
      %mul3A_255 = arith.constant 128 : i32
      %mul3A_256 = arith.muli %shift_right_arithmetic3A_254, %mul3A_255 : i32
      %multiple_of3A_257 = tpu.assume_multiple %mul3A_256, 128 : i32
      %dma_start3A_258 = arith.constant 12 : i32
      %dma_start3A_259 = arith.constant 0 : i32
      %dma_start3A_260 = arith.constant 0 : i32
      %dma_start3A_261 = tpu.memref_slice %arg10[%dma_start3A_258, %dma_start3A_259, %dma_start3A_260] : memref<16x32x128xf32, #tpu.memory_space<vmem>> -> memref<1x32x128xf32, #tpu.memory_space<vmem>>
      %dma_start3A_262 = tpu.memref_squeeze %dma_start3A_261 : memref<1x32x128xf32, #tpu.memory_space<vmem>> -> memref<32x128xf32, #tpu.memory_space<vmem>>
      %dma_start3A_263 = arith.constant 0 : i32
      %dma_start3A_264 = tpu.memref_slice %arg2[%dma_start3A_263, %multiple_of3A_257] : memref<32x1000000xf32, #tpu.memory_space<hbm>> -> memref<32x128xf32, #tpu.memory_space<hbm>>
      %dma_start3A_265 = arith.constant 0 : i32
      %dma_start3A_266 = arith.constant 0 : i32
      %dma_start3A_267 = tpu.memref_slice %arg10[%dma_start3A_258, %dma_start3A_265, %dma_start3A_266] : memref<16x32x128xf32, #tpu.memory_space<vmem>> -> memref<1x32x128xf32, #tpu.memory_space<vmem>>
      %dma_start3A_268 = tpu.memref_squeeze %dma_start3A_267 : memref<1x32x128xf32, #tpu.memory_space<vmem>> -> memref<32x128xf32, #tpu.memory_space<vmem>>
      %dma_start3A_269 = arith.constant 0 : i32
      %dma_start3A_270 = tpu.memref_slice %arg2[%dma_start3A_269, %multiple_of3A_257] : memref<32x1000000xf32, #tpu.memory_space<hbm>> -> memref<32x128xf32, #tpu.memory_space<hbm>>
      tpu.enqueue_dma source(%dma_start3A_270 : memref<32x128xf32, #tpu.memory_space<hbm>>) target(%dma_start3A_268 : memref<32x128xf32, #tpu.memory_space<vmem>>) target_semaphore(%arg12 : memref<!tpu.dma_semaphore, #tpu.memory_space<semaphore_mem>>)
      %slice3A_271 = vector.extract_strided_slice %get3A_15 {offsets = [13], sizes = [1], strides = [1]} : vector<16xi32> to vector<1xi32>
      %squeeze3A_272 = vector.extract %slice3A_271[0] : i32 from vector<1xi32>
      %shift_right_arithmetic3A_273 = arith.constant 7 : i32
      %shift_right_arithmetic3A_274 = arith.shrsi %squeeze3A_272, %shift_right_arithmetic3A_273 : i32
      %mul3A_275 = arith.constant 128 : i32
      %mul3A_276 = arith.muli %shift_right_arithmetic3A_274, %mul3A_275 : i32
      %multiple_of3A_277 = tpu.assume_multiple %mul3A_276, 128 : i32
      %dma_start3A_278 = arith.constant 13 : i32
      %dma_start3A_279 = arith.constant 0 : i32
      %dma_start3A_280 = arith.constant 0 : i32
      %dma_start3A_281 = tpu.memref_slice %arg10[%dma_start3A_278, %dma_start3A_279, %dma_start3A_280] : memref<16x32x128xf32, #tpu.memory_space<vmem>> -> memref<1x32x128xf32, #tpu.memory_space<vmem>>
      %dma_start3A_282 = tpu.memref_squeeze %dma_start3A_281 : memref<1x32x128xf32, #tpu.memory_space<vmem>> -> memref<32x128xf32, #tpu.memory_space<vmem>>
      %dma_start3A_283 = arith.constant 0 : i32
      %dma_start3A_284 = tpu.memref_slice %arg2[%dma_start3A_283, %multiple_of3A_277] : memref<32x1000000xf32, #tpu.memory_space<hbm>> -> memref<32x128xf32, #tpu.memory_space<hbm>>
      %dma_start3A_285 = arith.constant 0 : i32
      %dma_start3A_286 = arith.constant 0 : i32
      %dma_start3A_287 = tpu.memref_slice %arg10[%dma_start3A_278, %dma_start3A_285, %dma_start3A_286] : memref<16x32x128xf32, #tpu.memory_space<vmem>> -> memref<1x32x128xf32, #tpu.memory_space<vmem>>
      %dma_start3A_288 = tpu.memref_squeeze %dma_start3A_287 : memref<1x32x128xf32, #tpu.memory_space<vmem>> -> memref<32x128xf32, #tpu.memory_space<vmem>>
      %dma_start3A_289 = arith.constant 0 : i32
      %dma_start3A_290 = tpu.memref_slice %arg2[%dma_start3A_289, %multiple_of3A_277] : memref<32x1000000xf32, #tpu.memory_space<hbm>> -> memref<32x128xf32, #tpu.memory_space<hbm>>
      tpu.enqueue_dma source(%dma_start3A_290 : memref<32x128xf32, #tpu.memory_space<hbm>>) target(%dma_start3A_288 : memref<32x128xf32, #tpu.memory_space<vmem>>) target_semaphore(%arg12 : memref<!tpu.dma_semaphore, #tpu.memory_space<semaphore_mem>>)
      %slice3A_291 = vector.extract_strided_slice %get3A_15 {offsets = [14], sizes = [1], strides = [1]} : vector<16xi32> to vector<1xi32>
      %squeeze3A_292 = vector.extract %slice3A_291[0] : i32 from vector<1xi32>
      %shift_right_arithmetic3A_293 = arith.constant 7 : i32
      %shift_right_arithmetic3A_294 = arith.shrsi %squeeze3A_292, %shift_right_arithmetic3A_293 : i32
      %mul3A_295 = arith.constant 128 : i32
      %mul3A_296 = arith.muli %shift_right_arithmetic3A_294, %mul3A_295 : i32
      %multiple_of3A_297 = tpu.assume_multiple %mul3A_296, 128 : i32
      %dma_start3A_298 = arith.constant 14 : i32
      %dma_start3A_299 = arith.constant 0 : i32
      %dma_start3A_300 = arith.constant 0 : i32
      %dma_start3A_301 = tpu.memref_slice %arg10[%dma_start3A_298, %dma_start3A_299, %dma_start3A_300] : memref<16x32x128xf32, #tpu.memory_space<vmem>> -> memref<1x32x128xf32, #tpu.memory_space<vmem>>
      %dma_start3A_302 = tpu.memref_squeeze %dma_start3A_301 : memref<1x32x128xf32, #tpu.memory_space<vmem>> -> memref<32x128xf32, #tpu.memory_space<vmem>>
      %dma_start3A_303 = arith.constant 0 : i32
      %dma_start3A_304 = tpu.memref_slice %arg2[%dma_start3A_303, %multiple_of3A_297] : memref<32x1000000xf32, #tpu.memory_space<hbm>> -> memref<32x128xf32, #tpu.memory_space<hbm>>
      %dma_start3A_305 = arith.constant 0 : i32
      %dma_start3A_306 = arith.constant 0 : i32
      %dma_start3A_307 = tpu.memref_slice %arg10[%dma_start3A_298, %dma_start3A_305, %dma_start3A_306] : memref<16x32x128xf32, #tpu.memory_space<vmem>> -> memref<1x32x128xf32, #tpu.memory_space<vmem>>
      %dma_start3A_308 = tpu.memref_squeeze %dma_start3A_307 : memref<1x32x128xf32, #tpu.memory_space<vmem>> -> memref<32x128xf32, #tpu.memory_space<vmem>>
      %dma_start3A_309 = arith.constant 0 : i32
      %dma_start3A_310 = tpu.memref_slice %arg2[%dma_start3A_309, %multiple_of3A_297] : memref<32x1000000xf32, #tpu.memory_space<hbm>> -> memref<32x128xf32, #tpu.memory_space<hbm>>
      tpu.enqueue_dma source(%dma_start3A_310 : memref<32x128xf32, #tpu.memory_space<hbm>>) target(%dma_start3A_308 : memref<32x128xf32, #tpu.memory_space<vmem>>) target_semaphore(%arg12 : memref<!tpu.dma_semaphore, #tpu.memory_space<semaphore_mem>>)
      %slice3A_311 = vector.extract_strided_slice %get3A_15 {offsets = [15], sizes = [1], strides = [1]} : vector<16xi32> to vector<1xi32>
      %squeeze3A_312 = vector.extract %slice3A_311[0] : i32 from vector<1xi32>
      %shift_right_arithmetic3A_313 = arith.constant 7 : i32
      %shift_right_arithmetic3A_314 = arith.shrsi %squeeze3A_312, %shift_right_arithmetic3A_313 : i32
      %mul3A_315 = arith.constant 128 : i32
      %mul3A_316 = arith.muli %shift_right_arithmetic3A_314, %mul3A_315 : i32
      %multiple_of3A_317 = tpu.assume_multiple %mul3A_316, 128 : i32
      %dma_start3A_318 = arith.constant 15 : i32
      %dma_start3A_319 = arith.constant 0 : i32
      %dma_start3A_320 = arith.constant 0 : i32
      %dma_start3A_321 = tpu.memref_slice %arg10[%dma_start3A_318, %dma_start3A_319, %dma_start3A_320] : memref<16x32x128xf32, #tpu.memory_space<vmem>> -> memref<1x32x128xf32, #tpu.memory_space<vmem>>
      %dma_start3A_322 = tpu.memref_squeeze %dma_start3A_321 : memref<1x32x128xf32, #tpu.memory_space<vmem>> -> memref<32x128xf32, #tpu.memory_space<vmem>>
      %dma_start3A_323 = arith.constant 0 : i32
      %dma_start3A_324 = tpu.memref_slice %arg2[%dma_start3A_323, %multiple_of3A_317] : memref<32x1000000xf32, #tpu.memory_space<hbm>> -> memref<32x128xf32, #tpu.memory_space<hbm>>
      %dma_start3A_325 = arith.constant 0 : i32
      %dma_start3A_326 = arith.constant 0 : i32
      %dma_start3A_327 = tpu.memref_slice %arg10[%dma_start3A_318, %dma_start3A_325, %dma_start3A_326] : memref<16x32x128xf32, #tpu.memory_space<vmem>> -> memref<1x32x128xf32, #tpu.memory_space<vmem>>
      %dma_start3A_328 = tpu.memref_squeeze %dma_start3A_327 : memref<1x32x128xf32, #tpu.memory_space<vmem>> -> memref<32x128xf32, #tpu.memory_space<vmem>>
      %dma_start3A_329 = arith.constant 0 : i32
      %dma_start3A_330 = tpu.memref_slice %arg2[%dma_start3A_329, %multiple_of3A_317] : memref<32x1000000xf32, #tpu.memory_space<hbm>> -> memref<32x128xf32, #tpu.memory_space<hbm>>
      tpu.enqueue_dma source(%dma_start3A_330 : memref<32x128xf32, #tpu.memory_space<hbm>>) target(%dma_start3A_328 : memref<32x128xf32, #tpu.memory_space<vmem>>) target_semaphore(%arg12 : memref<!tpu.dma_semaphore, #tpu.memory_space<semaphore_mem>>)
      %dma_wait3A = arith.constant 0 : i32
      %dma_wait3A_331 = arith.constant 0 : i32
      %dma_wait3A_332 = arith.constant 0 : i32
      %dma_wait3A_333 = tpu.memref_slice %arg10[%dma_wait3A, %dma_wait3A_331, %dma_wait3A_332] : memref<16x32x128xf32, #tpu.memory_space<vmem>> -> memref<1x32x128xf32, #tpu.memory_space<vmem>>
      %dma_wait3A_334 = tpu.memref_squeeze %dma_wait3A_333 : memref<1x32x128xf32, #tpu.memory_space<vmem>> -> memref<32x128xf32, #tpu.memory_space<vmem>>
      %dma_wait3A_335 = arith.constant 0 : i32
      %dma_wait3A_336 = arith.constant 0 : i32
      %dma_wait3A_337 = tpu.memref_slice %arg2[%dma_wait3A_335, %dma_wait3A_336] : memref<32x1000000xf32, #tpu.memory_space<hbm>> -> memref<32x128xf32, #tpu.memory_space<hbm>>
      %dma_wait3A_338 = arith.constant 0 : i32
      %dma_wait3A_339 = arith.constant 0 : i32
      %dma_wait3A_340 = tpu.memref_slice %arg10[%dma_wait3A, %dma_wait3A_338, %dma_wait3A_339] : memref<16x32x128xf32, #tpu.memory_space<vmem>> -> memref<1x32x128xf32, #tpu.memory_space<vmem>>
      %dma_wait3A_341 = tpu.memref_squeeze %dma_wait3A_340 : memref<1x32x128xf32, #tpu.memory_space<vmem>> -> memref<32x128xf32, #tpu.memory_space<vmem>>
      %dma_wait3A_342 = arith.constant 0 : i32
      %dma_wait3A_343 = arith.constant 0 : i32
      %dma_wait3A_344 = tpu.memref_slice %arg2[%dma_wait3A_342, %dma_wait3A_343] : memref<32x1000000xf32, #tpu.memory_space<hbm>> -> memref<32x128xf32, #tpu.memory_space<hbm>>
      tpu.wait_dma2 semaphore(%arg12 : memref<!tpu.dma_semaphore, #tpu.memory_space<semaphore_mem>>) src(%dma_wait3A_344 : memref<32x128xf32, #tpu.memory_space<hbm>>) dst(%dma_wait3A_341 : memref<32x128xf32, #tpu.memory_space<vmem>>)
      %dma_wait3A_345 = arith.constant 1 : i32
      %dma_wait3A_346 = arith.constant 0 : i32
      %dma_wait3A_347 = arith.constant 0 : i32
      %dma_wait3A_348 = tpu.memref_slice %arg10[%dma_wait3A_345, %dma_wait3A_346, %dma_wait3A_347] : memref<16x32x128xf32, #tpu.memory_space<vmem>> -> memref<1x32x128xf32, #tpu.memory_space<vmem>>
      %dma_wait3A_349 = tpu.memref_squeeze %dma_wait3A_348 : memref<1x32x128xf32, #tpu.memory_space<vmem>> -> memref<32x128xf32, #tpu.memory_space<vmem>>
      %dma_wait3A_350 = arith.constant 0 : i32
      %dma_wait3A_351 = arith.constant 0 : i32
      %dma_wait3A_352 = tpu.memref_slice %arg2[%dma_wait3A_350, %dma_wait3A_351] : memref<32x1000000xf32, #tpu.memory_space<hbm>> -> memref<32x128xf32, #tpu.memory_space<hbm>>
      %dma_wait3A_353 = arith.constant 0 : i32
      %dma_wait3A_354 = arith.constant 0 : i32
      %dma_wait3A_355 = tpu.memref_slice %arg10[%dma_wait3A_345, %dma_wait3A_353, %dma_wait3A_354] : memref<16x32x128xf32, #tpu.memory_space<vmem>> -> memref<1x32x128xf32, #tpu.memory_space<vmem>>
      %dma_wait3A_356 = tpu.memref_squeeze %dma_wait3A_355 : memref<1x32x128xf32, #tpu.memory_space<vmem>> -> memref<32x128xf32, #tpu.memory_space<vmem>>
      %dma_wait3A_357 = arith.constant 0 : i32
      %dma_wait3A_358 = arith.constant 0 : i32
      %dma_wait3A_359 = tpu.memref_slice %arg2[%dma_wait3A_357, %dma_wait3A_358] : memref<32x1000000xf32, #tpu.memory_space<hbm>> -> memref<32x128xf32, #tpu.memory_space<hbm>>
      tpu.wait_dma2 semaphore(%arg12 : memref<!tpu.dma_semaphore, #tpu.memory_space<semaphore_mem>>) src(%dma_wait3A_359 : memref<32x128xf32, #tpu.memory_space<hbm>>) dst(%dma_wait3A_356 : memref<32x128xf32, #tpu.memory_space<vmem>>)
      %dma_wait3A_360 = arith.constant 2 : i32
      %dma_wait3A_361 = arith.constant 0 : i32
      %dma_wait3A_362 = arith.constant 0 : i32
      %dma_wait3A_363 = tpu.memref_slice %arg10[%dma_wait3A_360, %dma_wait3A_361, %dma_wait3A_362] : memref<16x32x128xf32, #tpu.memory_space<vmem>> -> memref<1x32x128xf32, #tpu.memory_space<vmem>>
      %dma_wait3A_364 = tpu.memref_squeeze %dma_wait3A_363 : memref<1x32x128xf32, #tpu.memory_space<vmem>> -> memref<32x128xf32, #tpu.memory_space<vmem>>
      %dma_wait3A_365 = arith.constant 0 : i32
      %dma_wait3A_366 = arith.constant 0 : i32
      %dma_wait3A_367 = tpu.memref_slice %arg2[%dma_wait3A_365, %dma_wait3A_366] : memref<32x1000000xf32, #tpu.memory_space<hbm>> -> memref<32x128xf32, #tpu.memory_space<hbm>>
      %dma_wait3A_368 = arith.constant 0 : i32
      %dma_wait3A_369 = arith.constant 0 : i32
      %dma_wait3A_370 = tpu.memref_slice %arg10[%dma_wait3A_360, %dma_wait3A_368, %dma_wait3A_369] : memref<16x32x128xf32, #tpu.memory_space<vmem>> -> memref<1x32x128xf32, #tpu.memory_space<vmem>>
      %dma_wait3A_371 = tpu.memref_squeeze %dma_wait3A_370 : memref<1x32x128xf32, #tpu.memory_space<vmem>> -> memref<32x128xf32, #tpu.memory_space<vmem>>
      %dma_wait3A_372 = arith.constant 0 : i32
      %dma_wait3A_373 = arith.constant 0 : i32
      %dma_wait3A_374 = tpu.memref_slice %arg2[%dma_wait3A_372, %dma_wait3A_373] : memref<32x1000000xf32, #tpu.memory_space<hbm>> -> memref<32x128xf32, #tpu.memory_space<hbm>>
      tpu.wait_dma2 semaphore(%arg12 : memref<!tpu.dma_semaphore, #tpu.memory_space<semaphore_mem>>) src(%dma_wait3A_374 : memref<32x128xf32, #tpu.memory_space<hbm>>) dst(%dma_wait3A_371 : memref<32x128xf32, #tpu.memory_space<vmem>>)
      %dma_wait3A_375 = arith.constant 3 : i32
      %dma_wait3A_376 = arith.constant 0 : i32
      %dma_wait3A_377 = arith.constant 0 : i32
      %dma_wait3A_378 = tpu.memref_slice %arg10[%dma_wait3A_375, %dma_wait3A_376, %dma_wait3A_377] : memref<16x32x128xf32, #tpu.memory_space<vmem>> -> memref<1x32x128xf32, #tpu.memory_space<vmem>>
      %dma_wait3A_379 = tpu.memref_squeeze %dma_wait3A_378 : memref<1x32x128xf32, #tpu.memory_space<vmem>> -> memref<32x128xf32, #tpu.memory_space<vmem>>
      %dma_wait3A_380 = arith.constant 0 : i32
      %dma_wait3A_381 = arith.constant 0 : i32
      %dma_wait3A_382 = tpu.memref_slice %arg2[%dma_wait3A_380, %dma_wait3A_381] : memref<32x1000000xf32, #tpu.memory_space<hbm>> -> memref<32x128xf32, #tpu.memory_space<hbm>>
      %dma_wait3A_383 = arith.constant 0 : i32
      %dma_wait3A_384 = arith.constant 0 : i32
      %dma_wait3A_385 = tpu.memref_slice %arg10[%dma_wait3A_375, %dma_wait3A_383, %dma_wait3A_384] : memref<16x32x128xf32, #tpu.memory_space<vmem>> -> memref<1x32x128xf32, #tpu.memory_space<vmem>>
      %dma_wait3A_386 = tpu.memref_squeeze %dma_wait3A_385 : memref<1x32x128xf32, #tpu.memory_space<vmem>> -> memref<32x128xf32, #tpu.memory_space<vmem>>
      %dma_wait3A_387 = arith.constant 0 : i32
      %dma_wait3A_388 = arith.constant 0 : i32
      %dma_wait3A_389 = tpu.memref_slice %arg2[%dma_wait3A_387, %dma_wait3A_388] : memref<32x1000000xf32, #tpu.memory_space<hbm>> -> memref<32x128xf32, #tpu.memory_space<hbm>>
      tpu.wait_dma2 semaphore(%arg12 : memref<!tpu.dma_semaphore, #tpu.memory_space<semaphore_mem>>) src(%dma_wait3A_389 : memref<32x128xf32, #tpu.memory_space<hbm>>) dst(%dma_wait3A_386 : memref<32x128xf32, #tpu.memory_space<vmem>>)
      %dma_wait3A_390 = arith.constant 4 : i32
      %dma_wait3A_391 = arith.constant 0 : i32
      %dma_wait3A_392 = arith.constant 0 : i32
      %dma_wait3A_393 = tpu.memref_slice %arg10[%dma_wait3A_390, %dma_wait3A_391, %dma_wait3A_392] : memref<16x32x128xf32, #tpu.memory_space<vmem>> -> memref<1x32x128xf32, #tpu.memory_space<vmem>>
      %dma_wait3A_394 = tpu.memref_squeeze %dma_wait3A_393 : memref<1x32x128xf32, #tpu.memory_space<vmem>> -> memref<32x128xf32, #tpu.memory_space<vmem>>
      %dma_wait3A_395 = arith.constant 0 : i32
      %dma_wait3A_396 = arith.constant 0 : i32
      %dma_wait3A_397 = tpu.memref_slice %arg2[%dma_wait3A_395, %dma_wait3A_396] : memref<32x1000000xf32, #tpu.memory_space<hbm>> -> memref<32x128xf32, #tpu.memory_space<hbm>>
      %dma_wait3A_398 = arith.constant 0 : i32
      %dma_wait3A_399 = arith.constant 0 : i32
      %dma_wait3A_400 = tpu.memref_slice %arg10[%dma_wait3A_390, %dma_wait3A_398, %dma_wait3A_399] : memref<16x32x128xf32, #tpu.memory_space<vmem>> -> memref<1x32x128xf32, #tpu.memory_space<vmem>>
      %dma_wait3A_401 = tpu.memref_squeeze %dma_wait3A_400 : memref<1x32x128xf32, #tpu.memory_space<vmem>> -> memref<32x128xf32, #tpu.memory_space<vmem>>
      %dma_wait3A_402 = arith.constant 0 : i32
      %dma_wait3A_403 = arith.constant 0 : i32
      %dma_wait3A_404 = tpu.memref_slice %arg2[%dma_wait3A_402, %dma_wait3A_403] : memref<32x1000000xf32, #tpu.memory_space<hbm>> -> memref<32x128xf32, #tpu.memory_space<hbm>>
      tpu.wait_dma2 semaphore(%arg12 : memref<!tpu.dma_semaphore, #tpu.memory_space<semaphore_mem>>) src(%dma_wait3A_404 : memref<32x128xf32, #tpu.memory_space<hbm>>) dst(%dma_wait3A_401 : memref<32x128xf32, #tpu.memory_space<vmem>>)
      %dma_wait3A_405 = arith.constant 5 : i32
      %dma_wait3A_406 = arith.constant 0 : i32
      %dma_wait3A_407 = arith.constant 0 : i32
      %dma_wait3A_408 = tpu.memref_slice %arg10[%dma_wait3A_405, %dma_wait3A_406, %dma_wait3A_407] : memref<16x32x128xf32, #tpu.memory_space<vmem>> -> memref<1x32x128xf32, #tpu.memory_space<vmem>>
      %dma_wait3A_409 = tpu.memref_squeeze %dma_wait3A_408 : memref<1x32x128xf32, #tpu.memory_space<vmem>> -> memref<32x128xf32, #tpu.memory_space<vmem>>
      %dma_wait3A_410 = arith.constant 0 : i32
      %dma_wait3A_411 = arith.constant 0 : i32
      %dma_wait3A_412 = tpu.memref_slice %arg2[%dma_wait3A_410, %dma_wait3A_411] : memref<32x1000000xf32, #tpu.memory_space<hbm>> -> memref<32x128xf32, #tpu.memory_space<hbm>>
      %dma_wait3A_413 = arith.constant 0 : i32
      %dma_wait3A_414 = arith.constant 0 : i32
      %dma_wait3A_415 = tpu.memref_slice %arg10[%dma_wait3A_405, %dma_wait3A_413, %dma_wait3A_414] : memref<16x32x128xf32, #tpu.memory_space<vmem>> -> memref<1x32x128xf32, #tpu.memory_space<vmem>>
      %dma_wait3A_416 = tpu.memref_squeeze %dma_wait3A_415 : memref<1x32x128xf32, #tpu.memory_space<vmem>> -> memref<32x128xf32, #tpu.memory_space<vmem>>
      %dma_wait3A_417 = arith.constant 0 : i32
      %dma_wait3A_418 = arith.constant 0 : i32
      %dma_wait3A_419 = tpu.memref_slice %arg2[%dma_wait3A_417, %dma_wait3A_418] : memref<32x1000000xf32, #tpu.memory_space<hbm>> -> memref<32x128xf32, #tpu.memory_space<hbm>>
      tpu.wait_dma2 semaphore(%arg12 : memref<!tpu.dma_semaphore, #tpu.memory_space<semaphore_mem>>) src(%dma_wait3A_419 : memref<32x128xf32, #tpu.memory_space<hbm>>) dst(%dma_wait3A_416 : memref<32x128xf32, #tpu.memory_space<vmem>>)
      %dma_wait3A_420 = arith.constant 6 : i32
      %dma_wait3A_421 = arith.constant 0 : i32
      %dma_wait3A_422 = arith.constant 0 : i32
      %dma_wait3A_423 = tpu.memref_slice %arg10[%dma_wait3A_420, %dma_wait3A_421, %dma_wait3A_422] : memref<16x32x128xf32, #tpu.memory_space<vmem>> -> memref<1x32x128xf32, #tpu.memory_space<vmem>>
      %dma_wait3A_424 = tpu.memref_squeeze %dma_wait3A_423 : memref<1x32x128xf32, #tpu.memory_space<vmem>> -> memref<32x128xf32, #tpu.memory_space<vmem>>
      %dma_wait3A_425 = arith.constant 0 : i32
      %dma_wait3A_426 = arith.constant 0 : i32
      %dma_wait3A_427 = tpu.memref_slice %arg2[%dma_wait3A_425, %dma_wait3A_426] : memref<32x1000000xf32, #tpu.memory_space<hbm>> -> memref<32x128xf32, #tpu.memory_space<hbm>>
      %dma_wait3A_428 = arith.constant 0 : i32
      %dma_wait3A_429 = arith.constant 0 : i32
      %dma_wait3A_430 = tpu.memref_slice %arg10[%dma_wait3A_420, %dma_wait3A_428, %dma_wait3A_429] : memref<16x32x128xf32, #tpu.memory_space<vmem>> -> memref<1x32x128xf32, #tpu.memory_space<vmem>>
      %dma_wait3A_431 = tpu.memref_squeeze %dma_wait3A_430 : memref<1x32x128xf32, #tpu.memory_space<vmem>> -> memref<32x128xf32, #tpu.memory_space<vmem>>
      %dma_wait3A_432 = arith.constant 0 : i32
      %dma_wait3A_433 = arith.constant 0 : i32
      %dma_wait3A_434 = tpu.memref_slice %arg2[%dma_wait3A_432, %dma_wait3A_433] : memref<32x1000000xf32, #tpu.memory_space<hbm>> -> memref<32x128xf32, #tpu.memory_space<hbm>>
      tpu.wait_dma2 semaphore(%arg12 : memref<!tpu.dma_semaphore, #tpu.memory_space<semaphore_mem>>) src(%dma_wait3A_434 : memref<32x128xf32, #tpu.memory_space<hbm>>) dst(%dma_wait3A_431 : memref<32x128xf32, #tpu.memory_space<vmem>>)
      %dma_wait3A_435 = arith.constant 7 : i32
      %dma_wait3A_436 = arith.constant 0 : i32
      %dma_wait3A_437 = arith.constant 0 : i32
      %dma_wait3A_438 = tpu.memref_slice %arg10[%dma_wait3A_435, %dma_wait3A_436, %dma_wait3A_437] : memref<16x32x128xf32, #tpu.memory_space<vmem>> -> memref<1x32x128xf32, #tpu.memory_space<vmem>>
      %dma_wait3A_439 = tpu.memref_squeeze %dma_wait3A_438 : memref<1x32x128xf32, #tpu.memory_space<vmem>> -> memref<32x128xf32, #tpu.memory_space<vmem>>
      %dma_wait3A_440 = arith.constant 0 : i32
      %dma_wait3A_441 = arith.constant 0 : i32
      %dma_wait3A_442 = tpu.memref_slice %arg2[%dma_wait3A_440, %dma_wait3A_441] : memref<32x1000000xf32, #tpu.memory_space<hbm>> -> memref<32x128xf32, #tpu.memory_space<hbm>>
      %dma_wait3A_443 = arith.constant 0 : i32
      %dma_wait3A_444 = arith.constant 0 : i32
      %dma_wait3A_445 = tpu.memref_slice %arg10[%dma_wait3A_435, %dma_wait3A_443, %dma_wait3A_444] : memref<16x32x128xf32, #tpu.memory_space<vmem>> -> memref<1x32x128xf32, #tpu.memory_space<vmem>>
      %dma_wait3A_446 = tpu.memref_squeeze %dma_wait3A_445 : memref<1x32x128xf32, #tpu.memory_space<vmem>> -> memref<32x128xf32, #tpu.memory_space<vmem>>
      %dma_wait3A_447 = arith.constant 0 : i32
      %dma_wait3A_448 = arith.constant 0 : i32
      %dma_wait3A_449 = tpu.memref_slice %arg2[%dma_wait3A_447, %dma_wait3A_448] : memref<32x1000000xf32, #tpu.memory_space<hbm>> -> memref<32x128xf32, #tpu.memory_space<hbm>>
      tpu.wait_dma2 semaphore(%arg12 : memref<!tpu.dma_semaphore, #tpu.memory_space<semaphore_mem>>) src(%dma_wait3A_449 : memref<32x128xf32, #tpu.memory_space<hbm>>) dst(%dma_wait3A_446 : memref<32x128xf32, #tpu.memory_space<vmem>>)
      %dma_wait3A_450 = arith.constant 8 : i32
      %dma_wait3A_451 = arith.constant 0 : i32
      %dma_wait3A_452 = arith.constant 0 : i32
      %dma_wait3A_453 = tpu.memref_slice %arg10[%dma_wait3A_450, %dma_wait3A_451, %dma_wait3A_452] : memref<16x32x128xf32, #tpu.memory_space<vmem>> -> memref<1x32x128xf32, #tpu.memory_space<vmem>>
      %dma_wait3A_454 = tpu.memref_squeeze %dma_wait3A_453 : memref<1x32x128xf32, #tpu.memory_space<vmem>> -> memref<32x128xf32, #tpu.memory_space<vmem>>
      %dma_wait3A_455 = arith.constant 0 : i32
      %dma_wait3A_456 = arith.constant 0 : i32
      %dma_wait3A_457 = tpu.memref_slice %arg2[%dma_wait3A_455, %dma_wait3A_456] : memref<32x1000000xf32, #tpu.memory_space<hbm>> -> memref<32x128xf32, #tpu.memory_space<hbm>>
      %dma_wait3A_458 = arith.constant 0 : i32
      %dma_wait3A_459 = arith.constant 0 : i32
      %dma_wait3A_460 = tpu.memref_slice %arg10[%dma_wait3A_450, %dma_wait3A_458, %dma_wait3A_459] : memref<16x32x128xf32, #tpu.memory_space<vmem>> -> memref<1x32x128xf32, #tpu.memory_space<vmem>>
      %dma_wait3A_461 = tpu.memref_squeeze %dma_wait3A_460 : memref<1x32x128xf32, #tpu.memory_space<vmem>> -> memref<32x128xf32, #tpu.memory_space<vmem>>
      %dma_wait3A_462 = arith.constant 0 : i32
      %dma_wait3A_463 = arith.constant 0 : i32
      %dma_wait3A_464 = tpu.memref_slice %arg2[%dma_wait3A_462, %dma_wait3A_463] : memref<32x1000000xf32, #tpu.memory_space<hbm>> -> memref<32x128xf32, #tpu.memory_space<hbm>>
      tpu.wait_dma2 semaphore(%arg12 : memref<!tpu.dma_semaphore, #tpu.memory_space<semaphore_mem>>) src(%dma_wait3A_464 : memref<32x128xf32, #tpu.memory_space<hbm>>) dst(%dma_wait3A_461 : memref<32x128xf32, #tpu.memory_space<vmem>>)
      %dma_wait3A_465 = arith.constant 9 : i32
      %dma_wait3A_466 = arith.constant 0 : i32
      %dma_wait3A_467 = arith.constant 0 : i32
      %dma_wait3A_468 = tpu.memref_slice %arg10[%dma_wait3A_465, %dma_wait3A_466, %dma_wait3A_467] : memref<16x32x128xf32, #tpu.memory_space<vmem>> -> memref<1x32x128xf32, #tpu.memory_space<vmem>>
      %dma_wait3A_469 = tpu.memref_squeeze %dma_wait3A_468 : memref<1x32x128xf32, #tpu.memory_space<vmem>> -> memref<32x128xf32, #tpu.memory_space<vmem>>
      %dma_wait3A_470 = arith.constant 0 : i32
      %dma_wait3A_471 = arith.constant 0 : i32
      %dma_wait3A_472 = tpu.memref_slice %arg2[%dma_wait3A_470, %dma_wait3A_471] : memref<32x1000000xf32, #tpu.memory_space<hbm>> -> memref<32x128xf32, #tpu.memory_space<hbm>>
      %dma_wait3A_473 = arith.constant 0 : i32
      %dma_wait3A_474 = arith.constant 0 : i32
      %dma_wait3A_475 = tpu.memref_slice %arg10[%dma_wait3A_465, %dma_wait3A_473, %dma_wait3A_474] : memref<16x32x128xf32, #tpu.memory_space<vmem>> -> memref<1x32x128xf32, #tpu.memory_space<vmem>>
      %dma_wait3A_476 = tpu.memref_squeeze %dma_wait3A_475 : memref<1x32x128xf32, #tpu.memory_space<vmem>> -> memref<32x128xf32, #tpu.memory_space<vmem>>
      %dma_wait3A_477 = arith.constant 0 : i32
      %dma_wait3A_478 = arith.constant 0 : i32
      %dma_wait3A_479 = tpu.memref_slice %arg2[%dma_wait3A_477, %dma_wait3A_478] : memref<32x1000000xf32, #tpu.memory_space<hbm>> -> memref<32x128xf32, #tpu.memory_space<hbm>>
      tpu.wait_dma2 semaphore(%arg12 : memref<!tpu.dma_semaphore, #tpu.memory_space<semaphore_mem>>) src(%dma_wait3A_479 : memref<32x128xf32, #tpu.memory_space<hbm>>) dst(%dma_wait3A_476 : memref<32x128xf32, #tpu.memory_space<vmem>>)
      %dma_wait3A_480 = arith.constant 10 : i32
      %dma_wait3A_481 = arith.constant 0 : i32
      %dma_wait3A_482 = arith.constant 0 : i32
      %dma_wait3A_483 = tpu.memref_slice %arg10[%dma_wait3A_480, %dma_wait3A_481, %dma_wait3A_482] : memref<16x32x128xf32, #tpu.memory_space<vmem>> -> memref<1x32x128xf32, #tpu.memory_space<vmem>>
      %dma_wait3A_484 = tpu.memref_squeeze %dma_wait3A_483 : memref<1x32x128xf32, #tpu.memory_space<vmem>> -> memref<32x128xf32, #tpu.memory_space<vmem>>
      %dma_wait3A_485 = arith.constant 0 : i32
      %dma_wait3A_486 = arith.constant 0 : i32
      %dma_wait3A_487 = tpu.memref_slice %arg2[%dma_wait3A_485, %dma_wait3A_486] : memref<32x1000000xf32, #tpu.memory_space<hbm>> -> memref<32x128xf32, #tpu.memory_space<hbm>>
      %dma_wait3A_488 = arith.constant 0 : i32
      %dma_wait3A_489 = arith.constant 0 : i32
      %dma_wait3A_490 = tpu.memref_slice %arg10[%dma_wait3A_480, %dma_wait3A_488, %dma_wait3A_489] : memref<16x32x128xf32, #tpu.memory_space<vmem>> -> memref<1x32x128xf32, #tpu.memory_space<vmem>>
      %dma_wait3A_491 = tpu.memref_squeeze %dma_wait3A_490 : memref<1x32x128xf32, #tpu.memory_space<vmem>> -> memref<32x128xf32, #tpu.memory_space<vmem>>
      %dma_wait3A_492 = arith.constant 0 : i32
      %dma_wait3A_493 = arith.constant 0 : i32
      %dma_wait3A_494 = tpu.memref_slice %arg2[%dma_wait3A_492, %dma_wait3A_493] : memref<32x1000000xf32, #tpu.memory_space<hbm>> -> memref<32x128xf32, #tpu.memory_space<hbm>>
      tpu.wait_dma2 semaphore(%arg12 : memref<!tpu.dma_semaphore, #tpu.memory_space<semaphore_mem>>) src(%dma_wait3A_494 : memref<32x128xf32, #tpu.memory_space<hbm>>) dst(%dma_wait3A_491 : memref<32x128xf32, #tpu.memory_space<vmem>>)
      %dma_wait3A_495 = arith.constant 11 : i32
      %dma_wait3A_496 = arith.constant 0 : i32
      %dma_wait3A_497 = arith.constant 0 : i32
      %dma_wait3A_498 = tpu.memref_slice %arg10[%dma_wait3A_495, %dma_wait3A_496, %dma_wait3A_497] : memref<16x32x128xf32, #tpu.memory_space<vmem>> -> memref<1x32x128xf32, #tpu.memory_space<vmem>>
      %dma_wait3A_499 = tpu.memref_squeeze %dma_wait3A_498 : memref<1x32x128xf32, #tpu.memory_space<vmem>> -> memref<32x128xf32, #tpu.memory_space<vmem>>
      %dma_wait3A_500 = arith.constant 0 : i32
      %dma_wait3A_501 = arith.constant 0 : i32
      %dma_wait3A_502 = tpu.memref_slice %arg2[%dma_wait3A_500, %dma_wait3A_501] : memref<32x1000000xf32, #tpu.memory_space<hbm>> -> memref<32x128xf32, #tpu.memory_space<hbm>>
      %dma_wait3A_503 = arith.constant 0 : i32
      %dma_wait3A_504 = arith.constant 0 : i32
      %dma_wait3A_505 = tpu.memref_slice %arg10[%dma_wait3A_495, %dma_wait3A_503, %dma_wait3A_504] : memref<16x32x128xf32, #tpu.memory_space<vmem>> -> memref<1x32x128xf32, #tpu.memory_space<vmem>>
      %dma_wait3A_506 = tpu.memref_squeeze %dma_wait3A_505 : memref<1x32x128xf32, #tpu.memory_space<vmem>> -> memref<32x128xf32, #tpu.memory_space<vmem>>
      %dma_wait3A_507 = arith.constant 0 : i32
      %dma_wait3A_508 = arith.constant 0 : i32
      %dma_wait3A_509 = tpu.memref_slice %arg2[%dma_wait3A_507, %dma_wait3A_508] : memref<32x1000000xf32, #tpu.memory_space<hbm>> -> memref<32x128xf32, #tpu.memory_space<hbm>>
      tpu.wait_dma2 semaphore(%arg12 : memref<!tpu.dma_semaphore, #tpu.memory_space<semaphore_mem>>) src(%dma_wait3A_509 : memref<32x128xf32, #tpu.memory_space<hbm>>) dst(%dma_wait3A_506 : memref<32x128xf32, #tpu.memory_space<vmem>>)
      %dma_wait3A_510 = arith.constant 12 : i32
      %dma_wait3A_511 = arith.constant 0 : i32
      %dma_wait3A_512 = arith.constant 0 : i32
      %dma_wait3A_513 = tpu.memref_slice %arg10[%dma_wait3A_510, %dma_wait3A_511, %dma_wait3A_512] : memref<16x32x128xf32, #tpu.memory_space<vmem>> -> memref<1x32x128xf32, #tpu.memory_space<vmem>>
      %dma_wait3A_514 = tpu.memref_squeeze %dma_wait3A_513 : memref<1x32x128xf32, #tpu.memory_space<vmem>> -> memref<32x128xf32, #tpu.memory_space<vmem>>
      %dma_wait3A_515 = arith.constant 0 : i32
      %dma_wait3A_516 = arith.constant 0 : i32
      %dma_wait3A_517 = tpu.memref_slice %arg2[%dma_wait3A_515, %dma_wait3A_516] : memref<32x1000000xf32, #tpu.memory_space<hbm>> -> memref<32x128xf32, #tpu.memory_space<hbm>>
      %dma_wait3A_518 = arith.constant 0 : i32
      %dma_wait3A_519 = arith.constant 0 : i32
      %dma_wait3A_520 = tpu.memref_slice %arg10[%dma_wait3A_510, %dma_wait3A_518, %dma_wait3A_519] : memref<16x32x128xf32, #tpu.memory_space<vmem>> -> memref<1x32x128xf32, #tpu.memory_space<vmem>>
      %dma_wait3A_521 = tpu.memref_squeeze %dma_wait3A_520 : memref<1x32x128xf32, #tpu.memory_space<vmem>> -> memref<32x128xf32, #tpu.memory_space<vmem>>
      %dma_wait3A_522 = arith.constant 0 : i32
      %dma_wait3A_523 = arith.constant 0 : i32
      %dma_wait3A_524 = tpu.memref_slice %arg2[%dma_wait3A_522, %dma_wait3A_523] : memref<32x1000000xf32, #tpu.memory_space<hbm>> -> memref<32x128xf32, #tpu.memory_space<hbm>>
      tpu.wait_dma2 semaphore(%arg12 : memref<!tpu.dma_semaphore, #tpu.memory_space<semaphore_mem>>) src(%dma_wait3A_524 : memref<32x128xf32, #tpu.memory_space<hbm>>) dst(%dma_wait3A_521 : memref<32x128xf32, #tpu.memory_space<vmem>>)
      %dma_wait3A_525 = arith.constant 13 : i32
      %dma_wait3A_526 = arith.constant 0 : i32
      %dma_wait3A_527 = arith.constant 0 : i32
      %dma_wait3A_528 = tpu.memref_slice %arg10[%dma_wait3A_525, %dma_wait3A_526, %dma_wait3A_527] : memref<16x32x128xf32, #tpu.memory_space<vmem>> -> memref<1x32x128xf32, #tpu.memory_space<vmem>>
      %dma_wait3A_529 = tpu.memref_squeeze %dma_wait3A_528 : memref<1x32x128xf32, #tpu.memory_space<vmem>> -> memref<32x128xf32, #tpu.memory_space<vmem>>
      %dma_wait3A_530 = arith.constant 0 : i32
      %dma_wait3A_531 = arith.constant 0 : i32
      %dma_wait3A_532 = tpu.memref_slice %arg2[%dma_wait3A_530, %dma_wait3A_531] : memref<32x1000000xf32, #tpu.memory_space<hbm>> -> memref<32x128xf32, #tpu.memory_space<hbm>>
      %dma_wait3A_533 = arith.constant 0 : i32
      %dma_wait3A_534 = arith.constant 0 : i32
      %dma_wait3A_535 = tpu.memref_slice %arg10[%dma_wait3A_525, %dma_wait3A_533, %dma_wait3A_534] : memref<16x32x128xf32, #tpu.memory_space<vmem>> -> memref<1x32x128xf32, #tpu.memory_space<vmem>>
      %dma_wait3A_536 = tpu.memref_squeeze %dma_wait3A_535 : memref<1x32x128xf32, #tpu.memory_space<vmem>> -> memref<32x128xf32, #tpu.memory_space<vmem>>
      %dma_wait3A_537 = arith.constant 0 : i32
      %dma_wait3A_538 = arith.constant 0 : i32
      %dma_wait3A_539 = tpu.memref_slice %arg2[%dma_wait3A_537, %dma_wait3A_538] : memref<32x1000000xf32, #tpu.memory_space<hbm>> -> memref<32x128xf32, #tpu.memory_space<hbm>>
      tpu.wait_dma2 semaphore(%arg12 : memref<!tpu.dma_semaphore, #tpu.memory_space<semaphore_mem>>) src(%dma_wait3A_539 : memref<32x128xf32, #tpu.memory_space<hbm>>) dst(%dma_wait3A_536 : memref<32x128xf32, #tpu.memory_space<vmem>>)
      %dma_wait3A_540 = arith.constant 14 : i32
      %dma_wait3A_541 = arith.constant 0 : i32
      %dma_wait3A_542 = arith.constant 0 : i32
      %dma_wait3A_543 = tpu.memref_slice %arg10[%dma_wait3A_540, %dma_wait3A_541, %dma_wait3A_542] : memref<16x32x128xf32, #tpu.memory_space<vmem>> -> memref<1x32x128xf32, #tpu.memory_space<vmem>>
      %dma_wait3A_544 = tpu.memref_squeeze %dma_wait3A_543 : memref<1x32x128xf32, #tpu.memory_space<vmem>> -> memref<32x128xf32, #tpu.memory_space<vmem>>
      %dma_wait3A_545 = arith.constant 0 : i32
      %dma_wait3A_546 = arith.constant 0 : i32
      %dma_wait3A_547 = tpu.memref_slice %arg2[%dma_wait3A_545, %dma_wait3A_546] : memref<32x1000000xf32, #tpu.memory_space<hbm>> -> memref<32x128xf32, #tpu.memory_space<hbm>>
      %dma_wait3A_548 = arith.constant 0 : i32
      %dma_wait3A_549 = arith.constant 0 : i32
      %dma_wait3A_550 = tpu.memref_slice %arg10[%dma_wait3A_540, %dma_wait3A_548, %dma_wait3A_549] : memref<16x32x128xf32, #tpu.memory_space<vmem>> -> memref<1x32x128xf32, #tpu.memory_space<vmem>>
      %dma_wait3A_551 = tpu.memref_squeeze %dma_wait3A_550 : memref<1x32x128xf32, #tpu.memory_space<vmem>> -> memref<32x128xf32, #tpu.memory_space<vmem>>
      %dma_wait3A_552 = arith.constant 0 : i32
      %dma_wait3A_553 = arith.constant 0 : i32
      %dma_wait3A_554 = tpu.memref_slice %arg2[%dma_wait3A_552, %dma_wait3A_553] : memref<32x1000000xf32, #tpu.memory_space<hbm>> -> memref<32x128xf32, #tpu.memory_space<hbm>>
      tpu.wait_dma2 semaphore(%arg12 : memref<!tpu.dma_semaphore, #tpu.memory_space<semaphore_mem>>) src(%dma_wait3A_554 : memref<32x128xf32, #tpu.memory_space<hbm>>) dst(%dma_wait3A_551 : memref<32x128xf32, #tpu.memory_space<vmem>>)
      %dma_wait3A_555 = arith.constant 15 : i32
      %dma_wait3A_556 = arith.constant 0 : i32
      %dma_wait3A_557 = arith.constant 0 : i32
      %dma_wait3A_558 = tpu.memref_slice %arg10[%dma_wait3A_555, %dma_wait3A_556, %dma_wait3A_557] : memref<16x32x128xf32, #tpu.memory_space<vmem>> -> memref<1x32x128xf32, #tpu.memory_space<vmem>>
      %dma_wait3A_559 = tpu.memref_squeeze %dma_wait3A_558 : memref<1x32x128xf32, #tpu.memory_space<vmem>> -> memref<32x128xf32, #tpu.memory_space<vmem>>
      %dma_wait3A_560 = arith.constant 0 : i32
      %dma_wait3A_561 = arith.constant 0 : i32
      %dma_wait3A_562 = tpu.memref_slice %arg2[%dma_wait3A_560, %dma_wait3A_561] : memref<32x1000000xf32, #tpu.memory_space<hbm>> -> memref<32x128xf32, #tpu.memory_space<hbm>>
      %dma_wait3A_563 = arith.constant 0 : i32
      %dma_wait3A_564 = arith.constant 0 : i32
      %dma_wait3A_565 = tpu.memref_slice %arg10[%dma_wait3A_555, %dma_wait3A_563, %dma_wait3A_564] : memref<16x32x128xf32, #tpu.memory_space<vmem>> -> memref<1x32x128xf32, #tpu.memory_space<vmem>>
      %dma_wait3A_566 = tpu.memref_squeeze %dma_wait3A_565 : memref<1x32x128xf32, #tpu.memory_space<vmem>> -> memref<32x128xf32, #tpu.memory_space<vmem>>
      %dma_wait3A_567 = arith.constant 0 : i32
      %dma_wait3A_568 = arith.constant 0 : i32
      %dma_wait3A_569 = tpu.memref_slice %arg2[%dma_wait3A_567, %dma_wait3A_568] : memref<32x1000000xf32, #tpu.memory_space<hbm>> -> memref<32x128xf32, #tpu.memory_space<hbm>>
      tpu.wait_dma2 semaphore(%arg12 : memref<!tpu.dma_semaphore, #tpu.memory_space<semaphore_mem>>) src(%dma_wait3A_569 : memref<32x128xf32, #tpu.memory_space<hbm>>) dst(%dma_wait3A_566 : memref<32x128xf32, #tpu.memory_space<vmem>>)
      %and3A = arith.constant 127 : i32
      %and3A_570 = vector.broadcast %and3A : i32 to vector<16xi32>
      %and3A_571 = arith.andi %get3A_15, %and3A_570 : vector<16xi32>
      %broadcast_in_dim3A = arith.constant 0 : i32
      %broadcast_in_dim3A_572 = vector.broadcast %broadcast_in_dim3A : i32 to vector<16xi32>
      %gather3A = tpu.vector_load_idx %arg10[%iota3A, %broadcast_in_dim3A_572, %and3A_571] : memref<16x32x128xf32, #tpu.memory_space<vmem>>[vector<16xi32>, vector<16xi32>, vector<16xi32>], vector<16xf32>,
      %mul3A_573 = arith.constant 16 : i32
      %mul3A_574 = arith.muli %scan3A_12, %mul3A_573 : i32
      %swap3A = arith.constant 0 : i32
      %swap3A_575 = arith.index_cast %swap3A : i32 to index
      %swap3A_576 = arith.index_cast %mul3A_574 : i32 to index
      %swap3A_577 = tpu.vector_load %arg11[%swap3A_575, %swap3A_576] {strides = array<i32>} : memref<32x128xf32, #tpu.memory_space<vmem>>, vector<16xf32>,
      tpu.vector_store %arg11[%swap3A_575, %swap3A_576], %gather3A {strides = array<i32>} : memref<32x128xf32, #tpu.memory_space<vmem>>, vector<16xf32>,
      %broadcast_in_dim3A_578 = arith.constant 1 : i32
      %broadcast_in_dim3A_579 = vector.broadcast %broadcast_in_dim3A_578 : i32 to vector<16xi32>
      %gather3A_580 = tpu.vector_load_idx %arg10[%iota3A, %broadcast_in_dim3A_579, %and3A_571] : memref<16x32x128xf32, #tpu.memory_space<vmem>>[vector<16xi32>, vector<16xi32>, vector<16xi32>], vector<16xf32>,
      %mul3A_581 = arith.constant 16 : i32
      %mul3A_582 = arith.muli %scan3A_12, %mul3A_581 : i32
      %swap3A_583 = arith.constant 1 : i32
      %swap3A_584 = arith.index_cast %swap3A_583 : i32 to index
      %swap3A_585 = arith.index_cast %mul3A_582 : i32 to index
      %swap3A_586 = tpu.vector_load %arg11[%swap3A_584, %swap3A_585] {strides = array<i32>} : memref<32x128xf32, #tpu.memory_space<vmem>>, vector<16xf32>,
      tpu.vector_store %arg11[%swap3A_584, %swap3A_585], %gather3A_580 {strides = array<i32>} : memref<32x128xf32, #tpu.memory_space<vmem>>, vector<16xf32>,
      %broadcast_in_dim3A_587 = arith.constant 2 : i32
      %broadcast_in_dim3A_588 = vector.broadcast %broadcast_in_dim3A_587 : i32 to vector<16xi32>
      %gather3A_589 = tpu.vector_load_idx %arg10[%iota3A, %broadcast_in_dim3A_588, %and3A_571] : memref<16x32x128xf32, #tpu.memory_space<vmem>>[vector<16xi32>, vector<16xi32>, vector<16xi32>], vector<16xf32>,
      %mul3A_590 = arith.constant 16 : i32
      %mul3A_591 = arith.muli %scan3A_12, %mul3A_590 : i32
      %swap3A_592 = arith.constant 2 : i32
      %swap3A_593 = arith.index_cast %swap3A_592 : i32 to index
      %swap3A_594 = arith.index_cast %mul3A_591 : i32 to index
      %swap3A_595 = tpu.vector_load %arg11[%swap3A_593, %swap3A_594] {strides = array<i32>} : memref<32x128xf32, #tpu.memory_space<vmem>>, vector<16xf32>,
      tpu.vector_store %arg11[%swap3A_593, %swap3A_594], %gather3A_589 {strides = array<i32>} : memref<32x128xf32, #tpu.memory_space<vmem>>, vector<16xf32>,
      %broadcast_in_dim3A_596 = arith.constant 3 : i32
      %broadcast_in_dim3A_597 = vector.broadcast %broadcast_in_dim3A_596 : i32 to vector<16xi32>
      %gather3A_598 = tpu.vector_load_idx %arg10[%iota3A, %broadcast_in_dim3A_597, %and3A_571] : memref<16x32x128xf32, #tpu.memory_space<vmem>>[vector<16xi32>, vector<16xi32>, vector<16xi32>], vector<16xf32>,
      %mul3A_599 = arith.constant 16 : i32
      %mul3A_600 = arith.muli %scan3A_12, %mul3A_599 : i32
      %swap3A_601 = arith.constant 3 : i32
      %swap3A_602 = arith.index_cast %swap3A_601 : i32 to index
      %swap3A_603 = arith.index_cast %mul3A_600 : i32 to index
      %swap3A_604 = tpu.vector_load %arg11[%swap3A_602, %swap3A_603] {strides = array<i32>} : memref<32x128xf32, #tpu.memory_space<vmem>>, vector<16xf32>,
      tpu.vector_store %arg11[%swap3A_602, %swap3A_603], %gather3A_598 {strides = array<i32>} : memref<32x128xf32, #tpu.memory_space<vmem>>, vector<16xf32>,
      %broadcast_in_dim3A_605 = arith.constant 4 : i32
      %broadcast_in_dim3A_606 = vector.broadcast %broadcast_in_dim3A_605 : i32 to vector<16xi32>
      %gather3A_607 = tpu.vector_load_idx %arg10[%iota3A, %broadcast_in_dim3A_606, %and3A_571] : memref<16x32x128xf32, #tpu.memory_space<vmem>>[vector<16xi32>, vector<16xi32>, vector<16xi32>], vector<16xf32>,
      %mul3A_608 = arith.constant 16 : i32
      %mul3A_609 = arith.muli %scan3A_12, %mul3A_608 : i32
      %swap3A_610 = arith.constant 4 : i32
      %swap3A_611 = arith.index_cast %swap3A_610 : i32 to index
      %swap3A_612 = arith.index_cast %mul3A_609 : i32 to index
      %swap3A_613 = tpu.vector_load %arg11[%swap3A_611, %swap3A_612] {strides = array<i32>} : memref<32x128xf32, #tpu.memory_space<vmem>>, vector<16xf32>,
      tpu.vector_store %arg11[%swap3A_611, %swap3A_612], %gather3A_607 {strides = array<i32>} : memref<32x128xf32, #tpu.memory_space<vmem>>, vector<16xf32>,
      %broadcast_in_dim3A_614 = arith.constant 5 : i32
      %broadcast_in_dim3A_615 = vector.broadcast %broadcast_in_dim3A_614 : i32 to vector<16xi32>
      %gather3A_616 = tpu.vector_load_idx %arg10[%iota3A, %broadcast_in_dim3A_615, %and3A_571] : memref<16x32x128xf32, #tpu.memory_space<vmem>>[vector<16xi32>, vector<16xi32>, vector<16xi32>], vector<16xf32>,
      %mul3A_617 = arith.constant 16 : i32
      %mul3A_618 = arith.muli %scan3A_12, %mul3A_617 : i32
      %swap3A_619 = arith.constant 5 : i32
      %swap3A_620 = arith.index_cast %swap3A_619 : i32 to index
      %swap3A_621 = arith.index_cast %mul3A_618 : i32 to index
      %swap3A_622 = tpu.vector_load %arg11[%swap3A_620, %swap3A_621] {strides = array<i32>} : memref<32x128xf32, #tpu.memory_space<vmem>>, vector<16xf32>,
      tpu.vector_store %arg11[%swap3A_620, %swap3A_621], %gather3A_616 {strides = array<i32>} : memref<32x128xf32, #tpu.memory_space<vmem>>, vector<16xf32>,
      %broadcast_in_dim3A_623 = arith.constant 6 : i32
      %broadcast_in_dim3A_624 = vector.broadcast %broadcast_in_dim3A_623 : i32 to vector<16xi32>
      %gather3A_625 = tpu.vector_load_idx %arg10[%iota3A, %broadcast_in_dim3A_624, %and3A_571] : memref<16x32x128xf32, #tpu.memory_space<vmem>>[vector<16xi32>, vector<16xi32>, vector<16xi32>], vector<16xf32>,
      %mul3A_626 = arith.constant 16 : i32
      %mul3A_627 = arith.muli %scan3A_12, %mul3A_626 : i32
      %swap3A_628 = arith.constant 6 : i32
      %swap3A_629 = arith.index_cast %swap3A_628 : i32 to index
      %swap3A_630 = arith.index_cast %mul3A_627 : i32 to index
      %swap3A_631 = tpu.vector_load %arg11[%swap3A_629, %swap3A_630] {strides = array<i32>} : memref<32x128xf32, #tpu.memory_space<vmem>>, vector<16xf32>,
      tpu.vector_store %arg11[%swap3A_629, %swap3A_630], %gather3A_625 {strides = array<i32>} : memref<32x128xf32, #tpu.memory_space<vmem>>, vector<16xf32>,
      %broadcast_in_dim3A_632 = arith.constant 7 : i32
      %broadcast_in_dim3A_633 = vector.broadcast %broadcast_in_dim3A_632 : i32 to vector<16xi32>
      %gather3A_634 = tpu.vector_load_idx %arg10[%iota3A, %broadcast_in_dim3A_633, %and3A_571] : memref<16x32x128xf32, #tpu.memory_space<vmem>>[vector<16xi32>, vector<16xi32>, vector<16xi32>], vector<16xf32>,
      %mul3A_635 = arith.constant 16 : i32
      %mul3A_636 = arith.muli %scan3A_12, %mul3A_635 : i32
      %swap3A_637 = arith.constant 7 : i32
      %swap3A_638 = arith.index_cast %swap3A_637 : i32 to index
      %swap3A_639 = arith.index_cast %mul3A_636 : i32 to index
      %swap3A_640 = tpu.vector_load %arg11[%swap3A_638, %swap3A_639] {strides = array<i32>} : memref<32x128xf32, #tpu.memory_space<vmem>>, vector<16xf32>,
      tpu.vector_store %arg11[%swap3A_638, %swap3A_639], %gather3A_634 {strides = array<i32>} : memref<32x128xf32, #tpu.memory_space<vmem>>, vector<16xf32>,
      %broadcast_in_dim3A_641 = arith.constant 8 : i32
      %broadcast_in_dim3A_642 = vector.broadcast %broadcast_in_dim3A_641 : i32 to vector<16xi32>
      %gather3A_643 = tpu.vector_load_idx %arg10[%iota3A, %broadcast_in_dim3A_642, %and3A_571] : memref<16x32x128xf32, #tpu.memory_space<vmem>>[vector<16xi32>, vector<16xi32>, vector<16xi32>], vector<16xf32>,
      %mul3A_644 = arith.constant 16 : i32
      %mul3A_645 = arith.muli %scan3A_12, %mul3A_644 : i32
      %swap3A_646 = arith.constant 8 : i32
      %swap3A_647 = arith.index_cast %swap3A_646 : i32 to index
      %swap3A_648 = arith.index_cast %mul3A_645 : i32 to index
      %swap3A_649 = tpu.vector_load %arg11[%swap3A_647, %swap3A_648] {strides = array<i32>} : memref<32x128xf32, #tpu.memory_space<vmem>>, vector<16xf32>,
      tpu.vector_store %arg11[%swap3A_647, %swap3A_648], %gather3A_643 {strides = array<i32>} : memref<32x128xf32, #tpu.memory_space<vmem>>, vector<16xf32>,
      %broadcast_in_dim3A_650 = arith.constant 9 : i32
      %broadcast_in_dim3A_651 = vector.broadcast %broadcast_in_dim3A_650 : i32 to vector<16xi32>
      %gather3A_652 = tpu.vector_load_idx %arg10[%iota3A, %broadcast_in_dim3A_651, %and3A_571] : memref<16x32x128xf32, #tpu.memory_space<vmem>>[vector<16xi32>, vector<16xi32>, vector<16xi32>], vector<16xf32>,
      %mul3A_653 = arith.constant 16 : i32
      %mul3A_654 = arith.muli %scan3A_12, %mul3A_653 : i32
      %swap3A_655 = arith.constant 9 : i32
      %swap3A_656 = arith.index_cast %swap3A_655 : i32 to index
      %swap3A_657 = arith.index_cast %mul3A_654 : i32 to index
      %swap3A_658 = tpu.vector_load %arg11[%swap3A_656, %swap3A_657] {strides = array<i32>} : memref<32x128xf32, #tpu.memory_space<vmem>>, vector<16xf32>,
      tpu.vector_store %arg11[%swap3A_656, %swap3A_657], %gather3A_652 {strides = array<i32>} : memref<32x128xf32, #tpu.memory_space<vmem>>, vector<16xf32>,
      %broadcast_in_dim3A_659 = arith.constant 10 : i32
      %broadcast_in_dim3A_660 = vector.broadcast %broadcast_in_dim3A_659 : i32 to vector<16xi32>
      %gather3A_661 = tpu.vector_load_idx %arg10[%iota3A, %broadcast_in_dim3A_660, %and3A_571] : memref<16x32x128xf32, #tpu.memory_space<vmem>>[vector<16xi32>, vector<16xi32>, vector<16xi32>], vector<16xf32>,
      %mul3A_662 = arith.constant 16 : i32
      %mul3A_663 = arith.muli %scan3A_12, %mul3A_662 : i32
      %swap3A_664 = arith.constant 10 : i32
      %swap3A_665 = arith.index_cast %swap3A_664 : i32 to index
      %swap3A_666 = arith.index_cast %mul3A_663 : i32 to index
      %swap3A_667 = tpu.vector_load %arg11[%swap3A_665, %swap3A_666] {strides = array<i32>} : memref<32x128xf32, #tpu.memory_space<vmem>>, vector<16xf32>,
      tpu.vector_store %arg11[%swap3A_665, %swap3A_666], %gather3A_661 {strides = array<i32>} : memref<32x128xf32, #tpu.memory_space<vmem>>, vector<16xf32>,
      %broadcast_in_dim3A_668 = arith.constant 11 : i32
      %broadcast_in_dim3A_669 = vector.broadcast %broadcast_in_dim3A_668 : i32 to vector<16xi32>
      %gather3A_670 = tpu.vector_load_idx %arg10[%iota3A, %broadcast_in_dim3A_669, %and3A_571] : memref<16x32x128xf32, #tpu.memory_space<vmem>>[vector<16xi32>, vector<16xi32>, vector<16xi32>], vector<16xf32>,
      %mul3A_671 = arith.constant 16 : i32
      %mul3A_672 = arith.muli %scan3A_12, %mul3A_671 : i32
      %swap3A_673 = arith.constant 11 : i32
      %swap3A_674 = arith.index_cast %swap3A_673 : i32 to index
      %swap3A_675 = arith.index_cast %mul3A_672 : i32 to index
      %swap3A_676 = tpu.vector_load %arg11[%swap3A_674, %swap3A_675] {strides = array<i32>} : memref<32x128xf32, #tpu.memory_space<vmem>>, vector<16xf32>,
      tpu.vector_store %arg11[%swap3A_674, %swap3A_675], %gather3A_670 {strides = array<i32>} : memref<32x128xf32, #tpu.memory_space<vmem>>, vector<16xf32>,
      %broadcast_in_dim3A_677 = arith.constant 12 : i32
      %broadcast_in_dim3A_678 = vector.broadcast %broadcast_in_dim3A_677 : i32 to vector<16xi32>
      %gather3A_679 = tpu.vector_load_idx %arg10[%iota3A, %broadcast_in_dim3A_678, %and3A_571] : memref<16x32x128xf32, #tpu.memory_space<vmem>>[vector<16xi32>, vector<16xi32>, vector<16xi32>], vector<16xf32>,
      %mul3A_680 = arith.constant 16 : i32
      %mul3A_681 = arith.muli %scan3A_12, %mul3A_680 : i32
      %swap3A_682 = arith.constant 12 : i32
      %swap3A_683 = arith.index_cast %swap3A_682 : i32 to index
      %swap3A_684 = arith.index_cast %mul3A_681 : i32 to index
      %swap3A_685 = tpu.vector_load %arg11[%swap3A_683, %swap3A_684] {strides = array<i32>} : memref<32x128xf32, #tpu.memory_space<vmem>>, vector<16xf32>,
      tpu.vector_store %arg11[%swap3A_683, %swap3A_684], %gather3A_679 {strides = array<i32>} : memref<32x128xf32, #tpu.memory_space<vmem>>, vector<16xf32>,
      %broadcast_in_dim3A_686 = arith.constant 13 : i32
      %broadcast_in_dim3A_687 = vector.broadcast %broadcast_in_dim3A_686 : i32 to vector<16xi32>
      %gather3A_688 = tpu.vector_load_idx %arg10[%iota3A, %broadcast_in_dim3A_687, %and3A_571] : memref<16x32x128xf32, #tpu.memory_space<vmem>>[vector<16xi32>, vector<16xi32>, vector<16xi32>], vector<16xf32>,
      %mul3A_689 = arith.constant 16 : i32
      %mul3A_690 = arith.muli %scan3A_12, %mul3A_689 : i32
      %swap3A_691 = arith.constant 13 : i32
      %swap3A_692 = arith.index_cast %swap3A_691 : i32 to index
      %swap3A_693 = arith.index_cast %mul3A_690 : i32 to index
      %swap3A_694 = tpu.vector_load %arg11[%swap3A_692, %swap3A_693] {strides = array<i32>} : memref<32x128xf32, #tpu.memory_space<vmem>>, vector<16xf32>,
      tpu.vector_store %arg11[%swap3A_692, %swap3A_693], %gather3A_688 {strides = array<i32>} : memref<32x128xf32, #tpu.memory_space<vmem>>, vector<16xf32>,
      %broadcast_in_dim3A_695 = arith.constant 14 : i32
      %broadcast_in_dim3A_696 = vector.broadcast %broadcast_in_dim3A_695 : i32 to vector<16xi32>
      %gather3A_697 = tpu.vector_load_idx %arg10[%iota3A, %broadcast_in_dim3A_696, %and3A_571] : memref<16x32x128xf32, #tpu.memory_space<vmem>>[vector<16xi32>, vector<16xi32>, vector<16xi32>], vector<16xf32>,
      %mul3A_698 = arith.constant 16 : i32
      %mul3A_699 = arith.muli %scan3A_12, %mul3A_698 : i32
      %swap3A_700 = arith.constant 14 : i32
      %swap3A_701 = arith.index_cast %swap3A_700 : i32 to index
      %swap3A_702 = arith.index_cast %mul3A_699 : i32 to index
      %swap3A_703 = tpu.vector_load %arg11[%swap3A_701, %swap3A_702] {strides = array<i32>} : memref<32x128xf32, #tpu.memory_space<vmem>>, vector<16xf32>,
      tpu.vector_store %arg11[%swap3A_701, %swap3A_702], %gather3A_697 {strides = array<i32>} : memref<32x128xf32, #tpu.memory_space<vmem>>, vector<16xf32>,
      %broadcast_in_dim3A_704 = arith.constant 15 : i32
      %broadcast_in_dim3A_705 = vector.broadcast %broadcast_in_dim3A_704 : i32 to vector<16xi32>
      %gather3A_706 = tpu.vector_load_idx %arg10[%iota3A, %broadcast_in_dim3A_705, %and3A_571] : memref<16x32x128xf32, #tpu.memory_space<vmem>>[vector<16xi32>, vector<16xi32>, vector<16xi32>], vector<16xf32>,
      %mul3A_707 = arith.constant 16 : i32
      %mul3A_708 = arith.muli %scan3A_12, %mul3A_707 : i32
      %swap3A_709 = arith.constant 15 : i32
      %swap3A_710 = arith.index_cast %swap3A_709 : i32 to index
      %swap3A_711 = arith.index_cast %mul3A_708 : i32 to index
      %swap3A_712 = tpu.vector_load %arg11[%swap3A_710, %swap3A_711] {strides = array<i32>} : memref<32x128xf32, #tpu.memory_space<vmem>>, vector<16xf32>,
      tpu.vector_store %arg11[%swap3A_710, %swap3A_711], %gather3A_706 {strides = array<i32>} : memref<32x128xf32, #tpu.memory_space<vmem>>, vector<16xf32>,
      %broadcast_in_dim3A_713 = arith.constant 16 : i32
      %broadcast_in_dim3A_714 = vector.broadcast %broadcast_in_dim3A_713 : i32 to vector<16xi32>
      %gather3A_715 = tpu.vector_load_idx %arg10[%iota3A, %broadcast_in_dim3A_714, %and3A_571] : memref<16x32x128xf32, #tpu.memory_space<vmem>>[vector<16xi32>, vector<16xi32>, vector<16xi32>], vector<16xf32>,
      %mul3A_716 = arith.constant 16 : i32
      %mul3A_717 = arith.muli %scan3A_12, %mul3A_716 : i32
      %swap3A_718 = arith.constant 16 : i32
      %swap3A_719 = arith.index_cast %swap3A_718 : i32 to index
      %swap3A_720 = arith.index_cast %mul3A_717 : i32 to index
      %swap3A_721 = tpu.vector_load %arg11[%swap3A_719, %swap3A_720] {strides = array<i32>} : memref<32x128xf32, #tpu.memory_space<vmem>>, vector<16xf32>,
      tpu.vector_store %arg11[%swap3A_719, %swap3A_720], %gather3A_715 {strides = array<i32>} : memref<32x128xf32, #tpu.memory_space<vmem>>, vector<16xf32>,
      %broadcast_in_dim3A_722 = arith.constant 17 : i32
      %broadcast_in_dim3A_723 = vector.broadcast %broadcast_in_dim3A_722 : i32 to vector<16xi32>
      %gather3A_724 = tpu.vector_load_idx %arg10[%iota3A, %broadcast_in_dim3A_723, %and3A_571] : memref<16x32x128xf32, #tpu.memory_space<vmem>>[vector<16xi32>, vector<16xi32>, vector<16xi32>], vector<16xf32>,
      %mul3A_725 = arith.constant 16 : i32
      %mul3A_726 = arith.muli %scan3A_12, %mul3A_725 : i32
      %swap3A_727 = arith.constant 17 : i32
      %swap3A_728 = arith.index_cast %swap3A_727 : i32 to index
      %swap3A_729 = arith.index_cast %mul3A_726 : i32 to index
      %swap3A_730 = tpu.vector_load %arg11[%swap3A_728, %swap3A_729] {strides = array<i32>} : memref<32x128xf32, #tpu.memory_space<vmem>>, vector<16xf32>,
      tpu.vector_store %arg11[%swap3A_728, %swap3A_729], %gather3A_724 {strides = array<i32>} : memref<32x128xf32, #tpu.memory_space<vmem>>, vector<16xf32>,
      %broadcast_in_dim3A_731 = arith.constant 18 : i32
      %broadcast_in_dim3A_732 = vector.broadcast %broadcast_in_dim3A_731 : i32 to vector<16xi32>
      %gather3A_733 = tpu.vector_load_idx %arg10[%iota3A, %broadcast_in_dim3A_732, %and3A_571] : memref<16x32x128xf32, #tpu.memory_space<vmem>>[vector<16xi32>, vector<16xi32>, vector<16xi32>], vector<16xf32>,
      %mul3A_734 = arith.constant 16 : i32
      %mul3A_735 = arith.muli %scan3A_12, %mul3A_734 : i32
      %swap3A_736 = arith.constant 18 : i32
      %swap3A_737 = arith.index_cast %swap3A_736 : i32 to index
      %swap3A_738 = arith.index_cast %mul3A_735 : i32 to index
      %swap3A_739 = tpu.vector_load %arg11[%swap3A_737, %swap3A_738] {strides = array<i32>} : memref<32x128xf32, #tpu.memory_space<vmem>>, vector<16xf32>,
      tpu.vector_store %arg11[%swap3A_737, %swap3A_738], %gather3A_733 {strides = array<i32>} : memref<32x128xf32, #tpu.memory_space<vmem>>, vector<16xf32>,
      %broadcast_in_dim3A_740 = arith.constant 19 : i32
      %broadcast_in_dim3A_741 = vector.broadcast %broadcast_in_dim3A_740 : i32 to vector<16xi32>
      %gather3A_742 = tpu.vector_load_idx %arg10[%iota3A, %broadcast_in_dim3A_741, %and3A_571] : memref<16x32x128xf32, #tpu.memory_space<vmem>>[vector<16xi32>, vector<16xi32>, vector<16xi32>], vector<16xf32>,
      %mul3A_743 = arith.constant 16 : i32
      %mul3A_744 = arith.muli %scan3A_12, %mul3A_743 : i32
      %swap3A_745 = arith.constant 19 : i32
      %swap3A_746 = arith.index_cast %swap3A_745 : i32 to index
      %swap3A_747 = arith.index_cast %mul3A_744 : i32 to index
      %swap3A_748 = tpu.vector_load %arg11[%swap3A_746, %swap3A_747] {strides = array<i32>} : memref<32x128xf32, #tpu.memory_space<vmem>>, vector<16xf32>,
      tpu.vector_store %arg11[%swap3A_746, %swap3A_747], %gather3A_742 {strides = array<i32>} : memref<32x128xf32, #tpu.memory_space<vmem>>, vector<16xf32>,
      %broadcast_in_dim3A_749 = arith.constant 20 : i32
      %broadcast_in_dim3A_750 = vector.broadcast %broadcast_in_dim3A_749 : i32 to vector<16xi32>
      %gather3A_751 = tpu.vector_load_idx %arg10[%iota3A, %broadcast_in_dim3A_750, %and3A_571] : memref<16x32x128xf32, #tpu.memory_space<vmem>>[vector<16xi32>, vector<16xi32>, vector<16xi32>], vector<16xf32>,
      %mul3A_752 = arith.constant 16 : i32
      %mul3A_753 = arith.muli %scan3A_12, %mul3A_752 : i32
      %swap3A_754 = arith.constant 20 : i32
      %swap3A_755 = arith.index_cast %swap3A_754 : i32 to index
      %swap3A_756 = arith.index_cast %mul3A_753 : i32 to index
      %swap3A_757 = tpu.vector_load %arg11[%swap3A_755, %swap3A_756] {strides = array<i32>} : memref<32x128xf32, #tpu.memory_space<vmem>>, vector<16xf32>,
      tpu.vector_store %arg11[%swap3A_755, %swap3A_756], %gather3A_751 {strides = array<i32>} : memref<32x128xf32, #tpu.memory_space<vmem>>, vector<16xf32>,
      %broadcast_in_dim3A_758 = arith.constant 21 : i32
      %broadcast_in_dim3A_759 = vector.broadcast %broadcast_in_dim3A_758 : i32 to vector<16xi32>
      %gather3A_760 = tpu.vector_load_idx %arg10[%iota3A, %broadcast_in_dim3A_759, %and3A_571] : memref<16x32x128xf32, #tpu.memory_space<vmem>>[vector<16xi32>, vector<16xi32>, vector<16xi32>], vector<16xf32>,
      %mul3A_761 = arith.constant 16 : i32
      %mul3A_762 = arith.muli %scan3A_12, %mul3A_761 : i32
      %swap3A_763 = arith.constant 21 : i32
      %swap3A_764 = arith.index_cast %swap3A_763 : i32 to index
      %swap3A_765 = arith.index_cast %mul3A_762 : i32 to index
      %swap3A_766 = tpu.vector_load %arg11[%swap3A_764, %swap3A_765] {strides = array<i32>} : memref<32x128xf32, #tpu.memory_space<vmem>>, vector<16xf32>,
      tpu.vector_store %arg11[%swap3A_764, %swap3A_765], %gather3A_760 {strides = array<i32>} : memref<32x128xf32, #tpu.memory_space<vmem>>, vector<16xf32>,
      %broadcast_in_dim3A_767 = arith.constant 22 : i32
      %broadcast_in_dim3A_768 = vector.broadcast %broadcast_in_dim3A_767 : i32 to vector<16xi32>
      %gather3A_769 = tpu.vector_load_idx %arg10[%iota3A, %broadcast_in_dim3A_768, %and3A_571] : memref<16x32x128xf32, #tpu.memory_space<vmem>>[vector<16xi32>, vector<16xi32>, vector<16xi32>], vector<16xf32>,
      %mul3A_770 = arith.constant 16 : i32
      %mul3A_771 = arith.muli %scan3A_12, %mul3A_770 : i32
      %swap3A_772 = arith.constant 22 : i32
      %swap3A_773 = arith.index_cast %swap3A_772 : i32 to index
      %swap3A_774 = arith.index_cast %mul3A_771 : i32 to index
      %swap3A_775 = tpu.vector_load %arg11[%swap3A_773, %swap3A_774] {strides = array<i32>} : memref<32x128xf32, #tpu.memory_space<vmem>>, vector<16xf32>,
      tpu.vector_store %arg11[%swap3A_773, %swap3A_774], %gather3A_769 {strides = array<i32>} : memref<32x128xf32, #tpu.memory_space<vmem>>, vector<16xf32>,
      %broadcast_in_dim3A_776 = arith.constant 23 : i32
      %broadcast_in_dim3A_777 = vector.broadcast %broadcast_in_dim3A_776 : i32 to vector<16xi32>
      %gather3A_778 = tpu.vector_load_idx %arg10[%iota3A, %broadcast_in_dim3A_777, %and3A_571] : memref<16x32x128xf32, #tpu.memory_space<vmem>>[vector<16xi32>, vector<16xi32>, vector<16xi32>], vector<16xf32>,
      %mul3A_779 = arith.constant 16 : i32
      %mul3A_780 = arith.muli %scan3A_12, %mul3A_779 : i32
      %swap3A_781 = arith.constant 23 : i32
      %swap3A_782 = arith.index_cast %swap3A_781 : i32 to index
      %swap3A_783 = arith.index_cast %mul3A_780 : i32 to index
      %swap3A_784 = tpu.vector_load %arg11[%swap3A_782, %swap3A_783] {strides = array<i32>} : memref<32x128xf32, #tpu.memory_space<vmem>>, vector<16xf32>,
      tpu.vector_store %arg11[%swap3A_782, %swap3A_783], %gather3A_778 {strides = array<i32>} : memref<32x128xf32, #tpu.memory_space<vmem>>, vector<16xf32>,
      %broadcast_in_dim3A_785 = arith.constant 24 : i32
      %broadcast_in_dim3A_786 = vector.broadcast %broadcast_in_dim3A_785 : i32 to vector<16xi32>
      %gather3A_787 = tpu.vector_load_idx %arg10[%iota3A, %broadcast_in_dim3A_786, %and3A_571] : memref<16x32x128xf32, #tpu.memory_space<vmem>>[vector<16xi32>, vector<16xi32>, vector<16xi32>], vector<16xf32>,
      %mul3A_788 = arith.constant 16 : i32
      %mul3A_789 = arith.muli %scan3A_12, %mul3A_788 : i32
      %swap3A_790 = arith.constant 24 : i32
      %swap3A_791 = arith.index_cast %swap3A_790 : i32 to index
      %swap3A_792 = arith.index_cast %mul3A_789 : i32 to index
      %swap3A_793 = tpu.vector_load %arg11[%swap3A_791, %swap3A_792] {strides = array<i32>} : memref<32x128xf32, #tpu.memory_space<vmem>>, vector<16xf32>,
      tpu.vector_store %arg11[%swap3A_791, %swap3A_792], %gather3A_787 {strides = array<i32>} : memref<32x128xf32, #tpu.memory_space<vmem>>, vector<16xf32>,
      %broadcast_in_dim3A_794 = arith.constant 25 : i32
      %broadcast_in_dim3A_795 = vector.broadcast %broadcast_in_dim3A_794 : i32 to vector<16xi32>
      %gather3A_796 = tpu.vector_load_idx %arg10[%iota3A, %broadcast_in_dim3A_795, %and3A_571] : memref<16x32x128xf32, #tpu.memory_space<vmem>>[vector<16xi32>, vector<16xi32>, vector<16xi32>], vector<16xf32>,
      %mul3A_797 = arith.constant 16 : i32
      %mul3A_798 = arith.muli %scan3A_12, %mul3A_797 : i32
      %swap3A_799 = arith.constant 25 : i32
      %swap3A_800 = arith.index_cast %swap3A_799 : i32 to index
      %swap3A_801 = arith.index_cast %mul3A_798 : i32 to index
      %swap3A_802 = tpu.vector_load %arg11[%swap3A_800, %swap3A_801] {strides = array<i32>} : memref<32x128xf32, #tpu.memory_space<vmem>>, vector<16xf32>,
      tpu.vector_store %arg11[%swap3A_800, %swap3A_801], %gather3A_796 {strides = array<i32>} : memref<32x128xf32, #tpu.memory_space<vmem>>, vector<16xf32>,
      %broadcast_in_dim3A_803 = arith.constant 26 : i32
      %broadcast_in_dim3A_804 = vector.broadcast %broadcast_in_dim3A_803 : i32 to vector<16xi32>
      %gather3A_805 = tpu.vector_load_idx %arg10[%iota3A, %broadcast_in_dim3A_804, %and3A_571] : memref<16x32x128xf32, #tpu.memory_space<vmem>>[vector<16xi32>, vector<16xi32>, vector<16xi32>], vector<16xf32>,
      %mul3A_806 = arith.constant 16 : i32
      %mul3A_807 = arith.muli %scan3A_12, %mul3A_806 : i32
      %swap3A_808 = arith.constant 26 : i32
      %swap3A_809 = arith.index_cast %swap3A_808 : i32 to index
      %swap3A_810 = arith.index_cast %mul3A_807 : i32 to index
      %swap3A_811 = tpu.vector_load %arg11[%swap3A_809, %swap3A_810] {strides = array<i32>} : memref<32x128xf32, #tpu.memory_space<vmem>>, vector<16xf32>,
      tpu.vector_store %arg11[%swap3A_809, %swap3A_810], %gather3A_805 {strides = array<i32>} : memref<32x128xf32, #tpu.memory_space<vmem>>, vector<16xf32>,
      %broadcast_in_dim3A_812 = arith.constant 27 : i32
      %broadcast_in_dim3A_813 = vector.broadcast %broadcast_in_dim3A_812 : i32 to vector<16xi32>
      %gather3A_814 = tpu.vector_load_idx %arg10[%iota3A, %broadcast_in_dim3A_813, %and3A_571] : memref<16x32x128xf32, #tpu.memory_space<vmem>>[vector<16xi32>, vector<16xi32>, vector<16xi32>], vector<16xf32>,
      %mul3A_815 = arith.constant 16 : i32
      %mul3A_816 = arith.muli %scan3A_12, %mul3A_815 : i32
      %swap3A_817 = arith.constant 27 : i32
      %swap3A_818 = arith.index_cast %swap3A_817 : i32 to index
      %swap3A_819 = arith.index_cast %mul3A_816 : i32 to index
      %swap3A_820 = tpu.vector_load %arg11[%swap3A_818, %swap3A_819] {strides = array<i32>} : memref<32x128xf32, #tpu.memory_space<vmem>>, vector<16xf32>,
      tpu.vector_store %arg11[%swap3A_818, %swap3A_819], %gather3A_814 {strides = array<i32>} : memref<32x128xf32, #tpu.memory_space<vmem>>, vector<16xf32>,
      %broadcast_in_dim3A_821 = arith.constant 28 : i32
      %broadcast_in_dim3A_822 = vector.broadcast %broadcast_in_dim3A_821 : i32 to vector<16xi32>
      %gather3A_823 = tpu.vector_load_idx %arg10[%iota3A, %broadcast_in_dim3A_822, %and3A_571] : memref<16x32x128xf32, #tpu.memory_space<vmem>>[vector<16xi32>, vector<16xi32>, vector<16xi32>], vector<16xf32>,
      %mul3A_824 = arith.constant 16 : i32
      %mul3A_825 = arith.muli %scan3A_12, %mul3A_824 : i32
      %swap3A_826 = arith.constant 28 : i32
      %swap3A_827 = arith.index_cast %swap3A_826 : i32 to index
      %swap3A_828 = arith.index_cast %mul3A_825 : i32 to index
      %swap3A_829 = tpu.vector_load %arg11[%swap3A_827, %swap3A_828] {strides = array<i32>} : memref<32x128xf32, #tpu.memory_space<vmem>>, vector<16xf32>,
      tpu.vector_store %arg11[%swap3A_827, %swap3A_828], %gather3A_823 {strides = array<i32>} : memref<32x128xf32, #tpu.memory_space<vmem>>, vector<16xf32>,
      %broadcast_in_dim3A_830 = arith.constant 29 : i32
      %broadcast_in_dim3A_831 = vector.broadcast %broadcast_in_dim3A_830 : i32 to vector<16xi32>
      %gather3A_832 = tpu.vector_load_idx %arg10[%iota3A, %broadcast_in_dim3A_831, %and3A_571] : memref<16x32x128xf32, #tpu.memory_space<vmem>>[vector<16xi32>, vector<16xi32>, vector<16xi32>], vector<16xf32>,
      %mul3A_833 = arith.constant 16 : i32
      %mul3A_834 = arith.muli %scan3A_12, %mul3A_833 : i32
      %swap3A_835 = arith.constant 29 : i32
      %swap3A_836 = arith.index_cast %swap3A_835 : i32 to index
      %swap3A_837 = arith.index_cast %mul3A_834 : i32 to index
      %swap3A_838 = tpu.vector_load %arg11[%swap3A_836, %swap3A_837] {strides = array<i32>} : memref<32x128xf32, #tpu.memory_space<vmem>>, vector<16xf32>,
      tpu.vector_store %arg11[%swap3A_836, %swap3A_837], %gather3A_832 {strides = array<i32>} : memref<32x128xf32, #tpu.memory_space<vmem>>, vector<16xf32>,
      %broadcast_in_dim3A_839 = arith.constant 30 : i32
      %broadcast_in_dim3A_840 = vector.broadcast %broadcast_in_dim3A_839 : i32 to vector<16xi32>
      %gather3A_841 = tpu.vector_load_idx %arg10[%iota3A, %broadcast_in_dim3A_840, %and3A_571] : memref<16x32x128xf32, #tpu.memory_space<vmem>>[vector<16xi32>, vector<16xi32>, vector<16xi32>], vector<16xf32>,
      %mul3A_842 = arith.constant 16 : i32
      %mul3A_843 = arith.muli %scan3A_12, %mul3A_842 : i32
      %swap3A_844 = arith.constant 30 : i32
      %swap3A_845 = arith.index_cast %swap3A_844 : i32 to index
      %swap3A_846 = arith.index_cast %mul3A_843 : i32 to index
      %swap3A_847 = tpu.vector_load %arg11[%swap3A_845, %swap3A_846] {strides = array<i32>} : memref<32x128xf32, #tpu.memory_space<vmem>>, vector<16xf32>,
      tpu.vector_store %arg11[%swap3A_845, %swap3A_846], %gather3A_841 {strides = array<i32>} : memref<32x128xf32, #tpu.memory_space<vmem>>, vector<16xf32>,
      %broadcast_in_dim3A_848 = arith.constant 31 : i32
      %broadcast_in_dim3A_849 = vector.broadcast %broadcast_in_dim3A_848 : i32 to vector<16xi32>
      %gather3A_850 = tpu.vector_load_idx %arg10[%iota3A, %broadcast_in_dim3A_849, %and3A_571] : memref<16x32x128xf32, #tpu.memory_space<vmem>>[vector<16xi32>, vector<16xi32>, vector<16xi32>], vector<16xf32>,
      %mul3A_851 = arith.constant 16 : i32
      %mul3A_852 = arith.muli %scan3A_12, %mul3A_851 : i32
      %swap3A_853 = arith.constant 31 : i32
      %swap3A_854 = arith.index_cast %swap3A_853 : i32 to index
      %swap3A_855 = arith.index_cast %mul3A_852 : i32 to index
      %swap3A_856 = tpu.vector_load %arg11[%swap3A_854, %swap3A_855] {strides = array<i32>} : memref<32x128xf32, #tpu.memory_space<vmem>>, vector<16xf32>,
      tpu.vector_store %arg11[%swap3A_854, %swap3A_855], %gather3A_850 {strides = array<i32>} : memref<32x128xf32, #tpu.memory_space<vmem>>, vector<16xf32>,
    }
    %scan3A_6 = arith.constant 8 : i32
    "tpu.region"() ({
      %run_scoped3A = tpu.sem_alloc : memref<!tpu.dma_semaphore, #tpu.memory_space<semaphore_mem>>
      %dma_start3A = arith.constant 0 : i32
      %dma_start3A_12 = tpu.memref_slice %arg6[%dma_start3A, %mul3A_2] : memref<32x4096xf32, #tpu.memory_space<hbm>> -> memref<32x128xf32, #tpu.memory_space<hbm>>
      %dma_start3A_13 = arith.constant 0 : i32
      %dma_start3A_14 = tpu.memref_slice %arg6[%dma_start3A_13, %mul3A_2] : memref<32x4096xf32, #tpu.memory_space<hbm>> -> memref<32x128xf32, #tpu.memory_space<hbm>>
      tpu.enqueue_dma source(%arg11 : memref<32x128xf32, #tpu.memory_space<vmem>>) target(%dma_start3A_14 : memref<32x128xf32, #tpu.memory_space<hbm>>) target_semaphore(%run_scoped3A : memref<!tpu.dma_semaphore, #tpu.memory_space<semaphore_mem>>)
      %dma_wait3A = arith.constant 0 : i32
      %dma_wait3A_15 = tpu.memref_slice %arg6[%dma_wait3A, %mul3A_2] : memref<32x4096xf32, #tpu.memory_space<hbm>> -> memref<32x128xf32, #tpu.memory_space<hbm>>
      %dma_wait3A_16 = arith.constant 0 : i32
      %dma_wait3A_17 = tpu.memref_slice %arg6[%dma_wait3A_16, %mul3A_2] : memref<32x4096xf32, #tpu.memory_space<hbm>> -> memref<32x128xf32, #tpu.memory_space<hbm>>
      tpu.wait_dma2 semaphore(%run_scoped3A : memref<!tpu.dma_semaphore, #tpu.memory_space<semaphore_mem>>) src(%arg11 : memref<32x128xf32, #tpu.memory_space<vmem>>) dst(%dma_wait3A_17 : memref<32x128xf32, #tpu.memory_space<hbm>>)
      tpu.yield
    }) : () -> ()
    %scan3A_7 = arith.constant 0 : i32
    %scan3A_8 = arith.constant 8 : i32
    %scan3A_9 = arith.addi %scan3A_7, %scan3A_8 : i32
    %scan3A_10 = arith.constant 1 : i32
    scf.for %scan3A_12 = %scan3A_7 to %scan3A_9 step %scan3A_10  : i32 {
      %mul3A_13 = arith.constant 16 : i32
      %mul3A_14 = arith.muli %scan3A_12, %mul3A_13 : i32
      %get3A = arith.index_cast %mul3A_14 : i32 to index
      %get3A_15 = tpu.vector_load %arg9[%get3A] {strides = array<i32>} : memref<128xi32, #tpu.memory_space<vmem>>, vector<16xi32>,
      %slice3A = vector.extract_strided_slice %get3A_15 {offsets = [0], sizes = [1], strides = [1]} : vector<16xi32> to vector<1xi32>
      %squeeze3A = vector.extract %slice3A[0] : i32 from vector<1xi32>
      %shift_right_arithmetic3A = arith.constant 7 : i32
      %shift_right_arithmetic3A_16 = arith.shrsi %squeeze3A, %shift_right_arithmetic3A : i32
      %mul3A_17 = arith.constant 128 : i32
      %mul3A_18 = arith.muli %shift_right_arithmetic3A_16, %mul3A_17 : i32
      %multiple_of3A = tpu.assume_multiple %mul3A_18, 128 : i32
      %dma_start3A = arith.constant 0 : i32
      %dma_start3A_19 = arith.constant 0 : i32
      %dma_start3A_20 = arith.constant 0 : i32
      %dma_start3A_21 = tpu.memref_slice %arg10[%dma_start3A, %dma_start3A_19, %dma_start3A_20] : memref<16x32x128xf32, #tpu.memory_space<vmem>> -> memref<1x32x128xf32, #tpu.memory_space<vmem>>
      %dma_start3A_22 = tpu.memref_squeeze %dma_start3A_21 : memref<1x32x128xf32, #tpu.memory_space<vmem>> -> memref<32x128xf32, #tpu.memory_space<vmem>>
      %dma_start3A_23 = arith.constant 0 : i32
      %dma_start3A_24 = tpu.memref_slice %arg3[%dma_start3A_23, %multiple_of3A] : memref<32x1000000xf32, #tpu.memory_space<hbm>> -> memref<32x128xf32, #tpu.memory_space<hbm>>
      %dma_start3A_25 = arith.constant 0 : i32
      %dma_start3A_26 = arith.constant 0 : i32
      %dma_start3A_27 = tpu.memref_slice %arg10[%dma_start3A, %dma_start3A_25, %dma_start3A_26] : memref<16x32x128xf32, #tpu.memory_space<vmem>> -> memref<1x32x128xf32, #tpu.memory_space<vmem>>
      %dma_start3A_28 = tpu.memref_squeeze %dma_start3A_27 : memref<1x32x128xf32, #tpu.memory_space<vmem>> -> memref<32x128xf32, #tpu.memory_space<vmem>>
      %dma_start3A_29 = arith.constant 0 : i32
      %dma_start3A_30 = tpu.memref_slice %arg3[%dma_start3A_29, %multiple_of3A] : memref<32x1000000xf32, #tpu.memory_space<hbm>> -> memref<32x128xf32, #tpu.memory_space<hbm>>
      tpu.enqueue_dma source(%dma_start3A_30 : memref<32x128xf32, #tpu.memory_space<hbm>>) target(%dma_start3A_28 : memref<32x128xf32, #tpu.memory_space<vmem>>) target_semaphore(%arg12 : memref<!tpu.dma_semaphore, #tpu.memory_space<semaphore_mem>>)
      %slice3A_31 = vector.extract_strided_slice %get3A_15 {offsets = [1], sizes = [1], strides = [1]} : vector<16xi32> to vector<1xi32>
      %squeeze3A_32 = vector.extract %slice3A_31[0] : i32 from vector<1xi32>
      %shift_right_arithmetic3A_33 = arith.constant 7 : i32
      %shift_right_arithmetic3A_34 = arith.shrsi %squeeze3A_32, %shift_right_arithmetic3A_33 : i32
      %mul3A_35 = arith.constant 128 : i32
      %mul3A_36 = arith.muli %shift_right_arithmetic3A_34, %mul3A_35 : i32
      %multiple_of3A_37 = tpu.assume_multiple %mul3A_36, 128 : i32
      %dma_start3A_38 = arith.constant 1 : i32
      %dma_start3A_39 = arith.constant 0 : i32
      %dma_start3A_40 = arith.constant 0 : i32
      %dma_start3A_41 = tpu.memref_slice %arg10[%dma_start3A_38, %dma_start3A_39, %dma_start3A_40] : memref<16x32x128xf32, #tpu.memory_space<vmem>> -> memref<1x32x128xf32, #tpu.memory_space<vmem>>
      %dma_start3A_42 = tpu.memref_squeeze %dma_start3A_41 : memref<1x32x128xf32, #tpu.memory_space<vmem>> -> memref<32x128xf32, #tpu.memory_space<vmem>>
      %dma_start3A_43 = arith.constant 0 : i32
      %dma_start3A_44 = tpu.memref_slice %arg3[%dma_start3A_43, %multiple_of3A_37] : memref<32x1000000xf32, #tpu.memory_space<hbm>> -> memref<32x128xf32, #tpu.memory_space<hbm>>
      %dma_start3A_45 = arith.constant 0 : i32
      %dma_start3A_46 = arith.constant 0 : i32
      %dma_start3A_47 = tpu.memref_slice %arg10[%dma_start3A_38, %dma_start3A_45, %dma_start3A_46] : memref<16x32x128xf32, #tpu.memory_space<vmem>> -> memref<1x32x128xf32, #tpu.memory_space<vmem>>
      %dma_start3A_48 = tpu.memref_squeeze %dma_start3A_47 : memref<1x32x128xf32, #tpu.memory_space<vmem>> -> memref<32x128xf32, #tpu.memory_space<vmem>>
      %dma_start3A_49 = arith.constant 0 : i32
      %dma_start3A_50 = tpu.memref_slice %arg3[%dma_start3A_49, %multiple_of3A_37] : memref<32x1000000xf32, #tpu.memory_space<hbm>> -> memref<32x128xf32, #tpu.memory_space<hbm>>
      tpu.enqueue_dma source(%dma_start3A_50 : memref<32x128xf32, #tpu.memory_space<hbm>>) target(%dma_start3A_48 : memref<32x128xf32, #tpu.memory_space<vmem>>) target_semaphore(%arg12 : memref<!tpu.dma_semaphore, #tpu.memory_space<semaphore_mem>>)
      %slice3A_51 = vector.extract_strided_slice %get3A_15 {offsets = [2], sizes = [1], strides = [1]} : vector<16xi32> to vector<1xi32>
      %squeeze3A_52 = vector.extract %slice3A_51[0] : i32 from vector<1xi32>
      %shift_right_arithmetic3A_53 = arith.constant 7 : i32
      %shift_right_arithmetic3A_54 = arith.shrsi %squeeze3A_52, %shift_right_arithmetic3A_53 : i32
      %mul3A_55 = arith.constant 128 : i32
      %mul3A_56 = arith.muli %shift_right_arithmetic3A_54, %mul3A_55 : i32
      %multiple_of3A_57 = tpu.assume_multiple %mul3A_56, 128 : i32
      %dma_start3A_58 = arith.constant 2 : i32
      %dma_start3A_59 = arith.constant 0 : i32
      %dma_start3A_60 = arith.constant 0 : i32
      %dma_start3A_61 = tpu.memref_slice %arg10[%dma_start3A_58, %dma_start3A_59, %dma_start3A_60] : memref<16x32x128xf32, #tpu.memory_space<vmem>> -> memref<1x32x128xf32, #tpu.memory_space<vmem>>
      %dma_start3A_62 = tpu.memref_squeeze %dma_start3A_61 : memref<1x32x128xf32, #tpu.memory_space<vmem>> -> memref<32x128xf32, #tpu.memory_space<vmem>>
      %dma_start3A_63 = arith.constant 0 : i32
      %dma_start3A_64 = tpu.memref_slice %arg3[%dma_start3A_63, %multiple_of3A_57] : memref<32x1000000xf32, #tpu.memory_space<hbm>> -> memref<32x128xf32, #tpu.memory_space<hbm>>
      %dma_start3A_65 = arith.constant 0 : i32
      %dma_start3A_66 = arith.constant 0 : i32
      %dma_start3A_67 = tpu.memref_slice %arg10[%dma_start3A_58, %dma_start3A_65, %dma_start3A_66] : memref<16x32x128xf32, #tpu.memory_space<vmem>> -> memref<1x32x128xf32, #tpu.memory_space<vmem>>
      %dma_start3A_68 = tpu.memref_squeeze %dma_start3A_67 : memref<1x32x128xf32, #tpu.memory_space<vmem>> -> memref<32x128xf32, #tpu.memory_space<vmem>>
      %dma_start3A_69 = arith.constant 0 : i32
      %dma_start3A_70 = tpu.memref_slice %arg3[%dma_start3A_69, %multiple_of3A_57] : memref<32x1000000xf32, #tpu.memory_space<hbm>> -> memref<32x128xf32, #tpu.memory_space<hbm>>
      tpu.enqueue_dma source(%dma_start3A_70 : memref<32x128xf32, #tpu.memory_space<hbm>>) target(%dma_start3A_68 : memref<32x128xf32, #tpu.memory_space<vmem>>) target_semaphore(%arg12 : memref<!tpu.dma_semaphore, #tpu.memory_space<semaphore_mem>>)
      %slice3A_71 = vector.extract_strided_slice %get3A_15 {offsets = [3], sizes = [1], strides = [1]} : vector<16xi32> to vector<1xi32>
      %squeeze3A_72 = vector.extract %slice3A_71[0] : i32 from vector<1xi32>
      %shift_right_arithmetic3A_73 = arith.constant 7 : i32
      %shift_right_arithmetic3A_74 = arith.shrsi %squeeze3A_72, %shift_right_arithmetic3A_73 : i32
      %mul3A_75 = arith.constant 128 : i32
      %mul3A_76 = arith.muli %shift_right_arithmetic3A_74, %mul3A_75 : i32
      %multiple_of3A_77 = tpu.assume_multiple %mul3A_76, 128 : i32
      %dma_start3A_78 = arith.constant 3 : i32
      %dma_start3A_79 = arith.constant 0 : i32
      %dma_start3A_80 = arith.constant 0 : i32
      %dma_start3A_81 = tpu.memref_slice %arg10[%dma_start3A_78, %dma_start3A_79, %dma_start3A_80] : memref<16x32x128xf32, #tpu.memory_space<vmem>> -> memref<1x32x128xf32, #tpu.memory_space<vmem>>
      %dma_start3A_82 = tpu.memref_squeeze %dma_start3A_81 : memref<1x32x128xf32, #tpu.memory_space<vmem>> -> memref<32x128xf32, #tpu.memory_space<vmem>>
      %dma_start3A_83 = arith.constant 0 : i32
      %dma_start3A_84 = tpu.memref_slice %arg3[%dma_start3A_83, %multiple_of3A_77] : memref<32x1000000xf32, #tpu.memory_space<hbm>> -> memref<32x128xf32, #tpu.memory_space<hbm>>
      %dma_start3A_85 = arith.constant 0 : i32
      %dma_start3A_86 = arith.constant 0 : i32
      %dma_start3A_87 = tpu.memref_slice %arg10[%dma_start3A_78, %dma_start3A_85, %dma_start3A_86] : memref<16x32x128xf32, #tpu.memory_space<vmem>> -> memref<1x32x128xf32, #tpu.memory_space<vmem>>
      %dma_start3A_88 = tpu.memref_squeeze %dma_start3A_87 : memref<1x32x128xf32, #tpu.memory_space<vmem>> -> memref<32x128xf32, #tpu.memory_space<vmem>>
      %dma_start3A_89 = arith.constant 0 : i32
      %dma_start3A_90 = tpu.memref_slice %arg3[%dma_start3A_89, %multiple_of3A_77] : memref<32x1000000xf32, #tpu.memory_space<hbm>> -> memref<32x128xf32, #tpu.memory_space<hbm>>
      tpu.enqueue_dma source(%dma_start3A_90 : memref<32x128xf32, #tpu.memory_space<hbm>>) target(%dma_start3A_88 : memref<32x128xf32, #tpu.memory_space<vmem>>) target_semaphore(%arg12 : memref<!tpu.dma_semaphore, #tpu.memory_space<semaphore_mem>>)
      %slice3A_91 = vector.extract_strided_slice %get3A_15 {offsets = [4], sizes = [1], strides = [1]} : vector<16xi32> to vector<1xi32>
      %squeeze3A_92 = vector.extract %slice3A_91[0] : i32 from vector<1xi32>
      %shift_right_arithmetic3A_93 = arith.constant 7 : i32
      %shift_right_arithmetic3A_94 = arith.shrsi %squeeze3A_92, %shift_right_arithmetic3A_93 : i32
      %mul3A_95 = arith.constant 128 : i32
      %mul3A_96 = arith.muli %shift_right_arithmetic3A_94, %mul3A_95 : i32
      %multiple_of3A_97 = tpu.assume_multiple %mul3A_96, 128 : i32
      %dma_start3A_98 = arith.constant 4 : i32
      %dma_start3A_99 = arith.constant 0 : i32
      %dma_start3A_100 = arith.constant 0 : i32
      %dma_start3A_101 = tpu.memref_slice %arg10[%dma_start3A_98, %dma_start3A_99, %dma_start3A_100] : memref<16x32x128xf32, #tpu.memory_space<vmem>> -> memref<1x32x128xf32, #tpu.memory_space<vmem>>
      %dma_start3A_102 = tpu.memref_squeeze %dma_start3A_101 : memref<1x32x128xf32, #tpu.memory_space<vmem>> -> memref<32x128xf32, #tpu.memory_space<vmem>>
      %dma_start3A_103 = arith.constant 0 : i32
      %dma_start3A_104 = tpu.memref_slice %arg3[%dma_start3A_103, %multiple_of3A_97] : memref<32x1000000xf32, #tpu.memory_space<hbm>> -> memref<32x128xf32, #tpu.memory_space<hbm>>
      %dma_start3A_105 = arith.constant 0 : i32
      %dma_start3A_106 = arith.constant 0 : i32
      %dma_start3A_107 = tpu.memref_slice %arg10[%dma_start3A_98, %dma_start3A_105, %dma_start3A_106] : memref<16x32x128xf32, #tpu.memory_space<vmem>> -> memref<1x32x128xf32, #tpu.memory_space<vmem>>
      %dma_start3A_108 = tpu.memref_squeeze %dma_start3A_107 : memref<1x32x128xf32, #tpu.memory_space<vmem>> -> memref<32x128xf32, #tpu.memory_space<vmem>>
      %dma_start3A_109 = arith.constant 0 : i32
      %dma_start3A_110 = tpu.memref_slice %arg3[%dma_start3A_109, %multiple_of3A_97] : memref<32x1000000xf32, #tpu.memory_space<hbm>> -> memref<32x128xf32, #tpu.memory_space<hbm>>
      tpu.enqueue_dma source(%dma_start3A_110 : memref<32x128xf32, #tpu.memory_space<hbm>>) target(%dma_start3A_108 : memref<32x128xf32, #tpu.memory_space<vmem>>) target_semaphore(%arg12 : memref<!tpu.dma_semaphore, #tpu.memory_space<semaphore_mem>>)
      %slice3A_111 = vector.extract_strided_slice %get3A_15 {offsets = [5], sizes = [1], strides = [1]} : vector<16xi32> to vector<1xi32>
      %squeeze3A_112 = vector.extract %slice3A_111[0] : i32 from vector<1xi32>
      %shift_right_arithmetic3A_113 = arith.constant 7 : i32
      %shift_right_arithmetic3A_114 = arith.shrsi %squeeze3A_112, %shift_right_arithmetic3A_113 : i32
      %mul3A_115 = arith.constant 128 : i32
      %mul3A_116 = arith.muli %shift_right_arithmetic3A_114, %mul3A_115 : i32
      %multiple_of3A_117 = tpu.assume_multiple %mul3A_116, 128 : i32
      %dma_start3A_118 = arith.constant 5 : i32
      %dma_start3A_119 = arith.constant 0 : i32
      %dma_start3A_120 = arith.constant 0 : i32
      %dma_start3A_121 = tpu.memref_slice %arg10[%dma_start3A_118, %dma_start3A_119, %dma_start3A_120] : memref<16x32x128xf32, #tpu.memory_space<vmem>> -> memref<1x32x128xf32, #tpu.memory_space<vmem>>
      %dma_start3A_122 = tpu.memref_squeeze %dma_start3A_121 : memref<1x32x128xf32, #tpu.memory_space<vmem>> -> memref<32x128xf32, #tpu.memory_space<vmem>>
      %dma_start3A_123 = arith.constant 0 : i32
      %dma_start3A_124 = tpu.memref_slice %arg3[%dma_start3A_123, %multiple_of3A_117] : memref<32x1000000xf32, #tpu.memory_space<hbm>> -> memref<32x128xf32, #tpu.memory_space<hbm>>
      %dma_start3A_125 = arith.constant 0 : i32
      %dma_start3A_126 = arith.constant 0 : i32
      %dma_start3A_127 = tpu.memref_slice %arg10[%dma_start3A_118, %dma_start3A_125, %dma_start3A_126] : memref<16x32x128xf32, #tpu.memory_space<vmem>> -> memref<1x32x128xf32, #tpu.memory_space<vmem>>
      %dma_start3A_128 = tpu.memref_squeeze %dma_start3A_127 : memref<1x32x128xf32, #tpu.memory_space<vmem>> -> memref<32x128xf32, #tpu.memory_space<vmem>>
      %dma_start3A_129 = arith.constant 0 : i32
      %dma_start3A_130 = tpu.memref_slice %arg3[%dma_start3A_129, %multiple_of3A_117] : memref<32x1000000xf32, #tpu.memory_space<hbm>> -> memref<32x128xf32, #tpu.memory_space<hbm>>
      tpu.enqueue_dma source(%dma_start3A_130 : memref<32x128xf32, #tpu.memory_space<hbm>>) target(%dma_start3A_128 : memref<32x128xf32, #tpu.memory_space<vmem>>) target_semaphore(%arg12 : memref<!tpu.dma_semaphore, #tpu.memory_space<semaphore_mem>>)
      %slice3A_131 = vector.extract_strided_slice %get3A_15 {offsets = [6], sizes = [1], strides = [1]} : vector<16xi32> to vector<1xi32>
      %squeeze3A_132 = vector.extract %slice3A_131[0] : i32 from vector<1xi32>
      %shift_right_arithmetic3A_133 = arith.constant 7 : i32
      %shift_right_arithmetic3A_134 = arith.shrsi %squeeze3A_132, %shift_right_arithmetic3A_133 : i32
      %mul3A_135 = arith.constant 128 : i32
      %mul3A_136 = arith.muli %shift_right_arithmetic3A_134, %mul3A_135 : i32
      %multiple_of3A_137 = tpu.assume_multiple %mul3A_136, 128 : i32
      %dma_start3A_138 = arith.constant 6 : i32
      %dma_start3A_139 = arith.constant 0 : i32
      %dma_start3A_140 = arith.constant 0 : i32
      %dma_start3A_141 = tpu.memref_slice %arg10[%dma_start3A_138, %dma_start3A_139, %dma_start3A_140] : memref<16x32x128xf32, #tpu.memory_space<vmem>> -> memref<1x32x128xf32, #tpu.memory_space<vmem>>
      %dma_start3A_142 = tpu.memref_squeeze %dma_start3A_141 : memref<1x32x128xf32, #tpu.memory_space<vmem>> -> memref<32x128xf32, #tpu.memory_space<vmem>>
      %dma_start3A_143 = arith.constant 0 : i32
      %dma_start3A_144 = tpu.memref_slice %arg3[%dma_start3A_143, %multiple_of3A_137] : memref<32x1000000xf32, #tpu.memory_space<hbm>> -> memref<32x128xf32, #tpu.memory_space<hbm>>
      %dma_start3A_145 = arith.constant 0 : i32
      %dma_start3A_146 = arith.constant 0 : i32
      %dma_start3A_147 = tpu.memref_slice %arg10[%dma_start3A_138, %dma_start3A_145, %dma_start3A_146] : memref<16x32x128xf32, #tpu.memory_space<vmem>> -> memref<1x32x128xf32, #tpu.memory_space<vmem>>
      %dma_start3A_148 = tpu.memref_squeeze %dma_start3A_147 : memref<1x32x128xf32, #tpu.memory_space<vmem>> -> memref<32x128xf32, #tpu.memory_space<vmem>>
      %dma_start3A_149 = arith.constant 0 : i32
      %dma_start3A_150 = tpu.memref_slice %arg3[%dma_start3A_149, %multiple_of3A_137] : memref<32x1000000xf32, #tpu.memory_space<hbm>> -> memref<32x128xf32, #tpu.memory_space<hbm>>
      tpu.enqueue_dma source(%dma_start3A_150 : memref<32x128xf32, #tpu.memory_space<hbm>>) target(%dma_start3A_148 : memref<32x128xf32, #tpu.memory_space<vmem>>) target_semaphore(%arg12 : memref<!tpu.dma_semaphore, #tpu.memory_space<semaphore_mem>>)
      %slice3A_151 = vector.extract_strided_slice %get3A_15 {offsets = [7], sizes = [1], strides = [1]} : vector<16xi32> to vector<1xi32>
      %squeeze3A_152 = vector.extract %slice3A_151[0] : i32 from vector<1xi32>
      %shift_right_arithmetic3A_153 = arith.constant 7 : i32
      %shift_right_arithmetic3A_154 = arith.shrsi %squeeze3A_152, %shift_right_arithmetic3A_153 : i32
      %mul3A_155 = arith.constant 128 : i32
      %mul3A_156 = arith.muli %shift_right_arithmetic3A_154, %mul3A_155 : i32
      %multiple_of3A_157 = tpu.assume_multiple %mul3A_156, 128 : i32
      %dma_start3A_158 = arith.constant 7 : i32
      %dma_start3A_159 = arith.constant 0 : i32
      %dma_start3A_160 = arith.constant 0 : i32
      %dma_start3A_161 = tpu.memref_slice %arg10[%dma_start3A_158, %dma_start3A_159, %dma_start3A_160] : memref<16x32x128xf32, #tpu.memory_space<vmem>> -> memref<1x32x128xf32, #tpu.memory_space<vmem>>
      %dma_start3A_162 = tpu.memref_squeeze %dma_start3A_161 : memref<1x32x128xf32, #tpu.memory_space<vmem>> -> memref<32x128xf32, #tpu.memory_space<vmem>>
      %dma_start3A_163 = arith.constant 0 : i32
      %dma_start3A_164 = tpu.memref_slice %arg3[%dma_start3A_163, %multiple_of3A_157] : memref<32x1000000xf32, #tpu.memory_space<hbm>> -> memref<32x128xf32, #tpu.memory_space<hbm>>
      %dma_start3A_165 = arith.constant 0 : i32
      %dma_start3A_166 = arith.constant 0 : i32
      %dma_start3A_167 = tpu.memref_slice %arg10[%dma_start3A_158, %dma_start3A_165, %dma_start3A_166] : memref<16x32x128xf32, #tpu.memory_space<vmem>> -> memref<1x32x128xf32, #tpu.memory_space<vmem>>
      %dma_start3A_168 = tpu.memref_squeeze %dma_start3A_167 : memref<1x32x128xf32, #tpu.memory_space<vmem>> -> memref<32x128xf32, #tpu.memory_space<vmem>>
      %dma_start3A_169 = arith.constant 0 : i32
      %dma_start3A_170 = tpu.memref_slice %arg3[%dma_start3A_169, %multiple_of3A_157] : memref<32x1000000xf32, #tpu.memory_space<hbm>> -> memref<32x128xf32, #tpu.memory_space<hbm>>
      tpu.enqueue_dma source(%dma_start3A_170 : memref<32x128xf32, #tpu.memory_space<hbm>>) target(%dma_start3A_168 : memref<32x128xf32, #tpu.memory_space<vmem>>) target_semaphore(%arg12 : memref<!tpu.dma_semaphore, #tpu.memory_space<semaphore_mem>>)
      %slice3A_171 = vector.extract_strided_slice %get3A_15 {offsets = [8], sizes = [1], strides = [1]} : vector<16xi32> to vector<1xi32>
      %squeeze3A_172 = vector.extract %slice3A_171[0] : i32 from vector<1xi32>
      %shift_right_arithmetic3A_173 = arith.constant 7 : i32
      %shift_right_arithmetic3A_174 = arith.shrsi %squeeze3A_172, %shift_right_arithmetic3A_173 : i32
      %mul3A_175 = arith.constant 128 : i32
      %mul3A_176 = arith.muli %shift_right_arithmetic3A_174, %mul3A_175 : i32
      %multiple_of3A_177 = tpu.assume_multiple %mul3A_176, 128 : i32
      %dma_start3A_178 = arith.constant 8 : i32
      %dma_start3A_179 = arith.constant 0 : i32
      %dma_start3A_180 = arith.constant 0 : i32
      %dma_start3A_181 = tpu.memref_slice %arg10[%dma_start3A_178, %dma_start3A_179, %dma_start3A_180] : memref<16x32x128xf32, #tpu.memory_space<vmem>> -> memref<1x32x128xf32, #tpu.memory_space<vmem>>
      %dma_start3A_182 = tpu.memref_squeeze %dma_start3A_181 : memref<1x32x128xf32, #tpu.memory_space<vmem>> -> memref<32x128xf32, #tpu.memory_space<vmem>>
      %dma_start3A_183 = arith.constant 0 : i32
      %dma_start3A_184 = tpu.memref_slice %arg3[%dma_start3A_183, %multiple_of3A_177] : memref<32x1000000xf32, #tpu.memory_space<hbm>> -> memref<32x128xf32, #tpu.memory_space<hbm>>
      %dma_start3A_185 = arith.constant 0 : i32
      %dma_start3A_186 = arith.constant 0 : i32
      %dma_start3A_187 = tpu.memref_slice %arg10[%dma_start3A_178, %dma_start3A_185, %dma_start3A_186] : memref<16x32x128xf32, #tpu.memory_space<vmem>> -> memref<1x32x128xf32, #tpu.memory_space<vmem>>
      %dma_start3A_188 = tpu.memref_squeeze %dma_start3A_187 : memref<1x32x128xf32, #tpu.memory_space<vmem>> -> memref<32x128xf32, #tpu.memory_space<vmem>>
      %dma_start3A_189 = arith.constant 0 : i32
      %dma_start3A_190 = tpu.memref_slice %arg3[%dma_start3A_189, %multiple_of3A_177] : memref<32x1000000xf32, #tpu.memory_space<hbm>> -> memref<32x128xf32, #tpu.memory_space<hbm>>
      tpu.enqueue_dma source(%dma_start3A_190 : memref<32x128xf32, #tpu.memory_space<hbm>>) target(%dma_start3A_188 : memref<32x128xf32, #tpu.memory_space<vmem>>) target_semaphore(%arg12 : memref<!tpu.dma_semaphore, #tpu.memory_space<semaphore_mem>>)
      %slice3A_191 = vector.extract_strided_slice %get3A_15 {offsets = [9], sizes = [1], strides = [1]} : vector<16xi32> to vector<1xi32>
      %squeeze3A_192 = vector.extract %slice3A_191[0] : i32 from vector<1xi32>
      %shift_right_arithmetic3A_193 = arith.constant 7 : i32
      %shift_right_arithmetic3A_194 = arith.shrsi %squeeze3A_192, %shift_right_arithmetic3A_193 : i32
      %mul3A_195 = arith.constant 128 : i32
      %mul3A_196 = arith.muli %shift_right_arithmetic3A_194, %mul3A_195 : i32
      %multiple_of3A_197 = tpu.assume_multiple %mul3A_196, 128 : i32
      %dma_start3A_198 = arith.constant 9 : i32
      %dma_start3A_199 = arith.constant 0 : i32
      %dma_start3A_200 = arith.constant 0 : i32
      %dma_start3A_201 = tpu.memref_slice %arg10[%dma_start3A_198, %dma_start3A_199, %dma_start3A_200] : memref<16x32x128xf32, #tpu.memory_space<vmem>> -> memref<1x32x128xf32, #tpu.memory_space<vmem>>
      %dma_start3A_202 = tpu.memref_squeeze %dma_start3A_201 : memref<1x32x128xf32, #tpu.memory_space<vmem>> -> memref<32x128xf32, #tpu.memory_space<vmem>>
      %dma_start3A_203 = arith.constant 0 : i32
      %dma_start3A_204 = tpu.memref_slice %arg3[%dma_start3A_203, %multiple_of3A_197] : memref<32x1000000xf32, #tpu.memory_space<hbm>> -> memref<32x128xf32, #tpu.memory_space<hbm>>
      %dma_start3A_205 = arith.constant 0 : i32
      %dma_start3A_206 = arith.constant 0 : i32
      %dma_start3A_207 = tpu.memref_slice %arg10[%dma_start3A_198, %dma_start3A_205, %dma_start3A_206] : memref<16x32x128xf32, #tpu.memory_space<vmem>> -> memref<1x32x128xf32, #tpu.memory_space<vmem>>
      %dma_start3A_208 = tpu.memref_squeeze %dma_start3A_207 : memref<1x32x128xf32, #tpu.memory_space<vmem>> -> memref<32x128xf32, #tpu.memory_space<vmem>>
      %dma_start3A_209 = arith.constant 0 : i32
      %dma_start3A_210 = tpu.memref_slice %arg3[%dma_start3A_209, %multiple_of3A_197] : memref<32x1000000xf32, #tpu.memory_space<hbm>> -> memref<32x128xf32, #tpu.memory_space<hbm>>
      tpu.enqueue_dma source(%dma_start3A_210 : memref<32x128xf32, #tpu.memory_space<hbm>>) target(%dma_start3A_208 : memref<32x128xf32, #tpu.memory_space<vmem>>) target_semaphore(%arg12 : memref<!tpu.dma_semaphore, #tpu.memory_space<semaphore_mem>>)
      %slice3A_211 = vector.extract_strided_slice %get3A_15 {offsets = [10], sizes = [1], strides = [1]} : vector<16xi32> to vector<1xi32>
      %squeeze3A_212 = vector.extract %slice3A_211[0] : i32 from vector<1xi32>
      %shift_right_arithmetic3A_213 = arith.constant 7 : i32
      %shift_right_arithmetic3A_214 = arith.shrsi %squeeze3A_212, %shift_right_arithmetic3A_213 : i32
      %mul3A_215 = arith.constant 128 : i32
      %mul3A_216 = arith.muli %shift_right_arithmetic3A_214, %mul3A_215 : i32
      %multiple_of3A_217 = tpu.assume_multiple %mul3A_216, 128 : i32
      %dma_start3A_218 = arith.constant 10 : i32
      %dma_start3A_219 = arith.constant 0 : i32
      %dma_start3A_220 = arith.constant 0 : i32
      %dma_start3A_221 = tpu.memref_slice %arg10[%dma_start3A_218, %dma_start3A_219, %dma_start3A_220] : memref<16x32x128xf32, #tpu.memory_space<vmem>> -> memref<1x32x128xf32, #tpu.memory_space<vmem>>
      %dma_start3A_222 = tpu.memref_squeeze %dma_start3A_221 : memref<1x32x128xf32, #tpu.memory_space<vmem>> -> memref<32x128xf32, #tpu.memory_space<vmem>>
      %dma_start3A_223 = arith.constant 0 : i32
      %dma_start3A_224 = tpu.memref_slice %arg3[%dma_start3A_223, %multiple_of3A_217] : memref<32x1000000xf32, #tpu.memory_space<hbm>> -> memref<32x128xf32, #tpu.memory_space<hbm>>
      %dma_start3A_225 = arith.constant 0 : i32
      %dma_start3A_226 = arith.constant 0 : i32
      %dma_start3A_227 = tpu.memref_slice %arg10[%dma_start3A_218, %dma_start3A_225, %dma_start3A_226] : memref<16x32x128xf32, #tpu.memory_space<vmem>> -> memref<1x32x128xf32, #tpu.memory_space<vmem>>
      %dma_start3A_228 = tpu.memref_squeeze %dma_start3A_227 : memref<1x32x128xf32, #tpu.memory_space<vmem>> -> memref<32x128xf32, #tpu.memory_space<vmem>>
      %dma_start3A_229 = arith.constant 0 : i32
      %dma_start3A_230 = tpu.memref_slice %arg3[%dma_start3A_229, %multiple_of3A_217] : memref<32x1000000xf32, #tpu.memory_space<hbm>> -> memref<32x128xf32, #tpu.memory_space<hbm>>
      tpu.enqueue_dma source(%dma_start3A_230 : memref<32x128xf32, #tpu.memory_space<hbm>>) target(%dma_start3A_228 : memref<32x128xf32, #tpu.memory_space<vmem>>) target_semaphore(%arg12 : memref<!tpu.dma_semaphore, #tpu.memory_space<semaphore_mem>>)
      %slice3A_231 = vector.extract_strided_slice %get3A_15 {offsets = [11], sizes = [1], strides = [1]} : vector<16xi32> to vector<1xi32>
      %squeeze3A_232 = vector.extract %slice3A_231[0] : i32 from vector<1xi32>
      %shift_right_arithmetic3A_233 = arith.constant 7 : i32
      %shift_right_arithmetic3A_234 = arith.shrsi %squeeze3A_232, %shift_right_arithmetic3A_233 : i32
      %mul3A_235 = arith.constant 128 : i32
      %mul3A_236 = arith.muli %shift_right_arithmetic3A_234, %mul3A_235 : i32
      %multiple_of3A_237 = tpu.assume_multiple %mul3A_236, 128 : i32
      %dma_start3A_238 = arith.constant 11 : i32
      %dma_start3A_239 = arith.constant 0 : i32
      %dma_start3A_240 = arith.constant 0 : i32
      %dma_start3A_241 = tpu.memref_slice %arg10[%dma_start3A_238, %dma_start3A_239, %dma_start3A_240] : memref<16x32x128xf32, #tpu.memory_space<vmem>> -> memref<1x32x128xf32, #tpu.memory_space<vmem>>
      %dma_start3A_242 = tpu.memref_squeeze %dma_start3A_241 : memref<1x32x128xf32, #tpu.memory_space<vmem>> -> memref<32x128xf32, #tpu.memory_space<vmem>>
      %dma_start3A_243 = arith.constant 0 : i32
      %dma_start3A_244 = tpu.memref_slice %arg3[%dma_start3A_243, %multiple_of3A_237] : memref<32x1000000xf32, #tpu.memory_space<hbm>> -> memref<32x128xf32, #tpu.memory_space<hbm>>
      %dma_start3A_245 = arith.constant 0 : i32
      %dma_start3A_246 = arith.constant 0 : i32
      %dma_start3A_247 = tpu.memref_slice %arg10[%dma_start3A_238, %dma_start3A_245, %dma_start3A_246] : memref<16x32x128xf32, #tpu.memory_space<vmem>> -> memref<1x32x128xf32, #tpu.memory_space<vmem>>
      %dma_start3A_248 = tpu.memref_squeeze %dma_start3A_247 : memref<1x32x128xf32, #tpu.memory_space<vmem>> -> memref<32x128xf32, #tpu.memory_space<vmem>>
      %dma_start3A_249 = arith.constant 0 : i32
      %dma_start3A_250 = tpu.memref_slice %arg3[%dma_start3A_249, %multiple_of3A_237] : memref<32x1000000xf32, #tpu.memory_space<hbm>> -> memref<32x128xf32, #tpu.memory_space<hbm>>
      tpu.enqueue_dma source(%dma_start3A_250 : memref<32x128xf32, #tpu.memory_space<hbm>>) target(%dma_start3A_248 : memref<32x128xf32, #tpu.memory_space<vmem>>) target_semaphore(%arg12 : memref<!tpu.dma_semaphore, #tpu.memory_space<semaphore_mem>>)
      %slice3A_251 = vector.extract_strided_slice %get3A_15 {offsets = [12], sizes = [1], strides = [1]} : vector<16xi32> to vector<1xi32>
      %squeeze3A_252 = vector.extract %slice3A_251[0] : i32 from vector<1xi32>
      %shift_right_arithmetic3A_253 = arith.constant 7 : i32
      %shift_right_arithmetic3A_254 = arith.shrsi %squeeze3A_252, %shift_right_arithmetic3A_253 : i32
      %mul3A_255 = arith.constant 128 : i32
      %mul3A_256 = arith.muli %shift_right_arithmetic3A_254, %mul3A_255 : i32
      %multiple_of3A_257 = tpu.assume_multiple %mul3A_256, 128 : i32
      %dma_start3A_258 = arith.constant 12 : i32
      %dma_start3A_259 = arith.constant 0 : i32
      %dma_start3A_260 = arith.constant 0 : i32
      %dma_start3A_261 = tpu.memref_slice %arg10[%dma_start3A_258, %dma_start3A_259, %dma_start3A_260] : memref<16x32x128xf32, #tpu.memory_space<vmem>> -> memref<1x32x128xf32, #tpu.memory_space<vmem>>
      %dma_start3A_262 = tpu.memref_squeeze %dma_start3A_261 : memref<1x32x128xf32, #tpu.memory_space<vmem>> -> memref<32x128xf32, #tpu.memory_space<vmem>>
      %dma_start3A_263 = arith.constant 0 : i32
      %dma_start3A_264 = tpu.memref_slice %arg3[%dma_start3A_263, %multiple_of3A_257] : memref<32x1000000xf32, #tpu.memory_space<hbm>> -> memref<32x128xf32, #tpu.memory_space<hbm>>
      %dma_start3A_265 = arith.constant 0 : i32
      %dma_start3A_266 = arith.constant 0 : i32
      %dma_start3A_267 = tpu.memref_slice %arg10[%dma_start3A_258, %dma_start3A_265, %dma_start3A_266] : memref<16x32x128xf32, #tpu.memory_space<vmem>> -> memref<1x32x128xf32, #tpu.memory_space<vmem>>
      %dma_start3A_268 = tpu.memref_squeeze %dma_start3A_267 : memref<1x32x128xf32, #tpu.memory_space<vmem>> -> memref<32x128xf32, #tpu.memory_space<vmem>>
      %dma_start3A_269 = arith.constant 0 : i32
      %dma_start3A_270 = tpu.memref_slice %arg3[%dma_start3A_269, %multiple_of3A_257] : memref<32x1000000xf32, #tpu.memory_space<hbm>> -> memref<32x128xf32, #tpu.memory_space<hbm>>
      tpu.enqueue_dma source(%dma_start3A_270 : memref<32x128xf32, #tpu.memory_space<hbm>>) target(%dma_start3A_268 : memref<32x128xf32, #tpu.memory_space<vmem>>) target_semaphore(%arg12 : memref<!tpu.dma_semaphore, #tpu.memory_space<semaphore_mem>>)
      %slice3A_271 = vector.extract_strided_slice %get3A_15 {offsets = [13], sizes = [1], strides = [1]} : vector<16xi32> to vector<1xi32>
      %squeeze3A_272 = vector.extract %slice3A_271[0] : i32 from vector<1xi32>
      %shift_right_arithmetic3A_273 = arith.constant 7 : i32
      %shift_right_arithmetic3A_274 = arith.shrsi %squeeze3A_272, %shift_right_arithmetic3A_273 : i32
      %mul3A_275 = arith.constant 128 : i32
      %mul3A_276 = arith.muli %shift_right_arithmetic3A_274, %mul3A_275 : i32
      %multiple_of3A_277 = tpu.assume_multiple %mul3A_276, 128 : i32
      %dma_start3A_278 = arith.constant 13 : i32
      %dma_start3A_279 = arith.constant 0 : i32
      %dma_start3A_280 = arith.constant 0 : i32
      %dma_start3A_281 = tpu.memref_slice %arg10[%dma_start3A_278, %dma_start3A_279, %dma_start3A_280] : memref<16x32x128xf32, #tpu.memory_space<vmem>> -> memref<1x32x128xf32, #tpu.memory_space<vmem>>
      %dma_start3A_282 = tpu.memref_squeeze %dma_start3A_281 : memref<1x32x128xf32, #tpu.memory_space<vmem>> -> memref<32x128xf32, #tpu.memory_space<vmem>>
      %dma_start3A_283 = arith.constant 0 : i32
      %dma_start3A_284 = tpu.memref_slice %arg3[%dma_start3A_283, %multiple_of3A_277] : memref<32x1000000xf32, #tpu.memory_space<hbm>> -> memref<32x128xf32, #tpu.memory_space<hbm>>
      %dma_start3A_285 = arith.constant 0 : i32
      %dma_start3A_286 = arith.constant 0 : i32
      %dma_start3A_287 = tpu.memref_slice %arg10[%dma_start3A_278, %dma_start3A_285, %dma_start3A_286] : memref<16x32x128xf32, #tpu.memory_space<vmem>> -> memref<1x32x128xf32, #tpu.memory_space<vmem>>
      %dma_start3A_288 = tpu.memref_squeeze %dma_start3A_287 : memref<1x32x128xf32, #tpu.memory_space<vmem>> -> memref<32x128xf32, #tpu.memory_space<vmem>>
      %dma_start3A_289 = arith.constant 0 : i32
      %dma_start3A_290 = tpu.memref_slice %arg3[%dma_start3A_289, %multiple_of3A_277] : memref<32x1000000xf32, #tpu.memory_space<hbm>> -> memref<32x128xf32, #tpu.memory_space<hbm>>
      tpu.enqueue_dma source(%dma_start3A_290 : memref<32x128xf32, #tpu.memory_space<hbm>>) target(%dma_start3A_288 : memref<32x128xf32, #tpu.memory_space<vmem>>) target_semaphore(%arg12 : memref<!tpu.dma_semaphore, #tpu.memory_space<semaphore_mem>>)
      %slice3A_291 = vector.extract_strided_slice %get3A_15 {offsets = [14], sizes = [1], strides = [1]} : vector<16xi32> to vector<1xi32>
      %squeeze3A_292 = vector.extract %slice3A_291[0] : i32 from vector<1xi32>
      %shift_right_arithmetic3A_293 = arith.constant 7 : i32
      %shift_right_arithmetic3A_294 = arith.shrsi %squeeze3A_292, %shift_right_arithmetic3A_293 : i32
      %mul3A_295 = arith.constant 128 : i32
      %mul3A_296 = arith.muli %shift_right_arithmetic3A_294, %mul3A_295 : i32
      %multiple_of3A_297 = tpu.assume_multiple %mul3A_296, 128 : i32
      %dma_start3A_298 = arith.constant 14 : i32
      %dma_start3A_299 = arith.constant 0 : i32
      %dma_start3A_300 = arith.constant 0 : i32
      %dma_start3A_301 = tpu.memref_slice %arg10[%dma_start3A_298, %dma_start3A_299, %dma_start3A_300] : memref<16x32x128xf32, #tpu.memory_space<vmem>> -> memref<1x32x128xf32, #tpu.memory_space<vmem>>
      %dma_start3A_302 = tpu.memref_squeeze %dma_start3A_301 : memref<1x32x128xf32, #tpu.memory_space<vmem>> -> memref<32x128xf32, #tpu.memory_space<vmem>>
      %dma_start3A_303 = arith.constant 0 : i32
      %dma_start3A_304 = tpu.memref_slice %arg3[%dma_start3A_303, %multiple_of3A_297] : memref<32x1000000xf32, #tpu.memory_space<hbm>> -> memref<32x128xf32, #tpu.memory_space<hbm>>
      %dma_start3A_305 = arith.constant 0 : i32
      %dma_start3A_306 = arith.constant 0 : i32
      %dma_start3A_307 = tpu.memref_slice %arg10[%dma_start3A_298, %dma_start3A_305, %dma_start3A_306] : memref<16x32x128xf32, #tpu.memory_space<vmem>> -> memref<1x32x128xf32, #tpu.memory_space<vmem>>
      %dma_start3A_308 = tpu.memref_squeeze %dma_start3A_307 : memref<1x32x128xf32, #tpu.memory_space<vmem>> -> memref<32x128xf32, #tpu.memory_space<vmem>>
      %dma_start3A_309 = arith.constant 0 : i32
      %dma_start3A_310 = tpu.memref_slice %arg3[%dma_start3A_309, %multiple_of3A_297] : memref<32x1000000xf32, #tpu.memory_space<hbm>> -> memref<32x128xf32, #tpu.memory_space<hbm>>
      tpu.enqueue_dma source(%dma_start3A_310 : memref<32x128xf32, #tpu.memory_space<hbm>>) target(%dma_start3A_308 : memref<32x128xf32, #tpu.memory_space<vmem>>) target_semaphore(%arg12 : memref<!tpu.dma_semaphore, #tpu.memory_space<semaphore_mem>>)
      %slice3A_311 = vector.extract_strided_slice %get3A_15 {offsets = [15], sizes = [1], strides = [1]} : vector<16xi32> to vector<1xi32>
      %squeeze3A_312 = vector.extract %slice3A_311[0] : i32 from vector<1xi32>
      %shift_right_arithmetic3A_313 = arith.constant 7 : i32
      %shift_right_arithmetic3A_314 = arith.shrsi %squeeze3A_312, %shift_right_arithmetic3A_313 : i32
      %mul3A_315 = arith.constant 128 : i32
      %mul3A_316 = arith.muli %shift_right_arithmetic3A_314, %mul3A_315 : i32
      %multiple_of3A_317 = tpu.assume_multiple %mul3A_316, 128 : i32
      %dma_start3A_318 = arith.constant 15 : i32
      %dma_start3A_319 = arith.constant 0 : i32
      %dma_start3A_320 = arith.constant 0 : i32
      %dma_start3A_321 = tpu.memref_slice %arg10[%dma_start3A_318, %dma_start3A_319, %dma_start3A_320] : memref<16x32x128xf32, #tpu.memory_space<vmem>> -> memref<1x32x128xf32, #tpu.memory_space<vmem>>
      %dma_start3A_322 = tpu.memref_squeeze %dma_start3A_321 : memref<1x32x128xf32, #tpu.memory_space<vmem>> -> memref<32x128xf32, #tpu.memory_space<vmem>>
      %dma_start3A_323 = arith.constant 0 : i32
      %dma_start3A_324 = tpu.memref_slice %arg3[%dma_start3A_323, %multiple_of3A_317] : memref<32x1000000xf32, #tpu.memory_space<hbm>> -> memref<32x128xf32, #tpu.memory_space<hbm>>
      %dma_start3A_325 = arith.constant 0 : i32
      %dma_start3A_326 = arith.constant 0 : i32
      %dma_start3A_327 = tpu.memref_slice %arg10[%dma_start3A_318, %dma_start3A_325, %dma_start3A_326] : memref<16x32x128xf32, #tpu.memory_space<vmem>> -> memref<1x32x128xf32, #tpu.memory_space<vmem>>
      %dma_start3A_328 = tpu.memref_squeeze %dma_start3A_327 : memref<1x32x128xf32, #tpu.memory_space<vmem>> -> memref<32x128xf32, #tpu.memory_space<vmem>>
      %dma_start3A_329 = arith.constant 0 : i32
      %dma_start3A_330 = tpu.memref_slice %arg3[%dma_start3A_329, %multiple_of3A_317] : memref<32x1000000xf32, #tpu.memory_space<hbm>> -> memref<32x128xf32, #tpu.memory_space<hbm>>
      tpu.enqueue_dma source(%dma_start3A_330 : memref<32x128xf32, #tpu.memory_space<hbm>>) target(%dma_start3A_328 : memref<32x128xf32, #tpu.memory_space<vmem>>) target_semaphore(%arg12 : memref<!tpu.dma_semaphore, #tpu.memory_space<semaphore_mem>>)
      %dma_wait3A = arith.constant 0 : i32
      %dma_wait3A_331 = arith.constant 0 : i32
      %dma_wait3A_332 = arith.constant 0 : i32
      %dma_wait3A_333 = tpu.memref_slice %arg10[%dma_wait3A, %dma_wait3A_331, %dma_wait3A_332] : memref<16x32x128xf32, #tpu.memory_space<vmem>> -> memref<1x32x128xf32, #tpu.memory_space<vmem>>
      %dma_wait3A_334 = tpu.memref_squeeze %dma_wait3A_333 : memref<1x32x128xf32, #tpu.memory_space<vmem>> -> memref<32x128xf32, #tpu.memory_space<vmem>>
      %dma_wait3A_335 = arith.constant 0 : i32
      %dma_wait3A_336 = arith.constant 0 : i32
      %dma_wait3A_337 = tpu.memref_slice %arg3[%dma_wait3A_335, %dma_wait3A_336] : memref<32x1000000xf32, #tpu.memory_space<hbm>> -> memref<32x128xf32, #tpu.memory_space<hbm>>
      %dma_wait3A_338 = arith.constant 0 : i32
      %dma_wait3A_339 = arith.constant 0 : i32
      %dma_wait3A_340 = tpu.memref_slice %arg10[%dma_wait3A, %dma_wait3A_338, %dma_wait3A_339] : memref<16x32x128xf32, #tpu.memory_space<vmem>> -> memref<1x32x128xf32, #tpu.memory_space<vmem>>
      %dma_wait3A_341 = tpu.memref_squeeze %dma_wait3A_340 : memref<1x32x128xf32, #tpu.memory_space<vmem>> -> memref<32x128xf32, #tpu.memory_space<vmem>>
      %dma_wait3A_342 = arith.constant 0 : i32
      %dma_wait3A_343 = arith.constant 0 : i32
      %dma_wait3A_344 = tpu.memref_slice %arg3[%dma_wait3A_342, %dma_wait3A_343] : memref<32x1000000xf32, #tpu.memory_space<hbm>> -> memref<32x128xf32, #tpu.memory_space<hbm>>
      tpu.wait_dma2 semaphore(%arg12 : memref<!tpu.dma_semaphore, #tpu.memory_space<semaphore_mem>>) src(%dma_wait3A_344 : memref<32x128xf32, #tpu.memory_space<hbm>>) dst(%dma_wait3A_341 : memref<32x128xf32, #tpu.memory_space<vmem>>)
      %dma_wait3A_345 = arith.constant 1 : i32
      %dma_wait3A_346 = arith.constant 0 : i32
      %dma_wait3A_347 = arith.constant 0 : i32
      %dma_wait3A_348 = tpu.memref_slice %arg10[%dma_wait3A_345, %dma_wait3A_346, %dma_wait3A_347] : memref<16x32x128xf32, #tpu.memory_space<vmem>> -> memref<1x32x128xf32, #tpu.memory_space<vmem>>
      %dma_wait3A_349 = tpu.memref_squeeze %dma_wait3A_348 : memref<1x32x128xf32, #tpu.memory_space<vmem>> -> memref<32x128xf32, #tpu.memory_space<vmem>>
      %dma_wait3A_350 = arith.constant 0 : i32
      %dma_wait3A_351 = arith.constant 0 : i32
      %dma_wait3A_352 = tpu.memref_slice %arg3[%dma_wait3A_350, %dma_wait3A_351] : memref<32x1000000xf32, #tpu.memory_space<hbm>> -> memref<32x128xf32, #tpu.memory_space<hbm>>
      %dma_wait3A_353 = arith.constant 0 : i32
      %dma_wait3A_354 = arith.constant 0 : i32
      %dma_wait3A_355 = tpu.memref_slice %arg10[%dma_wait3A_345, %dma_wait3A_353, %dma_wait3A_354] : memref<16x32x128xf32, #tpu.memory_space<vmem>> -> memref<1x32x128xf32, #tpu.memory_space<vmem>>
      %dma_wait3A_356 = tpu.memref_squeeze %dma_wait3A_355 : memref<1x32x128xf32, #tpu.memory_space<vmem>> -> memref<32x128xf32, #tpu.memory_space<vmem>>
      %dma_wait3A_357 = arith.constant 0 : i32
      %dma_wait3A_358 = arith.constant 0 : i32
      %dma_wait3A_359 = tpu.memref_slice %arg3[%dma_wait3A_357, %dma_wait3A_358] : memref<32x1000000xf32, #tpu.memory_space<hbm>> -> memref<32x128xf32, #tpu.memory_space<hbm>>
      tpu.wait_dma2 semaphore(%arg12 : memref<!tpu.dma_semaphore, #tpu.memory_space<semaphore_mem>>) src(%dma_wait3A_359 : memref<32x128xf32, #tpu.memory_space<hbm>>) dst(%dma_wait3A_356 : memref<32x128xf32, #tpu.memory_space<vmem>>)
      %dma_wait3A_360 = arith.constant 2 : i32
      %dma_wait3A_361 = arith.constant 0 : i32
      %dma_wait3A_362 = arith.constant 0 : i32
      %dma_wait3A_363 = tpu.memref_slice %arg10[%dma_wait3A_360, %dma_wait3A_361, %dma_wait3A_362] : memref<16x32x128xf32, #tpu.memory_space<vmem>> -> memref<1x32x128xf32, #tpu.memory_space<vmem>>
      %dma_wait3A_364 = tpu.memref_squeeze %dma_wait3A_363 : memref<1x32x128xf32, #tpu.memory_space<vmem>> -> memref<32x128xf32, #tpu.memory_space<vmem>>
      %dma_wait3A_365 = arith.constant 0 : i32
      %dma_wait3A_366 = arith.constant 0 : i32
      %dma_wait3A_367 = tpu.memref_slice %arg3[%dma_wait3A_365, %dma_wait3A_366] : memref<32x1000000xf32, #tpu.memory_space<hbm>> -> memref<32x128xf32, #tpu.memory_space<hbm>>
      %dma_wait3A_368 = arith.constant 0 : i32
      %dma_wait3A_369 = arith.constant 0 : i32
      %dma_wait3A_370 = tpu.memref_slice %arg10[%dma_wait3A_360, %dma_wait3A_368, %dma_wait3A_369] : memref<16x32x128xf32, #tpu.memory_space<vmem>> -> memref<1x32x128xf32, #tpu.memory_space<vmem>>
      %dma_wait3A_371 = tpu.memref_squeeze %dma_wait3A_370 : memref<1x32x128xf32, #tpu.memory_space<vmem>> -> memref<32x128xf32, #tpu.memory_space<vmem>>
      %dma_wait3A_372 = arith.constant 0 : i32
      %dma_wait3A_373 = arith.constant 0 : i32
      %dma_wait3A_374 = tpu.memref_slice %arg3[%dma_wait3A_372, %dma_wait3A_373] : memref<32x1000000xf32, #tpu.memory_space<hbm>> -> memref<32x128xf32, #tpu.memory_space<hbm>>
      tpu.wait_dma2 semaphore(%arg12 : memref<!tpu.dma_semaphore, #tpu.memory_space<semaphore_mem>>) src(%dma_wait3A_374 : memref<32x128xf32, #tpu.memory_space<hbm>>) dst(%dma_wait3A_371 : memref<32x128xf32, #tpu.memory_space<vmem>>)
      %dma_wait3A_375 = arith.constant 3 : i32
      %dma_wait3A_376 = arith.constant 0 : i32
      %dma_wait3A_377 = arith.constant 0 : i32
      %dma_wait3A_378 = tpu.memref_slice %arg10[%dma_wait3A_375, %dma_wait3A_376, %dma_wait3A_377] : memref<16x32x128xf32, #tpu.memory_space<vmem>> -> memref<1x32x128xf32, #tpu.memory_space<vmem>>
      %dma_wait3A_379 = tpu.memref_squeeze %dma_wait3A_378 : memref<1x32x128xf32, #tpu.memory_space<vmem>> -> memref<32x128xf32, #tpu.memory_space<vmem>>
      %dma_wait3A_380 = arith.constant 0 : i32
      %dma_wait3A_381 = arith.constant 0 : i32
      %dma_wait3A_382 = tpu.memref_slice %arg3[%dma_wait3A_380, %dma_wait3A_381] : memref<32x1000000xf32, #tpu.memory_space<hbm>> -> memref<32x128xf32, #tpu.memory_space<hbm>>
      %dma_wait3A_383 = arith.constant 0 : i32
      %dma_wait3A_384 = arith.constant 0 : i32
      %dma_wait3A_385 = tpu.memref_slice %arg10[%dma_wait3A_375, %dma_wait3A_383, %dma_wait3A_384] : memref<16x32x128xf32, #tpu.memory_space<vmem>> -> memref<1x32x128xf32, #tpu.memory_space<vmem>>
      %dma_wait3A_386 = tpu.memref_squeeze %dma_wait3A_385 : memref<1x32x128xf32, #tpu.memory_space<vmem>> -> memref<32x128xf32, #tpu.memory_space<vmem>>
      %dma_wait3A_387 = arith.constant 0 : i32
      %dma_wait3A_388 = arith.constant 0 : i32
      %dma_wait3A_389 = tpu.memref_slice %arg3[%dma_wait3A_387, %dma_wait3A_388] : memref<32x1000000xf32, #tpu.memory_space<hbm>> -> memref<32x128xf32, #tpu.memory_space<hbm>>
      tpu.wait_dma2 semaphore(%arg12 : memref<!tpu.dma_semaphore, #tpu.memory_space<semaphore_mem>>) src(%dma_wait3A_389 : memref<32x128xf32, #tpu.memory_space<hbm>>) dst(%dma_wait3A_386 : memref<32x128xf32, #tpu.memory_space<vmem>>)
      %dma_wait3A_390 = arith.constant 4 : i32
      %dma_wait3A_391 = arith.constant 0 : i32
      %dma_wait3A_392 = arith.constant 0 : i32
      %dma_wait3A_393 = tpu.memref_slice %arg10[%dma_wait3A_390, %dma_wait3A_391, %dma_wait3A_392] : memref<16x32x128xf32, #tpu.memory_space<vmem>> -> memref<1x32x128xf32, #tpu.memory_space<vmem>>
      %dma_wait3A_394 = tpu.memref_squeeze %dma_wait3A_393 : memref<1x32x128xf32, #tpu.memory_space<vmem>> -> memref<32x128xf32, #tpu.memory_space<vmem>>
      %dma_wait3A_395 = arith.constant 0 : i32
      %dma_wait3A_396 = arith.constant 0 : i32
      %dma_wait3A_397 = tpu.memref_slice %arg3[%dma_wait3A_395, %dma_wait3A_396] : memref<32x1000000xf32, #tpu.memory_space<hbm>> -> memref<32x128xf32, #tpu.memory_space<hbm>>
      %dma_wait3A_398 = arith.constant 0 : i32
      %dma_wait3A_399 = arith.constant 0 : i32
      %dma_wait3A_400 = tpu.memref_slice %arg10[%dma_wait3A_390, %dma_wait3A_398, %dma_wait3A_399] : memref<16x32x128xf32, #tpu.memory_space<vmem>> -> memref<1x32x128xf32, #tpu.memory_space<vmem>>
      %dma_wait3A_401 = tpu.memref_squeeze %dma_wait3A_400 : memref<1x32x128xf32, #tpu.memory_space<vmem>> -> memref<32x128xf32, #tpu.memory_space<vmem>>
      %dma_wait3A_402 = arith.constant 0 : i32
      %dma_wait3A_403 = arith.constant 0 : i32
      %dma_wait3A_404 = tpu.memref_slice %arg3[%dma_wait3A_402, %dma_wait3A_403] : memref<32x1000000xf32, #tpu.memory_space<hbm>> -> memref<32x128xf32, #tpu.memory_space<hbm>>
      tpu.wait_dma2 semaphore(%arg12 : memref<!tpu.dma_semaphore, #tpu.memory_space<semaphore_mem>>) src(%dma_wait3A_404 : memref<32x128xf32, #tpu.memory_space<hbm>>) dst(%dma_wait3A_401 : memref<32x128xf32, #tpu.memory_space<vmem>>)
      %dma_wait3A_405 = arith.constant 5 : i32
      %dma_wait3A_406 = arith.constant 0 : i32
      %dma_wait3A_407 = arith.constant 0 : i32
      %dma_wait3A_408 = tpu.memref_slice %arg10[%dma_wait3A_405, %dma_wait3A_406, %dma_wait3A_407] : memref<16x32x128xf32, #tpu.memory_space<vmem>> -> memref<1x32x128xf32, #tpu.memory_space<vmem>>
      %dma_wait3A_409 = tpu.memref_squeeze %dma_wait3A_408 : memref<1x32x128xf32, #tpu.memory_space<vmem>> -> memref<32x128xf32, #tpu.memory_space<vmem>>
      %dma_wait3A_410 = arith.constant 0 : i32
      %dma_wait3A_411 = arith.constant 0 : i32
      %dma_wait3A_412 = tpu.memref_slice %arg3[%dma_wait3A_410, %dma_wait3A_411] : memref<32x1000000xf32, #tpu.memory_space<hbm>> -> memref<32x128xf32, #tpu.memory_space<hbm>>
      %dma_wait3A_413 = arith.constant 0 : i32
      %dma_wait3A_414 = arith.constant 0 : i32
      %dma_wait3A_415 = tpu.memref_slice %arg10[%dma_wait3A_405, %dma_wait3A_413, %dma_wait3A_414] : memref<16x32x128xf32, #tpu.memory_space<vmem>> -> memref<1x32x128xf32, #tpu.memory_space<vmem>>
      %dma_wait3A_416 = tpu.memref_squeeze %dma_wait3A_415 : memref<1x32x128xf32, #tpu.memory_space<vmem>> -> memref<32x128xf32, #tpu.memory_space<vmem>>
      %dma_wait3A_417 = arith.constant 0 : i32
      %dma_wait3A_418 = arith.constant 0 : i32
      %dma_wait3A_419 = tpu.memref_slice %arg3[%dma_wait3A_417, %dma_wait3A_418] : memref<32x1000000xf32, #tpu.memory_space<hbm>> -> memref<32x128xf32, #tpu.memory_space<hbm>>
      tpu.wait_dma2 semaphore(%arg12 : memref<!tpu.dma_semaphore, #tpu.memory_space<semaphore_mem>>) src(%dma_wait3A_419 : memref<32x128xf32, #tpu.memory_space<hbm>>) dst(%dma_wait3A_416 : memref<32x128xf32, #tpu.memory_space<vmem>>)
      %dma_wait3A_420 = arith.constant 6 : i32
      %dma_wait3A_421 = arith.constant 0 : i32
      %dma_wait3A_422 = arith.constant 0 : i32
      %dma_wait3A_423 = tpu.memref_slice %arg10[%dma_wait3A_420, %dma_wait3A_421, %dma_wait3A_422] : memref<16x32x128xf32, #tpu.memory_space<vmem>> -> memref<1x32x128xf32, #tpu.memory_space<vmem>>
      %dma_wait3A_424 = tpu.memref_squeeze %dma_wait3A_423 : memref<1x32x128xf32, #tpu.memory_space<vmem>> -> memref<32x128xf32, #tpu.memory_space<vmem>>
      %dma_wait3A_425 = arith.constant 0 : i32
      %dma_wait3A_426 = arith.constant 0 : i32
      %dma_wait3A_427 = tpu.memref_slice %arg3[%dma_wait3A_425, %dma_wait3A_426] : memref<32x1000000xf32, #tpu.memory_space<hbm>> -> memref<32x128xf32, #tpu.memory_space<hbm>>
      %dma_wait3A_428 = arith.constant 0 : i32
      %dma_wait3A_429 = arith.constant 0 : i32
      %dma_wait3A_430 = tpu.memref_slice %arg10[%dma_wait3A_420, %dma_wait3A_428, %dma_wait3A_429] : memref<16x32x128xf32, #tpu.memory_space<vmem>> -> memref<1x32x128xf32, #tpu.memory_space<vmem>>
      %dma_wait3A_431 = tpu.memref_squeeze %dma_wait3A_430 : memref<1x32x128xf32, #tpu.memory_space<vmem>> -> memref<32x128xf32, #tpu.memory_space<vmem>>
      %dma_wait3A_432 = arith.constant 0 : i32
      %dma_wait3A_433 = arith.constant 0 : i32
      %dma_wait3A_434 = tpu.memref_slice %arg3[%dma_wait3A_432, %dma_wait3A_433] : memref<32x1000000xf32, #tpu.memory_space<hbm>> -> memref<32x128xf32, #tpu.memory_space<hbm>>
      tpu.wait_dma2 semaphore(%arg12 : memref<!tpu.dma_semaphore, #tpu.memory_space<semaphore_mem>>) src(%dma_wait3A_434 : memref<32x128xf32, #tpu.memory_space<hbm>>) dst(%dma_wait3A_431 : memref<32x128xf32, #tpu.memory_space<vmem>>)
      %dma_wait3A_435 = arith.constant 7 : i32
      %dma_wait3A_436 = arith.constant 0 : i32
      %dma_wait3A_437 = arith.constant 0 : i32
      %dma_wait3A_438 = tpu.memref_slice %arg10[%dma_wait3A_435, %dma_wait3A_436, %dma_wait3A_437] : memref<16x32x128xf32, #tpu.memory_space<vmem>> -> memref<1x32x128xf32, #tpu.memory_space<vmem>>
      %dma_wait3A_439 = tpu.memref_squeeze %dma_wait3A_438 : memref<1x32x128xf32, #tpu.memory_space<vmem>> -> memref<32x128xf32, #tpu.memory_space<vmem>>
      %dma_wait3A_440 = arith.constant 0 : i32
      %dma_wait3A_441 = arith.constant 0 : i32
      %dma_wait3A_442 = tpu.memref_slice %arg3[%dma_wait3A_440, %dma_wait3A_441] : memref<32x1000000xf32, #tpu.memory_space<hbm>> -> memref<32x128xf32, #tpu.memory_space<hbm>>
      %dma_wait3A_443 = arith.constant 0 : i32
      %dma_wait3A_444 = arith.constant 0 : i32
      %dma_wait3A_445 = tpu.memref_slice %arg10[%dma_wait3A_435, %dma_wait3A_443, %dma_wait3A_444] : memref<16x32x128xf32, #tpu.memory_space<vmem>> -> memref<1x32x128xf32, #tpu.memory_space<vmem>>
      %dma_wait3A_446 = tpu.memref_squeeze %dma_wait3A_445 : memref<1x32x128xf32, #tpu.memory_space<vmem>> -> memref<32x128xf32, #tpu.memory_space<vmem>>
      %dma_wait3A_447 = arith.constant 0 : i32
      %dma_wait3A_448 = arith.constant 0 : i32
      %dma_wait3A_449 = tpu.memref_slice %arg3[%dma_wait3A_447, %dma_wait3A_448] : memref<32x1000000xf32, #tpu.memory_space<hbm>> -> memref<32x128xf32, #tpu.memory_space<hbm>>
      tpu.wait_dma2 semaphore(%arg12 : memref<!tpu.dma_semaphore, #tpu.memory_space<semaphore_mem>>) src(%dma_wait3A_449 : memref<32x128xf32, #tpu.memory_space<hbm>>) dst(%dma_wait3A_446 : memref<32x128xf32, #tpu.memory_space<vmem>>)
      %dma_wait3A_450 = arith.constant 8 : i32
      %dma_wait3A_451 = arith.constant 0 : i32
      %dma_wait3A_452 = arith.constant 0 : i32
      %dma_wait3A_453 = tpu.memref_slice %arg10[%dma_wait3A_450, %dma_wait3A_451, %dma_wait3A_452] : memref<16x32x128xf32, #tpu.memory_space<vmem>> -> memref<1x32x128xf32, #tpu.memory_space<vmem>>
      %dma_wait3A_454 = tpu.memref_squeeze %dma_wait3A_453 : memref<1x32x128xf32, #tpu.memory_space<vmem>> -> memref<32x128xf32, #tpu.memory_space<vmem>>
      %dma_wait3A_455 = arith.constant 0 : i32
      %dma_wait3A_456 = arith.constant 0 : i32
      %dma_wait3A_457 = tpu.memref_slice %arg3[%dma_wait3A_455, %dma_wait3A_456] : memref<32x1000000xf32, #tpu.memory_space<hbm>> -> memref<32x128xf32, #tpu.memory_space<hbm>>
      %dma_wait3A_458 = arith.constant 0 : i32
      %dma_wait3A_459 = arith.constant 0 : i32
      %dma_wait3A_460 = tpu.memref_slice %arg10[%dma_wait3A_450, %dma_wait3A_458, %dma_wait3A_459] : memref<16x32x128xf32, #tpu.memory_space<vmem>> -> memref<1x32x128xf32, #tpu.memory_space<vmem>>
      %dma_wait3A_461 = tpu.memref_squeeze %dma_wait3A_460 : memref<1x32x128xf32, #tpu.memory_space<vmem>> -> memref<32x128xf32, #tpu.memory_space<vmem>>
      %dma_wait3A_462 = arith.constant 0 : i32
      %dma_wait3A_463 = arith.constant 0 : i32
      %dma_wait3A_464 = tpu.memref_slice %arg3[%dma_wait3A_462, %dma_wait3A_463] : memref<32x1000000xf32, #tpu.memory_space<hbm>> -> memref<32x128xf32, #tpu.memory_space<hbm>>
      tpu.wait_dma2 semaphore(%arg12 : memref<!tpu.dma_semaphore, #tpu.memory_space<semaphore_mem>>) src(%dma_wait3A_464 : memref<32x128xf32, #tpu.memory_space<hbm>>) dst(%dma_wait3A_461 : memref<32x128xf32, #tpu.memory_space<vmem>>)
      %dma_wait3A_465 = arith.constant 9 : i32
      %dma_wait3A_466 = arith.constant 0 : i32
      %dma_wait3A_467 = arith.constant 0 : i32
      %dma_wait3A_468 = tpu.memref_slice %arg10[%dma_wait3A_465, %dma_wait3A_466, %dma_wait3A_467] : memref<16x32x128xf32, #tpu.memory_space<vmem>> -> memref<1x32x128xf32, #tpu.memory_space<vmem>>
      %dma_wait3A_469 = tpu.memref_squeeze %dma_wait3A_468 : memref<1x32x128xf32, #tpu.memory_space<vmem>> -> memref<32x128xf32, #tpu.memory_space<vmem>>
      %dma_wait3A_470 = arith.constant 0 : i32
      %dma_wait3A_471 = arith.constant 0 : i32
      %dma_wait3A_472 = tpu.memref_slice %arg3[%dma_wait3A_470, %dma_wait3A_471] : memref<32x1000000xf32, #tpu.memory_space<hbm>> -> memref<32x128xf32, #tpu.memory_space<hbm>>
      %dma_wait3A_473 = arith.constant 0 : i32
      %dma_wait3A_474 = arith.constant 0 : i32
      %dma_wait3A_475 = tpu.memref_slice %arg10[%dma_wait3A_465, %dma_wait3A_473, %dma_wait3A_474] : memref<16x32x128xf32, #tpu.memory_space<vmem>> -> memref<1x32x128xf32, #tpu.memory_space<vmem>>
      %dma_wait3A_476 = tpu.memref_squeeze %dma_wait3A_475 : memref<1x32x128xf32, #tpu.memory_space<vmem>> -> memref<32x128xf32, #tpu.memory_space<vmem>>
      %dma_wait3A_477 = arith.constant 0 : i32
      %dma_wait3A_478 = arith.constant 0 : i32
      %dma_wait3A_479 = tpu.memref_slice %arg3[%dma_wait3A_477, %dma_wait3A_478] : memref<32x1000000xf32, #tpu.memory_space<hbm>> -> memref<32x128xf32, #tpu.memory_space<hbm>>
      tpu.wait_dma2 semaphore(%arg12 : memref<!tpu.dma_semaphore, #tpu.memory_space<semaphore_mem>>) src(%dma_wait3A_479 : memref<32x128xf32, #tpu.memory_space<hbm>>) dst(%dma_wait3A_476 : memref<32x128xf32, #tpu.memory_space<vmem>>)
      %dma_wait3A_480 = arith.constant 10 : i32
      %dma_wait3A_481 = arith.constant 0 : i32
      %dma_wait3A_482 = arith.constant 0 : i32
      %dma_wait3A_483 = tpu.memref_slice %arg10[%dma_wait3A_480, %dma_wait3A_481, %dma_wait3A_482] : memref<16x32x128xf32, #tpu.memory_space<vmem>> -> memref<1x32x128xf32, #tpu.memory_space<vmem>>
      %dma_wait3A_484 = tpu.memref_squeeze %dma_wait3A_483 : memref<1x32x128xf32, #tpu.memory_space<vmem>> -> memref<32x128xf32, #tpu.memory_space<vmem>>
      %dma_wait3A_485 = arith.constant 0 : i32
      %dma_wait3A_486 = arith.constant 0 : i32
      %dma_wait3A_487 = tpu.memref_slice %arg3[%dma_wait3A_485, %dma_wait3A_486] : memref<32x1000000xf32, #tpu.memory_space<hbm>> -> memref<32x128xf32, #tpu.memory_space<hbm>>
      %dma_wait3A_488 = arith.constant 0 : i32
      %dma_wait3A_489 = arith.constant 0 : i32
      %dma_wait3A_490 = tpu.memref_slice %arg10[%dma_wait3A_480, %dma_wait3A_488, %dma_wait3A_489] : memref<16x32x128xf32, #tpu.memory_space<vmem>> -> memref<1x32x128xf32, #tpu.memory_space<vmem>>
      %dma_wait3A_491 = tpu.memref_squeeze %dma_wait3A_490 : memref<1x32x128xf32, #tpu.memory_space<vmem>> -> memref<32x128xf32, #tpu.memory_space<vmem>>
      %dma_wait3A_492 = arith.constant 0 : i32
      %dma_wait3A_493 = arith.constant 0 : i32
      %dma_wait3A_494 = tpu.memref_slice %arg3[%dma_wait3A_492, %dma_wait3A_493] : memref<32x1000000xf32, #tpu.memory_space<hbm>> -> memref<32x128xf32, #tpu.memory_space<hbm>>
      tpu.wait_dma2 semaphore(%arg12 : memref<!tpu.dma_semaphore, #tpu.memory_space<semaphore_mem>>) src(%dma_wait3A_494 : memref<32x128xf32, #tpu.memory_space<hbm>>) dst(%dma_wait3A_491 : memref<32x128xf32, #tpu.memory_space<vmem>>)
      %dma_wait3A_495 = arith.constant 11 : i32
      %dma_wait3A_496 = arith.constant 0 : i32
      %dma_wait3A_497 = arith.constant 0 : i32
      %dma_wait3A_498 = tpu.memref_slice %arg10[%dma_wait3A_495, %dma_wait3A_496, %dma_wait3A_497] : memref<16x32x128xf32, #tpu.memory_space<vmem>> -> memref<1x32x128xf32, #tpu.memory_space<vmem>>
      %dma_wait3A_499 = tpu.memref_squeeze %dma_wait3A_498 : memref<1x32x128xf32, #tpu.memory_space<vmem>> -> memref<32x128xf32, #tpu.memory_space<vmem>>
      %dma_wait3A_500 = arith.constant 0 : i32
      %dma_wait3A_501 = arith.constant 0 : i32
      %dma_wait3A_502 = tpu.memref_slice %arg3[%dma_wait3A_500, %dma_wait3A_501] : memref<32x1000000xf32, #tpu.memory_space<hbm>> -> memref<32x128xf32, #tpu.memory_space<hbm>>
      %dma_wait3A_503 = arith.constant 0 : i32
      %dma_wait3A_504 = arith.constant 0 : i32
      %dma_wait3A_505 = tpu.memref_slice %arg10[%dma_wait3A_495, %dma_wait3A_503, %dma_wait3A_504] : memref<16x32x128xf32, #tpu.memory_space<vmem>> -> memref<1x32x128xf32, #tpu.memory_space<vmem>>
      %dma_wait3A_506 = tpu.memref_squeeze %dma_wait3A_505 : memref<1x32x128xf32, #tpu.memory_space<vmem>> -> memref<32x128xf32, #tpu.memory_space<vmem>>
      %dma_wait3A_507 = arith.constant 0 : i32
      %dma_wait3A_508 = arith.constant 0 : i32
      %dma_wait3A_509 = tpu.memref_slice %arg3[%dma_wait3A_507, %dma_wait3A_508] : memref<32x1000000xf32, #tpu.memory_space<hbm>> -> memref<32x128xf32, #tpu.memory_space<hbm>>
      tpu.wait_dma2 semaphore(%arg12 : memref<!tpu.dma_semaphore, #tpu.memory_space<semaphore_mem>>) src(%dma_wait3A_509 : memref<32x128xf32, #tpu.memory_space<hbm>>) dst(%dma_wait3A_506 : memref<32x128xf32, #tpu.memory_space<vmem>>)
      %dma_wait3A_510 = arith.constant 12 : i32
      %dma_wait3A_511 = arith.constant 0 : i32
      %dma_wait3A_512 = arith.constant 0 : i32
      %dma_wait3A_513 = tpu.memref_slice %arg10[%dma_wait3A_510, %dma_wait3A_511, %dma_wait3A_512] : memref<16x32x128xf32, #tpu.memory_space<vmem>> -> memref<1x32x128xf32, #tpu.memory_space<vmem>>
      %dma_wait3A_514 = tpu.memref_squeeze %dma_wait3A_513 : memref<1x32x128xf32, #tpu.memory_space<vmem>> -> memref<32x128xf32, #tpu.memory_space<vmem>>
      %dma_wait3A_515 = arith.constant 0 : i32
      %dma_wait3A_516 = arith.constant 0 : i32
      %dma_wait3A_517 = tpu.memref_slice %arg3[%dma_wait3A_515, %dma_wait3A_516] : memref<32x1000000xf32, #tpu.memory_space<hbm>> -> memref<32x128xf32, #tpu.memory_space<hbm>>
      %dma_wait3A_518 = arith.constant 0 : i32
      %dma_wait3A_519 = arith.constant 0 : i32
      %dma_wait3A_520 = tpu.memref_slice %arg10[%dma_wait3A_510, %dma_wait3A_518, %dma_wait3A_519] : memref<16x32x128xf32, #tpu.memory_space<vmem>> -> memref<1x32x128xf32, #tpu.memory_space<vmem>>
      %dma_wait3A_521 = tpu.memref_squeeze %dma_wait3A_520 : memref<1x32x128xf32, #tpu.memory_space<vmem>> -> memref<32x128xf32, #tpu.memory_space<vmem>>
      %dma_wait3A_522 = arith.constant 0 : i32
      %dma_wait3A_523 = arith.constant 0 : i32
      %dma_wait3A_524 = tpu.memref_slice %arg3[%dma_wait3A_522, %dma_wait3A_523] : memref<32x1000000xf32, #tpu.memory_space<hbm>> -> memref<32x128xf32, #tpu.memory_space<hbm>>
      tpu.wait_dma2 semaphore(%arg12 : memref<!tpu.dma_semaphore, #tpu.memory_space<semaphore_mem>>) src(%dma_wait3A_524 : memref<32x128xf32, #tpu.memory_space<hbm>>) dst(%dma_wait3A_521 : memref<32x128xf32, #tpu.memory_space<vmem>>)
      %dma_wait3A_525 = arith.constant 13 : i32
      %dma_wait3A_526 = arith.constant 0 : i32
      %dma_wait3A_527 = arith.constant 0 : i32
      %dma_wait3A_528 = tpu.memref_slice %arg10[%dma_wait3A_525, %dma_wait3A_526, %dma_wait3A_527] : memref<16x32x128xf32, #tpu.memory_space<vmem>> -> memref<1x32x128xf32, #tpu.memory_space<vmem>>
      %dma_wait3A_529 = tpu.memref_squeeze %dma_wait3A_528 : memref<1x32x128xf32, #tpu.memory_space<vmem>> -> memref<32x128xf32, #tpu.memory_space<vmem>>
      %dma_wait3A_530 = arith.constant 0 : i32
      %dma_wait3A_531 = arith.constant 0 : i32
      %dma_wait3A_532 = tpu.memref_slice %arg3[%dma_wait3A_530, %dma_wait3A_531] : memref<32x1000000xf32, #tpu.memory_space<hbm>> -> memref<32x128xf32, #tpu.memory_space<hbm>>
      %dma_wait3A_533 = arith.constant 0 : i32
      %dma_wait3A_534 = arith.constant 0 : i32
      %dma_wait3A_535 = tpu.memref_slice %arg10[%dma_wait3A_525, %dma_wait3A_533, %dma_wait3A_534] : memref<16x32x128xf32, #tpu.memory_space<vmem>> -> memref<1x32x128xf32, #tpu.memory_space<vmem>>
      %dma_wait3A_536 = tpu.memref_squeeze %dma_wait3A_535 : memref<1x32x128xf32, #tpu.memory_space<vmem>> -> memref<32x128xf32, #tpu.memory_space<vmem>>
      %dma_wait3A_537 = arith.constant 0 : i32
      %dma_wait3A_538 = arith.constant 0 : i32
      %dma_wait3A_539 = tpu.memref_slice %arg3[%dma_wait3A_537, %dma_wait3A_538] : memref<32x1000000xf32, #tpu.memory_space<hbm>> -> memref<32x128xf32, #tpu.memory_space<hbm>>
      tpu.wait_dma2 semaphore(%arg12 : memref<!tpu.dma_semaphore, #tpu.memory_space<semaphore_mem>>) src(%dma_wait3A_539 : memref<32x128xf32, #tpu.memory_space<hbm>>) dst(%dma_wait3A_536 : memref<32x128xf32, #tpu.memory_space<vmem>>)
      %dma_wait3A_540 = arith.constant 14 : i32
      %dma_wait3A_541 = arith.constant 0 : i32
      %dma_wait3A_542 = arith.constant 0 : i32
      %dma_wait3A_543 = tpu.memref_slice %arg10[%dma_wait3A_540, %dma_wait3A_541, %dma_wait3A_542] : memref<16x32x128xf32, #tpu.memory_space<vmem>> -> memref<1x32x128xf32, #tpu.memory_space<vmem>>
      %dma_wait3A_544 = tpu.memref_squeeze %dma_wait3A_543 : memref<1x32x128xf32, #tpu.memory_space<vmem>> -> memref<32x128xf32, #tpu.memory_space<vmem>>
      %dma_wait3A_545 = arith.constant 0 : i32
      %dma_wait3A_546 = arith.constant 0 : i32
      %dma_wait3A_547 = tpu.memref_slice %arg3[%dma_wait3A_545, %dma_wait3A_546] : memref<32x1000000xf32, #tpu.memory_space<hbm>> -> memref<32x128xf32, #tpu.memory_space<hbm>>
      %dma_wait3A_548 = arith.constant 0 : i32
      %dma_wait3A_549 = arith.constant 0 : i32
      %dma_wait3A_550 = tpu.memref_slice %arg10[%dma_wait3A_540, %dma_wait3A_548, %dma_wait3A_549] : memref<16x32x128xf32, #tpu.memory_space<vmem>> -> memref<1x32x128xf32, #tpu.memory_space<vmem>>
      %dma_wait3A_551 = tpu.memref_squeeze %dma_wait3A_550 : memref<1x32x128xf32, #tpu.memory_space<vmem>> -> memref<32x128xf32, #tpu.memory_space<vmem>>
      %dma_wait3A_552 = arith.constant 0 : i32
      %dma_wait3A_553 = arith.constant 0 : i32
      %dma_wait3A_554 = tpu.memref_slice %arg3[%dma_wait3A_552, %dma_wait3A_553] : memref<32x1000000xf32, #tpu.memory_space<hbm>> -> memref<32x128xf32, #tpu.memory_space<hbm>>
      tpu.wait_dma2 semaphore(%arg12 : memref<!tpu.dma_semaphore, #tpu.memory_space<semaphore_mem>>) src(%dma_wait3A_554 : memref<32x128xf32, #tpu.memory_space<hbm>>) dst(%dma_wait3A_551 : memref<32x128xf32, #tpu.memory_space<vmem>>)
      %dma_wait3A_555 = arith.constant 15 : i32
      %dma_wait3A_556 = arith.constant 0 : i32
      %dma_wait3A_557 = arith.constant 0 : i32
      %dma_wait3A_558 = tpu.memref_slice %arg10[%dma_wait3A_555, %dma_wait3A_556, %dma_wait3A_557] : memref<16x32x128xf32, #tpu.memory_space<vmem>> -> memref<1x32x128xf32, #tpu.memory_space<vmem>>
      %dma_wait3A_559 = tpu.memref_squeeze %dma_wait3A_558 : memref<1x32x128xf32, #tpu.memory_space<vmem>> -> memref<32x128xf32, #tpu.memory_space<vmem>>
      %dma_wait3A_560 = arith.constant 0 : i32
      %dma_wait3A_561 = arith.constant 0 : i32
      %dma_wait3A_562 = tpu.memref_slice %arg3[%dma_wait3A_560, %dma_wait3A_561] : memref<32x1000000xf32, #tpu.memory_space<hbm>> -> memref<32x128xf32, #tpu.memory_space<hbm>>
      %dma_wait3A_563 = arith.constant 0 : i32
      %dma_wait3A_564 = arith.constant 0 : i32
      %dma_wait3A_565 = tpu.memref_slice %arg10[%dma_wait3A_555, %dma_wait3A_563, %dma_wait3A_564] : memref<16x32x128xf32, #tpu.memory_space<vmem>> -> memref<1x32x128xf32, #tpu.memory_space<vmem>>
      %dma_wait3A_566 = tpu.memref_squeeze %dma_wait3A_565 : memref<1x32x128xf32, #tpu.memory_space<vmem>> -> memref<32x128xf32, #tpu.memory_space<vmem>>
      %dma_wait3A_567 = arith.constant 0 : i32
      %dma_wait3A_568 = arith.constant 0 : i32
      %dma_wait3A_569 = tpu.memref_slice %arg3[%dma_wait3A_567, %dma_wait3A_568] : memref<32x1000000xf32, #tpu.memory_space<hbm>> -> memref<32x128xf32, #tpu.memory_space<hbm>>
      tpu.wait_dma2 semaphore(%arg12 : memref<!tpu.dma_semaphore, #tpu.memory_space<semaphore_mem>>) src(%dma_wait3A_569 : memref<32x128xf32, #tpu.memory_space<hbm>>) dst(%dma_wait3A_566 : memref<32x128xf32, #tpu.memory_space<vmem>>)
      %and3A = arith.constant 127 : i32
      %and3A_570 = vector.broadcast %and3A : i32 to vector<16xi32>
      %and3A_571 = arith.andi %get3A_15, %and3A_570 : vector<16xi32>
      %broadcast_in_dim3A = arith.constant 0 : i32
      %broadcast_in_dim3A_572 = vector.broadcast %broadcast_in_dim3A : i32 to vector<16xi32>
      %gather3A = tpu.vector_load_idx %arg10[%iota3A, %broadcast_in_dim3A_572, %and3A_571] : memref<16x32x128xf32, #tpu.memory_space<vmem>>[vector<16xi32>, vector<16xi32>, vector<16xi32>], vector<16xf32>,
      %mul3A_573 = arith.constant 16 : i32
      %mul3A_574 = arith.muli %scan3A_12, %mul3A_573 : i32
      %swap3A = arith.constant 0 : i32
      %swap3A_575 = arith.index_cast %swap3A : i32 to index
      %swap3A_576 = arith.index_cast %mul3A_574 : i32 to index
      %swap3A_577 = tpu.vector_load %arg11[%swap3A_575, %swap3A_576] {strides = array<i32>} : memref<32x128xf32, #tpu.memory_space<vmem>>, vector<16xf32>,
      tpu.vector_store %arg11[%swap3A_575, %swap3A_576], %gather3A {strides = array<i32>} : memref<32x128xf32, #tpu.memory_space<vmem>>, vector<16xf32>,
      %broadcast_in_dim3A_578 = arith.constant 1 : i32
      %broadcast_in_dim3A_579 = vector.broadcast %broadcast_in_dim3A_578 : i32 to vector<16xi32>
      %gather3A_580 = tpu.vector_load_idx %arg10[%iota3A, %broadcast_in_dim3A_579, %and3A_571] : memref<16x32x128xf32, #tpu.memory_space<vmem>>[vector<16xi32>, vector<16xi32>, vector<16xi32>], vector<16xf32>,
      %mul3A_581 = arith.constant 16 : i32
      %mul3A_582 = arith.muli %scan3A_12, %mul3A_581 : i32
      %swap3A_583 = arith.constant 1 : i32
      %swap3A_584 = arith.index_cast %swap3A_583 : i32 to index
      %swap3A_585 = arith.index_cast %mul3A_582 : i32 to index
      %swap3A_586 = tpu.vector_load %arg11[%swap3A_584, %swap3A_585] {strides = array<i32>} : memref<32x128xf32, #tpu.memory_space<vmem>>, vector<16xf32>,
      tpu.vector_store %arg11[%swap3A_584, %swap3A_585], %gather3A_580 {strides = array<i32>} : memref<32x128xf32, #tpu.memory_space<vmem>>, vector<16xf32>,
      %broadcast_in_dim3A_587 = arith.constant 2 : i32
      %broadcast_in_dim3A_588 = vector.broadcast %broadcast_in_dim3A_587 : i32 to vector<16xi32>
      %gather3A_589 = tpu.vector_load_idx %arg10[%iota3A, %broadcast_in_dim3A_588, %and3A_571] : memref<16x32x128xf32, #tpu.memory_space<vmem>>[vector<16xi32>, vector<16xi32>, vector<16xi32>], vector<16xf32>,
      %mul3A_590 = arith.constant 16 : i32
      %mul3A_591 = arith.muli %scan3A_12, %mul3A_590 : i32
      %swap3A_592 = arith.constant 2 : i32
      %swap3A_593 = arith.index_cast %swap3A_592 : i32 to index
      %swap3A_594 = arith.index_cast %mul3A_591 : i32 to index
      %swap3A_595 = tpu.vector_load %arg11[%swap3A_593, %swap3A_594] {strides = array<i32>} : memref<32x128xf32, #tpu.memory_space<vmem>>, vector<16xf32>,
      tpu.vector_store %arg11[%swap3A_593, %swap3A_594], %gather3A_589 {strides = array<i32>} : memref<32x128xf32, #tpu.memory_space<vmem>>, vector<16xf32>,
      %broadcast_in_dim3A_596 = arith.constant 3 : i32
      %broadcast_in_dim3A_597 = vector.broadcast %broadcast_in_dim3A_596 : i32 to vector<16xi32>
      %gather3A_598 = tpu.vector_load_idx %arg10[%iota3A, %broadcast_in_dim3A_597, %and3A_571] : memref<16x32x128xf32, #tpu.memory_space<vmem>>[vector<16xi32>, vector<16xi32>, vector<16xi32>], vector<16xf32>,
      %mul3A_599 = arith.constant 16 : i32
      %mul3A_600 = arith.muli %scan3A_12, %mul3A_599 : i32
      %swap3A_601 = arith.constant 3 : i32
      %swap3A_602 = arith.index_cast %swap3A_601 : i32 to index
      %swap3A_603 = arith.index_cast %mul3A_600 : i32 to index
      %swap3A_604 = tpu.vector_load %arg11[%swap3A_602, %swap3A_603] {strides = array<i32>} : memref<32x128xf32, #tpu.memory_space<vmem>>, vector<16xf32>,
      tpu.vector_store %arg11[%swap3A_602, %swap3A_603], %gather3A_598 {strides = array<i32>} : memref<32x128xf32, #tpu.memory_space<vmem>>, vector<16xf32>,
      %broadcast_in_dim3A_605 = arith.constant 4 : i32
      %broadcast_in_dim3A_606 = vector.broadcast %broadcast_in_dim3A_605 : i32 to vector<16xi32>
      %gather3A_607 = tpu.vector_load_idx %arg10[%iota3A, %broadcast_in_dim3A_606, %and3A_571] : memref<16x32x128xf32, #tpu.memory_space<vmem>>[vector<16xi32>, vector<16xi32>, vector<16xi32>], vector<16xf32>,
      %mul3A_608 = arith.constant 16 : i32
      %mul3A_609 = arith.muli %scan3A_12, %mul3A_608 : i32
      %swap3A_610 = arith.constant 4 : i32
      %swap3A_611 = arith.index_cast %swap3A_610 : i32 to index
      %swap3A_612 = arith.index_cast %mul3A_609 : i32 to index
      %swap3A_613 = tpu.vector_load %arg11[%swap3A_611, %swap3A_612] {strides = array<i32>} : memref<32x128xf32, #tpu.memory_space<vmem>>, vector<16xf32>,
      tpu.vector_store %arg11[%swap3A_611, %swap3A_612], %gather3A_607 {strides = array<i32>} : memref<32x128xf32, #tpu.memory_space<vmem>>, vector<16xf32>,
      %broadcast_in_dim3A_614 = arith.constant 5 : i32
      %broadcast_in_dim3A_615 = vector.broadcast %broadcast_in_dim3A_614 : i32 to vector<16xi32>
      %gather3A_616 = tpu.vector_load_idx %arg10[%iota3A, %broadcast_in_dim3A_615, %and3A_571] : memref<16x32x128xf32, #tpu.memory_space<vmem>>[vector<16xi32>, vector<16xi32>, vector<16xi32>], vector<16xf32>,
      %mul3A_617 = arith.constant 16 : i32
      %mul3A_618 = arith.muli %scan3A_12, %mul3A_617 : i32
      %swap3A_619 = arith.constant 5 : i32
      %swap3A_620 = arith.index_cast %swap3A_619 : i32 to index
      %swap3A_621 = arith.index_cast %mul3A_618 : i32 to index
      %swap3A_622 = tpu.vector_load %arg11[%swap3A_620, %swap3A_621] {strides = array<i32>} : memref<32x128xf32, #tpu.memory_space<vmem>>, vector<16xf32>,
      tpu.vector_store %arg11[%swap3A_620, %swap3A_621], %gather3A_616 {strides = array<i32>} : memref<32x128xf32, #tpu.memory_space<vmem>>, vector<16xf32>,
      %broadcast_in_dim3A_623 = arith.constant 6 : i32
      %broadcast_in_dim3A_624 = vector.broadcast %broadcast_in_dim3A_623 : i32 to vector<16xi32>
      %gather3A_625 = tpu.vector_load_idx %arg10[%iota3A, %broadcast_in_dim3A_624, %and3A_571] : memref<16x32x128xf32, #tpu.memory_space<vmem>>[vector<16xi32>, vector<16xi32>, vector<16xi32>], vector<16xf32>,
      %mul3A_626 = arith.constant 16 : i32
      %mul3A_627 = arith.muli %scan3A_12, %mul3A_626 : i32
      %swap3A_628 = arith.constant 6 : i32
      %swap3A_629 = arith.index_cast %swap3A_628 : i32 to index
      %swap3A_630 = arith.index_cast %mul3A_627 : i32 to index
      %swap3A_631 = tpu.vector_load %arg11[%swap3A_629, %swap3A_630] {strides = array<i32>} : memref<32x128xf32, #tpu.memory_space<vmem>>, vector<16xf32>,
      tpu.vector_store %arg11[%swap3A_629, %swap3A_630], %gather3A_625 {strides = array<i32>} : memref<32x128xf32, #tpu.memory_space<vmem>>, vector<16xf32>,
      %broadcast_in_dim3A_632 = arith.constant 7 : i32
      %broadcast_in_dim3A_633 = vector.broadcast %broadcast_in_dim3A_632 : i32 to vector<16xi32>
      %gather3A_634 = tpu.vector_load_idx %arg10[%iota3A, %broadcast_in_dim3A_633, %and3A_571] : memref<16x32x128xf32, #tpu.memory_space<vmem>>[vector<16xi32>, vector<16xi32>, vector<16xi32>], vector<16xf32>,
      %mul3A_635 = arith.constant 16 : i32
      %mul3A_636 = arith.muli %scan3A_12, %mul3A_635 : i32
      %swap3A_637 = arith.constant 7 : i32
      %swap3A_638 = arith.index_cast %swap3A_637 : i32 to index
      %swap3A_639 = arith.index_cast %mul3A_636 : i32 to index
      %swap3A_640 = tpu.vector_load %arg11[%swap3A_638, %swap3A_639] {strides = array<i32>} : memref<32x128xf32, #tpu.memory_space<vmem>>, vector<16xf32>,
      tpu.vector_store %arg11[%swap3A_638, %swap3A_639], %gather3A_634 {strides = array<i32>} : memref<32x128xf32, #tpu.memory_space<vmem>>, vector<16xf32>,
      %broadcast_in_dim3A_641 = arith.constant 8 : i32
      %broadcast_in_dim3A_642 = vector.broadcast %broadcast_in_dim3A_641 : i32 to vector<16xi32>
      %gather3A_643 = tpu.vector_load_idx %arg10[%iota3A, %broadcast_in_dim3A_642, %and3A_571] : memref<16x32x128xf32, #tpu.memory_space<vmem>>[vector<16xi32>, vector<16xi32>, vector<16xi32>], vector<16xf32>,
      %mul3A_644 = arith.constant 16 : i32
      %mul3A_645 = arith.muli %scan3A_12, %mul3A_644 : i32
      %swap3A_646 = arith.constant 8 : i32
      %swap3A_647 = arith.index_cast %swap3A_646 : i32 to index
      %swap3A_648 = arith.index_cast %mul3A_645 : i32 to index
      %swap3A_649 = tpu.vector_load %arg11[%swap3A_647, %swap3A_648] {strides = array<i32>} : memref<32x128xf32, #tpu.memory_space<vmem>>, vector<16xf32>,
      tpu.vector_store %arg11[%swap3A_647, %swap3A_648], %gather3A_643 {strides = array<i32>} : memref<32x128xf32, #tpu.memory_space<vmem>>, vector<16xf32>,
      %broadcast_in_dim3A_650 = arith.constant 9 : i32
      %broadcast_in_dim3A_651 = vector.broadcast %broadcast_in_dim3A_650 : i32 to vector<16xi32>
      %gather3A_652 = tpu.vector_load_idx %arg10[%iota3A, %broadcast_in_dim3A_651, %and3A_571] : memref<16x32x128xf32, #tpu.memory_space<vmem>>[vector<16xi32>, vector<16xi32>, vector<16xi32>], vector<16xf32>,
      %mul3A_653 = arith.constant 16 : i32
      %mul3A_654 = arith.muli %scan3A_12, %mul3A_653 : i32
      %swap3A_655 = arith.constant 9 : i32
      %swap3A_656 = arith.index_cast %swap3A_655 : i32 to index
      %swap3A_657 = arith.index_cast %mul3A_654 : i32 to index
      %swap3A_658 = tpu.vector_load %arg11[%swap3A_656, %swap3A_657] {strides = array<i32>} : memref<32x128xf32, #tpu.memory_space<vmem>>, vector<16xf32>,
      tpu.vector_store %arg11[%swap3A_656, %swap3A_657], %gather3A_652 {strides = array<i32>} : memref<32x128xf32, #tpu.memory_space<vmem>>, vector<16xf32>,
      %broadcast_in_dim3A_659 = arith.constant 10 : i32
      %broadcast_in_dim3A_660 = vector.broadcast %broadcast_in_dim3A_659 : i32 to vector<16xi32>
      %gather3A_661 = tpu.vector_load_idx %arg10[%iota3A, %broadcast_in_dim3A_660, %and3A_571] : memref<16x32x128xf32, #tpu.memory_space<vmem>>[vector<16xi32>, vector<16xi32>, vector<16xi32>], vector<16xf32>,
      %mul3A_662 = arith.constant 16 : i32
      %mul3A_663 = arith.muli %scan3A_12, %mul3A_662 : i32
      %swap3A_664 = arith.constant 10 : i32
      %swap3A_665 = arith.index_cast %swap3A_664 : i32 to index
      %swap3A_666 = arith.index_cast %mul3A_663 : i32 to index
      %swap3A_667 = tpu.vector_load %arg11[%swap3A_665, %swap3A_666] {strides = array<i32>} : memref<32x128xf32, #tpu.memory_space<vmem>>, vector<16xf32>,
      tpu.vector_store %arg11[%swap3A_665, %swap3A_666], %gather3A_661 {strides = array<i32>} : memref<32x128xf32, #tpu.memory_space<vmem>>, vector<16xf32>,
      %broadcast_in_dim3A_668 = arith.constant 11 : i32
      %broadcast_in_dim3A_669 = vector.broadcast %broadcast_in_dim3A_668 : i32 to vector<16xi32>
      %gather3A_670 = tpu.vector_load_idx %arg10[%iota3A, %broadcast_in_dim3A_669, %and3A_571] : memref<16x32x128xf32, #tpu.memory_space<vmem>>[vector<16xi32>, vector<16xi32>, vector<16xi32>], vector<16xf32>,
      %mul3A_671 = arith.constant 16 : i32
      %mul3A_672 = arith.muli %scan3A_12, %mul3A_671 : i32
      %swap3A_673 = arith.constant 11 : i32
      %swap3A_674 = arith.index_cast %swap3A_673 : i32 to index
      %swap3A_675 = arith.index_cast %mul3A_672 : i32 to index
      %swap3A_676 = tpu.vector_load %arg11[%swap3A_674, %swap3A_675] {strides = array<i32>} : memref<32x128xf32, #tpu.memory_space<vmem>>, vector<16xf32>,
      tpu.vector_store %arg11[%swap3A_674, %swap3A_675], %gather3A_670 {strides = array<i32>} : memref<32x128xf32, #tpu.memory_space<vmem>>, vector<16xf32>,
      %broadcast_in_dim3A_677 = arith.constant 12 : i32
      %broadcast_in_dim3A_678 = vector.broadcast %broadcast_in_dim3A_677 : i32 to vector<16xi32>
      %gather3A_679 = tpu.vector_load_idx %arg10[%iota3A, %broadcast_in_dim3A_678, %and3A_571] : memref<16x32x128xf32, #tpu.memory_space<vmem>>[vector<16xi32>, vector<16xi32>, vector<16xi32>], vector<16xf32>,
      %mul3A_680 = arith.constant 16 : i32
      %mul3A_681 = arith.muli %scan3A_12, %mul3A_680 : i32
      %swap3A_682 = arith.constant 12 : i32
      %swap3A_683 = arith.index_cast %swap3A_682 : i32 to index
      %swap3A_684 = arith.index_cast %mul3A_681 : i32 to index
      %swap3A_685 = tpu.vector_load %arg11[%swap3A_683, %swap3A_684] {strides = array<i32>} : memref<32x128xf32, #tpu.memory_space<vmem>>, vector<16xf32>,
      tpu.vector_store %arg11[%swap3A_683, %swap3A_684], %gather3A_679 {strides = array<i32>} : memref<32x128xf32, #tpu.memory_space<vmem>>, vector<16xf32>,
      %broadcast_in_dim3A_686 = arith.constant 13 : i32
      %broadcast_in_dim3A_687 = vector.broadcast %broadcast_in_dim3A_686 : i32 to vector<16xi32>
      %gather3A_688 = tpu.vector_load_idx %arg10[%iota3A, %broadcast_in_dim3A_687, %and3A_571] : memref<16x32x128xf32, #tpu.memory_space<vmem>>[vector<16xi32>, vector<16xi32>, vector<16xi32>], vector<16xf32>,
      %mul3A_689 = arith.constant 16 : i32
      %mul3A_690 = arith.muli %scan3A_12, %mul3A_689 : i32
      %swap3A_691 = arith.constant 13 : i32
      %swap3A_692 = arith.index_cast %swap3A_691 : i32 to index
      %swap3A_693 = arith.index_cast %mul3A_690 : i32 to index
      %swap3A_694 = tpu.vector_load %arg11[%swap3A_692, %swap3A_693] {strides = array<i32>} : memref<32x128xf32, #tpu.memory_space<vmem>>, vector<16xf32>,
      tpu.vector_store %arg11[%swap3A_692, %swap3A_693], %gather3A_688 {strides = array<i32>} : memref<32x128xf32, #tpu.memory_space<vmem>>, vector<16xf32>,
      %broadcast_in_dim3A_695 = arith.constant 14 : i32
      %broadcast_in_dim3A_696 = vector.broadcast %broadcast_in_dim3A_695 : i32 to vector<16xi32>
      %gather3A_697 = tpu.vector_load_idx %arg10[%iota3A, %broadcast_in_dim3A_696, %and3A_571] : memref<16x32x128xf32, #tpu.memory_space<vmem>>[vector<16xi32>, vector<16xi32>, vector<16xi32>], vector<16xf32>,
      %mul3A_698 = arith.constant 16 : i32
      %mul3A_699 = arith.muli %scan3A_12, %mul3A_698 : i32
      %swap3A_700 = arith.constant 14 : i32
      %swap3A_701 = arith.index_cast %swap3A_700 : i32 to index
      %swap3A_702 = arith.index_cast %mul3A_699 : i32 to index
      %swap3A_703 = tpu.vector_load %arg11[%swap3A_701, %swap3A_702] {strides = array<i32>} : memref<32x128xf32, #tpu.memory_space<vmem>>, vector<16xf32>,
      tpu.vector_store %arg11[%swap3A_701, %swap3A_702], %gather3A_697 {strides = array<i32>} : memref<32x128xf32, #tpu.memory_space<vmem>>, vector<16xf32>,
      %broadcast_in_dim3A_704 = arith.constant 15 : i32
      %broadcast_in_dim3A_705 = vector.broadcast %broadcast_in_dim3A_704 : i32 to vector<16xi32>
      %gather3A_706 = tpu.vector_load_idx %arg10[%iota3A, %broadcast_in_dim3A_705, %and3A_571] : memref<16x32x128xf32, #tpu.memory_space<vmem>>[vector<16xi32>, vector<16xi32>, vector<16xi32>], vector<16xf32>,
      %mul3A_707 = arith.constant 16 : i32
      %mul3A_708 = arith.muli %scan3A_12, %mul3A_707 : i32
      %swap3A_709 = arith.constant 15 : i32
      %swap3A_710 = arith.index_cast %swap3A_709 : i32 to index
      %swap3A_711 = arith.index_cast %mul3A_708 : i32 to index
      %swap3A_712 = tpu.vector_load %arg11[%swap3A_710, %swap3A_711] {strides = array<i32>} : memref<32x128xf32, #tpu.memory_space<vmem>>, vector<16xf32>,
      tpu.vector_store %arg11[%swap3A_710, %swap3A_711], %gather3A_706 {strides = array<i32>} : memref<32x128xf32, #tpu.memory_space<vmem>>, vector<16xf32>,
      %broadcast_in_dim3A_713 = arith.constant 16 : i32
      %broadcast_in_dim3A_714 = vector.broadcast %broadcast_in_dim3A_713 : i32 to vector<16xi32>
      %gather3A_715 = tpu.vector_load_idx %arg10[%iota3A, %broadcast_in_dim3A_714, %and3A_571] : memref<16x32x128xf32, #tpu.memory_space<vmem>>[vector<16xi32>, vector<16xi32>, vector<16xi32>], vector<16xf32>,
      %mul3A_716 = arith.constant 16 : i32
      %mul3A_717 = arith.muli %scan3A_12, %mul3A_716 : i32
      %swap3A_718 = arith.constant 16 : i32
      %swap3A_719 = arith.index_cast %swap3A_718 : i32 to index
      %swap3A_720 = arith.index_cast %mul3A_717 : i32 to index
      %swap3A_721 = tpu.vector_load %arg11[%swap3A_719, %swap3A_720] {strides = array<i32>} : memref<32x128xf32, #tpu.memory_space<vmem>>, vector<16xf32>,
      tpu.vector_store %arg11[%swap3A_719, %swap3A_720], %gather3A_715 {strides = array<i32>} : memref<32x128xf32, #tpu.memory_space<vmem>>, vector<16xf32>,
      %broadcast_in_dim3A_722 = arith.constant 17 : i32
      %broadcast_in_dim3A_723 = vector.broadcast %broadcast_in_dim3A_722 : i32 to vector<16xi32>
      %gather3A_724 = tpu.vector_load_idx %arg10[%iota3A, %broadcast_in_dim3A_723, %and3A_571] : memref<16x32x128xf32, #tpu.memory_space<vmem>>[vector<16xi32>, vector<16xi32>, vector<16xi32>], vector<16xf32>,
      %mul3A_725 = arith.constant 16 : i32
      %mul3A_726 = arith.muli %scan3A_12, %mul3A_725 : i32
      %swap3A_727 = arith.constant 17 : i32
      %swap3A_728 = arith.index_cast %swap3A_727 : i32 to index
      %swap3A_729 = arith.index_cast %mul3A_726 : i32 to index
      %swap3A_730 = tpu.vector_load %arg11[%swap3A_728, %swap3A_729] {strides = array<i32>} : memref<32x128xf32, #tpu.memory_space<vmem>>, vector<16xf32>,
      tpu.vector_store %arg11[%swap3A_728, %swap3A_729], %gather3A_724 {strides = array<i32>} : memref<32x128xf32, #tpu.memory_space<vmem>>, vector<16xf32>,
      %broadcast_in_dim3A_731 = arith.constant 18 : i32
      %broadcast_in_dim3A_732 = vector.broadcast %broadcast_in_dim3A_731 : i32 to vector<16xi32>
      %gather3A_733 = tpu.vector_load_idx %arg10[%iota3A, %broadcast_in_dim3A_732, %and3A_571] : memref<16x32x128xf32, #tpu.memory_space<vmem>>[vector<16xi32>, vector<16xi32>, vector<16xi32>], vector<16xf32>,
      %mul3A_734 = arith.constant 16 : i32
      %mul3A_735 = arith.muli %scan3A_12, %mul3A_734 : i32
      %swap3A_736 = arith.constant 18 : i32
      %swap3A_737 = arith.index_cast %swap3A_736 : i32 to index
      %swap3A_738 = arith.index_cast %mul3A_735 : i32 to index
      %swap3A_739 = tpu.vector_load %arg11[%swap3A_737, %swap3A_738] {strides = array<i32>} : memref<32x128xf32, #tpu.memory_space<vmem>>, vector<16xf32>,
      tpu.vector_store %arg11[%swap3A_737, %swap3A_738], %gather3A_733 {strides = array<i32>} : memref<32x128xf32, #tpu.memory_space<vmem>>, vector<16xf32>,
      %broadcast_in_dim3A_740 = arith.constant 19 : i32
      %broadcast_in_dim3A_741 = vector.broadcast %broadcast_in_dim3A_740 : i32 to vector<16xi32>
      %gather3A_742 = tpu.vector_load_idx %arg10[%iota3A, %broadcast_in_dim3A_741, %and3A_571] : memref<16x32x128xf32, #tpu.memory_space<vmem>>[vector<16xi32>, vector<16xi32>, vector<16xi32>], vector<16xf32>,
      %mul3A_743 = arith.constant 16 : i32
      %mul3A_744 = arith.muli %scan3A_12, %mul3A_743 : i32
      %swap3A_745 = arith.constant 19 : i32
      %swap3A_746 = arith.index_cast %swap3A_745 : i32 to index
      %swap3A_747 = arith.index_cast %mul3A_744 : i32 to index
      %swap3A_748 = tpu.vector_load %arg11[%swap3A_746, %swap3A_747] {strides = array<i32>} : memref<32x128xf32, #tpu.memory_space<vmem>>, vector<16xf32>,
      tpu.vector_store %arg11[%swap3A_746, %swap3A_747], %gather3A_742 {strides = array<i32>} : memref<32x128xf32, #tpu.memory_space<vmem>>, vector<16xf32>,
      %broadcast_in_dim3A_749 = arith.constant 20 : i32
      %broadcast_in_dim3A_750 = vector.broadcast %broadcast_in_dim3A_749 : i32 to vector<16xi32>
      %gather3A_751 = tpu.vector_load_idx %arg10[%iota3A, %broadcast_in_dim3A_750, %and3A_571] : memref<16x32x128xf32, #tpu.memory_space<vmem>>[vector<16xi32>, vector<16xi32>, vector<16xi32>], vector<16xf32>,
      %mul3A_752 = arith.constant 16 : i32
      %mul3A_753 = arith.muli %scan3A_12, %mul3A_752 : i32
      %swap3A_754 = arith.constant 20 : i32
      %swap3A_755 = arith.index_cast %swap3A_754 : i32 to index
      %swap3A_756 = arith.index_cast %mul3A_753 : i32 to index
      %swap3A_757 = tpu.vector_load %arg11[%swap3A_755, %swap3A_756] {strides = array<i32>} : memref<32x128xf32, #tpu.memory_space<vmem>>, vector<16xf32>,
      tpu.vector_store %arg11[%swap3A_755, %swap3A_756], %gather3A_751 {strides = array<i32>} : memref<32x128xf32, #tpu.memory_space<vmem>>, vector<16xf32>,
      %broadcast_in_dim3A_758 = arith.constant 21 : i32
      %broadcast_in_dim3A_759 = vector.broadcast %broadcast_in_dim3A_758 : i32 to vector<16xi32>
      %gather3A_760 = tpu.vector_load_idx %arg10[%iota3A, %broadcast_in_dim3A_759, %and3A_571] : memref<16x32x128xf32, #tpu.memory_space<vmem>>[vector<16xi32>, vector<16xi32>, vector<16xi32>], vector<16xf32>,
      %mul3A_761 = arith.constant 16 : i32
      %mul3A_762 = arith.muli %scan3A_12, %mul3A_761 : i32
      %swap3A_763 = arith.constant 21 : i32
      %swap3A_764 = arith.index_cast %swap3A_763 : i32 to index
      %swap3A_765 = arith.index_cast %mul3A_762 : i32 to index
      %swap3A_766 = tpu.vector_load %arg11[%swap3A_764, %swap3A_765] {strides = array<i32>} : memref<32x128xf32, #tpu.memory_space<vmem>>, vector<16xf32>,
      tpu.vector_store %arg11[%swap3A_764, %swap3A_765], %gather3A_760 {strides = array<i32>} : memref<32x128xf32, #tpu.memory_space<vmem>>, vector<16xf32>,
      %broadcast_in_dim3A_767 = arith.constant 22 : i32
      %broadcast_in_dim3A_768 = vector.broadcast %broadcast_in_dim3A_767 : i32 to vector<16xi32>
      %gather3A_769 = tpu.vector_load_idx %arg10[%iota3A, %broadcast_in_dim3A_768, %and3A_571] : memref<16x32x128xf32, #tpu.memory_space<vmem>>[vector<16xi32>, vector<16xi32>, vector<16xi32>], vector<16xf32>,
      %mul3A_770 = arith.constant 16 : i32
      %mul3A_771 = arith.muli %scan3A_12, %mul3A_770 : i32
      %swap3A_772 = arith.constant 22 : i32
      %swap3A_773 = arith.index_cast %swap3A_772 : i32 to index
      %swap3A_774 = arith.index_cast %mul3A_771 : i32 to index
      %swap3A_775 = tpu.vector_load %arg11[%swap3A_773, %swap3A_774] {strides = array<i32>} : memref<32x128xf32, #tpu.memory_space<vmem>>, vector<16xf32>,
      tpu.vector_store %arg11[%swap3A_773, %swap3A_774], %gather3A_769 {strides = array<i32>} : memref<32x128xf32, #tpu.memory_space<vmem>>, vector<16xf32>,
      %broadcast_in_dim3A_776 = arith.constant 23 : i32
      %broadcast_in_dim3A_777 = vector.broadcast %broadcast_in_dim3A_776 : i32 to vector<16xi32>
      %gather3A_778 = tpu.vector_load_idx %arg10[%iota3A, %broadcast_in_dim3A_777, %and3A_571] : memref<16x32x128xf32, #tpu.memory_space<vmem>>[vector<16xi32>, vector<16xi32>, vector<16xi32>], vector<16xf32>,
      %mul3A_779 = arith.constant 16 : i32
      %mul3A_780 = arith.muli %scan3A_12, %mul3A_779 : i32
      %swap3A_781 = arith.constant 23 : i32
      %swap3A_782 = arith.index_cast %swap3A_781 : i32 to index
      %swap3A_783 = arith.index_cast %mul3A_780 : i32 to index
      %swap3A_784 = tpu.vector_load %arg11[%swap3A_782, %swap3A_783] {strides = array<i32>} : memref<32x128xf32, #tpu.memory_space<vmem>>, vector<16xf32>,
      tpu.vector_store %arg11[%swap3A_782, %swap3A_783], %gather3A_778 {strides = array<i32>} : memref<32x128xf32, #tpu.memory_space<vmem>>, vector<16xf32>,
      %broadcast_in_dim3A_785 = arith.constant 24 : i32
      %broadcast_in_dim3A_786 = vector.broadcast %broadcast_in_dim3A_785 : i32 to vector<16xi32>
      %gather3A_787 = tpu.vector_load_idx %arg10[%iota3A, %broadcast_in_dim3A_786, %and3A_571] : memref<16x32x128xf32, #tpu.memory_space<vmem>>[vector<16xi32>, vector<16xi32>, vector<16xi32>], vector<16xf32>,
      %mul3A_788 = arith.constant 16 : i32
      %mul3A_789 = arith.muli %scan3A_12, %mul3A_788 : i32
      %swap3A_790 = arith.constant 24 : i32
      %swap3A_791 = arith.index_cast %swap3A_790 : i32 to index
      %swap3A_792 = arith.index_cast %mul3A_789 : i32 to index
      %swap3A_793 = tpu.vector_load %arg11[%swap3A_791, %swap3A_792] {strides = array<i32>} : memref<32x128xf32, #tpu.memory_space<vmem>>, vector<16xf32>,
      tpu.vector_store %arg11[%swap3A_791, %swap3A_792], %gather3A_787 {strides = array<i32>} : memref<32x128xf32, #tpu.memory_space<vmem>>, vector<16xf32>,
      %broadcast_in_dim3A_794 = arith.constant 25 : i32
      %broadcast_in_dim3A_795 = vector.broadcast %broadcast_in_dim3A_794 : i32 to vector<16xi32>
      %gather3A_796 = tpu.vector_load_idx %arg10[%iota3A, %broadcast_in_dim3A_795, %and3A_571] : memref<16x32x128xf32, #tpu.memory_space<vmem>>[vector<16xi32>, vector<16xi32>, vector<16xi32>], vector<16xf32>,
      %mul3A_797 = arith.constant 16 : i32
      %mul3A_798 = arith.muli %scan3A_12, %mul3A_797 : i32
      %swap3A_799 = arith.constant 25 : i32
      %swap3A_800 = arith.index_cast %swap3A_799 : i32 to index
      %swap3A_801 = arith.index_cast %mul3A_798 : i32 to index
      %swap3A_802 = tpu.vector_load %arg11[%swap3A_800, %swap3A_801] {strides = array<i32>} : memref<32x128xf32, #tpu.memory_space<vmem>>, vector<16xf32>,
      tpu.vector_store %arg11[%swap3A_800, %swap3A_801], %gather3A_796 {strides = array<i32>} : memref<32x128xf32, #tpu.memory_space<vmem>>, vector<16xf32>,
      %broadcast_in_dim3A_803 = arith.constant 26 : i32
      %broadcast_in_dim3A_804 = vector.broadcast %broadcast_in_dim3A_803 : i32 to vector<16xi32>
      %gather3A_805 = tpu.vector_load_idx %arg10[%iota3A, %broadcast_in_dim3A_804, %and3A_571] : memref<16x32x128xf32, #tpu.memory_space<vmem>>[vector<16xi32>, vector<16xi32>, vector<16xi32>], vector<16xf32>,
      %mul3A_806 = arith.constant 16 : i32
      %mul3A_807 = arith.muli %scan3A_12, %mul3A_806 : i32
      %swap3A_808 = arith.constant 26 : i32
      %swap3A_809 = arith.index_cast %swap3A_808 : i32 to index
      %swap3A_810 = arith.index_cast %mul3A_807 : i32 to index
      %swap3A_811 = tpu.vector_load %arg11[%swap3A_809, %swap3A_810] {strides = array<i32>} : memref<32x128xf32, #tpu.memory_space<vmem>>, vector<16xf32>,
      tpu.vector_store %arg11[%swap3A_809, %swap3A_810], %gather3A_805 {strides = array<i32>} : memref<32x128xf32, #tpu.memory_space<vmem>>, vector<16xf32>,
      %broadcast_in_dim3A_812 = arith.constant 27 : i32
      %broadcast_in_dim3A_813 = vector.broadcast %broadcast_in_dim3A_812 : i32 to vector<16xi32>
      %gather3A_814 = tpu.vector_load_idx %arg10[%iota3A, %broadcast_in_dim3A_813, %and3A_571] : memref<16x32x128xf32, #tpu.memory_space<vmem>>[vector<16xi32>, vector<16xi32>, vector<16xi32>], vector<16xf32>,
      %mul3A_815 = arith.constant 16 : i32
      %mul3A_816 = arith.muli %scan3A_12, %mul3A_815 : i32
      %swap3A_817 = arith.constant 27 : i32
      %swap3A_818 = arith.index_cast %swap3A_817 : i32 to index
      %swap3A_819 = arith.index_cast %mul3A_816 : i32 to index
      %swap3A_820 = tpu.vector_load %arg11[%swap3A_818, %swap3A_819] {strides = array<i32>} : memref<32x128xf32, #tpu.memory_space<vmem>>, vector<16xf32>,
      tpu.vector_store %arg11[%swap3A_818, %swap3A_819], %gather3A_814 {strides = array<i32>} : memref<32x128xf32, #tpu.memory_space<vmem>>, vector<16xf32>,
      %broadcast_in_dim3A_821 = arith.constant 28 : i32
      %broadcast_in_dim3A_822 = vector.broadcast %broadcast_in_dim3A_821 : i32 to vector<16xi32>
      %gather3A_823 = tpu.vector_load_idx %arg10[%iota3A, %broadcast_in_dim3A_822, %and3A_571] : memref<16x32x128xf32, #tpu.memory_space<vmem>>[vector<16xi32>, vector<16xi32>, vector<16xi32>], vector<16xf32>,
      %mul3A_824 = arith.constant 16 : i32
      %mul3A_825 = arith.muli %scan3A_12, %mul3A_824 : i32
      %swap3A_826 = arith.constant 28 : i32
      %swap3A_827 = arith.index_cast %swap3A_826 : i32 to index
      %swap3A_828 = arith.index_cast %mul3A_825 : i32 to index
      %swap3A_829 = tpu.vector_load %arg11[%swap3A_827, %swap3A_828] {strides = array<i32>} : memref<32x128xf32, #tpu.memory_space<vmem>>, vector<16xf32>,
      tpu.vector_store %arg11[%swap3A_827, %swap3A_828], %gather3A_823 {strides = array<i32>} : memref<32x128xf32, #tpu.memory_space<vmem>>, vector<16xf32>,
      %broadcast_in_dim3A_830 = arith.constant 29 : i32
      %broadcast_in_dim3A_831 = vector.broadcast %broadcast_in_dim3A_830 : i32 to vector<16xi32>
      %gather3A_832 = tpu.vector_load_idx %arg10[%iota3A, %broadcast_in_dim3A_831, %and3A_571] : memref<16x32x128xf32, #tpu.memory_space<vmem>>[vector<16xi32>, vector<16xi32>, vector<16xi32>], vector<16xf32>,
      %mul3A_833 = arith.constant 16 : i32
      %mul3A_834 = arith.muli %scan3A_12, %mul3A_833 : i32
      %swap3A_835 = arith.constant 29 : i32
      %swap3A_836 = arith.index_cast %swap3A_835 : i32 to index
      %swap3A_837 = arith.index_cast %mul3A_834 : i32 to index
      %swap3A_838 = tpu.vector_load %arg11[%swap3A_836, %swap3A_837] {strides = array<i32>} : memref<32x128xf32, #tpu.memory_space<vmem>>, vector<16xf32>,
      tpu.vector_store %arg11[%swap3A_836, %swap3A_837], %gather3A_832 {strides = array<i32>} : memref<32x128xf32, #tpu.memory_space<vmem>>, vector<16xf32>,
      %broadcast_in_dim3A_839 = arith.constant 30 : i32
      %broadcast_in_dim3A_840 = vector.broadcast %broadcast_in_dim3A_839 : i32 to vector<16xi32>
      %gather3A_841 = tpu.vector_load_idx %arg10[%iota3A, %broadcast_in_dim3A_840, %and3A_571] : memref<16x32x128xf32, #tpu.memory_space<vmem>>[vector<16xi32>, vector<16xi32>, vector<16xi32>], vector<16xf32>,
      %mul3A_842 = arith.constant 16 : i32
      %mul3A_843 = arith.muli %scan3A_12, %mul3A_842 : i32
      %swap3A_844 = arith.constant 30 : i32
      %swap3A_845 = arith.index_cast %swap3A_844 : i32 to index
      %swap3A_846 = arith.index_cast %mul3A_843 : i32 to index
      %swap3A_847 = tpu.vector_load %arg11[%swap3A_845, %swap3A_846] {strides = array<i32>} : memref<32x128xf32, #tpu.memory_space<vmem>>, vector<16xf32>,
      tpu.vector_store %arg11[%swap3A_845, %swap3A_846], %gather3A_841 {strides = array<i32>} : memref<32x128xf32, #tpu.memory_space<vmem>>, vector<16xf32>,
      %broadcast_in_dim3A_848 = arith.constant 31 : i32
      %broadcast_in_dim3A_849 = vector.broadcast %broadcast_in_dim3A_848 : i32 to vector<16xi32>
      %gather3A_850 = tpu.vector_load_idx %arg10[%iota3A, %broadcast_in_dim3A_849, %and3A_571] : memref<16x32x128xf32, #tpu.memory_space<vmem>>[vector<16xi32>, vector<16xi32>, vector<16xi32>], vector<16xf32>,
      %mul3A_851 = arith.constant 16 : i32
      %mul3A_852 = arith.muli %scan3A_12, %mul3A_851 : i32
      %swap3A_853 = arith.constant 31 : i32
      %swap3A_854 = arith.index_cast %swap3A_853 : i32 to index
      %swap3A_855 = arith.index_cast %mul3A_852 : i32 to index
      %swap3A_856 = tpu.vector_load %arg11[%swap3A_854, %swap3A_855] {strides = array<i32>} : memref<32x128xf32, #tpu.memory_space<vmem>>, vector<16xf32>,
      tpu.vector_store %arg11[%swap3A_854, %swap3A_855], %gather3A_850 {strides = array<i32>} : memref<32x128xf32, #tpu.memory_space<vmem>>, vector<16xf32>,
    }
    %scan3A_11 = arith.constant 8 : i32
    "tpu.region"() ({
      %run_scoped3A = tpu.sem_alloc : memref<!tpu.dma_semaphore, #tpu.memory_space<semaphore_mem>>
      %dma_start3A = arith.constant 0 : i32
      %dma_start3A_12 = tpu.memref_slice %arg7[%dma_start3A, %mul3A_2] : memref<32x4096xf32, #tpu.memory_space<hbm>> -> memref<32x128xf32, #tpu.memory_space<hbm>>
      %dma_start3A_13 = arith.constant 0 : i32
      %dma_start3A_14 = tpu.memref_slice %arg7[%dma_start3A_13, %mul3A_2] : memref<32x4096xf32, #tpu.memory_space<hbm>> -> memref<32x128xf32, #tpu.memory_space<hbm>>
      tpu.enqueue_dma source(%arg11 : memref<32x128xf32, #tpu.memory_space<vmem>>) target(%dma_start3A_14 : memref<32x128xf32, #tpu.memory_space<hbm>>) target_semaphore(%run_scoped3A : memref<!tpu.dma_semaphore, #tpu.memory_space<semaphore_mem>>)
      %dma_wait3A = arith.constant 0 : i32
      %dma_wait3A_15 = tpu.memref_slice %arg7[%dma_wait3A, %mul3A_2] : memref<32x4096xf32, #tpu.memory_space<hbm>> -> memref<32x128xf32, #tpu.memory_space<hbm>>
      %dma_wait3A_16 = arith.constant 0 : i32
      %dma_wait3A_17 = tpu.memref_slice %arg7[%dma_wait3A_16, %mul3A_2] : memref<32x4096xf32, #tpu.memory_space<hbm>> -> memref<32x128xf32, #tpu.memory_space<hbm>>
      tpu.wait_dma2 semaphore(%run_scoped3A : memref<!tpu.dma_semaphore, #tpu.memory_space<semaphore_mem>>) src(%arg11 : memref<32x128xf32, #tpu.memory_space<vmem>>) dst(%dma_wait3A_17 : memref<32x128xf32, #tpu.memory_space<hbm>>)
      tpu.yield
    }) : () -> ()
    return
  }
}

module attributes {stable_mosaic.version = 14 : i64} {
  func.func @_tc_kernel(%arg0: i32, %arg1: memref<32x4096xf32, #tpu.memory_space<vmem>>, %arg2: memref<32x4096xf32, #tpu.memory_space<vmem>>, %arg3: memref<4096x128xf32, #tpu.memory_space<vmem>>, %arg4: memref<96x128xf32, #tpu.memory_space<vmem>>, %arg5: memref<128xf32, #tpu.memory_space<vmem>>, %arg6: memref<128x64xf32, #tpu.memory_space<vmem>>, %arg7: memref<64xf32, #tpu.memory_space<vmem>>, %arg8: memref<96x128xf32, #tpu.memory_space<vmem>>, %arg9: memref<128xf32, #tpu.memory_space<vmem>>, %arg10: memref<128x64xf32, #tpu.memory_space<vmem>>, %arg11: memref<64xf32, #tpu.memory_space<vmem>>, %arg12: memref<1x1xf32, #tpu.memory_space<smem>>, %arg13: memref<512x4096xf32, #tpu.memory_space<vmem>>, %arg14: memref<4096x64xbf16, #tpu.memory_space<vmem>>, %arg15: memref<64x4096xbf16, #tpu.memory_space<vmem>>) attributes {dimension_semantics = [#tpu.dimension_semantics<arbitrary>], iteration_bounds = array<i64: 8>, scalar_prefetch = 0 : i64, scratch_operands = 2 : i64, tpu.core_type = #tpu.core_type<tc>, window_params = [{pipeline_mode = #tpu.pipeline_mode<synchronous>, transform_indices = @transform_0, window_bounds = array<i64: 32, 4096>}, {pipeline_mode = #tpu.pipeline_mode<synchronous>, transform_indices = @transform_1, window_bounds = array<i64: 32, 4096>}, {pipeline_mode = #tpu.pipeline_mode<synchronous>, transform_indices = @transform_2, window_bounds = array<i64: 4096, 128>}, {pipeline_mode = #tpu.pipeline_mode<synchronous>, transform_indices = @transform_3, window_bounds = array<i64: 96, 128>}, {pipeline_mode = #tpu.pipeline_mode<synchronous>, transform_indices = @transform_4, window_bounds = array<i64: 128>}, {pipeline_mode = #tpu.pipeline_mode<synchronous>, transform_indices = @transform_5, window_bounds = array<i64: 128, 64>}, {pipeline_mode = #tpu.pipeline_mode<synchronous>, transform_indices = @transform_6, window_bounds = array<i64: 64>}, {pipeline_mode = #tpu.pipeline_mode<synchronous>, transform_indices = @transform_7, window_bounds = array<i64: 96, 128>}, {pipeline_mode = #tpu.pipeline_mode<synchronous>, transform_indices = @transform_8, window_bounds = array<i64: 128>}, {pipeline_mode = #tpu.pipeline_mode<synchronous>, transform_indices = @transform_9, window_bounds = array<i64: 128, 64>}, {pipeline_mode = #tpu.pipeline_mode<synchronous>, transform_indices = @transform_10, window_bounds = array<i64: 64>}, {transform_indices = @transform_11, window_bounds = array<i64: 1, 1>}, {transform_indices = @transform_12, window_bounds = array<i64: 512, 4096>}]} {
    %eq3A = arith.constant 0 : i32
    %eq3A_0 = arith.cmpi eq, %arg0, %eq3A : i32
    %convert_element_type3A = arith.extui %eq3A_0 : i1 to i32
    %cond3A = arith.constant 0 : i32
    %cond3A_1 = arith.cmpi ne, %convert_element_type3A, %cond3A : i32
    scf.if %cond3A_1 {
      %get3A_16 = arith.constant 0 : index
      %get3A_17 = arith.constant 0 : index
      %get3A_18 = vector.load %arg3[%get3A_16, %get3A_17] : memref<4096x128xf32, #tpu.memory_space<vmem>>, vector<4096x128xf32>
      %get3A_19 = arith.constant 0 : index
      %get3A_20 = arith.constant 0 : index
      %get3A_21 = vector.load %arg1[%get3A_19, %get3A_20] : memref<32x4096xf32, #tpu.memory_space<vmem>>, vector<32x4096xf32>
      %slice3A = vector.extract_strided_slice %get3A_18 {offsets = [0, 0], sizes = [4096, 32], strides = [1, 1]} : vector<4096x128xf32> to vector<4096x32xf32>
      %slice3A_22 = vector.extract_strided_slice %get3A_18 {offsets = [0, 32], sizes = [4096, 32], strides = [1, 1]} : vector<4096x128xf32> to vector<4096x32xf32>
      %get3A_23 = arith.constant 0 : index
      %get3A_24 = arith.constant 0 : index
      %get3A_25 = vector.load %arg4[%get3A_23, %get3A_24] : memref<96x128xf32, #tpu.memory_space<vmem>>, vector<96x128xf32>
      %get3A_26 = arith.constant 0 : index
      %get3A_27 = vector.load %arg5[%get3A_26] : memref<128xf32, #tpu.memory_space<vmem>>, vector<128xf32>
      %get3A_28 = arith.constant 0 : index
      %get3A_29 = arith.constant 0 : index
      %get3A_30 = vector.load %arg6[%get3A_28, %get3A_29] : memref<128x64xf32, #tpu.memory_space<vmem>>, vector<128x64xf32>
      %get3A_31 = arith.constant 0 : index
      %get3A_32 = vector.load %arg7[%get3A_31] : memref<64xf32, #tpu.memory_space<vmem>>, vector<64xf32>
      %slice3A_33 = vector.extract_strided_slice %get3A_25 {offsets = [0, 0], sizes = [32, 128], strides = [1, 1]} : vector<96x128xf32> to vector<32x128xf32>
      %dot_general3A_34 = arith.constant dense<0.000000e+00> : vector<4096x128xf32>
      %dot_general3A_35 = tpu.matmul %get3A_21, %slice3A_33, %dot_general3A_34 {dimension_numbers = #tpu.dot_dimension_numbers<[0], [0], [1], [1], [0, 1, 1, 1], [], []>, transpose_lhs_hint = false} : vector<32x4096xf32>, vector<32x128xf32>, vector<4096x128xf32> -> vector<4096x128xf32>
      %slice3A_36 = vector.extract_strided_slice %get3A_25 {offsets = [32, 0], sizes = [32, 128], strides = [1, 1]} : vector<96x128xf32> to vector<32x128xf32>
      %dot_general3A_37 = arith.constant dense<0.000000e+00> : vector<4096x128xf32>
      %dot_general3A_38 = tpu.matmul %slice3A, %slice3A_36, %dot_general3A_37 {dimension_numbers = #tpu.dot_dimension_numbers<[1], [0], [0], [1], [0, 0, 1, 1], [], []>, transpose_lhs_hint = false} : vector<4096x32xf32>, vector<32x128xf32>, vector<4096x128xf32> -> vector<4096x128xf32>
      %add3A = arith.addf %dot_general3A_35, %dot_general3A_38 : vector<4096x128xf32>
      %slice3A_39 = vector.extract_strided_slice %get3A_25 {offsets = [64, 0], sizes = [32, 128], strides = [1, 1]} : vector<96x128xf32> to vector<32x128xf32>
      %dot_general3A_40 = arith.constant dense<0.000000e+00> : vector<4096x128xf32>
      %dot_general3A_41 = tpu.matmul %slice3A_22, %slice3A_39, %dot_general3A_40 {dimension_numbers = #tpu.dot_dimension_numbers<[1], [0], [0], [1], [0, 0, 1, 1], [], []>, transpose_lhs_hint = false} : vector<4096x32xf32>, vector<32x128xf32>, vector<4096x128xf32> -> vector<4096x128xf32>
      %add3A_42 = arith.addf %add3A, %dot_general3A_41 : vector<4096x128xf32>
      %broadcast_in_dim3A = vector.shape_cast %get3A_27 : vector<128xf32> to vector<1x128xf32>
      %add3A_43 = vector.broadcast %broadcast_in_dim3A : vector<1x128xf32> to vector<4096x128xf32>
      %add3A_44 = arith.addf %add3A_42, %add3A_43 : vector<4096x128xf32>
      %max3A = arith.constant 0.000000e+00 : f32
      %max3A_45 = vector.broadcast %max3A : f32 to vector<4096x128xf32>
      %max3A_46 = arith.maximumf %add3A_44, %max3A_45 : vector<4096x128xf32>
      %dot_general3A_47 = arith.constant dense<0.000000e+00> : vector<4096x64xf32>
      %dot_general3A_48 = tpu.matmul %max3A_46, %get3A_30, %dot_general3A_47 {dimension_numbers = #tpu.dot_dimension_numbers<[1], [0], [0], [1], [0, 0, 1, 1], [], []>, transpose_lhs_hint = false} : vector<4096x128xf32>, vector<128x64xf32>, vector<4096x64xf32> -> vector<4096x64xf32>
      %broadcast_in_dim3A_49 = vector.shape_cast %get3A_32 : vector<64xf32> to vector<1x64xf32>
      %add3A_50 = vector.broadcast %broadcast_in_dim3A_49 : vector<1x64xf32> to vector<4096x64xf32>
      %add3A_51 = arith.addf %dot_general3A_48, %add3A_50 : vector<4096x64xf32>
      %mul3A_52 = arith.mulf %add3A_51, %add3A_51 : vector<4096x64xf32>
      %reduce_sum3A = arith.constant dense<0.000000e+00> : vector<4096xf32>
      %reduce_sum3A_53 = vector.multi_reduction <add>, %mul3A_52, %reduce_sum3A [1] : vector<4096x64xf32> to vector<4096xf32>
      %broadcast_in_dim3A_54 = vector.shape_cast %reduce_sum3A_53 : vector<4096xf32> to vector<4096x1xf32>
      %sqrt3A = math.sqrt %broadcast_in_dim3A_54 : vector<4096x1xf32>
      %max3A_55 = arith.constant 9.99999996E-13 : f32
      %max3A_56 = vector.broadcast %max3A_55 : f32 to vector<4096x1xf32>
      %max3A_57 = arith.maximumf %sqrt3A, %max3A_56 : vector<4096x1xf32>
      %div3A = vector.broadcast %max3A_57 : vector<4096x1xf32> to vector<4096x64xf32>
      %div3A_58 = arith.divf %add3A_51, %div3A : vector<4096x64xf32>
      %convert_element_type3A_59 = arith.truncf %div3A_58 : vector<4096x64xf32> to vector<4096x64xbf16>
      %swap3A_60 = arith.constant 0 : index
      %swap3A_61 = arith.constant 0 : index
      %swap3A_62 = vector.load %arg14[%swap3A_60, %swap3A_61] : memref<4096x64xbf16, #tpu.memory_space<vmem>>, vector<4096x64xbf16>
      tpu.vector_store %arg14[%swap3A_60, %swap3A_61], %convert_element_type3A_59 {strides = array<i32>} : memref<4096x64xbf16, #tpu.memory_space<vmem>>, vector<4096x64xbf16>,
      %get3A_63 = arith.constant 0 : index
      %get3A_64 = arith.constant 0 : index
      %get3A_65 = vector.load %arg2[%get3A_63, %get3A_64] : memref<32x4096xf32, #tpu.memory_space<vmem>>, vector<32x4096xf32>
      %slice3A_66 = vector.extract_strided_slice %get3A_18 {offsets = [0, 64], sizes = [4096, 32], strides = [1, 1]} : vector<4096x128xf32> to vector<4096x32xf32>
      %slice3A_67 = vector.extract_strided_slice %get3A_18 {offsets = [0, 96], sizes = [4096, 32], strides = [1, 1]} : vector<4096x128xf32> to vector<4096x32xf32>
      %get3A_68 = arith.constant 0 : index
      %get3A_69 = arith.constant 0 : index
      %get3A_70 = vector.load %arg8[%get3A_68, %get3A_69] : memref<96x128xf32, #tpu.memory_space<vmem>>, vector<96x128xf32>
      %get3A_71 = arith.constant 0 : index
      %get3A_72 = vector.load %arg9[%get3A_71] : memref<128xf32, #tpu.memory_space<vmem>>, vector<128xf32>
      %get3A_73 = arith.constant 0 : index
      %get3A_74 = arith.constant 0 : index
      %get3A_75 = vector.load %arg10[%get3A_73, %get3A_74] : memref<128x64xf32, #tpu.memory_space<vmem>>, vector<128x64xf32>
      %get3A_76 = arith.constant 0 : index
      %get3A_77 = vector.load %arg11[%get3A_76] : memref<64xf32, #tpu.memory_space<vmem>>, vector<64xf32>
      %slice3A_78 = vector.extract_strided_slice %get3A_70 {offsets = [0, 0], sizes = [32, 128], strides = [1, 1]} : vector<96x128xf32> to vector<32x128xf32>
      %dot_general3A_79 = arith.constant dense<0.000000e+00> : vector<4096x128xf32>
      %dot_general3A_80 = tpu.matmul %get3A_65, %slice3A_78, %dot_general3A_79 {dimension_numbers = #tpu.dot_dimension_numbers<[0], [0], [1], [1], [0, 1, 1, 1], [], []>, transpose_lhs_hint = false} : vector<32x4096xf32>, vector<32x128xf32>, vector<4096x128xf32> -> vector<4096x128xf32>
      %slice3A_81 = vector.extract_strided_slice %get3A_70 {offsets = [32, 0], sizes = [32, 128], strides = [1, 1]} : vector<96x128xf32> to vector<32x128xf32>
      %dot_general3A_82 = arith.constant dense<0.000000e+00> : vector<4096x128xf32>
      %dot_general3A_83 = tpu.matmul %slice3A_66, %slice3A_81, %dot_general3A_82 {dimension_numbers = #tpu.dot_dimension_numbers<[1], [0], [0], [1], [0, 0, 1, 1], [], []>, transpose_lhs_hint = false} : vector<4096x32xf32>, vector<32x128xf32>, vector<4096x128xf32> -> vector<4096x128xf32>
      %add3A_84 = arith.addf %dot_general3A_80, %dot_general3A_83 : vector<4096x128xf32>
      %slice3A_85 = vector.extract_strided_slice %get3A_70 {offsets = [64, 0], sizes = [32, 128], strides = [1, 1]} : vector<96x128xf32> to vector<32x128xf32>
      %dot_general3A_86 = arith.constant dense<0.000000e+00> : vector<4096x128xf32>
      %dot_general3A_87 = tpu.matmul %slice3A_67, %slice3A_85, %dot_general3A_86 {dimension_numbers = #tpu.dot_dimension_numbers<[1], [0], [0], [1], [0, 0, 1, 1], [], []>, transpose_lhs_hint = false} : vector<4096x32xf32>, vector<32x128xf32>, vector<4096x128xf32> -> vector<4096x128xf32>
      %add3A_88 = arith.addf %add3A_84, %dot_general3A_87 : vector<4096x128xf32>
      %broadcast_in_dim3A_89 = vector.shape_cast %get3A_72 : vector<128xf32> to vector<1x128xf32>
      %add3A_90 = vector.broadcast %broadcast_in_dim3A_89 : vector<1x128xf32> to vector<4096x128xf32>
      %add3A_91 = arith.addf %add3A_88, %add3A_90 : vector<4096x128xf32>
      %max3A_92 = arith.constant 0.000000e+00 : f32
      %max3A_93 = vector.broadcast %max3A_92 : f32 to vector<4096x128xf32>
      %max3A_94 = arith.maximumf %add3A_91, %max3A_93 : vector<4096x128xf32>
      %dot_general3A_95 = arith.constant dense<0.000000e+00> : vector<4096x64xf32>
      %dot_general3A_96 = tpu.matmul %max3A_94, %get3A_75, %dot_general3A_95 {dimension_numbers = #tpu.dot_dimension_numbers<[1], [0], [0], [1], [0, 0, 1, 1], [], []>, transpose_lhs_hint = false} : vector<4096x128xf32>, vector<128x64xf32>, vector<4096x64xf32> -> vector<4096x64xf32>
      %broadcast_in_dim3A_97 = vector.shape_cast %get3A_77 : vector<64xf32> to vector<1x64xf32>
      %add3A_98 = vector.broadcast %broadcast_in_dim3A_97 : vector<1x64xf32> to vector<4096x64xf32>
      %add3A_99 = arith.addf %dot_general3A_96, %add3A_98 : vector<4096x64xf32>
      %mul3A_100 = arith.mulf %add3A_99, %add3A_99 : vector<4096x64xf32>
      %reduce_sum3A_101 = arith.constant dense<0.000000e+00> : vector<4096xf32>
      %reduce_sum3A_102 = vector.multi_reduction <add>, %mul3A_100, %reduce_sum3A_101 [1] : vector<4096x64xf32> to vector<4096xf32>
      %broadcast_in_dim3A_103 = vector.shape_cast %reduce_sum3A_102 : vector<4096xf32> to vector<4096x1xf32>
      %sqrt3A_104 = math.sqrt %broadcast_in_dim3A_103 : vector<4096x1xf32>
      %max3A_105 = arith.constant 9.99999996E-13 : f32
      %max3A_106 = vector.broadcast %max3A_105 : f32 to vector<4096x1xf32>
      %max3A_107 = arith.maximumf %sqrt3A_104, %max3A_106 : vector<4096x1xf32>
      %div3A_108 = vector.broadcast %max3A_107 : vector<4096x1xf32> to vector<4096x64xf32>
      %div3A_109 = arith.divf %add3A_99, %div3A_108 : vector<4096x64xf32>
      %convert_element_type3A_110 = arith.truncf %div3A_109 : vector<4096x64xf32> to vector<4096x64xbf16>
      %transpose3A = tpu.transpose %convert_element_type3A_110, [1, 0] : vector<4096x64xbf16> -> vector<64x4096xbf16>
      %swap3A_111 = arith.constant 0 : index
      %swap3A_112 = arith.constant 0 : index
      %swap3A_113 = vector.load %arg15[%swap3A_111, %swap3A_112] : memref<64x4096xbf16, #tpu.memory_space<vmem>>, vector<64x4096xbf16>
      tpu.vector_store %arg15[%swap3A_111, %swap3A_112], %transpose3A {strides = array<i32>} : memref<64x4096xbf16, #tpu.memory_space<vmem>>, vector<64x4096xbf16>,
    } else {
    }
    %mul3A = arith.constant 512 : i32
    %mul3A_2 = arith.muli %arg0, %mul3A : i32
    %get3A = arith.index_cast %mul3A_2 : i32 to index
    %get3A_3 = arith.constant 0 : index
    %get3A_4 = vector.load %arg14[%get3A, %get3A_3] : memref<4096x64xbf16, #tpu.memory_space<vmem>>, vector<512x64xbf16>
    %get3A_5 = arith.constant 0 : index
    %get3A_6 = arith.constant 0 : index
    %get3A_7 = vector.load %arg15[%get3A_5, %get3A_6] : memref<64x4096xbf16, #tpu.memory_space<vmem>>, vector<64x4096xbf16>
    %dot_general3A = arith.constant dense<0.000000e+00> : vector<512x4096xf32>
    %dot_general3A_8 = tpu.matmul %get3A_4, %get3A_7, %dot_general3A {dimension_numbers = #tpu.dot_dimension_numbers<[1], [0], [0], [1], [0, 0, 1, 1], [], []>, transpose_lhs_hint = false} : vector<512x64xbf16>, vector<64x4096xbf16>, vector<512x4096xf32> -> vector<512x4096xf32>
    %get3A_9 = arith.constant 0 : index
    %get3A_10 = arith.constant 0 : index
    %get3A_11 = memref.load %arg12[%get3A_9, %get3A_10] : memref<1x1xf32, #tpu.memory_space<smem>>
    %mul3A_12 = vector.broadcast %get3A_11 : f32 to vector<512x4096xf32>
    %mul3A_13 = arith.mulf %dot_general3A_8, %mul3A_12 : vector<512x4096xf32>
    %swap3A = arith.constant 0 : index
    %swap3A_14 = arith.constant 0 : index
    %swap3A_15 = vector.load %arg13[%swap3A, %swap3A_14] : memref<512x4096xf32, #tpu.memory_space<vmem>>, vector<512x4096xf32>
    tpu.vector_store %arg13[%swap3A, %swap3A_14], %mul3A_13 {strides = array<i32>} : memref<512x4096xf32, #tpu.memory_space<vmem>>, vector<512x4096xf32>,
    return
  }
  func.func @transform_0(%arg0: i32) -> (i32, i32) {
    %c0_i32 = arith.constant 0 : i32
    %c0_i32_0 = arith.constant 0 : i32
    %c0_i32_1 = arith.constant 0 : i32
    return %c0_i32, %c0_i32_0 : i32, i32
  }
  func.func @transform_1(%arg0: i32) -> (i32, i32) {
    %c0_i32 = arith.constant 0 : i32
    %c0_i32_0 = arith.constant 0 : i32
    %c0_i32_1 = arith.constant 0 : i32
    return %c0_i32, %c0_i32_0 : i32, i32
  }
  func.func @transform_2(%arg0: i32) -> (i32, i32) {
    %c0_i32 = arith.constant 0 : i32
    %c0_i32_0 = arith.constant 0 : i32
    %c0_i32_1 = arith.constant 0 : i32
    return %c0_i32, %c0_i32_0 : i32, i32
  }
  func.func @transform_3(%arg0: i32) -> (i32, i32) {
    %c0_i32 = arith.constant 0 : i32
    %c0_i32_0 = arith.constant 0 : i32
    %c0_i32_1 = arith.constant 0 : i32
    return %c0_i32, %c0_i32_0 : i32, i32
  }
  func.func @transform_4(%arg0: i32) -> i32 {
    %c0_i32 = arith.constant 0 : i32
    %c0_i32_0 = arith.constant 0 : i32
    return %c0_i32 : i32
  }
  func.func @transform_5(%arg0: i32) -> (i32, i32) {
    %c0_i32 = arith.constant 0 : i32
    %c0_i32_0 = arith.constant 0 : i32
    %c0_i32_1 = arith.constant 0 : i32
    return %c0_i32, %c0_i32_0 : i32, i32
  }
  func.func @transform_6(%arg0: i32) -> i32 {
    %c0_i32 = arith.constant 0 : i32
    %c0_i32_0 = arith.constant 0 : i32
    return %c0_i32 : i32
  }
  func.func @transform_7(%arg0: i32) -> (i32, i32) {
    %c0_i32 = arith.constant 0 : i32
    %c0_i32_0 = arith.constant 0 : i32
    %c0_i32_1 = arith.constant 0 : i32
    return %c0_i32, %c0_i32_0 : i32, i32
  }
  func.func @transform_8(%arg0: i32) -> i32 {
    %c0_i32 = arith.constant 0 : i32
    %c0_i32_0 = arith.constant 0 : i32
    return %c0_i32 : i32
  }
  func.func @transform_9(%arg0: i32) -> (i32, i32) {
    %c0_i32 = arith.constant 0 : i32
    %c0_i32_0 = arith.constant 0 : i32
    %c0_i32_1 = arith.constant 0 : i32
    return %c0_i32, %c0_i32_0 : i32, i32
  }
  func.func @transform_10(%arg0: i32) -> i32 {
    %c0_i32 = arith.constant 0 : i32
    %c0_i32_0 = arith.constant 0 : i32
    return %c0_i32 : i32
  }
  func.func @transform_11(%arg0: i32) -> (i32, i32) {
    %c0_i32 = arith.constant 0 : i32
    %c0_i32_0 = arith.constant 0 : i32
    %c0_i32_1 = arith.constant 0 : i32
    return %c0_i32, %c0_i32_0 : i32, i32
  }
  func.func @transform_12(%arg0: i32) -> (i32, i32) {
    %c0_i32 = arith.constant 0 : i32
    %c0_i32_0 = arith.constant 0 : i32
    return %arg0, %c0_i32 : i32, i32
  }
}

</mosaic_0001>

<sc_bundles>
// kernel: kernel.5.cloned.1.call-start
scs
__scs_entry_jumppad:
0x0: {  	(pc) =	sbr.rel $0x88, $3  }
0x1: {  	(tag) =	ssettag $0x0;
	lr =	simm.s32 $0x1  }
0x2: {  	[smem:$0x3F8C] =	sst lr;
	_ =	strace $0xD0000000  }
0x3: {  	_ = 	snop  }
0x4: {  	_ = 	snop  }
0x5: {  	_ = 	snop  }
0x6: {  	_ = 	snop  }
0x7: {  	_ = 	snop  }
__scs_overlays_trampoline_lowered:
0x8: {  	[smem:$0x3F9B] =	sst s0  }
0x9: {  	[smem:$0x3F9C] =	sst s1  }
0xa: {  	[smem:$0x3F9D] =	sst s2  }
0xb: {  	[smem:$0x3F9E] =	sst s3  }
0xc: {  	[smem:$0x3F9F] =	sst s4  }
0xd: {  	[smem:$0x3FA0] =	sst s5  }
0xe: {  	[smem:$0x3FA1] =	sst s6  }
0xf: {  	[smem:$0x3FA2] =	sst s7  }
0x10: {  	[smem:$0x3FA3] =	sst s8  }
0x11: {  	[smem:$0x3FA4] =	sst s9;
	s0 =	simm.s32 @!p0 $0x0  }
0x12: {  	s1 =	sld [smem:$0x3F8A];
	s0 =	simm.s32 @p0 $0x1  }
0x13: {  	[smem:$0x3FA5] =	sst s0;
	s0 =	simm.s32 @!p1 $0x0  }
0x14: {  	s2 =	sld [smem:$0x3F89];
	s0 =	simm.s32 @p1 $0x1  }
0x15: {  	[smem:$0x3FA6] =	sst s0;
	s0 =	simm.s32 @!p2 $0x0  }
0x16: {  	s3 =	sld [smem:$0x3FDB];
	s0 =	simm.s32 @p2 $0x1  }
0x17: {  	s4 =	simm.s32 $0x1BF5;
	[smem:$0x3FA8] =	sst s0  }
0x18: {  	s0 =	sld [smem:$0x3F8B];
	_ =	swait.ge [sflag:s4], $0x0  }
0x19: {  	s7 =	sld [smem:$0x3F8C]  }
0x1a: {  	s8 =	sadd.s32 $0xFFFFE003, lr  }
0x1b: {  	s9 =	sadd.s32 $0xFFFFFEF7, lr;
	s5 =	simm.s32 $0xFFFFFFFF;
	p2 =	slt.u32 s8, $0xFFFFF086  }
0x1c: {  	p1 =	slt.u32 s9, $0xF7A;
	s5 =	simm.s32 @!p2 $0x0  }
0x1d: {  	s5 =	simm.s32 @p1 $0x1;
	p0 =	seq.s32 s7, s2  }
0x1e: {  	s7 =	smul.u32 @!p0 $0xF7A, s2;
	p2 =	seq.s32 @!p0 s5, $0x0  }
0x1f: {  	s9 =	smul.u32 $0xF7A, s1;
	s8 =	simm.s32 @!p0 $0x1BF5;
	p2 =	por !p2, p0  }
0x20: {  	[sflag:s8] =	ssyncset.s32 @!p0 $0xFFFFF086;
	s6 =	sadd.s32 @!p0 s3, s7;
	s7 =	simm.s32 @!p0 $0x108  }
0x21: {  	s3 =	sadd.s32 s3, s9;
	s6 =	sadd.s32 @!p0 $0x88, s6;
	s7 =	simm.s32 @p2 $0x1082  }
0x22: {  	[simem:s7], [sflag:s8] =	dma.local @!p0 [hbm:s6], $0xF7A  }
0x23: {  	s9 =	sor.u32 $0xD0000000, s2;
	s6 =	simm.s32 $0x108;
	_ =	swait.ge @!p0 [sflag:s8], $0x0  }
0x24: {  	s3 =	sadd.s32 $0x88, s3;
	s6 =	simm.s32 @!p1 $0x1082;
	[sflag:s4] =	ssyncset.s32 $0xFFFFF086  }
0x25: {  	[simem:s6], [sflag:s4] =	dma.local [hbm:s3], $0xF7A  }
0x26: {  	[smem:$0x3F8C] =	sst s1;
	(tag) =	ssettag s2;
	_ =	strace s9  }
0x27: {  	s1 =	sld [smem:$0x3F9C]  }
0x28: {  	s2 =	sld [smem:$0x3F9D]  }
0x29: {  	s4 =	sld [smem:$0x3F9F]  }
0x2a: {  	p0 =	seq.s32 s5, $0x0;
	s5 =	sld [smem:$0x3FA0]  }
0x2b: {  	s6 =	sld [smem:$0x3FA1]  }
0x2c: {  	s7 =	sld [smem:$0x3FA2]  }
0x2d: {  	s3 =	simm.s32 $0x108;
	s8 =	sld [smem:$0x3FA3]  }
0x2e: {  	s3 =	simm.s32 @!p0 $0x1082;
	s9 =	sld [smem:$0x3FA4]  }
0x2f: {  	lr =	sadd.s32 s0, s3;
	s0 =	sld [smem:$0x3F9B]  }
0x30: {  	s3 =	sld [smem:$0x3F9E]  }
0x31: {  	[smem:$0x3FA7] =	sst s10  }
0x32: {  	s10 =	sld [smem:$0x3FA5];
	_ =	sdelay $0x3  }
0x33: {  	p0 =	seq.s32 s10, $0x1;
	s10 =	sld [smem:$0x3FA7];
	_ =	sdelay $0x3  }
0x34: {  	[smem:$0x3FA7] =	sst s10  }
0x35: {  	s10 =	sld [smem:$0x3FA6];
	_ =	sdelay $0x3  }
0x36: {  	p1 =	seq.s32 s10, $0x1;
	s10 =	sld [smem:$0x3FA7];
	_ =	sdelay $0x3  }
0x37: {  	[smem:$0x3FA7] =	sst s10  }
0x38: {  	s10 =	sld [smem:$0x3FA8]  }
0x39: {  	_ = 	snop;
	(pc) =	sbr.ind lr, $3  }
0x3a: {  	_ = 	snop  }
0x3b: {  	_ = 	snop  }
0x3c: {  	p2 =	seq.s32 s10, $0x1;
	s10 =	sld [smem:$0x3FA7]  }
0x3d: {  	_ =	shalt  }
0x3e: {  	_ =	shalt  }
0x3f: {  	_ =	shalt  }
0x40: {  	_ =	shalt  }
0x41: {  	_ =	shalt  }
0x42: {  	_ =	shalt  }
0x43: {  	_ =	shalt  }
0x44: {  	_ =	shalt  }
0x45: {  	_ =	shalt  }
0x46: {  	_ =	shalt  }
0x47: {  	_ =	shalt  }
0x48: {  	_ =	shalt  }
0x49: {  	_ =	shalt  }
0x4a: {  	_ =	shalt  }
0x4b: {  	_ =	shalt  }
0x4c: {  	_ =	shalt  }
0x4d: {  	_ =	shalt  }
0x4e: {  	_ =	shalt  }
0x4f: {  	_ =	shalt  }
0x50: {  	_ =	shalt  }
0x51: {  	_ =	shalt  }
0x52: {  	_ =	shalt  }
0x53: {  	_ =	shalt  }
0x54: {  	_ =	shalt  }
0x55: {  	_ =	shalt  }
0x56: {  	_ =	shalt  }
0x57: {  	_ =	shalt  }
0x58: {  	_ =	shalt  }
0x59: {  	_ =	shalt  }
0x5a: {  	_ =	shalt  }
0x5b: {  	_ =	shalt  }
0x5c: {  	_ =	shalt  }
0x5d: {  	_ =	shalt  }
0x5e: {  	_ =	shalt  }
0x5f: {  	_ =	shalt  }
0x60: {  	_ =	shalt  }
0x61: {  	_ =	shalt  }
0x62: {  	_ =	shalt  }
0x63: {  	_ =	shalt  }
0x64: {  	_ =	shalt  }
0x65: {  	_ =	shalt  }
0x66: {  	_ =	shalt  }
0x67: {  	_ =	shalt  }
0x68: {  	_ =	shalt  }
0x69: {  	_ =	shalt  }
0x6a: {  	_ =	shalt  }
0x6b: {  	_ =	shalt  }
0x6c: {  	_ =	shalt  }
0x6d: {  	_ =	shalt  }
0x6e: {  	_ =	shalt  }
0x6f: {  	_ =	shalt  }
0x70: {  	_ =	shalt  }
0x71: {  	_ =	shalt  }
0x72: {  	_ =	shalt  }
0x73: {  	_ =	shalt  }
0x74: {  	_ =	shalt  }
0x75: {  	_ =	shalt  }
0x76: {  	_ =	shalt  }
0x77: {  	_ =	shalt  }
0x78: {  	_ =	shalt  }
0x79: {  	_ =	shalt  }
0x7a: {  	_ =	shalt  }
0x7b: {  	_ =	shalt  }
0x7c: {  	_ =	shalt  }
0x7d: {  	_ =	shalt  }
0x7e: {  	_ =	shalt  }
0x7f: {  	_ =	shalt  }
0x80: {  	_ =	shalt  }
0x81: {  	_ =	shalt  }
0x82: {  	_ =	shalt  }
0x83: {  	_ =	shalt  }
0x84: {  	_ =	shalt  }
0x85: {  	_ =	shalt  }
0x86: {  	_ =	shalt  }
0x87: {  	_ =	shalt  }
.Lfunc_end0:
.L_simem_size_0:
called_computation_lowered:
.L_overlay_start_0:
0x88: {  	s2 =	sld [smem:$0x3FD9]  }
0x89: {  	s3 =	sld [smem:$0x3FFE];
	_ =	sdelay $0x1  }
0x8a: {  	s1 =	srdreg.scid  }
0x8b: {  	s0 =	sand.u32 $0x1, s1  }
0x8c: {  	s17 =	sshll.u32 s0, $0xA;
	s2 =	sadd.s32 s3, s2  }
0x8d: {  	s2 =	sadd.s32 s2, s17  }
0x8e: {  	[smem:$0x3FB3] =	sst s2  }
0x8f: {  	_ = 	snop  }
0x90: {  	s2 =	sld [smem:$0x3FC9]  }
0x91: {  	s18 =	sld [smem:$0x3FC6]  }
0x92: {  	s4 =	sld [smem:$0x3FC3]  }
0x93: {  	s5 =	sld [smem:$0x3FC0];
	(tm) =	ssettm $0x1  }
0x94: {  	s6 =	sld [smem:$0x3FFB];
	_ =	sdelay $0x3  }
0x95: {  	_ =	strace s6  }
0x96: {  	s6 =	sld [smem:$0x3FFC];
	_ =	sdelay $0x3  }
0x97: {  	_ =	strace s6  }
0x98: {  	s6 =	sld [smem:$0x3FFD];
	_ =	sdelay $0x3  }
0x99: {  	_ =	strace s6  }
0x9a: {  	_ =	strace $0x8FFFFFFF  }
0x9b: {  	s19 =	sld [smem:$0x3FDB];
	_ =	sdelay $0x1  }
0x9c: {  	s7 =	simm.s32 $_scs_section_size  }
0x9d: {  	s8 =	simm.s32 $_size__tile_overlayer_lowered;
	s9 =	simm.s32 $_tile_overlayer_lowered  }
0x9e: {  	s22 =	simm.s32 $0x1BFF;
	s21 =	sshll.u32 s9, $0x1;
	s6 =	sadd.s32 s7, s19  }
0x9f: {  	s10 =	simm.s32 $0x0;
	s20 =	sshll.u32 s8, $0x1;
	s8 =	sadd.s32 s21, s6  }
0xa0: {  	[timem:s10], [sflag:s22] =	dma.local [hbm:s8], s20  }
0xa1: {  	_ =	swait.ge [sflag:s22], s20  }
0xa2: {  	s7 =	ssub.s32 $0x0, s20;
	[sflag:s22] =	ssyncset.done $0x0  }
0xa3: {  	[sflag:s22] =	ssyncadd.s32 s7;
	_ =	sdelay $0x1  }
0xa4: {  	s23 =	simm.s32 $0x1B8B  }
0xa5: {  	_ =	swait.ge [sflag:s23], $0x1  }
0xa6: {  	[sflag:s23] =	ssyncset.done $0x0  }
0xa7: {  	s25 =	simm.s32 $0x1B8E;
	s24 =	sld [smem:$0x3FFE];
	[sflag:s23] =	ssyncadd.s32 $0xFFFFFFFF  }
0xa8: {  	s26 =	simm.s32 $execute0_lowered;
	[smem:$0x3FD2] =	sst s25  }
0xa9: {  	s8 =	sshll.u32 s26, $0x1;
	_ =	strace $0x80000046;
	[dreg:$0x1] =	wrdreg $0xFFFFFFFF  }
0xaa: {  	s28 =	simm.s32 $_size_execute0_lowered;
	s6 =	sadd.s32 s6, s8;
	[dreg:$0x0] =	wrdreg $0x0  }
0xab: {  	s8 =	sshll.u32 s28, $0x1;
	[dreg:$0x2] =	wrdreg s6  }
0xac: {  	[dreg:$0x3] =	wrdreg s8  }
0xad: {  	[dreg:$0x4] =	wrdreg $0xC0  }
0xae: {  	_ =	task [dreg:s10], $0x5FFFF  }
0xaf: {  	[dreg:$0x1] =	wrdreg $0xFFFFFFFF  }
0xb0: {  	[dreg:$0x0] =	wrdreg $0x60  }
0xb1: {  	[dreg:$0x2] =	wrdreg s4  }
0xb2: {  	[dreg:$0x3] =	wrdreg s5  }
0xb3: {  	[dreg:$0x4] =	wrdreg s2  }
0xb4: {  	[dreg:$0x5] =	wrdreg s18  }
0xb5: {  	[dreg:$0x6] =	wrdreg s24  }
0xb6: {  	[dreg:$0x7] =	wrdreg $0x9  }
0xb7: {  	_ =	task.clear_ibuf [dreg:s10], $0x8FFFF;
	_ =	strace $0x90000046  }
0xb8: {  	s29 =	simm.s32 $0x9;
	_ =	strace $0x80000048  }
0xb9: {  	_ =	swait.ge [sflag:s29], $0x1  }
0xba: {  	[sflag:s29] =	ssyncadd.s32 $0xFFFFFFFF  }
0xbb: {  	_ =	strace $0x90000048  }
0xbc: {  	_ =	sfence  }
0xbd: {  	s30 =	sld [smem:$0x0];
	_ =	sdelay $0x2  }
0xbe: {  	s31 =	sshll.u32 s1, $0xD;
	s1 =	sshrl.u32 s1, $0x2  }
0xbf: {  	s3 =	sand.u32 $0x4000, s31;
	s1 =	sadd.s32 s1, s30  }
0xc0: {  	s0 =	sor.u32 s3, s0;
	s1 =	sshll.u32 s1, $0x11  }
0xc1: {  	s0 =	sor.u32 s1, s0  }
0xc2: {  	s0 =	sadd.s32 $0x8F2B, s0  }
0xc3: {  	[sflag:s0] =	ssyncadd.remote.s32 $0x1  }
0xc4: {  	_ =	sfence.sel $0xFFFF  }
0xc5: {  	[dreg:$0x0] =	wrdreg $0xFFFFFFFF;
	(pc) =	sbr.abs _section_cstart, $3  }
0xc6: {  	[dreg:$0x1] =	wrdreg $0xFFFFFFFF  }
0xc7: {  	_ =	task.clear_ibuf [dreg:s10], $0x2FFFF;
	_ =	strace $0x9FFFFFFF  }
0xc8: {  	(tm) =	ssettm $0x7FFFFFFF  }
0xc9: {  	_ =	shalt  }
tec
execute0_lowered:
.L_overlay_start_1:
0x0: {  	(tag) =	ssettag $0x1  }
0x1: {  	s1 =	rddreg [dreg:$0x0]  }
0x2: {  	s2 =	rddreg [dreg:$0x1]  }
0x3: {  	s0 =	rddreg [dreg:$0x2]  }
0x4: {  	s3 =	rddreg [dreg:$0x3]  }
0x5: {  	s4 =	rddreg [dreg:$0x4];
	s5 =	srdreg.scid  }
0x6: {  	s6 =	stileid.u32;
	s7 =	simm.s32 $0x0;
	s10 =	simm.s32 $0x2  }
0x7: {  	v0 =	vlaneseq.u32;
	s12 =	simm.s32 $0x400;
	s13 =	simm.s32 $0x7A1400;
	s14 =	simm.s32 $0x100  }
0x8: {  	s15 =	simm.s32 $0x1100;
	s16 =	simm.s32 $0x2100;
	s17 =	simm.s32 $0x3100;
	v0 =	vmul.u32 $0x1000, v0  }
0x9: {  	s18 =	simm.s32 $0x4100;
	s19 =	simm.s32 $0x5100;
	s20 =	simm.s32 $0x6100  }
0xa: {  	s28 =	simm.s32 $0xD100;
	s29 =	simm.s32 $0xE100;
	s30 =	simm.s32 $0xF100;
	v1 =	vor.u32 $0x80, v0  }
0xb: {  	s31 =	simm.s32 $0x1;
	s5 =	sand.u32 $0x1, s5;
	s6 =	sshll.u32 s6, $0x1;
	v2 =	vor.u32 $0x100, v0;
	v3 =	vor.u32 $0x180, v0;
	v4 =	vor.u32 $0x200, v0  }
0xc: {  	s11 =	simm.s32 $0x0;
	[smem:$0x7FF] =	sst s7;
	s6 =	sor.u32 s5, s6;
	v5 =	vor.u32 $0x280, v0;
	v6 =	vor.u32 $0x300, v0;
	v7 =	vor.u32 $0x380, v0  }
0xd: {  	s5 =	ssub.s32 $0x2, s5;
	s21 =	sshll.u32 s6, $0x7;
	s6 =	sshll.u32 s6, $0x4;
	v8 =	vor.u32 $0x400, v0;
	v9 =	vor.u32 $0x480, v0;
	v10 =	vor.u32 $0x500, v0  }
0xe: {  	_ =	strace $0x80000047;
	s22 =	sshrl.u32 s5, $0x1;
	v11 =	vor.u32 $0x580, v0;
	v12 =	vor.u32 $0x600, v0;
	v13 =	vor.u32 $0x680, v0;
	s0 =	sadd.s32 s0, s6  }
0xf: {  	v14 =	vor.u32 $0x700, v0;
	v15 =	vor.u32 $0x780, v0;
	v16 =	vor.u32 $0x800, v0;
	s4 =	sadd.s32 s21, s4;
	s23 =	sadd.s32 s3, s6;
	[dreg:$0x6] =	wrdreg s0  }
0x10: {  	v17 =	vor.u32 $0x880, v0;
	v18 =	vor.u32 $0x900, v0;
	v19 =	vor.u32 $0x980, v0;
	s5 =	ssub.s32 s5, s22;
	[dreg:$0x7] =	wrdreg s23;
	s24 =	sadd.s32 $0x2A00, s4  }
0x11: {  	v20 =	vor.u32 $0xA00, v0;
	v21 =	vor.u32 $0xA80, v0;
	v22 =	vor.u32 $0xB00, v0;
	s21 =	simm.s32 $0x7100;
	s25 =	sadd.s32 $0x6A00, s4;
	[dreg:$0x8] =	wrdreg s24  }
0x12: {  	v23 =	vor.u32 $0xB80, v0;
	v24 =	vor.u32 $0xC00, v0;
	v25 =	vor.u32 $0xC80, v0;
	s22 =	simm.s32 $0x8100;
	s26 =	smax.u32 s5, $0x1;
	[dreg:$0x9] =	wrdreg s25  }
0x13: {  	v26 =	vor.u32 $0xD00, v0;
	v27 =	vor.u32 $0xD80, v0;
	v28 =	vor.u32 $0xE00, v0;
	s3 =	simm.s32 $0x10100;
	s23 =	simm.s32 $0x9100;
	[dreg:$0xa] =	wrdreg s26  }
0x14: {  	v29 =	vor.u32 $0xE80, v0;
	v30 =	vor.u32 $0xF00, v0;
	v31 =	vor.u32 $0xF80, v0;
	s24 =	simm.s32 $0xA100;
	s25 =	simm.s32 $0xB100;
	s26 =	simm.s32 $0xC100  }
.LBB2_1:
0x15: {  	s0 =	simm.s32 $0x0;
	s4 =	rddreg [dreg:$0x6]  }
0x16: {  	[tilespmem:s0], [sflag:$0x2] =	stream.linear.gather [hbm4b:s4+s0], $0x80, $0x38;
	[tilespmem:$0x11100] =	vst v63  }
0x17: {  	_ =	swait.ge [sflag:s10], $0x80  }
0x18: {  	[sflag:s10] =	ssyncset.done $0x0  }
0x19: {  	s5 =	simm.s32 $0x80;
	s6 =	rddreg [dreg:$0x7];
	[sflag:s10] =	ssyncadd.s32 $0xFFFFFF80  }
0x1a: {  	[tilespmem:s5], [sflag:$0x2] =	stream.linear.gather [hbm4b:s6+s0], $0x80, $0x38;
	[tilespmem:$0x11100] =	vst v63  }
0x1b: {  	_ =	swait.ge [sflag:s10], $0x80  }
0x1c: {  	[sflag:s10] =	ssyncset.done $0x0  }
0x1d: {  	s4 =	simm.s32 $0x0;
	[sflag:s10] =	ssyncadd.s32 $0xFFFFFF80  }
0x1e: {  	v32 =	vld [tilespmem:s4+$0x0];
	_ =	sdelay $0x4  }
0x1f: {  	(v2sf) =	vpush v32, $0x0  }
0x20: {  	(v2sf) =	vpush v32, $0x1  }
0x21: {  	(v2sf) =	vpush v32, $0x2;
	_ =	sdelay $0x1  }
0x22: {  	(v2sf) =	vpush v32, $0x3;
	_ =	sdelay $0x1  }
0x23: {  	(v2sf) =	vpush v32, $0x4;
	_ =	sdelay $0x1  }
0x24: {  	(v2sf) =	vpush v32, $0x5;
	_ =	sdelay $0x1  }
0x25: {  	(v2sf) =	vpush v32, $0x6;
	_ =	sdelay $0x1  }
0x26: {  	(v2sf) =	vpush v32, $0x7;
	_ =	sdelay $0x1  }
0x27: {  	(v2sf) =	vpush v32, $0x8  }
0x28: {  	s7 =	spop (v2sf)  }
0x29: {  	s5 =	sand.u32 $0xFFFFF80, s7;
	s6 =	spop (v2sf);
	(v2sf) =	vpush v32, $0x9  }
0x2a: {  	s5 =	sadd.s32 s1, s5;
	s6 =	sand.u32 $0xFFFFF80, s6;
	s7 =	spop (v2sf)  }
0x2b: {  	(v2sf) =	vpush v32, $0xA;
	[tilespmem:s14], [sflag:$0x1] =	stream.strided.gather [hbm4b:s5+s12], $0x1000, s13, s12, $0x38;
	[tilespmem:$0x11100] =	vst v63  }
0x2c: {  	s8 =	sadd.s32 s1, s6;
	s9 =	sand.u32 $0xFFFFF80, s7;
	s0 =	spop (v2sf)  }
0x2d: {  	(v2sf) =	vpush v32, $0xB;
	[tilespmem:s15], [sflag:$0x1] =	stream.strided.gather [hbm4b:s8+s12], $0x1000, s13, s12, $0x38;
	[tilespmem:$0x11100] =	vst v63  }
0x2e: {  	s8 =	sadd.s32 s1, s9;
	s9 =	sand.u32 $0xFFFFF80, s0;
	s0 =	spop (v2sf)  }
0x2f: {  	(v2sf) =	vpush v32, $0xC;
	[tilespmem:s16], [sflag:$0x1] =	stream.strided.gather [hbm4b:s8+s12], $0x1000, s13, s12, $0x38;
	[tilespmem:$0x11100] =	vst v63  }
0x30: {  	s8 =	sadd.s32 s1, s9;
	s9 =	sand.u32 $0xFFFFF80, s0;
	s0 =	spop (v2sf)  }
0x31: {  	(v2sf) =	vpush v32, $0xD;
	[tilespmem:s17], [sflag:$0x1] =	stream.strided.gather [hbm4b:s8+s12], $0x1000, s13, s12, $0x38;
	[tilespmem:$0x11100] =	vst v63  }
0x32: {  	s8 =	sadd.s32 s1, s9;
	s9 =	sand.u32 $0xFFFFF80, s0;
	s0 =	spop (v2sf)  }
0x33: {  	(v2sf) =	vpush v32, $0xE;
	[tilespmem:s18], [sflag:$0x1] =	stream.strided.gather [hbm4b:s8+s12], $0x1000, s13, s12, $0x38;
	[tilespmem:$0x11100] =	vst v63  }
0x34: {  	s8 =	sadd.s32 s1, s9;
	s9 =	sand.u32 $0xFFFFF80, s0;
	s0 =	spop (v2sf)  }
0x35: {  	(v2sf) =	vpush v32, $0xF;
	[tilespmem:s19], [sflag:$0x1] =	stream.strided.gather [hbm4b:s8+s12], $0x1000, s13, s12, $0x38;
	[tilespmem:$0x11100] =	vst v63  }
0x36: {  	s8 =	sadd.s32 s1, s9;
	s9 =	sand.u32 $0xFFFFF80, s0;
	s0 =	spop (v2sf)  }
0x37: {  	[tilespmem:s20], [sflag:$0x1] =	stream.strided.gather [hbm4b:s8+s12], $0x1000, s13, s12, $0x38;
	[tilespmem:$0x11100] =	vst v63  }
0x38: {  	s8 =	sadd.s32 s1, s9;
	s9 =	sand.u32 $0xFFFFF80, s0;
	s0 =	spop (v2sf)  }
0x39: {  	[tilespmem:s21], [sflag:$0x1] =	stream.strided.gather [hbm4b:s8+s12], $0x1000, s13, s12, $0x38;
	[tilespmem:$0x11100] =	vst v63  }
0x3a: {  	s8 =	sadd.s32 s1, s9;
	s9 =	sand.u32 $0xFFFFF80, s0;
	s0 =	spop (v2sf)  }
0x3b: {  	[tilespmem:s22], [sflag:$0x1] =	stream.strided.gather [hbm4b:s8+s12], $0x1000, s13, s12, $0x38;
	[tilespmem:$0x11100] =	vst v63  }
0x3c: {  	s8 =	sadd.s32 s1, s9;
	s9 =	sand.u32 $0xFFFFF80, s0;
	s0 =	spop (v2sf)  }
0x3d: {  	[tilespmem:s23], [sflag:$0x1] =	stream.strided.gather [hbm4b:s8+s12], $0x1000, s13, s12, $0x38;
	[tilespmem:$0x11100] =	vst v63  }
0x3e: {  	s8 =	sadd.s32 s1, s9;
	s9 =	sand.u32 $0xFFFFF80, s0;
	s0 =	spop (v2sf)  }
0x3f: {  	[tilespmem:s24], [sflag:$0x1] =	stream.strided.gather [hbm4b:s8+s12], $0x1000, s13, s12, $0x38;
	[tilespmem:$0x11100] =	vst v63  }
0x40: {  	s8 =	sadd.s32 s1, s9;
	s9 =	sand.u32 $0xFFFFF80, s0;
	s0 =	spop (v2sf)  }
0x41: {  	[tilespmem:s25], [sflag:$0x1] =	stream.strided.gather [hbm4b:s8+s12], $0x1000, s13, s12, $0x38;
	[tilespmem:$0x11100] =	vst v63  }
0x42: {  	s8 =	sadd.s32 s1, s9;
	s9 =	sand.u32 $0xFFFFF80, s0;
	s0 =	spop (v2sf)  }
0x43: {  	[tilespmem:s26], [sflag:$0x1] =	stream.strided.gather [hbm4b:s8+s12], $0x1000, s13, s12, $0x38;
	[tilespmem:$0x11100] =	vst v63  }
0x44: {  	s8 =	sadd.s32 s1, s9;
	s9 =	sand.u32 $0xFFFFF80, s0;
	s0 =	spop (v2sf)  }
0x45: {  	[tilespmem:s28], [sflag:$0x1] =	stream.strided.gather [hbm4b:s8+s12], $0x1000, s13, s12, $0x38;
	[tilespmem:$0x11100] =	vst v63  }
0x46: {  	s6 =	sadd.s32 s1, s9;
	s7 =	sand.u32 $0xFFFFF80, s0  }
0x47: {  	[tilespmem:s29], [sflag:$0x1] =	stream.strided.gather [hbm4b:s6+s12], $0x1000, s13, s12, $0x38;
	[tilespmem:$0x11100] =	vst v63  }
0x48: {  	s8 =	sadd.s32 s1, s7  }
0x49: {  	[tilespmem:s30], [sflag:$0x1] =	stream.strided.gather [hbm4b:s8+s12], $0x1000, s13, s12, $0x38;
	[tilespmem:$0x11100] =	vst v63  }
0x4a: {  	_ =	swait.ge [sflag:s31], $0x1000  }
0x4b: {  	[sflag:s31] =	ssyncset.done $0x0  }
0x4c: {  	[sflag:s31] =	ssyncadd.s32 $0xFFFFF000  }
0x4d: {  	_ =	swait.ge [sflag:s31], $0x1000  }
0x4e: {  	[sflag:s31] =	ssyncset.done $0x0  }
0x4f: {  	[sflag:s31] =	ssyncadd.s32 $0xFFFFF000  }
0x50: {  	_ =	swait.ge [sflag:s31], $0x1000  }
0x51: {  	[sflag:s31] =	ssyncset.done $0x0  }
0x52: {  	[sflag:s31] =	ssyncadd.s32 $0xFFFFF000  }
0x53: {  	_ =	swait.ge [sflag:s31], $0x1000  }
0x54: {  	[sflag:s31] =	ssyncset.done $0x0  }
0x55: {  	[sflag:s31] =	ssyncadd.s32 $0xFFFFF000  }
0x56: {  	_ =	swait.ge [sflag:s31], $0x1000  }
0x57: {  	[sflag:s31] =	ssyncset.done $0x0  }
0x58: {  	[sflag:s31] =	ssyncadd.s32 $0xFFFFF000  }
0x59: {  	_ =	swait.ge [sflag:s31], $0x1000  }
0x5a: {  	[sflag:s31] =	ssyncset.done $0x0  }
0x5b: {  	[sflag:s31] =	ssyncadd.s32 $0xFFFFF000  }
0x5c: {  	_ =	swait.ge [sflag:s31], $0x1000  }
0x5d: {  	[sflag:s31] =	ssyncset.done $0x0  }
0x5e: {  	[sflag:s31] =	ssyncadd.s32 $0xFFFFF000  }
0x5f: {  	_ =	swait.ge [sflag:s31], $0x1000  }
0x60: {  	[sflag:s31] =	ssyncset.done $0x0  }
0x61: {  	[sflag:s31] =	ssyncadd.s32 $0xFFFFF000  }
0x62: {  	_ =	swait.ge [sflag:s31], $0x1000  }
0x63: {  	[sflag:s31] =	ssyncset.done $0x0  }
0x64: {  	[sflag:s31] =	ssyncadd.s32 $0xFFFFF000  }
0x65: {  	_ =	swait.ge [sflag:s31], $0x1000  }
0x66: {  	[sflag:s31] =	ssyncset.done $0x0  }
0x67: {  	[sflag:s31] =	ssyncadd.s32 $0xFFFFF000  }
0x68: {  	_ =	swait.ge [sflag:s31], $0x1000  }
0x69: {  	[sflag:s31] =	ssyncset.done $0x0  }
0x6a: {  	[sflag:s31] =	ssyncadd.s32 $0xFFFFF000  }
0x6b: {  	_ =	swait.ge [sflag:s31], $0x1000  }
0x6c: {  	[sflag:s31] =	ssyncset.done $0x0  }
0x6d: {  	[sflag:s31] =	ssyncadd.s32 $0xFFFFF000  }
0x6e: {  	_ =	swait.ge [sflag:s31], $0x1000  }
0x6f: {  	[sflag:s31] =	ssyncset.done $0x0  }
0x70: {  	[sflag:s31] =	ssyncadd.s32 $0xFFFFF000  }
0x71: {  	_ =	swait.ge [sflag:s31], $0x1000  }
0x72: {  	[sflag:s31] =	ssyncset.done $0x0  }
0x73: {  	[sflag:s31] =	ssyncadd.s32 $0xFFFFF000  }
0x74: {  	v32 =	vand.u32 $0x7F, v32;
	_ =	swait.ge [sflag:s31], $0x1000  }
0x75: {  	v33 =	vor.u32 v0, v32;
	[sflag:s31] =	ssyncset.done $0x0  }
0x76: {  	[sflag:s31] =	ssyncadd.s32 $0xFFFFF000  }
0x77: {  	_ =	swait.ge [sflag:s31], $0x1000  }
0x78: {  	[sflag:s31] =	ssyncset.done $0x0  }
0x79: {  	[sflag:s31] =	ssyncadd.s32 $0xFFFFF000  }
0x7a: {  	v33 =	vld.idx.msk [tilespmem:v33+s14+$0x0], $0xffff  }
0x7b: {  	v34 =	vor.u32 v1, v32;
	_ =	sdelay $0x3  }
0x7c: {  	[tilespmem:s4+$0x10100] =	vst v33  }
0x7d: {  	v33 =	vld.idx.msk [tilespmem:v34+s14+$0x0], $0xffff  }
0x7e: {  	v63 =	vor.u32 v2, v32;
	_ =	sdelay $0x3  }
0x7f: {  	[tilespmem:s4+$0x10180] =	vst v33  }
0x80: {  	v33 =	vld.idx.msk [tilespmem:v63+s14+$0x0], $0xffff  }
0x81: {  	v36 =	vor.u32 v3, v32;
	_ =	sdelay $0x3  }
0x82: {  	[tilespmem:s4+$0x10200] =	vst v33  }
0x83: {  	v33 =	vld.idx.msk [tilespmem:v36+s14+$0x0], $0xffff  }
0x84: {  	v37 =	vor.u32 v4, v32;
	_ =	sdelay $0x3  }
0x85: {  	[tilespmem:s4+$0x10280] =	vst v33  }
0x86: {  	v33 =	vld.idx.msk [tilespmem:v37+s14+$0x0], $0xffff  }
0x87: {  	v38 =	vor.u32 v5, v32;
	_ =	sdelay $0x3  }
0x88: {  	[tilespmem:s4+$0x10300] =	vst v33  }
0x89: {  	v33 =	vld.idx.msk [tilespmem:v38+s14+$0x0], $0xffff  }
0x8a: {  	v39 =	vor.u32 v6, v32;
	_ =	sdelay $0x3  }
0x8b: {  	[tilespmem:s4+$0x10380] =	vst v33  }
0x8c: {  	v33 =	vld.idx.msk [tilespmem:v39+s14+$0x0], $0xffff  }
0x8d: {  	v40 =	vor.u32 v7, v32;
	_ =	sdelay $0x3  }
0x8e: {  	[tilespmem:s4+$0x10400] =	vst v33  }
0x8f: {  	v33 =	vld.idx.msk [tilespmem:v40+s14+$0x0], $0xffff  }
0x90: {  	v41 =	vor.u32 v8, v32;
	_ =	sdelay $0x3  }
0x91: {  	[tilespmem:s4+$0x10480] =	vst v33  }
0x92: {  	v33 =	vld.idx.msk [tilespmem:v41+s14+$0x0], $0xffff  }
0x93: {  	v42 =	vor.u32 v9, v32;
	_ =	sdelay $0x3  }
0x94: {  	[tilespmem:s4+$0x10500] =	vst v33  }
0x95: {  	v33 =	vld.idx.msk [tilespmem:v42+s14+$0x0], $0xffff  }
0x96: {  	v43 =	vor.u32 v10, v32;
	_ =	sdelay $0x3  }
0x97: {  	[tilespmem:s4+$0x10580] =	vst v33  }
0x98: {  	v33 =	vld.idx.msk [tilespmem:v43+s14+$0x0], $0xffff  }
0x99: {  	v44 =	vor.u32 v11, v32;
	_ =	sdelay $0x3  }
0x9a: {  	[tilespmem:s4+$0x10600] =	vst v33  }
0x9b: {  	v33 =	vld.idx.msk [tilespmem:v44+s14+$0x0], $0xffff  }
0x9c: {  	v45 =	vor.u32 v12, v32;
	_ =	sdelay $0x3  }
0x9d: {  	[tilespmem:s4+$0x10680] =	vst v33  }
0x9e: {  	v33 =	vld.idx.msk [tilespmem:v45+s14+$0x0], $0xffff  }
0x9f: {  	v46 =	vor.u32 v13, v32;
	_ =	sdelay $0x3  }
0xa0: {  	[tilespmem:s4+$0x10700] =	vst v33  }
0xa1: {  	v33 =	vld.idx.msk [tilespmem:v46+s14+$0x0], $0xffff  }
0xa2: {  	v47 =	vor.u32 v14, v32;
	_ =	sdelay $0x3  }
0xa3: {  	[tilespmem:s4+$0x10780] =	vst v33  }
0xa4: {  	v33 =	vld.idx.msk [tilespmem:v47+s14+$0x0], $0xffff  }
0xa5: {  	v48 =	vor.u32 v15, v32;
	_ =	sdelay $0x3  }
0xa6: {  	[tilespmem:s4+$0x10800] =	vst v33  }
0xa7: {  	v33 =	vld.idx.msk [tilespmem:v48+s14+$0x0], $0xffff  }
0xa8: {  	v49 =	vor.u32 v16, v32;
	_ =	sdelay $0x3  }
0xa9: {  	[tilespmem:s4+$0x10880] =	vst v33  }
0xaa: {  	v33 =	vld.idx.msk [tilespmem:v49+s14+$0x0], $0xffff  }
0xab: {  	v50 =	vor.u32 v17, v32;
	_ =	sdelay $0x3  }
0xac: {  	[tilespmem:s4+$0x10900] =	vst v33  }
0xad: {  	v33 =	vld.idx.msk [tilespmem:v50+s14+$0x0], $0xffff  }
0xae: {  	v51 =	vor.u32 v18, v32;
	_ =	sdelay $0x3  }
0xaf: {  	[tilespmem:s4+$0x10980] =	vst v33  }
0xb0: {  	v33 =	vld.idx.msk [tilespmem:v51+s14+$0x0], $0xffff  }
0xb1: {  	v52 =	vor.u32 v19, v32;
	_ =	sdelay $0x3  }
0xb2: {  	[tilespmem:s4+$0x10A00] =	vst v33  }
0xb3: {  	v33 =	vld.idx.msk [tilespmem:v52+s14+$0x0], $0xffff  }
0xb4: {  	v53 =	vor.u32 v20, v32;
	_ =	sdelay $0x3  }
0xb5: {  	[tilespmem:s4+$0x10A80] =	vst v33  }
0xb6: {  	v33 =	vld.idx.msk [tilespmem:v53+s14+$0x0], $0xffff  }
0xb7: {  	v54 =	vor.u32 v21, v32;
	_ =	sdelay $0x3  }
0xb8: {  	[tilespmem:s4+$0x10B00] =	vst v33  }
0xb9: {  	v33 =	vld.idx.msk [tilespmem:v54+s14+$0x0], $0xffff  }
0xba: {  	v55 =	vor.u32 v22, v32;
	_ =	sdelay $0x3  }
0xbb: {  	[tilespmem:s4+$0x10B80] =	vst v33  }
0xbc: {  	v33 =	vld.idx.msk [tilespmem:v55+s14+$0x0], $0xffff  }
0xbd: {  	v56 =	vor.u32 v23, v32;
	_ =	sdelay $0x3  }
0xbe: {  	[tilespmem:s4+$0x10C00] =	vst v33  }
0xbf: {  	v33 =	vld.idx.msk [tilespmem:v56+s14+$0x0], $0xffff  }
0xc0: {  	v57 =	vor.u32 v24, v32;
	_ =	sdelay $0x3  }
0xc1: {  	[tilespmem:s4+$0x10C80] =	vst v33  }
0xc2: {  	v33 =	vld.idx.msk [tilespmem:v57+s14+$0x0], $0xffff  }
0xc3: {  	v58 =	vor.u32 v25, v32;
	_ =	sdelay $0x3  }
0xc4: {  	[tilespmem:s4+$0x10D00] =	vst v33  }
0xc5: {  	v33 =	vld.idx.msk [tilespmem:v58+s14+$0x0], $0xffff  }
0xc6: {  	v59 =	vor.u32 v26, v32;
	_ =	sdelay $0x3  }
0xc7: {  	[tilespmem:s4+$0x10D80] =	vst v33  }
0xc8: {  	v33 =	vld.idx.msk [tilespmem:v59+s14+$0x0], $0xffff  }
0xc9: {  	v60 =	vor.u32 v27, v32;
	_ =	sdelay $0x3  }
0xca: {  	[tilespmem:s4+$0x10E00] =	vst v33  }
0xcb: {  	v33 =	vld.idx.msk [tilespmem:v60+s14+$0x0], $0xffff;
	_ =	sdelay $0x1  }
0xcc: {  	v61 =	vor.u32 v28, v32;
	_ =	sdelay $0x2  }
0xcd: {  	s7 =	simm.s32 $0x10;
	[tilespmem:s4+$0x10E80] =	vst v33  }
0xce: {  	v33 =	vld [tilespmem:s7+$0x0]  }
0xcf: {  	v34 =	vld.idx.msk [tilespmem:v61+s14+$0x0], $0xffff  }
0xd0: {  	v35 =	vor.u32 v29, v32;
	_ =	sdelay $0x3  }
0xd1: {  	(v2sf) =	vpush v33, $0x0;
	[tilespmem:s4+$0x10F00] =	vst v34  }
0xd2: {  	(v2sf) =	vpush v33, $0x1;
	v34 =	vld.idx.msk [tilespmem:v35+s14+$0x0], $0xffff  }
0xd3: {  	v62 =	vor.u32 v30, v32  }
0xd4: {  	(v2sf) =	vpush v33, $0x2;
	_ =	sdelay $0x1  }
0xd5: {  	(v2sf) =	vpush v33, $0x3  }
0xd6: {  	[tilespmem:s4+$0x10F80] =	vst v34  }
0xd7: {  	(v2sf) =	vpush v33, $0x4;
	v34 =	vld.idx.msk [tilespmem:v62+s14+$0x0], $0xffff  }
0xd8: {  	v63 =	vor.u32 v31, v32  }
0xd9: {  	(v2sf) =	vpush v33, $0x5;
	_ =	sdelay $0x1  }
0xda: {  	(v2sf) =	vpush v33, $0x6  }
0xdb: {  	[tilespmem:s4+$0x11000] =	vst v34  }
0xdc: {  	(v2sf) =	vpush v33, $0x7;
	v34 =	vld.idx.msk [tilespmem:v63+s14+$0x0], $0xffff;
	_ =	sdelay $0x1  }
0xdd: {  	(v2sf) =	vpush v33, $0x8;
	s9 =	spop (v2sf)  }
0xde: {  	s6 =	simm.s32 $0x80;
	v32 =	vand.u32 $0x7F, v33;
	(v2sf) =	vpush v33, $0x9;
	s5 =	sand.u32 $0xFFFFF80, s9;
	s9 =	spop (v2sf)  }
.LBB2_2:
0xdf: {  	s8 =	sadd.s32 s1, s5;
	s9 =	sand.u32 $0xFFFFF80, s9  }
0xe0: {  	s0 =	spop (v2sf);
	[tilespmem:s4+$0x11080] =	vst v34;
	s5 =	smov.u32 s6;
	s4 =	smov.u32 s7  }
0xe1: {  	[tilespmem:s14], [sflag:$0x1] =	stream.strided.gather [hbm4b:s8+s12], $0x1000, s13, s12, $0x38;
	(v2sf) =	vpush v33, $0xA;
	[tilespmem:$0x11100] =	vst v63  }
0xe2: {  	s7 =	sadd.s32 s1, s9;
	s0 =	sand.u32 $0xFFFFF80, s0;
	s8 =	spop (v2sf)  }
0xe3: {  	[tilespmem:s15], [sflag:$0x1] =	stream.strided.gather [hbm4b:s7+s12], $0x1000, s13, s12, $0x38;
	(v2sf) =	vpush v33, $0xB;
	[tilespmem:$0x11100] =	vst v63  }
0xe4: {  	s0 =	sadd.s32 s1, s0;
	s7 =	sand.u32 $0xFFFFF80, s8;
	s8 =	spop (v2sf)  }
0xe5: {  	[tilespmem:s16], [sflag:$0x1] =	stream.strided.gather [hbm4b:s0+s12], $0x1000, s13, s12, $0x38;
	(v2sf) =	vpush v33, $0xC;
	[tilespmem:$0x11100] =	vst v63  }
0xe6: {  	s0 =	sadd.s32 s1, s7;
	s7 =	sand.u32 $0xFFFFF80, s8;
	s8 =	spop (v2sf)  }
0xe7: {  	[tilespmem:s17], [sflag:$0x1] =	stream.strided.gather [hbm4b:s0+s12], $0x1000, s13, s12, $0x38;
	(v2sf) =	vpush v33, $0xD;
	[tilespmem:$0x11100] =	vst v63  }
0xe8: {  	s0 =	sadd.s32 s1, s7;
	s7 =	sand.u32 $0xFFFFF80, s8;
	s8 =	spop (v2sf)  }
0xe9: {  	[tilespmem:s18], [sflag:$0x1] =	stream.strided.gather [hbm4b:s0+s12], $0x1000, s13, s12, $0x38;
	(v2sf) =	vpush v33, $0xE;
	[tilespmem:$0x11100] =	vst v63  }
0xea: {  	s0 =	sadd.s32 s1, s7;
	s7 =	sand.u32 $0xFFFFF80, s8;
	s8 =	spop (v2sf)  }
0xeb: {  	[tilespmem:s19], [sflag:$0x1] =	stream.strided.gather [hbm4b:s0+s12], $0x1000, s13, s12, $0x38;
	(v2sf) =	vpush v33, $0xF;
	[tilespmem:$0x11100] =	vst v63  }
0xec: {  	s0 =	sadd.s32 s1, s7;
	s7 =	sand.u32 $0xFFFFF80, s8;
	s8 =	spop (v2sf)  }
0xed: {  	[tilespmem:s20], [sflag:$0x1] =	stream.strided.gather [hbm4b:s0+s12], $0x1000, s13, s12, $0x38;
	[tilespmem:$0x11100] =	vst v63  }
0xee: {  	s0 =	sadd.s32 s1, s7;
	s7 =	sand.u32 $0xFFFFF80, s8;
	s8 =	spop (v2sf)  }
0xef: {  	[tilespmem:s21], [sflag:$0x1] =	stream.strided.gather [hbm4b:s0+s12], $0x1000, s13, s12, $0x38;
	[tilespmem:$0x11100] =	vst v63  }
0xf0: {  	s0 =	sadd.s32 s1, s7;
	s7 =	sand.u32 $0xFFFFF80, s8;
	s8 =	spop (v2sf)  }
0xf1: {  	[tilespmem:s22], [sflag:$0x1] =	stream.strided.gather [hbm4b:s0+s12], $0x1000, s13, s12, $0x38;
	[tilespmem:$0x11100] =	vst v63  }
0xf2: {  	s0 =	sadd.s32 s1, s7;
	s7 =	sand.u32 $0xFFFFF80, s8;
	s8 =	spop (v2sf)  }
0xf3: {  	[tilespmem:s23], [sflag:$0x1] =	stream.strided.gather [hbm4b:s0+s12], $0x1000, s13, s12, $0x38;
	[tilespmem:$0x11100] =	vst v63  }
0xf4: {  	s0 =	sadd.s32 s1, s7;
	s7 =	sand.u32 $0xFFFFF80, s8;
	s8 =	spop (v2sf)  }
0xf5: {  	[tilespmem:s24], [sflag:$0x1] =	stream.strided.gather [hbm4b:s0+s12], $0x1000, s13, s12, $0x38;
	[tilespmem:$0x11100] =	vst v63  }
0xf6: {  	s0 =	sadd.s32 s1, s7;
	s7 =	sand.u32 $0xFFFFF80, s8;
	s8 =	spop (v2sf)  }
0xf7: {  	[tilespmem:s25], [sflag:$0x1] =	stream.strided.gather [hbm4b:s0+s12], $0x1000, s13, s12, $0x38;
	[tilespmem:$0x11100] =	vst v63  }
0xf8: {  	s0 =	sadd.s32 s1, s7;
	s7 =	sand.u32 $0xFFFFF80, s8;
	s8 =	spop (v2sf)  }
0xf9: {  	[tilespmem:s26], [sflag:$0x1] =	stream.strided.gather [hbm4b:s0+s12], $0x1000, s13, s12, $0x38;
	[tilespmem:$0x11100] =	vst v63  }
0xfa: {  	s0 =	sadd.s32 s1, s7;
	s7 =	sand.u32 $0xFFFFF80, s8;
	s9 =	spop (v2sf)  }
0xfb: {  	[tilespmem:s28], [sflag:$0x1] =	stream.strided.gather [hbm4b:s0+s12], $0x1000, s13, s12, $0x38;
	[tilespmem:$0x11100] =	vst v63  }
0xfc: {  	s8 =	sadd.s32 $0x40, s6;
	s0 =	sadd.s32 s1, s7;
	s7 =	sand.u32 $0xFFFFF80, s9  }
0xfd: {  	[tilespmem:s29], [sflag:$0x1] =	stream.strided.gather [hbm4b:s0+s12], $0x1000, s13, s12, $0x38;
	[tilespmem:$0x11100] =	vst v63  }
0xfe: {  	p0 =	sne.s32 s6, $0x1C0;
	s0 =	sadd.s32 s1, s7  }
0xff: {  	[tilespmem:s30], [sflag:$0x1] =	stream.strided.gather [hbm4b:s0+s12], $0x1000, s13, s12, $0x38;
	[tilespmem:$0x11100] =	vst v63  }
0x100: {  	_ =	swait.ge [sflag:s31], $0x1000  }
0x101: {  	[sflag:s31] =	ssyncset.done $0x0  }
0x102: {  	[sflag:s31] =	ssyncadd.s32 $0xFFFFF000  }
0x103: {  	_ =	swait.ge [sflag:s31], $0x1000  }
0x104: {  	[sflag:s31] =	ssyncset.done $0x0  }
0x105: {  	[sflag:s31] =	ssyncadd.s32 $0xFFFFF000  }
0x106: {  	_ =	swait.ge [sflag:s31], $0x1000  }
0x107: {  	[sflag:s31] =	ssyncset.done $0x0  }
0x108: {  	[sflag:s31] =	ssyncadd.s32 $0xFFFFF000  }
0x109: {  	_ =	swait.ge [sflag:s31], $0x1000  }
0x10a: {  	[sflag:s31] =	ssyncset.done $0x0  }
0x10b: {  	[sflag:s31] =	ssyncadd.s32 $0xFFFFF000  }
0x10c: {  	_ =	swait.ge [sflag:s31], $0x1000  }
0x10d: {  	[sflag:s31] =	ssyncset.done $0x0  }
0x10e: {  	[sflag:s31] =	ssyncadd.s32 $0xFFFFF000  }
0x10f: {  	_ =	swait.ge [sflag:s31], $0x1000  }
0x110: {  	[sflag:s31] =	ssyncset.done $0x0  }
0x111: {  	[sflag:s31] =	ssyncadd.s32 $0xFFFFF000  }
0x112: {  	_ =	swait.ge [sflag:s31], $0x1000  }
0x113: {  	[sflag:s31] =	ssyncset.done $0x0  }
0x114: {  	[sflag:s31] =	ssyncadd.s32 $0xFFFFF000  }
0x115: {  	_ =	swait.ge [sflag:s31], $0x1000  }
0x116: {  	[sflag:s31] =	ssyncset.done $0x0  }
0x117: {  	[sflag:s31] =	ssyncadd.s32 $0xFFFFF000  }
0x118: {  	_ =	swait.ge [sflag:s31], $0x1000  }
0x119: {  	[sflag:s31] =	ssyncset.done $0x0  }
0x11a: {  	[sflag:s31] =	ssyncadd.s32 $0xFFFFF000  }
0x11b: {  	_ =	swait.ge [sflag:s31], $0x1000  }
0x11c: {  	[sflag:s31] =	ssyncset.done $0x0  }
0x11d: {  	[sflag:s31] =	ssyncadd.s32 $0xFFFFF000  }
0x11e: {  	_ =	swait.ge [sflag:s31], $0x1000  }
0x11f: {  	[sflag:s31] =	ssyncset.done $0x0  }
0x120: {  	[sflag:s31] =	ssyncadd.s32 $0xFFFFF000  }
0x121: {  	_ =	swait.ge [sflag:s31], $0x1000  }
0x122: {  	[sflag:s31] =	ssyncset.done $0x0  }
0x123: {  	[sflag:s31] =	ssyncadd.s32 $0xFFFFF000  }
0x124: {  	_ =	swait.ge [sflag:s31], $0x1000  }
0x125: {  	[sflag:s31] =	ssyncset.done $0x0  }
0x126: {  	[sflag:s31] =	ssyncadd.s32 $0xFFFFF000  }
0x127: {  	_ =	swait.ge [sflag:s31], $0x1000  }
0x128: {  	[sflag:s31] =	ssyncset.done $0x0  }
0x129: {  	[sflag:s31] =	ssyncadd.s32 $0xFFFFF000  }
0x12a: {  	_ =	swait.ge [sflag:s31], $0x1000  }
0x12b: {  	v33 =	vor.u32 v0, v32;
	[sflag:s31] =	ssyncset.done $0x0  }
0x12c: {  	[sflag:s31] =	ssyncadd.s32 $0xFFFFF000  }
0x12d: {  	_ =	swait.ge [sflag:s31], $0x1000  }
0x12e: {  	[sflag:s31] =	ssyncset.done $0x0  }
0x12f: {  	[sflag:s31] =	ssyncadd.s32 $0xFFFFF000  }
0x130: {  	v33 =	vld.idx.msk [tilespmem:v33+s14+$0x0], $0xffff;
	_ =	sdelay $0x1  }
0x131: {  	v34 =	vor.u32 v1, v32;
	_ =	sdelay $0x3  }
0x132: {  	[tilespmem:s4+$0x10100] =	vst v33  }
0x133: {  	v33 =	vld.idx.msk [tilespmem:v34+s14+$0x0], $0xffff;
	_ =	sdelay $0x1  }
0x134: {  	v34 =	vor.u32 v2, v32;
	_ =	sdelay $0x3  }
0x135: {  	[tilespmem:s4+$0x10180] =	vst v33  }
0x136: {  	v33 =	vld.idx.msk [tilespmem:v34+s14+$0x0], $0xffff;
	_ =	sdelay $0x1  }
0x137: {  	v34 =	vor.u32 v3, v32;
	_ =	sdelay $0x3  }
0x138: {  	[tilespmem:s4+$0x10200] =	vst v33  }
0x139: {  	v33 =	vld.idx.msk [tilespmem:v34+s14+$0x0], $0xffff;
	_ =	sdelay $0x1  }
0x13a: {  	v34 =	vor.u32 v4, v32;
	_ =	sdelay $0x3  }
0x13b: {  	[tilespmem:s4+$0x10280] =	vst v33  }
0x13c: {  	v33 =	vld.idx.msk [tilespmem:v34+s14+$0x0], $0xffff;
	_ =	sdelay $0x1  }
0x13d: {  	v34 =	vor.u32 v5, v32;
	_ =	sdelay $0x3  }
0x13e: {  	[tilespmem:s4+$0x10300] =	vst v33  }
0x13f: {  	v33 =	vld.idx.msk [tilespmem:v34+s14+$0x0], $0xffff;
	_ =	sdelay $0x1  }
0x140: {  	v34 =	vor.u32 v6, v32;
	_ =	sdelay $0x3  }
0x141: {  	[tilespmem:s4+$0x10380] =	vst v33  }
0x142: {  	v33 =	vld.idx.msk [tilespmem:v34+s14+$0x0], $0xffff;
	_ =	sdelay $0x1  }
0x143: {  	v34 =	vor.u32 v7, v32;
	_ =	sdelay $0x3  }
0x144: {  	[tilespmem:s4+$0x10400] =	vst v33  }
0x145: {  	v33 =	vld.idx.msk [tilespmem:v34+s14+$0x0], $0xffff;
	_ =	sdelay $0x1  }
0x146: {  	v34 =	vor.u32 v8, v32;
	_ =	sdelay $0x3  }
0x147: {  	[tilespmem:s4+$0x10480] =	vst v33  }
0x148: {  	v33 =	vld.idx.msk [tilespmem:v34+s14+$0x0], $0xffff;
	_ =	sdelay $0x1  }
0x149: {  	v34 =	vor.u32 v9, v32;
	_ =	sdelay $0x3  }
0x14a: {  	[tilespmem:s4+$0x10500] =	vst v33  }
0x14b: {  	v33 =	vld.idx.msk [tilespmem:v34+s14+$0x0], $0xffff;
	_ =	sdelay $0x1  }
0x14c: {  	v34 =	vor.u32 v10, v32;
	_ =	sdelay $0x3  }
0x14d: {  	[tilespmem:s4+$0x10580] =	vst v33  }
0x14e: {  	v33 =	vld.idx.msk [tilespmem:v34+s14+$0x0], $0xffff;
	_ =	sdelay $0x1  }
0x14f: {  	v34 =	vor.u32 v11, v32;
	_ =	sdelay $0x3  }
0x150: {  	[tilespmem:s4+$0x10600] =	vst v33  }
0x151: {  	v33 =	vld.idx.msk [tilespmem:v34+s14+$0x0], $0xffff;
	_ =	sdelay $0x1  }
0x152: {  	v34 =	vor.u32 v12, v32;
	_ =	sdelay $0x3  }
0x153: {  	[tilespmem:s4+$0x10680] =	vst v33  }
0x154: {  	v33 =	vld.idx.msk [tilespmem:v34+s14+$0x0], $0xffff;
	_ =	sdelay $0x1  }
0x155: {  	v34 =	vor.u32 v13, v32;
	_ =	sdelay $0x3  }
0x156: {  	[tilespmem:s4+$0x10700] =	vst v33  }
0x157: {  	v33 =	vld.idx.msk [tilespmem:v34+s14+$0x0], $0xffff;
	_ =	sdelay $0x1  }
0x158: {  	v34 =	vor.u32 v14, v32;
	_ =	sdelay $0x3  }
0x159: {  	[tilespmem:s4+$0x10780] =	vst v33  }
0x15a: {  	v33 =	vld.idx.msk [tilespmem:v34+s14+$0x0], $0xffff;
	_ =	sdelay $0x1  }
0x15b: {  	v34 =	vor.u32 v15, v32;
	_ =	sdelay $0x3  }
0x15c: {  	[tilespmem:s4+$0x10800] =	vst v33  }
0x15d: {  	v33 =	vld.idx.msk [tilespmem:v34+s14+$0x0], $0xffff;
	_ =	sdelay $0x1  }
0x15e: {  	v34 =	vor.u32 v16, v32;
	_ =	sdelay $0x3  }
0x15f: {  	[tilespmem:s4+$0x10880] =	vst v33  }
0x160: {  	v33 =	vld.idx.msk [tilespmem:v34+s14+$0x0], $0xffff;
	_ =	sdelay $0x1  }
0x161: {  	v34 =	vor.u32 v17, v32;
	_ =	sdelay $0x3  }
0x162: {  	[tilespmem:s4+$0x10900] =	vst v33  }
0x163: {  	v33 =	vld.idx.msk [tilespmem:v34+s14+$0x0], $0xffff;
	_ =	sdelay $0x1  }
0x164: {  	v34 =	vor.u32 v18, v32;
	_ =	sdelay $0x3  }
0x165: {  	[tilespmem:s4+$0x10980] =	vst v33  }
0x166: {  	v33 =	vld.idx.msk [tilespmem:v34+s14+$0x0], $0xffff;
	_ =	sdelay $0x1  }
0x167: {  	v34 =	vor.u32 v19, v32;
	_ =	sdelay $0x3  }
0x168: {  	[tilespmem:s4+$0x10A00] =	vst v33  }
0x169: {  	v33 =	vld.idx.msk [tilespmem:v34+s14+$0x0], $0xffff;
	_ =	sdelay $0x1  }
0x16a: {  	v34 =	vor.u32 v20, v32;
	_ =	sdelay $0x3  }
0x16b: {  	[tilespmem:s4+$0x10A80] =	vst v33  }
0x16c: {  	v33 =	vld.idx.msk [tilespmem:v34+s14+$0x0], $0xffff;
	_ =	sdelay $0x1  }
0x16d: {  	v34 =	vor.u32 v21, v32;
	_ =	sdelay $0x3  }
0x16e: {  	[tilespmem:s4+$0x10B00] =	vst v33  }
0x16f: {  	v33 =	vld.idx.msk [tilespmem:v34+s14+$0x0], $0xffff;
	_ =	sdelay $0x1  }
0x170: {  	v34 =	vor.u32 v22, v32;
	_ =	sdelay $0x3  }
0x171: {  	[tilespmem:s4+$0x10B80] =	vst v33  }
0x172: {  	v33 =	vld.idx.msk [tilespmem:v34+s14+$0x0], $0xffff;
	_ =	sdelay $0x1  }
0x173: {  	v34 =	vor.u32 v23, v32;
	_ =	sdelay $0x3  }
0x174: {  	[tilespmem:s4+$0x10C00] =	vst v33  }
0x175: {  	v33 =	vld.idx.msk [tilespmem:v34+s14+$0x0], $0xffff;
	_ =	sdelay $0x1  }
0x176: {  	v34 =	vor.u32 v24, v32;
	_ =	sdelay $0x3  }
0x177: {  	[tilespmem:s4+$0x10C80] =	vst v33  }
0x178: {  	v33 =	vld.idx.msk [tilespmem:v34+s14+$0x0], $0xffff;
	_ =	sdelay $0x1  }
0x179: {  	v34 =	vor.u32 v25, v32;
	_ =	sdelay $0x3  }
0x17a: {  	[tilespmem:s4+$0x10D00] =	vst v33  }
0x17b: {  	v33 =	vld.idx.msk [tilespmem:v34+s14+$0x0], $0xffff;
	_ =	sdelay $0x1  }
0x17c: {  	v34 =	vor.u32 v26, v32;
	_ =	sdelay $0x3  }
0x17d: {  	[tilespmem:s4+$0x10D80] =	vst v33  }
0x17e: {  	v33 =	vld.idx.msk [tilespmem:v34+s14+$0x0], $0xffff;
	_ =	sdelay $0x1  }
0x17f: {  	v34 =	vor.u32 v27, v32;
	_ =	sdelay $0x3  }
0x180: {  	[tilespmem:s4+$0x10E00] =	vst v33  }
0x181: {  	v33 =	vld.idx.msk [tilespmem:v34+s14+$0x0], $0xffff;
	_ =	sdelay $0x1  }
0x182: {  	v34 =	vor.u32 v28, v32;
	_ =	sdelay $0x3  }
0x183: {  	[tilespmem:s4+$0x10E80] =	vst v33  }
0x184: {  	v34 =	vld.idx.msk [tilespmem:v34+s14+$0x0], $0xffff;
	_ =	sdelay $0x1  }
0x185: {  	v35 =	vor.u32 v29, v32;
	_ =	sdelay $0x1  }
0x186: {  	s7 =	sshra.s32 s5, $0x2  }
0x187: {  	v33 =	vld [tilespmem:s7+$0x0]  }
0x188: {  	[tilespmem:s4+$0x10F00] =	vst v34  }
0x189: {  	v34 =	vld.idx.msk [tilespmem:v35+s14+$0x0], $0xffff;
	_ =	sdelay $0x1  }
0x18a: {  	v35 =	vor.u32 v30, v32  }
0x18b: {  	v36 =	vand.u32 $0x7F, v33;
	(v2sf) =	vpush v33, $0x0  }
0x18c: {  	(v2sf) =	vpush v33, $0x1  }
0x18d: {  	(v2sf) =	vpush v33, $0x2  }
0x18e: {  	[tilespmem:s4+$0x10F80] =	vst v34  }
0x18f: {  	(v2sf) =	vpush v33, $0x3;
	v34 =	vld.idx.msk [tilespmem:v35+s14+$0x0], $0xffff;
	_ =	sdelay $0x1  }
0x190: {  	v35 =	vor.u32 v31, v32;
	v32 =	vmov v36;
	(v2sf) =	vpush v33, $0x4;
	_ =	sdelay $0x1  }
0x191: {  	(v2sf) =	vpush v33, $0x5;
	_ =	sdelay $0x1  }
0x192: {  	(v2sf) =	vpush v33, $0x6;
	[tilespmem:s4+$0x11000] =	vst v34  }
0x193: {  	v34 =	vld.idx.msk [tilespmem:v35+s14+$0x0], $0xffff  }
.Ltmp0:
0x194: {  	(v2sf) =	vpush v33, $0x7;
	(pc) =	sbr.rel @p0 .LBB2_2-.Ltmp0, $4  }
0x195: {  	_ = 	snop  }
0x196: {  	(v2sf) =	vpush v33, $0x8  }
0x197: {  	s0 =	spop (v2sf)  }
0x198: {  	s6 =	smov.u32 s8;
	s5 =	sand.u32 $0xFFFFF80, s0;
	s9 =	spop (v2sf);
	(v2sf) =	vpush v33, $0x9  }
0x199: {  	s0 =	sadd.s32 s1, s5;
	s9 =	sand.u32 $0xFFFFF80, s9;
	s6 =	spop (v2sf);
	[tilespmem:s4+$0x11080] =	vst v34  }
0x19a: {  	(v2sf) =	vpush v33, $0xA;
	[tilespmem:s14], [sflag:$0x1] =	stream.strided.gather [hbm4b:s0+s12], $0x1000, s13, s12, $0x38;
	[tilespmem:$0x11100] =	vst v63  }
0x19b: {  	s5 =	sadd.s32 s1, s9;
	s8 =	sand.u32 $0xFFFFF80, s6;
	s9 =	spop (v2sf)  }
0x19c: {  	(v2sf) =	vpush v33, $0xB;
	[tilespmem:s15], [sflag:$0x1] =	stream.strided.gather [hbm4b:s5+s12], $0x1000, s13, s12, $0x38;
	[tilespmem:$0x11100] =	vst v63  }
0x19d: {  	s6 =	sadd.s32 s1, s8;
	s8 =	sand.u32 $0xFFFFF80, s9;
	s9 =	spop (v2sf)  }
0x19e: {  	(v2sf) =	vpush v33, $0xC;
	[tilespmem:s16], [sflag:$0x1] =	stream.strided.gather [hbm4b:s6+s12], $0x1000, s13, s12, $0x38;
	[tilespmem:$0x11100] =	vst v63  }
0x19f: {  	s6 =	sadd.s32 s1, s8;
	s8 =	sand.u32 $0xFFFFF80, s9;
	s9 =	spop (v2sf)  }
0x1a0: {  	(v2sf) =	vpush v33, $0xD;
	[tilespmem:s17], [sflag:$0x1] =	stream.strided.gather [hbm4b:s6+s12], $0x1000, s13, s12, $0x38;
	[tilespmem:$0x11100] =	vst v63  }
0x1a1: {  	s6 =	sadd.s32 s1, s8;
	s8 =	sand.u32 $0xFFFFF80, s9;
	s9 =	spop (v2sf)  }
0x1a2: {  	(v2sf) =	vpush v33, $0xE;
	[tilespmem:s18], [sflag:$0x1] =	stream.strided.gather [hbm4b:s6+s12], $0x1000, s13, s12, $0x38;
	[tilespmem:$0x11100] =	vst v63  }
0x1a3: {  	s6 =	sadd.s32 s1, s8;
	s8 =	sand.u32 $0xFFFFF80, s9;
	s9 =	spop (v2sf)  }
0x1a4: {  	(v2sf) =	vpush v33, $0xF;
	[tilespmem:s19], [sflag:$0x1] =	stream.strided.gather [hbm4b:s6+s12], $0x1000, s13, s12, $0x38;
	[tilespmem:$0x11100] =	vst v63  }
0x1a5: {  	s6 =	sadd.s32 s1, s8;
	s8 =	sand.u32 $0xFFFFF80, s9;
	s9 =	spop (v2sf)  }
0x1a6: {  	[tilespmem:s20], [sflag:$0x1] =	stream.strided.gather [hbm4b:s6+s12], $0x1000, s13, s12, $0x38;
	[tilespmem:$0x11100] =	vst v63  }
0x1a7: {  	s6 =	sadd.s32 s1, s8;
	s8 =	sand.u32 $0xFFFFF80, s9;
	s9 =	spop (v2sf)  }
0x1a8: {  	[tilespmem:s21], [sflag:$0x1] =	stream.strided.gather [hbm4b:s6+s12], $0x1000, s13, s12, $0x38;
	[tilespmem:$0x11100] =	vst v63  }
0x1a9: {  	s6 =	sadd.s32 s1, s8;
	s8 =	sand.u32 $0xFFFFF80, s9;
	s9 =	spop (v2sf)  }
0x1aa: {  	[tilespmem:s22], [sflag:$0x1] =	stream.strided.gather [hbm4b:s6+s12], $0x1000, s13, s12, $0x38;
	[tilespmem:$0x11100] =	vst v63  }
0x1ab: {  	s6 =	sadd.s32 s1, s8;
	s8 =	sand.u32 $0xFFFFF80, s9;
	s9 =	spop (v2sf)  }
0x1ac: {  	[tilespmem:s23], [sflag:$0x1] =	stream.strided.gather [hbm4b:s6+s12], $0x1000, s13, s12, $0x38;
	[tilespmem:$0x11100] =	vst v63  }
0x1ad: {  	s6 =	sadd.s32 s1, s8;
	s8 =	sand.u32 $0xFFFFF80, s9;
	s9 =	spop (v2sf)  }
0x1ae: {  	[tilespmem:s24], [sflag:$0x1] =	stream.strided.gather [hbm4b:s6+s12], $0x1000, s13, s12, $0x38;
	[tilespmem:$0x11100] =	vst v63  }
0x1af: {  	s6 =	sadd.s32 s1, s8;
	s8 =	sand.u32 $0xFFFFF80, s9;
	s9 =	spop (v2sf)  }
0x1b0: {  	[tilespmem:s25], [sflag:$0x1] =	stream.strided.gather [hbm4b:s6+s12], $0x1000, s13, s12, $0x38;
	[tilespmem:$0x11100] =	vst v63  }
0x1b1: {  	s6 =	sadd.s32 s1, s8;
	s8 =	sand.u32 $0xFFFFF80, s9;
	s9 =	spop (v2sf)  }
0x1b2: {  	[tilespmem:s26], [sflag:$0x1] =	stream.strided.gather [hbm4b:s6+s12], $0x1000, s13, s12, $0x38;
	[tilespmem:$0x11100] =	vst v63  }
0x1b3: {  	s4 =	sadd.s32 s1, s8;
	s5 =	sand.u32 $0xFFFFF80, s9;
	s6 =	spop (v2sf)  }
0x1b4: {  	[tilespmem:s28], [sflag:$0x1] =	stream.strided.gather [hbm4b:s4+s12], $0x1000, s13, s12, $0x38;
	[tilespmem:$0x11100] =	vst v63  }
0x1b5: {  	s8 =	sadd.s32 s1, s5;
	s9 =	sand.u32 $0xFFFFF80, s6  }
0x1b6: {  	[tilespmem:s29], [sflag:$0x1] =	stream.strided.gather [hbm4b:s8+s12], $0x1000, s13, s12, $0x38;
	[tilespmem:$0x11100] =	vst v63  }
0x1b7: {  	s4 =	sadd.s32 s1, s9  }
0x1b8: {  	[tilespmem:s30], [sflag:$0x1] =	stream.strided.gather [hbm4b:s4+s12], $0x1000, s13, s12, $0x38;
	[tilespmem:$0x11100] =	vst v63  }
0x1b9: {  	_ =	swait.ge [sflag:s31], $0x1000  }
0x1ba: {  	[sflag:s31] =	ssyncset.done $0x0  }
0x1bb: {  	[sflag:s31] =	ssyncadd.s32 $0xFFFFF000  }
0x1bc: {  	_ =	swait.ge [sflag:s31], $0x1000  }
0x1bd: {  	[sflag:s31] =	ssyncset.done $0x0  }
0x1be: {  	[sflag:s31] =	ssyncadd.s32 $0xFFFFF000  }
0x1bf: {  	_ =	swait.ge [sflag:s31], $0x1000  }
0x1c0: {  	[sflag:s31] =	ssyncset.done $0x0  }
0x1c1: {  	[sflag:s31] =	ssyncadd.s32 $0xFFFFF000  }
0x1c2: {  	_ =	swait.ge [sflag:s31], $0x1000  }
0x1c3: {  	[sflag:s31] =	ssyncset.done $0x0  }
0x1c4: {  	[sflag:s31] =	ssyncadd.s32 $0xFFFFF000  }
0x1c5: {  	_ =	swait.ge [sflag:s31], $0x1000  }
0x1c6: {  	[sflag:s31] =	ssyncset.done $0x0  }
0x1c7: {  	[sflag:s31] =	ssyncadd.s32 $0xFFFFF000  }
0x1c8: {  	_ =	swait.ge [sflag:s31], $0x1000  }
0x1c9: {  	[sflag:s31] =	ssyncset.done $0x0  }
0x1ca: {  	[sflag:s31] =	ssyncadd.s32 $0xFFFFF000  }
0x1cb: {  	_ =	swait.ge [sflag:s31], $0x1000  }
0x1cc: {  	[sflag:s31] =	ssyncset.done $0x0  }
0x1cd: {  	[sflag:s31] =	ssyncadd.s32 $0xFFFFF000  }
0x1ce: {  	_ =	swait.ge [sflag:s31], $0x1000  }
0x1cf: {  	[sflag:s31] =	ssyncset.done $0x0  }
0x1d0: {  	[sflag:s31] =	ssyncadd.s32 $0xFFFFF000  }
0x1d1: {  	_ =	swait.ge [sflag:s31], $0x1000  }
0x1d2: {  	[sflag:s31] =	ssyncset.done $0x0  }
0x1d3: {  	[sflag:s31] =	ssyncadd.s32 $0xFFFFF000  }
0x1d4: {  	_ =	swait.ge [sflag:s31], $0x1000  }
0x1d5: {  	[sflag:s31] =	ssyncset.done $0x0  }
0x1d6: {  	[sflag:s31] =	ssyncadd.s32 $0xFFFFF000  }
0x1d7: {  	_ =	swait.ge [sflag:s31], $0x1000  }
0x1d8: {  	[sflag:s31] =	ssyncset.done $0x0  }
0x1d9: {  	[sflag:s31] =	ssyncadd.s32 $0xFFFFF000  }
0x1da: {  	_ =	swait.ge [sflag:s31], $0x1000  }
0x1db: {  	[sflag:s31] =	ssyncset.done $0x0  }
0x1dc: {  	[sflag:s31] =	ssyncadd.s32 $0xFFFFF000  }
0x1dd: {  	_ =	swait.ge [sflag:s31], $0x1000  }
0x1de: {  	[sflag:s31] =	ssyncset.done $0x0  }
0x1df: {  	[sflag:s31] =	ssyncadd.s32 $0xFFFFF000  }
0x1e0: {  	_ =	swait.ge [sflag:s31], $0x1000  }
0x1e1: {  	[sflag:s31] =	ssyncset.done $0x0  }
0x1e2: {  	[sflag:s31] =	ssyncadd.s32 $0xFFFFF000  }
0x1e3: {  	_ =	swait.ge [sflag:s31], $0x1000  }
0x1e4: {  	v56 =	vor.u32 v0, v32;
	[sflag:s31] =	ssyncset.done $0x0  }
0x1e5: {  	[sflag:s31] =	ssyncadd.s32 $0xFFFFF000  }
0x1e6: {  	_ =	swait.ge [sflag:s31], $0x1000  }
0x1e7: {  	[sflag:s31] =	ssyncset.done $0x0  }
0x1e8: {  	[sflag:s31] =	ssyncadd.s32 $0xFFFFF000  }
0x1e9: {  	v33 =	vld.idx.msk [tilespmem:v56+s14+$0x0], $0xffff  }
0x1ea: {  	v57 =	vor.u32 v1, v32;
	_ =	sdelay $0x3  }
0x1eb: {  	[tilespmem:s7+$0x10100] =	vst v33  }
0x1ec: {  	v33 =	vld.idx.msk [tilespmem:v57+s14+$0x0], $0xffff  }
0x1ed: {  	v58 =	vor.u32 v2, v32;
	_ =	sdelay $0x3  }
0x1ee: {  	[tilespmem:s7+$0x10180] =	vst v33  }
0x1ef: {  	v33 =	vld.idx.msk [tilespmem:v58+s14+$0x0], $0xffff  }
0x1f0: {  	v59 =	vor.u32 v3, v32;
	_ =	sdelay $0x3  }
0x1f1: {  	[tilespmem:s7+$0x10200] =	vst v33  }
0x1f2: {  	v33 =	vld.idx.msk [tilespmem:v59+s14+$0x0], $0xffff  }
0x1f3: {  	v60 =	vor.u32 v4, v32;
	_ =	sdelay $0x3  }
0x1f4: {  	[tilespmem:s7+$0x10280] =	vst v33  }
0x1f5: {  	v33 =	vld.idx.msk [tilespmem:v60+s14+$0x0], $0xffff  }
0x1f6: {  	v61 =	vor.u32 v5, v32;
	_ =	sdelay $0x3  }
0x1f7: {  	[tilespmem:s7+$0x10300] =	vst v33  }
0x1f8: {  	v33 =	vld.idx.msk [tilespmem:v61+s14+$0x0], $0xffff  }
0x1f9: {  	v62 =	vor.u32 v6, v32;
	_ =	sdelay $0x3  }
0x1fa: {  	[tilespmem:s7+$0x10380] =	vst v33  }
0x1fb: {  	v33 =	vld.idx.msk [tilespmem:v62+s14+$0x0], $0xffff  }
0x1fc: {  	v63 =	vor.u32 v7, v32;
	_ =	sdelay $0x3  }
0x1fd: {  	[tilespmem:s7+$0x10400] =	vst v33  }
0x1fe: {  	v33 =	vld.idx.msk [tilespmem:v63+s14+$0x0], $0xffff  }
0x1ff: {  	v36 =	vor.u32 v8, v32;
	_ =	sdelay $0x3  }
0x200: {  	[tilespmem:s7+$0x10480] =	vst v33  }
0x201: {  	v33 =	vld.idx.msk [tilespmem:v36+s14+$0x0], $0xffff  }
0x202: {  	v37 =	vor.u32 v9, v32;
	_ =	sdelay $0x3  }
0x203: {  	[tilespmem:s7+$0x10500] =	vst v33  }
0x204: {  	v33 =	vld.idx.msk [tilespmem:v37+s14+$0x0], $0xffff  }
0x205: {  	v38 =	vor.u32 v10, v32;
	_ =	sdelay $0x3  }
0x206: {  	[tilespmem:s7+$0x10580] =	vst v33  }
0x207: {  	v33 =	vld.idx.msk [tilespmem:v38+s14+$0x0], $0xffff  }
0x208: {  	v39 =	vor.u32 v11, v32;
	_ =	sdelay $0x3  }
0x209: {  	[tilespmem:s7+$0x10600] =	vst v33  }
0x20a: {  	v33 =	vld.idx.msk [tilespmem:v39+s14+$0x0], $0xffff  }
0x20b: {  	v40 =	vor.u32 v12, v32;
	_ =	sdelay $0x3  }
0x20c: {  	[tilespmem:s7+$0x10680] =	vst v33  }
0x20d: {  	v33 =	vld.idx.msk [tilespmem:v40+s14+$0x0], $0xffff  }
0x20e: {  	v41 =	vor.u32 v13, v32;
	_ =	sdelay $0x3  }
0x20f: {  	[tilespmem:s7+$0x10700] =	vst v33  }
0x210: {  	v33 =	vld.idx.msk [tilespmem:v41+s14+$0x0], $0xffff  }
0x211: {  	v42 =	vor.u32 v14, v32;
	_ =	sdelay $0x3  }
0x212: {  	[tilespmem:s7+$0x10780] =	vst v33  }
0x213: {  	v33 =	vld.idx.msk [tilespmem:v42+s14+$0x0], $0xffff  }
0x214: {  	v43 =	vor.u32 v15, v32;
	_ =	sdelay $0x3  }
0x215: {  	[tilespmem:s7+$0x10800] =	vst v33  }
0x216: {  	v33 =	vld.idx.msk [tilespmem:v43+s14+$0x0], $0xffff  }
0x217: {  	v44 =	vor.u32 v16, v32;
	_ =	sdelay $0x3  }
0x218: {  	[tilespmem:s7+$0x10880] =	vst v33  }
0x219: {  	v33 =	vld.idx.msk [tilespmem:v44+s14+$0x0], $0xffff  }
0x21a: {  	v45 =	vor.u32 v17, v32;
	_ =	sdelay $0x3  }
0x21b: {  	[tilespmem:s7+$0x10900] =	vst v33  }
0x21c: {  	v33 =	vld.idx.msk [tilespmem:v45+s14+$0x0], $0xffff  }
0x21d: {  	v46 =	vor.u32 v18, v32;
	_ =	sdelay $0x3  }
0x21e: {  	[tilespmem:s7+$0x10980] =	vst v33  }
0x21f: {  	v33 =	vld.idx.msk [tilespmem:v46+s14+$0x0], $0xffff  }
0x220: {  	v47 =	vor.u32 v19, v32;
	_ =	sdelay $0x3  }
0x221: {  	[tilespmem:s7+$0x10A00] =	vst v33  }
0x222: {  	v33 =	vld.idx.msk [tilespmem:v47+s14+$0x0], $0xffff  }
0x223: {  	v48 =	vor.u32 v20, v32;
	_ =	sdelay $0x3  }
0x224: {  	[tilespmem:s7+$0x10A80] =	vst v33  }
0x225: {  	v33 =	vld.idx.msk [tilespmem:v48+s14+$0x0], $0xffff  }
0x226: {  	v49 =	vor.u32 v21, v32;
	_ =	sdelay $0x3  }
0x227: {  	[tilespmem:s7+$0x10B00] =	vst v33  }
0x228: {  	v33 =	vld.idx.msk [tilespmem:v49+s14+$0x0], $0xffff  }
0x229: {  	v50 =	vor.u32 v22, v32;
	_ =	sdelay $0x3  }
0x22a: {  	[tilespmem:s7+$0x10B80] =	vst v33  }
0x22b: {  	v33 =	vld.idx.msk [tilespmem:v50+s14+$0x0], $0xffff  }
0x22c: {  	v51 =	vor.u32 v23, v32;
	_ =	sdelay $0x3  }
0x22d: {  	[tilespmem:s7+$0x10C00] =	vst v33  }
0x22e: {  	v33 =	vld.idx.msk [tilespmem:v51+s14+$0x0], $0xffff  }
0x22f: {  	v52 =	vor.u32 v24, v32;
	_ =	sdelay $0x3  }
0x230: {  	[tilespmem:s7+$0x10C80] =	vst v33  }
0x231: {  	v33 =	vld.idx.msk [tilespmem:v52+s14+$0x0], $0xffff  }
0x232: {  	v53 =	vor.u32 v25, v32;
	_ =	sdelay $0x3  }
0x233: {  	[tilespmem:s7+$0x10D00] =	vst v33  }
0x234: {  	v33 =	vld.idx.msk [tilespmem:v53+s14+$0x0], $0xffff  }
0x235: {  	v54 =	vor.u32 v26, v32;
	_ =	sdelay $0x3  }
0x236: {  	[tilespmem:s7+$0x10D80] =	vst v33  }
0x237: {  	v33 =	vld.idx.msk [tilespmem:v54+s14+$0x0], $0xffff  }
0x238: {  	v55 =	vor.u32 v27, v32;
	_ =	sdelay $0x3  }
0x239: {  	[tilespmem:s7+$0x10E00] =	vst v33  }
0x23a: {  	v33 =	vld.idx.msk [tilespmem:v55+s14+$0x0], $0xffff  }
0x23b: {  	v56 =	vor.u32 v28, v32;
	_ =	sdelay $0x3  }
0x23c: {  	[tilespmem:s7+$0x10E80] =	vst v33  }
0x23d: {  	v33 =	vld.idx.msk [tilespmem:v56+s14+$0x0], $0xffff  }
0x23e: {  	v57 =	vor.u32 v29, v32;
	_ =	sdelay $0x3  }
0x23f: {  	[tilespmem:s7+$0x10F00] =	vst v33  }
0x240: {  	v33 =	vld.idx.msk [tilespmem:v57+s14+$0x0], $0xffff  }
0x241: {  	v58 =	vor.u32 v30, v32;
	_ =	sdelay $0x3  }
0x242: {  	[tilespmem:s7+$0x10F80] =	vst v33  }
0x243: {  	v33 =	vld.idx.msk [tilespmem:v58+s14+$0x0], $0xffff  }
0x244: {  	v59 =	vor.u32 v31, v32;
	_ =	sdelay $0x3  }
0x245: {  	[tilespmem:s7+$0x11000] =	vst v33  }
0x246: {  	v32 =	vld.idx.msk [tilespmem:v59+s14+$0x0], $0xffff;
	_ =	sdelay $0x4  }
0x247: {  	s6 =	simm.s32 $0x8000;
	s5 =	rddreg [dreg:$0x8];
	[tilespmem:s7+$0x11080] =	vst v32  }
0x248: {  	[hbm4b:s5+s12] =	stream.strided.scatter [tilespmem:s3], [sflag:$0x2], $0x1000, s6, s12, $0x38;
	[tilespmem:$0x11100] =	vst v63  }
0x249: {  	_ =	swait.ge [sflag:s10], $0x1000  }
0x24a: {  	[sflag:s10] =	ssyncset.done $0x0  }
0x24b: {  	s4 =	simm.s32 $0x0;
	[sflag:s10] =	ssyncadd.s32 $0xFFFFF000  }
0x24c: {  	v60 =	vld [tilespmem:s4+$0x80];
	_ =	sdelay $0x4  }
0x24d: {  	(v2sf) =	vpush v60, $0x0  }
0x24e: {  	(v2sf) =	vpush v60, $0x1  }
0x24f: {  	(v2sf) =	vpush v60, $0x2;
	_ =	sdelay $0x1  }
0x250: {  	(v2sf) =	vpush v60, $0x3;
	_ =	sdelay $0x1  }
0x251: {  	(v2sf) =	vpush v60, $0x4;
	_ =	sdelay $0x1  }
0x252: {  	(v2sf) =	vpush v60, $0x5;
	_ =	sdelay $0x1  }
0x253: {  	(v2sf) =	vpush v60, $0x6;
	_ =	sdelay $0x1  }
0x254: {  	(v2sf) =	vpush v60, $0x7;
	_ =	sdelay $0x1  }
0x255: {  	(v2sf) =	vpush v60, $0x8  }
0x256: {  	s7 =	spop (v2sf)  }
0x257: {  	s0 =	sand.u32 $0xFFFFF80, s7;
	s8 =	spop (v2sf);
	(v2sf) =	vpush v60, $0x9  }
0x258: {  	s0 =	sadd.s32 s2, s0;
	s5 =	sand.u32 $0xFFFFF80, s8;
	s9 =	spop (v2sf)  }
0x259: {  	(v2sf) =	vpush v60, $0xA;
	[tilespmem:s14], [sflag:$0x1] =	stream.strided.gather [hbm4b:s0+s12], $0x1000, s13, s12, $0x38;
	[tilespmem:$0x11100] =	vst v63  }
0x25a: {  	s7 =	sadd.s32 s2, s5;
	s8 =	sand.u32 $0xFFFFF80, s9;
	s9 =	spop (v2sf)  }
0x25b: {  	(v2sf) =	vpush v60, $0xB;
	[tilespmem:s15], [sflag:$0x1] =	stream.strided.gather [hbm4b:s7+s12], $0x1000, s13, s12, $0x38;
	[tilespmem:$0x11100] =	vst v63  }
0x25c: {  	s7 =	sadd.s32 s2, s8;
	s8 =	sand.u32 $0xFFFFF80, s9;
	s9 =	spop (v2sf)  }
0x25d: {  	(v2sf) =	vpush v60, $0xC;
	[tilespmem:s16], [sflag:$0x1] =	stream.strided.gather [hbm4b:s7+s12], $0x1000, s13, s12, $0x38;
	[tilespmem:$0x11100] =	vst v63  }
0x25e: {  	s7 =	sadd.s32 s2, s8;
	s8 =	sand.u32 $0xFFFFF80, s9;
	s9 =	spop (v2sf)  }
0x25f: {  	(v2sf) =	vpush v60, $0xD;
	[tilespmem:s17], [sflag:$0x1] =	stream.strided.gather [hbm4b:s7+s12], $0x1000, s13, s12, $0x38;
	[tilespmem:$0x11100] =	vst v63  }
0x260: {  	s7 =	sadd.s32 s2, s8;
	s8 =	sand.u32 $0xFFFFF80, s9;
	s9 =	spop (v2sf)  }
0x261: {  	(v2sf) =	vpush v60, $0xE;
	[tilespmem:s18], [sflag:$0x1] =	stream.strided.gather [hbm4b:s7+s12], $0x1000, s13, s12, $0x38;
	[tilespmem:$0x11100] =	vst v63  }
0x262: {  	s7 =	sadd.s32 s2, s8;
	s8 =	sand.u32 $0xFFFFF80, s9;
	s9 =	spop (v2sf)  }
0x263: {  	(v2sf) =	vpush v60, $0xF;
	[tilespmem:s19], [sflag:$0x1] =	stream.strided.gather [hbm4b:s7+s12], $0x1000, s13, s12, $0x38;
	[tilespmem:$0x11100] =	vst v63  }
0x264: {  	s7 =	sadd.s32 s2, s8;
	s8 =	sand.u32 $0xFFFFF80, s9;
	s9 =	spop (v2sf)  }
0x265: {  	[tilespmem:s20], [sflag:$0x1] =	stream.strided.gather [hbm4b:s7+s12], $0x1000, s13, s12, $0x38;
	[tilespmem:$0x11100] =	vst v63  }
0x266: {  	s7 =	sadd.s32 s2, s8;
	s8 =	sand.u32 $0xFFFFF80, s9;
	s9 =	spop (v2sf)  }
0x267: {  	[tilespmem:s21], [sflag:$0x1] =	stream.strided.gather [hbm4b:s7+s12], $0x1000, s13, s12, $0x38;
	[tilespmem:$0x11100] =	vst v63  }
0x268: {  	s7 =	sadd.s32 s2, s8;
	s8 =	sand.u32 $0xFFFFF80, s9;
	s9 =	spop (v2sf)  }
0x269: {  	[tilespmem:s22], [sflag:$0x1] =	stream.strided.gather [hbm4b:s7+s12], $0x1000, s13, s12, $0x38;
	[tilespmem:$0x11100] =	vst v63  }
0x26a: {  	s7 =	sadd.s32 s2, s8;
	s8 =	sand.u32 $0xFFFFF80, s9;
	s9 =	spop (v2sf)  }
0x26b: {  	[tilespmem:s23], [sflag:$0x1] =	stream.strided.gather [hbm4b:s7+s12], $0x1000, s13, s12, $0x38;
	[tilespmem:$0x11100] =	vst v63  }
0x26c: {  	s7 =	sadd.s32 s2, s8;
	s8 =	sand.u32 $0xFFFFF80, s9;
	s9 =	spop (v2sf)  }
0x26d: {  	[tilespmem:s24], [sflag:$0x1] =	stream.strided.gather [hbm4b:s7+s12], $0x1000, s13, s12, $0x38;
	[tilespmem:$0x11100] =	vst v63  }
0x26e: {  	s7 =	sadd.s32 s2, s8;
	s8 =	sand.u32 $0xFFFFF80, s9;
	s9 =	spop (v2sf)  }
0x26f: {  	[tilespmem:s25], [sflag:$0x1] =	stream.strided.gather [hbm4b:s7+s12], $0x1000, s13, s12, $0x38;
	[tilespmem:$0x11100] =	vst v63  }
0x270: {  	s7 =	sadd.s32 s2, s8;
	s8 =	sand.u32 $0xFFFFF80, s9;
	s9 =	spop (v2sf)  }
0x271: {  	[tilespmem:s26], [sflag:$0x1] =	stream.strided.gather [hbm4b:s7+s12], $0x1000, s13, s12, $0x38;
	[tilespmem:$0x11100] =	vst v63  }
0x272: {  	s7 =	sadd.s32 s2, s8;
	s8 =	sand.u32 $0xFFFFF80, s9;
	s9 =	spop (v2sf)  }
0x273: {  	[tilespmem:s28], [sflag:$0x1] =	stream.strided.gather [hbm4b:s7+s12], $0x1000, s13, s12, $0x38;
	[tilespmem:$0x11100] =	vst v63  }
0x274: {  	s5 =	sadd.s32 s2, s8;
	s7 =	sand.u32 $0xFFFFF80, s9  }
0x275: {  	[tilespmem:s29], [sflag:$0x1] =	stream.strided.gather [hbm4b:s5+s12], $0x1000, s13, s12, $0x38;
	[tilespmem:$0x11100] =	vst v63  }
0x276: {  	s8 =	sadd.s32 s2, s7  }
0x277: {  	[tilespmem:s30], [sflag:$0x1] =	stream.strided.gather [hbm4b:s8+s12], $0x1000, s13, s12, $0x38;
	[tilespmem:$0x11100] =	vst v63  }
0x278: {  	_ =	swait.ge [sflag:s31], $0x1000  }
0x279: {  	[sflag:s31] =	ssyncset.done $0x0  }
0x27a: {  	[sflag:s31] =	ssyncadd.s32 $0xFFFFF000  }
0x27b: {  	_ =	swait.ge [sflag:s31], $0x1000  }
0x27c: {  	[sflag:s31] =	ssyncset.done $0x0  }
0x27d: {  	[sflag:s31] =	ssyncadd.s32 $0xFFFFF000  }
0x27e: {  	_ =	swait.ge [sflag:s31], $0x1000  }
0x27f: {  	[sflag:s31] =	ssyncset.done $0x0  }
0x280: {  	[sflag:s31] =	ssyncadd.s32 $0xFFFFF000  }
0x281: {  	_ =	swait.ge [sflag:s31], $0x1000  }
0x282: {  	[sflag:s31] =	ssyncset.done $0x0  }
0x283: {  	[sflag:s31] =	ssyncadd.s32 $0xFFFFF000  }
0x284: {  	_ =	swait.ge [sflag:s31], $0x1000  }
0x285: {  	[sflag:s31] =	ssyncset.done $0x0  }
0x286: {  	[sflag:s31] =	ssyncadd.s32 $0xFFFFF000  }
0x287: {  	_ =	swait.ge [sflag:s31], $0x1000  }
0x288: {  	[sflag:s31] =	ssyncset.done $0x0  }
0x289: {  	[sflag:s31] =	ssyncadd.s32 $0xFFFFF000  }
0x28a: {  	_ =	swait.ge [sflag:s31], $0x1000  }
0x28b: {  	[sflag:s31] =	ssyncset.done $0x0  }
0x28c: {  	[sflag:s31] =	ssyncadd.s32 $0xFFFFF000  }
0x28d: {  	_ =	swait.ge [sflag:s31], $0x1000  }
0x28e: {  	[sflag:s31] =	ssyncset.done $0x0  }
0x28f: {  	[sflag:s31] =	ssyncadd.s32 $0xFFFFF000  }
0x290: {  	_ =	swait.ge [sflag:s31], $0x1000  }
0x291: {  	[sflag:s31] =	ssyncset.done $0x0  }
0x292: {  	[sflag:s31] =	ssyncadd.s32 $0xFFFFF000  }
0x293: {  	_ =	swait.ge [sflag:s31], $0x1000  }
0x294: {  	[sflag:s31] =	ssyncset.done $0x0  }
0x295: {  	[sflag:s31] =	ssyncadd.s32 $0xFFFFF000  }
0x296: {  	_ =	swait.ge [sflag:s31], $0x1000  }
0x297: {  	[sflag:s31] =	ssyncset.done $0x0  }
0x298: {  	[sflag:s31] =	ssyncadd.s32 $0xFFFFF000  }
0x299: {  	_ =	swait.ge [sflag:s31], $0x1000  }
0x29a: {  	[sflag:s31] =	ssyncset.done $0x0  }
0x29b: {  	[sflag:s31] =	ssyncadd.s32 $0xFFFFF000  }
0x29c: {  	_ =	swait.ge [sflag:s31], $0x1000  }
0x29d: {  	[sflag:s31] =	ssyncset.done $0x0  }
0x29e: {  	[sflag:s31] =	ssyncadd.s32 $0xFFFFF000  }
0x29f: {  	_ =	swait.ge [sflag:s31], $0x1000  }
0x2a0: {  	[sflag:s31] =	ssyncset.done $0x0  }
0x2a1: {  	[sflag:s31] =	ssyncadd.s32 $0xFFFFF000  }
0x2a2: {  	v32 =	vand.u32 $0x7F, v60;
	_ =	swait.ge [sflag:s31], $0x1000  }
0x2a3: {  	v61 =	vor.u32 v0, v32;
	[sflag:s31] =	ssyncset.done $0x0  }
0x2a4: {  	[sflag:s31] =	ssyncadd.s32 $0xFFFFF000  }
0x2a5: {  	_ =	swait.ge [sflag:s31], $0x1000  }
0x2a6: {  	[sflag:s31] =	ssyncset.done $0x0  }
0x2a7: {  	[sflag:s31] =	ssyncadd.s32 $0xFFFFF000  }
0x2a8: {  	v33 =	vld.idx.msk [tilespmem:v61+s14+$0x0], $0xffff  }
0x2a9: {  	v62 =	vor.u32 v1, v32;
	_ =	sdelay $0x3  }
0x2aa: {  	[tilespmem:s4+$0x10100] =	vst v33  }
0x2ab: {  	v33 =	vld.idx.msk [tilespmem:v62+s14+$0x0], $0xffff  }
0x2ac: {  	v63 =	vor.u32 v2, v32;
	_ =	sdelay $0x3  }
0x2ad: {  	[tilespmem:s4+$0x10180] =	vst v33  }
0x2ae: {  	v33 =	vld.idx.msk [tilespmem:v63+s14+$0x0], $0xffff  }
0x2af: {  	v36 =	vor.u32 v3, v32;
	_ =	sdelay $0x3  }
0x2b0: {  	[tilespmem:s4+$0x10200] =	vst v33  }
0x2b1: {  	v33 =	vld.idx.msk [tilespmem:v36+s14+$0x0], $0xffff  }
0x2b2: {  	v37 =	vor.u32 v4, v32;
	_ =	sdelay $0x3  }
0x2b3: {  	[tilespmem:s4+$0x10280] =	vst v33  }
0x2b4: {  	v33 =	vld.idx.msk [tilespmem:v37+s14+$0x0], $0xffff  }
0x2b5: {  	v38 =	vor.u32 v5, v32;
	_ =	sdelay $0x3  }
0x2b6: {  	[tilespmem:s4+$0x10300] =	vst v33  }
0x2b7: {  	v33 =	vld.idx.msk [tilespmem:v38+s14+$0x0], $0xffff  }
0x2b8: {  	v39 =	vor.u32 v6, v32;
	_ =	sdelay $0x3  }
0x2b9: {  	[tilespmem:s4+$0x10380] =	vst v33  }
0x2ba: {  	v33 =	vld.idx.msk [tilespmem:v39+s14+$0x0], $0xffff  }
0x2bb: {  	v40 =	vor.u32 v7, v32;
	_ =	sdelay $0x3  }
0x2bc: {  	[tilespmem:s4+$0x10400] =	vst v33  }
0x2bd: {  	v33 =	vld.idx.msk [tilespmem:v40+s14+$0x0], $0xffff  }
0x2be: {  	v41 =	vor.u32 v8, v32;
	_ =	sdelay $0x3  }
0x2bf: {  	[tilespmem:s4+$0x10480] =	vst v33  }
0x2c0: {  	v33 =	vld.idx.msk [tilespmem:v41+s14+$0x0], $0xffff  }
0x2c1: {  	v42 =	vor.u32 v9, v32;
	_ =	sdelay $0x3  }
0x2c2: {  	[tilespmem:s4+$0x10500] =	vst v33  }
0x2c3: {  	v33 =	vld.idx.msk [tilespmem:v42+s14+$0x0], $0xffff  }
0x2c4: {  	v43 =	vor.u32 v10, v32;
	_ =	sdelay $0x3  }
0x2c5: {  	[tilespmem:s4+$0x10580] =	vst v33  }
0x2c6: {  	v33 =	vld.idx.msk [tilespmem:v43+s14+$0x0], $0xffff  }
0x2c7: {  	v44 =	vor.u32 v11, v32;
	_ =	sdelay $0x3  }
0x2c8: {  	[tilespmem:s4+$0x10600] =	vst v33  }
0x2c9: {  	v33 =	vld.idx.msk [tilespmem:v44+s14+$0x0], $0xffff  }
0x2ca: {  	v45 =	vor.u32 v12, v32;
	_ =	sdelay $0x3  }
0x2cb: {  	[tilespmem:s4+$0x10680] =	vst v33  }
0x2cc: {  	v33 =	vld.idx.msk [tilespmem:v45+s14+$0x0], $0xffff  }
0x2cd: {  	v46 =	vor.u32 v13, v32;
	_ =	sdelay $0x3  }
0x2ce: {  	[tilespmem:s4+$0x10700] =	vst v33  }
0x2cf: {  	v33 =	vld.idx.msk [tilespmem:v46+s14+$0x0], $0xffff  }
0x2d0: {  	v47 =	vor.u32 v14, v32;
	_ =	sdelay $0x3  }
0x2d1: {  	[tilespmem:s4+$0x10780] =	vst v33  }
0x2d2: {  	v33 =	vld.idx.msk [tilespmem:v47+s14+$0x0], $0xffff  }
0x2d3: {  	v48 =	vor.u32 v15, v32;
	_ =	sdelay $0x3  }
0x2d4: {  	[tilespmem:s4+$0x10800] =	vst v33  }
0x2d5: {  	v33 =	vld.idx.msk [tilespmem:v48+s14+$0x0], $0xffff  }
0x2d6: {  	v49 =	vor.u32 v16, v32;
	_ =	sdelay $0x3  }
0x2d7: {  	[tilespmem:s4+$0x10880] =	vst v33  }
0x2d8: {  	v33 =	vld.idx.msk [tilespmem:v49+s14+$0x0], $0xffff  }
0x2d9: {  	v50 =	vor.u32 v17, v32;
	_ =	sdelay $0x3  }
0x2da: {  	[tilespmem:s4+$0x10900] =	vst v33  }
0x2db: {  	v33 =	vld.idx.msk [tilespmem:v50+s14+$0x0], $0xffff  }
0x2dc: {  	v51 =	vor.u32 v18, v32;
	_ =	sdelay $0x3  }
0x2dd: {  	[tilespmem:s4+$0x10980] =	vst v33  }
0x2de: {  	v33 =	vld.idx.msk [tilespmem:v51+s14+$0x0], $0xffff  }
0x2df: {  	v52 =	vor.u32 v19, v32;
	_ =	sdelay $0x3  }
0x2e0: {  	[tilespmem:s4+$0x10A00] =	vst v33  }
0x2e1: {  	v33 =	vld.idx.msk [tilespmem:v52+s14+$0x0], $0xffff  }
0x2e2: {  	v53 =	vor.u32 v20, v32;
	_ =	sdelay $0x3  }
0x2e3: {  	[tilespmem:s4+$0x10A80] =	vst v33  }
0x2e4: {  	v33 =	vld.idx.msk [tilespmem:v53+s14+$0x0], $0xffff  }
0x2e5: {  	v54 =	vor.u32 v21, v32;
	_ =	sdelay $0x3  }
0x2e6: {  	[tilespmem:s4+$0x10B00] =	vst v33  }
0x2e7: {  	v33 =	vld.idx.msk [tilespmem:v54+s14+$0x0], $0xffff  }
0x2e8: {  	v55 =	vor.u32 v22, v32;
	_ =	sdelay $0x3  }
0x2e9: {  	[tilespmem:s4+$0x10B80] =	vst v33  }
0x2ea: {  	v33 =	vld.idx.msk [tilespmem:v55+s14+$0x0], $0xffff  }
0x2eb: {  	v56 =	vor.u32 v23, v32;
	_ =	sdelay $0x3  }
0x2ec: {  	[tilespmem:s4+$0x10C00] =	vst v33  }
0x2ed: {  	v33 =	vld.idx.msk [tilespmem:v56+s14+$0x0], $0xffff  }
0x2ee: {  	v57 =	vor.u32 v24, v32;
	_ =	sdelay $0x3  }
0x2ef: {  	[tilespmem:s4+$0x10C80] =	vst v33  }
0x2f0: {  	v33 =	vld.idx.msk [tilespmem:v57+s14+$0x0], $0xffff  }
0x2f1: {  	v58 =	vor.u32 v25, v32;
	_ =	sdelay $0x3  }
0x2f2: {  	[tilespmem:s4+$0x10D00] =	vst v33  }
0x2f3: {  	v33 =	vld.idx.msk [tilespmem:v58+s14+$0x0], $0xffff  }
0x2f4: {  	v59 =	vor.u32 v26, v32;
	_ =	sdelay $0x3  }
0x2f5: {  	[tilespmem:s4+$0x10D80] =	vst v33  }
0x2f6: {  	v33 =	vld.idx.msk [tilespmem:v59+s14+$0x0], $0xffff  }
0x2f7: {  	v60 =	vor.u32 v27, v32;
	_ =	sdelay $0x3  }
0x2f8: {  	[tilespmem:s4+$0x10E00] =	vst v33  }
0x2f9: {  	v33 =	vld.idx.msk [tilespmem:v60+s14+$0x0], $0xffff;
	_ =	sdelay $0x1  }
0x2fa: {  	v61 =	vor.u32 v28, v32;
	_ =	sdelay $0x2  }
0x2fb: {  	s7 =	simm.s32 $0x10;
	[tilespmem:s4+$0x10E80] =	vst v33  }
0x2fc: {  	v33 =	vld [tilespmem:s7+$0x80]  }
0x2fd: {  	v34 =	vld.idx.msk [tilespmem:v61+s14+$0x0], $0xffff  }
0x2fe: {  	v35 =	vor.u32 v29, v32;
	_ =	sdelay $0x3  }
0x2ff: {  	(v2sf) =	vpush v33, $0x0;
	[tilespmem:s4+$0x10F00] =	vst v34  }
0x300: {  	(v2sf) =	vpush v33, $0x1;
	v34 =	vld.idx.msk [tilespmem:v35+s14+$0x0], $0xffff  }
0x301: {  	v62 =	vor.u32 v30, v32  }
0x302: {  	(v2sf) =	vpush v33, $0x2;
	_ =	sdelay $0x1  }
0x303: {  	(v2sf) =	vpush v33, $0x3  }
0x304: {  	[tilespmem:s4+$0x10F80] =	vst v34  }
0x305: {  	(v2sf) =	vpush v33, $0x4;
	v34 =	vld.idx.msk [tilespmem:v62+s14+$0x0], $0xffff  }
0x306: {  	v63 =	vor.u32 v31, v32  }
0x307: {  	(v2sf) =	vpush v33, $0x5;
	_ =	sdelay $0x1  }
0x308: {  	(v2sf) =	vpush v33, $0x6  }
0x309: {  	[tilespmem:s4+$0x11000] =	vst v34  }
0x30a: {  	(v2sf) =	vpush v33, $0x7;
	v34 =	vld.idx.msk [tilespmem:v63+s14+$0x0], $0xffff;
	_ =	sdelay $0x1  }
0x30b: {  	(v2sf) =	vpush v33, $0x8;
	s9 =	spop (v2sf)  }
0x30c: {  	s8 =	simm.s32 $0x80;
	v32 =	vand.u32 $0x7F, v33;
	(v2sf) =	vpush v33, $0x9;
	s9 =	sand.u32 $0xFFFFF80, s9;
	s5 =	spop (v2sf)  }
.LBB2_4:
0x30d: {  	s0 =	sadd.s32 s2, s9;
	s6 =	sand.u32 $0xFFFFF80, s5  }
0x30e: {  	s9 =	spop (v2sf);
	[tilespmem:s4+$0x11080] =	vst v34;
	s5 =	smov.u32 s8;
	s4 =	smov.u32 s7  }
0x30f: {  	[tilespmem:s14], [sflag:$0x1] =	stream.strided.gather [hbm4b:s0+s12], $0x1000, s13, s12, $0x38;
	(v2sf) =	vpush v33, $0xA;
	[tilespmem:$0x11100] =	vst v63  }
0x310: {  	s0 =	sadd.s32 s2, s6;
	s6 =	sand.u32 $0xFFFFF80, s9;
	s7 =	spop (v2sf)  }
0x311: {  	[tilespmem:s15], [sflag:$0x1] =	stream.strided.gather [hbm4b:s0+s12], $0x1000, s13, s12, $0x38;
	(v2sf) =	vpush v33, $0xB;
	[tilespmem:$0x11100] =	vst v63  }
0x312: {  	s0 =	sadd.s32 s2, s6;
	s6 =	sand.u32 $0xFFFFF80, s7;
	s7 =	spop (v2sf)  }
0x313: {  	[tilespmem:s16], [sflag:$0x1] =	stream.strided.gather [hbm4b:s0+s12], $0x1000, s13, s12, $0x38;
	(v2sf) =	vpush v33, $0xC;
	[tilespmem:$0x11100] =	vst v63  }
0x314: {  	s0 =	sadd.s32 s2, s6;
	s6 =	sand.u32 $0xFFFFF80, s7;
	s7 =	spop (v2sf)  }
0x315: {  	[tilespmem:s17], [sflag:$0x1] =	stream.strided.gather [hbm4b:s0+s12], $0x1000, s13, s12, $0x38;
	(v2sf) =	vpush v33, $0xD;
	[tilespmem:$0x11100] =	vst v63  }
0x316: {  	s0 =	sadd.s32 s2, s6;
	s6 =	sand.u32 $0xFFFFF80, s7;
	s7 =	spop (v2sf)  }
0x317: {  	[tilespmem:s18], [sflag:$0x1] =	stream.strided.gather [hbm4b:s0+s12], $0x1000, s13, s12, $0x38;
	(v2sf) =	vpush v33, $0xE;
	[tilespmem:$0x11100] =	vst v63  }
0x318: {  	s0 =	sadd.s32 s2, s6;
	s6 =	sand.u32 $0xFFFFF80, s7;
	s7 =	spop (v2sf)  }
0x319: {  	[tilespmem:s19], [sflag:$0x1] =	stream.strided.gather [hbm4b:s0+s12], $0x1000, s13, s12, $0x38;
	(v2sf) =	vpush v33, $0xF;
	[tilespmem:$0x11100] =	vst v63  }
0x31a: {  	s0 =	sadd.s32 s2, s6;
	s6 =	sand.u32 $0xFFFFF80, s7;
	s7 =	spop (v2sf)  }
0x31b: {  	[tilespmem:s20], [sflag:$0x1] =	stream.strided.gather [hbm4b:s0+s12], $0x1000, s13, s12, $0x38;
	[tilespmem:$0x11100] =	vst v63  }
0x31c: {  	s0 =	sadd.s32 s2, s6;
	s6 =	sand.u32 $0xFFFFF80, s7;
	s7 =	spop (v2sf)  }
0x31d: {  	[tilespmem:s21], [sflag:$0x1] =	stream.strided.gather [hbm4b:s0+s12], $0x1000, s13, s12, $0x38;
	[tilespmem:$0x11100] =	vst v63  }
0x31e: {  	s0 =	sadd.s32 s2, s6;
	s6 =	sand.u32 $0xFFFFF80, s7;
	s7 =	spop (v2sf)  }
0x31f: {  	[tilespmem:s22], [sflag:$0x1] =	stream.strided.gather [hbm4b:s0+s12], $0x1000, s13, s12, $0x38;
	[tilespmem:$0x11100] =	vst v63  }
0x320: {  	s0 =	sadd.s32 s2, s6;
	s6 =	sand.u32 $0xFFFFF80, s7;
	s7 =	spop (v2sf)  }
0x321: {  	[tilespmem:s23], [sflag:$0x1] =	stream.strided.gather [hbm4b:s0+s12], $0x1000, s13, s12, $0x38;
	[tilespmem:$0x11100] =	vst v63  }
0x322: {  	s0 =	sadd.s32 s2, s6;
	s6 =	sand.u32 $0xFFFFF80, s7;
	s7 =	spop (v2sf)  }
0x323: {  	[tilespmem:s24], [sflag:$0x1] =	stream.strided.gather [hbm4b:s0+s12], $0x1000, s13, s12, $0x38;
	[tilespmem:$0x11100] =	vst v63  }
0x324: {  	s0 =	sadd.s32 s2, s6;
	s6 =	sand.u32 $0xFFFFF80, s7;
	s7 =	spop (v2sf)  }
0x325: {  	[tilespmem:s25], [sflag:$0x1] =	stream.strided.gather [hbm4b:s0+s12], $0x1000, s13, s12, $0x38;
	[tilespmem:$0x11100] =	vst v63  }
0x326: {  	s0 =	sadd.s32 s2, s6;
	s6 =	sand.u32 $0xFFFFF80, s7;
	s7 =	spop (v2sf)  }
0x327: {  	[tilespmem:s26], [sflag:$0x1] =	stream.strided.gather [hbm4b:s0+s12], $0x1000, s13, s12, $0x38;
	[tilespmem:$0x11100] =	vst v63  }
0x328: {  	s0 =	sadd.s32 s2, s6;
	s7 =	sand.u32 $0xFFFFF80, s7;
	s9 =	spop (v2sf)  }
0x329: {  	[tilespmem:s28], [sflag:$0x1] =	stream.strided.gather [hbm4b:s0+s12], $0x1000, s13, s12, $0x38;
	[tilespmem:$0x11100] =	vst v63  }
0x32a: {  	s6 =	sadd.s32 $0x40, s8;
	s0 =	sadd.s32 s2, s7;
	s7 =	sand.u32 $0xFFFFF80, s9  }
0x32b: {  	[tilespmem:s29], [sflag:$0x1] =	stream.strided.gather [hbm4b:s0+s12], $0x1000, s13, s12, $0x38;
	[tilespmem:$0x11100] =	vst v63  }
0x32c: {  	p0 =	sne.s32 s8, $0x1C0;
	s0 =	sadd.s32 s2, s7  }
0x32d: {  	[tilespmem:s30], [sflag:$0x1] =	stream.strided.gather [hbm4b:s0+s12], $0x1000, s13, s12, $0x38;
	[tilespmem:$0x11100] =	vst v63  }
0x32e: {  	_ =	swait.ge [sflag:s31], $0x1000  }
0x32f: {  	[sflag:s31] =	ssyncset.done $0x0  }
0x330: {  	[sflag:s31] =	ssyncadd.s32 $0xFFFFF000  }
0x331: {  	_ =	swait.ge [sflag:s31], $0x1000  }
0x332: {  	[sflag:s31] =	ssyncset.done $0x0  }
0x333: {  	[sflag:s31] =	ssyncadd.s32 $0xFFFFF000  }
0x334: {  	_ =	swait.ge [sflag:s31], $0x1000  }
0x335: {  	[sflag:s31] =	ssyncset.done $0x0  }
0x336: {  	[sflag:s31] =	ssyncadd.s32 $0xFFFFF000  }
0x337: {  	_ =	swait.ge [sflag:s31], $0x1000  }
0x338: {  	[sflag:s31] =	ssyncset.done $0x0  }
0x339: {  	[sflag:s31] =	ssyncadd.s32 $0xFFFFF000  }
0x33a: {  	_ =	swait.ge [sflag:s31], $0x1000  }
0x33b: {  	[sflag:s31] =	ssyncset.done $0x0  }
0x33c: {  	[sflag:s31] =	ssyncadd.s32 $0xFFFFF000  }
0x33d: {  	_ =	swait.ge [sflag:s31], $0x1000  }
0x33e: {  	[sflag:s31] =	ssyncset.done $0x0  }
0x33f: {  	[sflag:s31] =	ssyncadd.s32 $0xFFFFF000  }
0x340: {  	_ =	swait.ge [sflag:s31], $0x1000  }
0x341: {  	[sflag:s31] =	ssyncset.done $0x0  }
0x342: {  	[sflag:s31] =	ssyncadd.s32 $0xFFFFF000  }
0x343: {  	_ =	swait.ge [sflag:s31], $0x1000  }
0x344: {  	[sflag:s31] =	ssyncset.done $0x0  }
0x345: {  	[sflag:s31] =	ssyncadd.s32 $0xFFFFF000  }
0x346: {  	_ =	swait.ge [sflag:s31], $0x1000  }
0x347: {  	[sflag:s31] =	ssyncset.done $0x0  }
0x348: {  	[sflag:s31] =	ssyncadd.s32 $0xFFFFF000  }
0x349: {  	_ =	swait.ge [sflag:s31], $0x1000  }
0x34a: {  	[sflag:s31] =	ssyncset.done $0x0  }
0x34b: {  	[sflag:s31] =	ssyncadd.s32 $0xFFFFF000  }
0x34c: {  	_ =	swait.ge [sflag:s31], $0x1000  }
0x34d: {  	[sflag:s31] =	ssyncset.done $0x0  }
0x34e: {  	[sflag:s31] =	ssyncadd.s32 $0xFFFFF000  }
0x34f: {  	_ =	swait.ge [sflag:s31], $0x1000  }
0x350: {  	[sflag:s31] =	ssyncset.done $0x0  }
0x351: {  	[sflag:s31] =	ssyncadd.s32 $0xFFFFF000  }
0x352: {  	_ =	swait.ge [sflag:s31], $0x1000  }
0x353: {  	[sflag:s31] =	ssyncset.done $0x0  }
0x354: {  	[sflag:s31] =	ssyncadd.s32 $0xFFFFF000  }
0x355: {  	_ =	swait.ge [sflag:s31], $0x1000  }
0x356: {  	[sflag:s31] =	ssyncset.done $0x0  }
0x357: {  	[sflag:s31] =	ssyncadd.s32 $0xFFFFF000  }
0x358: {  	_ =	swait.ge [sflag:s31], $0x1000  }
0x359: {  	v33 =	vor.u32 v0, v32;
	[sflag:s31] =	ssyncset.done $0x0  }
0x35a: {  	[sflag:s31] =	ssyncadd.s32 $0xFFFFF000  }
0x35b: {  	_ =	swait.ge [sflag:s31], $0x1000  }
0x35c: {  	[sflag:s31] =	ssyncset.done $0x0  }
0x35d: {  	[sflag:s31] =	ssyncadd.s32 $0xFFFFF000  }
0x35e: {  	v33 =	vld.idx.msk [tilespmem:v33+s14+$0x0], $0xffff;
	_ =	sdelay $0x1  }
0x35f: {  	v34 =	vor.u32 v1, v32;
	_ =	sdelay $0x3  }
0x360: {  	[tilespmem:s4+$0x10100] =	vst v33  }
0x361: {  	v33 =	vld.idx.msk [tilespmem:v34+s14+$0x0], $0xffff;
	_ =	sdelay $0x1  }
0x362: {  	v34 =	vor.u32 v2, v32;
	_ =	sdelay $0x3  }
0x363: {  	[tilespmem:s4+$0x10180] =	vst v33  }
0x364: {  	v33 =	vld.idx.msk [tilespmem:v34+s14+$0x0], $0xffff;
	_ =	sdelay $0x1  }
0x365: {  	v34 =	vor.u32 v3, v32;
	_ =	sdelay $0x3  }
0x366: {  	[tilespmem:s4+$0x10200] =	vst v33  }
0x367: {  	v33 =	vld.idx.msk [tilespmem:v34+s14+$0x0], $0xffff;
	_ =	sdelay $0x1  }
0x368: {  	v34 =	vor.u32 v4, v32;
	_ =	sdelay $0x3  }
0x369: {  	[tilespmem:s4+$0x10280] =	vst v33  }
0x36a: {  	v33 =	vld.idx.msk [tilespmem:v34+s14+$0x0], $0xffff;
	_ =	sdelay $0x1  }
0x36b: {  	v34 =	vor.u32 v5, v32;
	_ =	sdelay $0x3  }
0x36c: {  	[tilespmem:s4+$0x10300] =	vst v33  }
0x36d: {  	v33 =	vld.idx.msk [tilespmem:v34+s14+$0x0], $0xffff;
	_ =	sdelay $0x1  }
0x36e: {  	v34 =	vor.u32 v6, v32;
	_ =	sdelay $0x3  }
0x36f: {  	[tilespmem:s4+$0x10380] =	vst v33  }
0x370: {  	v33 =	vld.idx.msk [tilespmem:v34+s14+$0x0], $0xffff;
	_ =	sdelay $0x1  }
0x371: {  	v34 =	vor.u32 v7, v32;
	_ =	sdelay $0x3  }
0x372: {  	[tilespmem:s4+$0x10400] =	vst v33  }
0x373: {  	v33 =	vld.idx.msk [tilespmem:v34+s14+$0x0], $0xffff;
	_ =	sdelay $0x1  }
0x374: {  	v34 =	vor.u32 v8, v32;
	_ =	sdelay $0x3  }
0x375: {  	[tilespmem:s4+$0x10480] =	vst v33  }
0x376: {  	v33 =	vld.idx.msk [tilespmem:v34+s14+$0x0], $0xffff;
	_ =	sdelay $0x1  }
0x377: {  	v34 =	vor.u32 v9, v32;
	_ =	sdelay $0x3  }
0x378: {  	[tilespmem:s4+$0x10500] =	vst v33  }
0x379: {  	v33 =	vld.idx.msk [tilespmem:v34+s14+$0x0], $0xffff;
	_ =	sdelay $0x1  }
0x37a: {  	v34 =	vor.u32 v10, v32;
	_ =	sdelay $0x3  }
0x37b: {  	[tilespmem:s4+$0x10580] =	vst v33  }
0x37c: {  	v33 =	vld.idx.msk [tilespmem:v34+s14+$0x0], $0xffff;
	_ =	sdelay $0x1  }
0x37d: {  	v34 =	vor.u32 v11, v32;
	_ =	sdelay $0x3  }
0x37e: {  	[tilespmem:s4+$0x10600] =	vst v33  }
0x37f: {  	v33 =	vld.idx.msk [tilespmem:v34+s14+$0x0], $0xffff;
	_ =	sdelay $0x1  }
0x380: {  	v34 =	vor.u32 v12, v32;
	_ =	sdelay $0x3  }
0x381: {  	[tilespmem:s4+$0x10680] =	vst v33  }
0x382: {  	v33 =	vld.idx.msk [tilespmem:v34+s14+$0x0], $0xffff;
	_ =	sdelay $0x1  }
0x383: {  	v34 =	vor.u32 v13, v32;
	_ =	sdelay $0x3  }
0x384: {  	[tilespmem:s4+$0x10700] =	vst v33  }
0x385: {  	v33 =	vld.idx.msk [tilespmem:v34+s14+$0x0], $0xffff;
	_ =	sdelay $0x1  }
0x386: {  	v34 =	vor.u32 v14, v32;
	_ =	sdelay $0x3  }
0x387: {  	[tilespmem:s4+$0x10780] =	vst v33  }
0x388: {  	v33 =	vld.idx.msk [tilespmem:v34+s14+$0x0], $0xffff;
	_ =	sdelay $0x1  }
0x389: {  	v34 =	vor.u32 v15, v32;
	_ =	sdelay $0x3  }
0x38a: {  	[tilespmem:s4+$0x10800] =	vst v33  }
0x38b: {  	v33 =	vld.idx.msk [tilespmem:v34+s14+$0x0], $0xffff;
	_ =	sdelay $0x1  }
0x38c: {  	v34 =	vor.u32 v16, v32;
	_ =	sdelay $0x3  }
0x38d: {  	[tilespmem:s4+$0x10880] =	vst v33  }
0x38e: {  	v33 =	vld.idx.msk [tilespmem:v34+s14+$0x0], $0xffff;
	_ =	sdelay $0x1  }
0x38f: {  	v34 =	vor.u32 v17, v32;
	_ =	sdelay $0x3  }
0x390: {  	[tilespmem:s4+$0x10900] =	vst v33  }
0x391: {  	v33 =	vld.idx.msk [tilespmem:v34+s14+$0x0], $0xffff;
	_ =	sdelay $0x1  }
0x392: {  	v34 =	vor.u32 v18, v32;
	_ =	sdelay $0x3  }
0x393: {  	[tilespmem:s4+$0x10980] =	vst v33  }
0x394: {  	v33 =	vld.idx.msk [tilespmem:v34+s14+$0x0], $0xffff;
	_ =	sdelay $0x1  }
0x395: {  	v34 =	vor.u32 v19, v32;
	_ =	sdelay $0x3  }
0x396: {  	[tilespmem:s4+$0x10A00] =	vst v33  }
0x397: {  	v33 =	vld.idx.msk [tilespmem:v34+s14+$0x0], $0xffff;
	_ =	sdelay $0x1  }
0x398: {  	v34 =	vor.u32 v20, v32;
	_ =	sdelay $0x3  }
0x399: {  	[tilespmem:s4+$0x10A80] =	vst v33  }
0x39a: {  	v33 =	vld.idx.msk [tilespmem:v34+s14+$0x0], $0xffff;
	_ =	sdelay $0x1  }
0x39b: {  	v34 =	vor.u32 v21, v32;
	_ =	sdelay $0x3  }
0x39c: {  	[tilespmem:s4+$0x10B00] =	vst v33  }
0x39d: {  	v33 =	vld.idx.msk [tilespmem:v34+s14+$0x0], $0xffff;
	_ =	sdelay $0x1  }
0x39e: {  	v34 =	vor.u32 v22, v32;
	_ =	sdelay $0x3  }
0x39f: {  	[tilespmem:s4+$0x10B80] =	vst v33  }
0x3a0: {  	v33 =	vld.idx.msk [tilespmem:v34+s14+$0x0], $0xffff;
	_ =	sdelay $0x1  }
0x3a1: {  	v34 =	vor.u32 v23, v32;
	_ =	sdelay $0x3  }
0x3a2: {  	[tilespmem:s4+$0x10C00] =	vst v33  }
0x3a3: {  	v33 =	vld.idx.msk [tilespmem:v34+s14+$0x0], $0xffff;
	_ =	sdelay $0x1  }
0x3a4: {  	v34 =	vor.u32 v24, v32;
	_ =	sdelay $0x3  }
0x3a5: {  	[tilespmem:s4+$0x10C80] =	vst v33  }
0x3a6: {  	v33 =	vld.idx.msk [tilespmem:v34+s14+$0x0], $0xffff;
	_ =	sdelay $0x1  }
0x3a7: {  	v34 =	vor.u32 v25, v32;
	_ =	sdelay $0x3  }
0x3a8: {  	[tilespmem:s4+$0x10D00] =	vst v33  }
0x3a9: {  	v33 =	vld.idx.msk [tilespmem:v34+s14+$0x0], $0xffff;
	_ =	sdelay $0x1  }
0x3aa: {  	v34 =	vor.u32 v26, v32;
	_ =	sdelay $0x3  }
0x3ab: {  	[tilespmem:s4+$0x10D80] =	vst v33  }
0x3ac: {  	v33 =	vld.idx.msk [tilespmem:v34+s14+$0x0], $0xffff;
	_ =	sdelay $0x1  }
0x3ad: {  	v34 =	vor.u32 v27, v32;
	_ =	sdelay $0x3  }
0x3ae: {  	[tilespmem:s4+$0x10E00] =	vst v33  }
0x3af: {  	v33 =	vld.idx.msk [tilespmem:v34+s14+$0x0], $0xffff;
	_ =	sdelay $0x1  }
0x3b0: {  	v34 =	vor.u32 v28, v32;
	_ =	sdelay $0x3  }
0x3b1: {  	[tilespmem:s4+$0x10E80] =	vst v33  }
0x3b2: {  	v34 =	vld.idx.msk [tilespmem:v34+s14+$0x0], $0xffff;
	_ =	sdelay $0x1  }
0x3b3: {  	v35 =	vor.u32 v29, v32;
	_ =	sdelay $0x1  }
0x3b4: {  	s7 =	sshra.s32 s5, $0x2  }
0x3b5: {  	v33 =	vld [tilespmem:s7+$0x80]  }
0x3b6: {  	[tilespmem:s4+$0x10F00] =	vst v34  }
0x3b7: {  	v34 =	vld.idx.msk [tilespmem:v35+s14+$0x0], $0xffff;
	_ =	sdelay $0x1  }
0x3b8: {  	v35 =	vor.u32 v30, v32  }
0x3b9: {  	v36 =	vand.u32 $0x7F, v33;
	(v2sf) =	vpush v33, $0x0  }
0x3ba: {  	(v2sf) =	vpush v33, $0x1  }
0x3bb: {  	(v2sf) =	vpush v33, $0x2  }
0x3bc: {  	[tilespmem:s4+$0x10F80] =	vst v34  }
0x3bd: {  	(v2sf) =	vpush v33, $0x3;
	v34 =	vld.idx.msk [tilespmem:v35+s14+$0x0], $0xffff;
	_ =	sdelay $0x1  }
0x3be: {  	v35 =	vor.u32 v31, v32;
	v32 =	vmov v36;
	(v2sf) =	vpush v33, $0x4;
	_ =	sdelay $0x1  }
0x3bf: {  	(v2sf) =	vpush v33, $0x5;
	_ =	sdelay $0x1  }
0x3c0: {  	(v2sf) =	vpush v33, $0x6;
	[tilespmem:s4+$0x11000] =	vst v34  }
0x3c1: {  	v34 =	vld.idx.msk [tilespmem:v35+s14+$0x0], $0xffff  }
.Ltmp1:
0x3c2: {  	(v2sf) =	vpush v33, $0x7;
	(pc) =	sbr.rel @p0 .LBB2_4-.Ltmp1, $4  }
0x3c3: {  	_ = 	snop  }
0x3c4: {  	(v2sf) =	vpush v33, $0x8  }
0x3c5: {  	s0 =	spop (v2sf)  }
0x3c6: {  	s8 =	smov.u32 s6;
	s9 =	sand.u32 $0xFFFFF80, s0;
	s5 =	spop (v2sf);
	(v2sf) =	vpush v33, $0x9  }
0x3c7: {  	[tilespmem:s4+$0x11080] =	vst v34;
	s0 =	sadd.s32 s2, s9;
	s8 =	sand.u32 $0xFFFFF80, s5  }
0x3c8: {  	[tilespmem:s14], [sflag:$0x1] =	stream.strided.gather [hbm4b:s0+s12], $0x1000, s13, s12, $0x38;
	[tilespmem:$0x11100] =	vst v63  }
0x3c9: {  	s9 =	spop (v2sf);
	s0 =	sadd.s32 s2, s8  }
0x3ca: {  	[tilespmem:s15], [sflag:$0x1] =	stream.strided.gather [hbm4b:s0+s12], $0x1000, s13, s12, $0x38;
	[tilespmem:$0x11100] =	vst v63  }
0x3cb: {  	s0 =	sand.u32 $0xFFFFF80, s9  }
0x3cc: {  	s4 =	spop (v2sf);
	s0 =	sadd.s32 s2, s0  }
0x3cd: {  	[tilespmem:s16], [sflag:$0x1] =	stream.strided.gather [hbm4b:s0+s12], $0x1000, s13, s12, $0x38;
	[tilespmem:$0x11100] =	vst v63  }
0x3ce: {  	s0 =	sand.u32 $0xFFFFF80, s4  }
0x3cf: {  	s5 =	spop (v2sf);
	s0 =	sadd.s32 s2, s0  }
0x3d0: {  	[tilespmem:s17], [sflag:$0x1] =	stream.strided.gather [hbm4b:s0+s12], $0x1000, s13, s12, $0x38;
	[tilespmem:$0x11100] =	vst v63  }
0x3d1: {  	s6 =	spop (v2sf);
	s0 =	sand.u32 $0xFFFFF80, s5  }
0x3d2: {  	s0 =	sadd.s32 s2, s0;
	s8 =	spop (v2sf);
	(v2sf) =	vpush v33, $0xA  }
0x3d3: {  	[tilespmem:s18], [sflag:$0x1] =	stream.strided.gather [hbm4b:s0+s12], $0x1000, s13, s12, $0x38;
	[tilespmem:$0x11100] =	vst v63  }
0x3d4: {  	s0 =	sand.u32 $0xFFFFF80, s6;
	s9 =	spop (v2sf);
	(v2sf) =	vpush v33, $0xB  }
0x3d5: {  	s0 =	sadd.s32 s2, s0  }
0x3d6: {  	[tilespmem:s19], [sflag:$0x1] =	stream.strided.gather [hbm4b:s0+s12], $0x1000, s13, s12, $0x38;
	[tilespmem:$0x11100] =	vst v63  }
0x3d7: {  	s0 =	sand.u32 $0xFFFFF80, s8  }
0x3d8: {  	s0 =	sadd.s32 s2, s0;
	s4 =	spop (v2sf)  }
0x3d9: {  	(v2sf) =	vpush v33, $0xC;
	[tilespmem:s20], [sflag:$0x1] =	stream.strided.gather [hbm4b:s0+s12], $0x1000, s13, s12, $0x38;
	[tilespmem:$0x11100] =	vst v63  }
0x3da: {  	s0 =	sand.u32 $0xFFFFF80, s9  }
0x3db: {  	s0 =	sadd.s32 s2, s0;
	s5 =	spop (v2sf)  }
0x3dc: {  	(v2sf) =	vpush v33, $0xD;
	[tilespmem:s21], [sflag:$0x1] =	stream.strided.gather [hbm4b:s0+s12], $0x1000, s13, s12, $0x38;
	[tilespmem:$0x11100] =	vst v63  }
0x3dd: {  	s0 =	sand.u32 $0xFFFFF80, s4  }
0x3de: {  	s0 =	sadd.s32 s2, s0  }
0x3df: {  	[tilespmem:s22], [sflag:$0x1] =	stream.strided.gather [hbm4b:s0+s12], $0x1000, s13, s12, $0x38;
	[tilespmem:$0x11100] =	vst v63  }
0x3e0: {  	s0 =	sand.u32 $0xFFFFF80, s5  }
0x3e1: {  	s0 =	sadd.s32 s2, s0;
	s6 =	spop (v2sf);
	(v2sf) =	vpush v33, $0xE  }
0x3e2: {  	[tilespmem:s23], [sflag:$0x1] =	stream.strided.gather [hbm4b:s0+s12], $0x1000, s13, s12, $0x38;
	[tilespmem:$0x11100] =	vst v63  }
0x3e3: {  	s8 =	spop (v2sf);
	(v2sf) =	vpush v33, $0xF  }
0x3e4: {  	s0 =	sand.u32 $0xFFFFF80, s6  }
0x3e5: {  	s0 =	sadd.s32 s2, s0  }
0x3e6: {  	[tilespmem:s24], [sflag:$0x1] =	stream.strided.gather [hbm4b:s0+s12], $0x1000, s13, s12, $0x38;
	[tilespmem:$0x11100] =	vst v63  }
0x3e7: {  	s0 =	sand.u32 $0xFFFFF80, s8  }
0x3e8: {  	s0 =	sadd.s32 s2, s0;
	s9 =	spop (v2sf)  }
0x3e9: {  	[tilespmem:s25], [sflag:$0x1] =	stream.strided.gather [hbm4b:s0+s12], $0x1000, s13, s12, $0x38;
	[tilespmem:$0x11100] =	vst v63  }
0x3ea: {  	s0 =	sand.u32 $0xFFFFF80, s9  }
0x3eb: {  	s0 =	sadd.s32 s2, s0;
	s4 =	spop (v2sf)  }
0x3ec: {  	[tilespmem:s26], [sflag:$0x1] =	stream.strided.gather [hbm4b:s0+s12], $0x1000, s13, s12, $0x38;
	[tilespmem:$0x11100] =	vst v63  }
0x3ed: {  	s0 =	sand.u32 $0xFFFFF80, s4  }
0x3ee: {  	s0 =	sadd.s32 s2, s0  }
0x3ef: {  	[tilespmem:s28], [sflag:$0x1] =	stream.strided.gather [hbm4b:s0+s12], $0x1000, s13, s12, $0x38;
	[tilespmem:$0x11100] =	vst v63  }
0x3f0: {  	s5 =	spop (v2sf)  }
0x3f1: {  	s0 =	sand.u32 $0xFFFFF80, s5  }
0x3f2: {  	s0 =	sadd.s32 s2, s0;
	s6 =	spop (v2sf)  }
0x3f3: {  	[tilespmem:s29], [sflag:$0x1] =	stream.strided.gather [hbm4b:s0+s12], $0x1000, s13, s12, $0x38;
	[tilespmem:$0x11100] =	vst v63  }
0x3f4: {  	s0 =	sand.u32 $0xFFFFF80, s6  }
0x3f5: {  	s0 =	sadd.s32 s2, s0  }
0x3f6: {  	[tilespmem:s30], [sflag:$0x1] =	stream.strided.gather [hbm4b:s0+s12], $0x1000, s13, s12, $0x38;
	[tilespmem:$0x11100] =	vst v63  }
0x3f7: {  	_ =	swait.ge [sflag:s31], $0x1000  }
0x3f8: {  	[sflag:s31] =	ssyncset.done $0x0  }
0x3f9: {  	[sflag:s31] =	ssyncadd.s32 $0xFFFFF000  }
0x3fa: {  	_ =	swait.ge [sflag:s31], $0x1000  }
0x3fb: {  	[sflag:s31] =	ssyncset.done $0x0  }
0x3fc: {  	[sflag:s31] =	ssyncadd.s32 $0xFFFFF000  }
0x3fd: {  	_ =	swait.ge [sflag:s31], $0x1000  }
0x3fe: {  	[sflag:s31] =	ssyncset.done $0x0  }
0x3ff: {  	[sflag:s31] =	ssyncadd.s32 $0xFFFFF000  }
0x400: {  	_ =	swait.ge [sflag:s31], $0x1000  }
0x401: {  	[sflag:s31] =	ssyncset.done $0x0  }
0x402: {  	[sflag:s31] =	ssyncadd.s32 $0xFFFFF000  }
0x403: {  	_ =	swait.ge [sflag:s31], $0x1000  }
0x404: {  	[sflag:s31] =	ssyncset.done $0x0  }
0x405: {  	[sflag:s31] =	ssyncadd.s32 $0xFFFFF000  }
0x406: {  	_ =	swait.ge [sflag:s31], $0x1000  }
0x407: {  	[sflag:s31] =	ssyncset.done $0x0  }
0x408: {  	[sflag:s31] =	ssyncadd.s32 $0xFFFFF000  }
0x409: {  	_ =	swait.ge [sflag:s31], $0x1000  }
0x40a: {  	[sflag:s31] =	ssyncset.done $0x0  }
0x40b: {  	[sflag:s31] =	ssyncadd.s32 $0xFFFFF000  }
0x40c: {  	_ =	swait.ge [sflag:s31], $0x1000  }
0x40d: {  	[sflag:s31] =	ssyncset.done $0x0  }
0x40e: {  	[sflag:s31] =	ssyncadd.s32 $0xFFFFF000  }
0x40f: {  	_ =	swait.ge [sflag:s31], $0x1000  }
0x410: {  	[sflag:s31] =	ssyncset.done $0x0  }
0x411: {  	[sflag:s31] =	ssyncadd.s32 $0xFFFFF000  }
0x412: {  	_ =	swait.ge [sflag:s31], $0x1000  }
0x413: {  	[sflag:s31] =	ssyncset.done $0x0  }
0x414: {  	[sflag:s31] =	ssyncadd.s32 $0xFFFFF000  }
0x415: {  	_ =	swait.ge [sflag:s31], $0x1000  }
0x416: {  	[sflag:s31] =	ssyncset.done $0x0  }
0x417: {  	[sflag:s31] =	ssyncadd.s32 $0xFFFFF000  }
0x418: {  	_ =	swait.ge [sflag:s31], $0x1000  }
0x419: {  	[sflag:s31] =	ssyncset.done $0x0  }
0x41a: {  	[sflag:s31] =	ssyncadd.s32 $0xFFFFF000  }
0x41b: {  	_ =	swait.ge [sflag:s31], $0x1000  }
0x41c: {  	[sflag:s31] =	ssyncset.done $0x0  }
0x41d: {  	[sflag:s31] =	ssyncadd.s32 $0xFFFFF000  }
0x41e: {  	_ =	swait.ge [sflag:s31], $0x1000  }
0x41f: {  	[sflag:s31] =	ssyncset.done $0x0  }
0x420: {  	[sflag:s31] =	ssyncadd.s32 $0xFFFFF000  }
0x421: {  	_ =	swait.ge [sflag:s31], $0x1000  }
0x422: {  	v60 =	vor.u32 v0, v32;
	[sflag:s31] =	ssyncset.done $0x0  }
0x423: {  	[sflag:s31] =	ssyncadd.s32 $0xFFFFF000  }
0x424: {  	_ =	swait.ge [sflag:s31], $0x1000  }
0x425: {  	[sflag:s31] =	ssyncset.done $0x0  }
0x426: {  	[sflag:s31] =	ssyncadd.s32 $0xFFFFF000  }
0x427: {  	v33 =	vld.idx.msk [tilespmem:v60+s14+$0x0], $0xffff  }
0x428: {  	v61 =	vor.u32 v1, v32;
	_ =	sdelay $0x3  }
0x429: {  	[tilespmem:s7+$0x10100] =	vst v33  }
0x42a: {  	v33 =	vld.idx.msk [tilespmem:v61+s14+$0x0], $0xffff  }
0x42b: {  	v62 =	vor.u32 v2, v32;
	_ =	sdelay $0x3  }
0x42c: {  	[tilespmem:s7+$0x10180] =	vst v33  }
0x42d: {  	v33 =	vld.idx.msk [tilespmem:v62+s14+$0x0], $0xffff  }
0x42e: {  	v63 =	vor.u32 v3, v32;
	_ =	sdelay $0x3  }
0x42f: {  	[tilespmem:s7+$0x10200] =	vst v33  }
0x430: {  	v33 =	vld.idx.msk [tilespmem:v63+s14+$0x0], $0xffff  }
0x431: {  	v36 =	vor.u32 v4, v32;
	_ =	sdelay $0x3  }
0x432: {  	[tilespmem:s7+$0x10280] =	vst v33  }
0x433: {  	v33 =	vld.idx.msk [tilespmem:v36+s14+$0x0], $0xffff  }
0x434: {  	v37 =	vor.u32 v5, v32;
	_ =	sdelay $0x3  }
0x435: {  	[tilespmem:s7+$0x10300] =	vst v33  }
0x436: {  	v33 =	vld.idx.msk [tilespmem:v37+s14+$0x0], $0xffff  }
0x437: {  	v38 =	vor.u32 v6, v32;
	_ =	sdelay $0x3  }
0x438: {  	[tilespmem:s7+$0x10380] =	vst v33  }
0x439: {  	v33 =	vld.idx.msk [tilespmem:v38+s14+$0x0], $0xffff  }
0x43a: {  	v39 =	vor.u32 v7, v32;
	_ =	sdelay $0x3  }
0x43b: {  	[tilespmem:s7+$0x10400] =	vst v33  }
0x43c: {  	v33 =	vld.idx.msk [tilespmem:v39+s14+$0x0], $0xffff  }
0x43d: {  	v40 =	vor.u32 v8, v32;
	_ =	sdelay $0x3  }
0x43e: {  	[tilespmem:s7+$0x10480] =	vst v33  }
0x43f: {  	v33 =	vld.idx.msk [tilespmem:v40+s14+$0x0], $0xffff  }
0x440: {  	v41 =	vor.u32 v9, v32;
	_ =	sdelay $0x3  }
0x441: {  	[tilespmem:s7+$0x10500] =	vst v33  }
0x442: {  	v33 =	vld.idx.msk [tilespmem:v41+s14+$0x0], $0xffff  }
0x443: {  	v42 =	vor.u32 v10, v32;
	_ =	sdelay $0x3  }
0x444: {  	[tilespmem:s7+$0x10580] =	vst v33  }
0x445: {  	v33 =	vld.idx.msk [tilespmem:v42+s14+$0x0], $0xffff  }
0x446: {  	v43 =	vor.u32 v11, v32;
	_ =	sdelay $0x3  }
0x447: {  	[tilespmem:s7+$0x10600] =	vst v33  }
0x448: {  	v33 =	vld.idx.msk [tilespmem:v43+s14+$0x0], $0xffff  }
0x449: {  	v44 =	vor.u32 v12, v32;
	_ =	sdelay $0x3  }
0x44a: {  	[tilespmem:s7+$0x10680] =	vst v33  }
0x44b: {  	v33 =	vld.idx.msk [tilespmem:v44+s14+$0x0], $0xffff  }
0x44c: {  	v45 =	vor.u32 v13, v32;
	_ =	sdelay $0x3  }
0x44d: {  	[tilespmem:s7+$0x10700] =	vst v33  }
0x44e: {  	v33 =	vld.idx.msk [tilespmem:v45+s14+$0x0], $0xffff  }
0x44f: {  	v46 =	vor.u32 v14, v32;
	_ =	sdelay $0x3  }
0x450: {  	[tilespmem:s7+$0x10780] =	vst v33  }
0x451: {  	v33 =	vld.idx.msk [tilespmem:v46+s14+$0x0], $0xffff  }
0x452: {  	v47 =	vor.u32 v15, v32;
	_ =	sdelay $0x3  }
0x453: {  	[tilespmem:s7+$0x10800] =	vst v33  }
0x454: {  	v33 =	vld.idx.msk [tilespmem:v47+s14+$0x0], $0xffff  }
0x455: {  	v48 =	vor.u32 v16, v32;
	_ =	sdelay $0x3  }
0x456: {  	[tilespmem:s7+$0x10880] =	vst v33  }
0x457: {  	v33 =	vld.idx.msk [tilespmem:v48+s14+$0x0], $0xffff  }
0x458: {  	v49 =	vor.u32 v17, v32;
	_ =	sdelay $0x3  }
0x459: {  	[tilespmem:s7+$0x10900] =	vst v33  }
0x45a: {  	v33 =	vld.idx.msk [tilespmem:v49+s14+$0x0], $0xffff  }
0x45b: {  	v50 =	vor.u32 v18, v32;
	_ =	sdelay $0x3  }
0x45c: {  	[tilespmem:s7+$0x10980] =	vst v33  }
0x45d: {  	v33 =	vld.idx.msk [tilespmem:v50+s14+$0x0], $0xffff  }
0x45e: {  	v51 =	vor.u32 v19, v32;
	_ =	sdelay $0x3  }
0x45f: {  	[tilespmem:s7+$0x10A00] =	vst v33  }
0x460: {  	v33 =	vld.idx.msk [tilespmem:v51+s14+$0x0], $0xffff  }
0x461: {  	v52 =	vor.u32 v20, v32;
	_ =	sdelay $0x3  }
0x462: {  	[tilespmem:s7+$0x10A80] =	vst v33  }
0x463: {  	v33 =	vld.idx.msk [tilespmem:v52+s14+$0x0], $0xffff  }
0x464: {  	v53 =	vor.u32 v21, v32;
	_ =	sdelay $0x3  }
0x465: {  	[tilespmem:s7+$0x10B00] =	vst v33  }
0x466: {  	v33 =	vld.idx.msk [tilespmem:v53+s14+$0x0], $0xffff  }
0x467: {  	v54 =	vor.u32 v22, v32;
	_ =	sdelay $0x3  }
0x468: {  	[tilespmem:s7+$0x10B80] =	vst v33  }
0x469: {  	v33 =	vld.idx.msk [tilespmem:v54+s14+$0x0], $0xffff  }
0x46a: {  	v55 =	vor.u32 v23, v32;
	_ =	sdelay $0x3  }
0x46b: {  	[tilespmem:s7+$0x10C00] =	vst v33  }
0x46c: {  	v33 =	vld.idx.msk [tilespmem:v55+s14+$0x0], $0xffff  }
0x46d: {  	v56 =	vor.u32 v24, v32;
	_ =	sdelay $0x3  }
0x46e: {  	[tilespmem:s7+$0x10C80] =	vst v33  }
0x46f: {  	v33 =	vld.idx.msk [tilespmem:v56+s14+$0x0], $0xffff  }
0x470: {  	v57 =	vor.u32 v25, v32;
	_ =	sdelay $0x3  }
0x471: {  	[tilespmem:s7+$0x10D00] =	vst v33  }
0x472: {  	v33 =	vld.idx.msk [tilespmem:v57+s14+$0x0], $0xffff  }
0x473: {  	v58 =	vor.u32 v26, v32;
	_ =	sdelay $0x3  }
0x474: {  	[tilespmem:s7+$0x10D80] =	vst v33  }
0x475: {  	v33 =	vld.idx.msk [tilespmem:v58+s14+$0x0], $0xffff  }
0x476: {  	v59 =	vor.u32 v27, v32;
	_ =	sdelay $0x3  }
0x477: {  	[tilespmem:s7+$0x10E00] =	vst v33  }
0x478: {  	v33 =	vld.idx.msk [tilespmem:v59+s14+$0x0], $0xffff  }
0x479: {  	v60 =	vor.u32 v28, v32;
	_ =	sdelay $0x3  }
0x47a: {  	[tilespmem:s7+$0x10E80] =	vst v33  }
0x47b: {  	v33 =	vld.idx.msk [tilespmem:v60+s14+$0x0], $0xffff  }
0x47c: {  	v61 =	vor.u32 v29, v32;
	_ =	sdelay $0x3  }
0x47d: {  	[tilespmem:s7+$0x10F00] =	vst v33  }
0x47e: {  	v33 =	vld.idx.msk [tilespmem:v61+s14+$0x0], $0xffff  }
0x47f: {  	v62 =	vor.u32 v30, v32;
	_ =	sdelay $0x3  }
0x480: {  	[tilespmem:s7+$0x10F80] =	vst v33  }
0x481: {  	v33 =	vld.idx.msk [tilespmem:v62+s14+$0x0], $0xffff  }
0x482: {  	v63 =	vor.u32 v31, v32;
	_ =	sdelay $0x3  }
0x483: {  	[tilespmem:s7+$0x11000] =	vst v33  }
0x484: {  	v32 =	vld.idx.msk [tilespmem:v63+s14+$0x0], $0xffff;
	_ =	sdelay $0x4  }
0x485: {  	s8 =	simm.s32 $0x8000;
	[tilespmem:s7+$0x11080] =	vst v32;
	s7 =	rddreg [dreg:$0x9]  }
0x486: {  	[hbm4b:s7+s12] =	stream.strided.scatter [tilespmem:s3], [sflag:$0x2], $0x1000, s8, s12, $0x38;
	[tilespmem:$0x11100] =	vst v63  }
0x487: {  	_ =	swait.ge [sflag:s10], $0x1000  }
0x488: {  	s11 =	sadd.s32 $0x1, s11;
	s9 =	rddreg [dreg:$0xa]  }
0x489: {  	p0 =	sne.s32 s11, s9  }
.Ltmp2:
0x48a: {  	_ = 	snop;
	(pc) =	sbr.rel @p0 .LBB2_1-.Ltmp2, $3  }
0x48b: {  	_ =	sdelay $0x1  }
0x48c: {  	[sflag:s10] =	ssyncset.done $0x0  }
0x48d: {  	[sflag:s10] =	ssyncadd.s32 $0xFFFFF000  }
0x48e: {  	_ =	sfence.sel $0x180000  }
0x48f: {  	[bflag:$0x0] =	sbarrier.arrive $0xFFFF  }
0x490: {  	_ =	strace $0x90000047  }
0x491: {  	s0 =	stileid.u32;
	[bflag:$0x2] =	sbarrier.arrive $0xFFFF  }
0x492: {  	p0 =	sne.s32 s0, $0x0;
	s0 =	rddreg [dreg:$0x5]  }
0x493: {  	s0 =	sadd.s32 @!p0 $0x100000, s0  }
0x494: {  	[sflag:s0] =	ssyncadd.tile.s32 @!p0 $0x1;
	_ =	shalt  }
.Lfunc_end2:
_tile_overlayer_lowered:
.L_overlay_start_2:
0x495: {  	(tag) =	ssettag $0x2  }
0x496: {  	s0 =	rddreg [dreg:$0x0];
	s2 =	stileid.u32  }
0x497: {  	s1 =	rddreg [dreg:$0x1];
	p0 =	sne.s32 s2, $0x0  }
0x498: {  	s3 =	rddreg [dreg:$0x2];
	[bflag:$0x3] =	sbarrier.arrive $0xFFFF;
	s2 =	simm.s32 @!p0 $0x1C02  }
0x499: {  	[timem:s3], [sflag:s2] =	dma.local @!p0 [hbm:s0], s1  }
0x49a: {  	s0 =	simm.s32 @!p0 $0x2  }
0x49b: {  	_ =	swait.ge @!p0 [sflag:s0], s1  }
0x49c: {  	s1 =	ssub.s32 @!p0 $0x0, s1;
	[sflag:s0] =	ssyncset.done @!p0 $0x0  }
0x49d: {  	[sflag:s0] =	ssyncadd.s32 @!p0 s1  }
0x49e: {  	[bflag:$0x3] =	sbarrier.arrive $0xFFFF  }
0x49f: {  	_ =	shalt  }

// kernel: kernel.8.cloned.1.call-start
scs
__scs_entry_jumppad:
0x0: {  	(pc) =	sbr.rel $0x88, $3  }
0x1: {  	(tag) =	ssettag $0x0;
	lr =	simm.s32 $0x1  }
0x2: {  	[smem:$0x3F8C] =	sst lr;
	_ =	strace $0xD0000000  }
0x3: {  	_ = 	snop  }
0x4: {  	_ = 	snop  }
0x5: {  	_ = 	snop  }
0x6: {  	_ = 	snop  }
0x7: {  	_ = 	snop  }
__scs_overlays_trampoline_lowered:
0x8: {  	[smem:$0x3F9B] =	sst s0  }
0x9: {  	[smem:$0x3F9C] =	sst s1  }
0xa: {  	[smem:$0x3F9D] =	sst s2  }
0xb: {  	[smem:$0x3F9E] =	sst s3  }
0xc: {  	[smem:$0x3F9F] =	sst s4  }
0xd: {  	[smem:$0x3FA0] =	sst s5  }
0xe: {  	[smem:$0x3FA1] =	sst s6  }
0xf: {  	[smem:$0x3FA2] =	sst s7  }
0x10: {  	[smem:$0x3FA3] =	sst s8  }
0x11: {  	[smem:$0x3FA4] =	sst s9;
	s0 =	simm.s32 @!p0 $0x0  }
0x12: {  	s1 =	sld [smem:$0x3F8A];
	s0 =	simm.s32 @p0 $0x1  }
0x13: {  	[smem:$0x3FA5] =	sst s0;
	s0 =	simm.s32 @!p1 $0x0  }
0x14: {  	s2 =	sld [smem:$0x3F89];
	s0 =	simm.s32 @p1 $0x1  }
0x15: {  	[smem:$0x3FA6] =	sst s0;
	s0 =	simm.s32 @!p2 $0x0  }
0x16: {  	s3 =	sld [smem:$0x3FDB];
	s0 =	simm.s32 @p2 $0x1  }
0x17: {  	s4 =	simm.s32 $0x1BF5;
	[smem:$0x3FA8] =	sst s0  }
0x18: {  	s0 =	sld [smem:$0x3F8B];
	_ =	swait.ge [sflag:s4], $0x0  }
0x19: {  	s7 =	sld [smem:$0x3F8C]  }
0x1a: {  	s8 =	sadd.s32 $0xFFFFE003, lr  }
0x1b: {  	s9 =	sadd.s32 $0xFFFFFEF7, lr;
	s5 =	simm.s32 $0xFFFFFFFF;
	p2 =	slt.u32 s8, $0xFFFFF086  }
0x1c: {  	p1 =	slt.u32 s9, $0xF7A;
	s5 =	simm.s32 @!p2 $0x0  }
0x1d: {  	s5 =	simm.s32 @p1 $0x1;
	p0 =	seq.s32 s7, s2  }
0x1e: {  	s7 =	smul.u32 @!p0 $0xF7A, s2;
	p2 =	seq.s32 @!p0 s5, $0x0  }
0x1f: {  	s9 =	smul.u32 $0xF7A, s1;
	s8 =	simm.s32 @!p0 $0x1BF5;
	p2 =	por !p2, p0  }
0x20: {  	[sflag:s8] =	ssyncset.s32 @!p0 $0xFFFFF086;
	s6 =	sadd.s32 @!p0 s3, s7;
	s7 =	simm.s32 @!p0 $0x108  }
0x21: {  	s3 =	sadd.s32 s3, s9;
	s6 =	sadd.s32 @!p0 $0x88, s6;
	s7 =	simm.s32 @p2 $0x1082  }
0x22: {  	[simem:s7], [sflag:s8] =	dma.local @!p0 [hbm:s6], $0xF7A  }
0x23: {  	s9 =	sor.u32 $0xD0000000, s2;
	s6 =	simm.s32 $0x108;
	_ =	swait.ge @!p0 [sflag:s8], $0x0  }
0x24: {  	s3 =	sadd.s32 $0x88, s3;
	s6 =	simm.s32 @!p1 $0x1082;
	[sflag:s4] =	ssyncset.s32 $0xFFFFF086  }
0x25: {  	[simem:s6], [sflag:s4] =	dma.local [hbm:s3], $0xF7A  }
0x26: {  	[smem:$0x3F8C] =	sst s1;
	(tag) =	ssettag s2;
	_ =	strace s9  }
0x27: {  	s1 =	sld [smem:$0x3F9C]  }
0x28: {  	s2 =	sld [smem:$0x3F9D]  }
0x29: {  	s4 =	sld [smem:$0x3F9F]  }
0x2a: {  	p0 =	seq.s32 s5, $0x0;
	s5 =	sld [smem:$0x3FA0]  }
0x2b: {  	s6 =	sld [smem:$0x3FA1]  }
0x2c: {  	s7 =	sld [smem:$0x3FA2]  }
0x2d: {  	s3 =	simm.s32 $0x108;
	s8 =	sld [smem:$0x3FA3]  }
0x2e: {  	s3 =	simm.s32 @!p0 $0x1082;
	s9 =	sld [smem:$0x3FA4]  }
0x2f: {  	lr =	sadd.s32 s0, s3;
	s0 =	sld [smem:$0x3F9B]  }
0x30: {  	s3 =	sld [smem:$0x3F9E]  }
0x31: {  	[smem:$0x3FA7] =	sst s10  }
0x32: {  	s10 =	sld [smem:$0x3FA5];
	_ =	sdelay $0x3  }
0x33: {  	p0 =	seq.s32 s10, $0x1;
	s10 =	sld [smem:$0x3FA7];
	_ =	sdelay $0x3  }
0x34: {  	[smem:$0x3FA7] =	sst s10  }
0x35: {  	s10 =	sld [smem:$0x3FA6];
	_ =	sdelay $0x3  }
0x36: {  	p1 =	seq.s32 s10, $0x1;
	s10 =	sld [smem:$0x3FA7];
	_ =	sdelay $0x3  }
0x37: {  	[smem:$0x3FA7] =	sst s10  }
0x38: {  	s10 =	sld [smem:$0x3FA8]  }
0x39: {  	_ = 	snop;
	(pc) =	sbr.ind lr, $3  }
0x3a: {  	_ = 	snop  }
0x3b: {  	_ = 	snop  }
0x3c: {  	p2 =	seq.s32 s10, $0x1;
	s10 =	sld [smem:$0x3FA7]  }
0x3d: {  	_ =	shalt  }
0x3e: {  	_ =	shalt  }
0x3f: {  	_ =	shalt  }
0x40: {  	_ =	shalt  }
0x41: {  	_ =	shalt  }
0x42: {  	_ =	shalt  }
0x43: {  	_ =	shalt  }
0x44: {  	_ =	shalt  }
0x45: {  	_ =	shalt  }
0x46: {  	_ =	shalt  }
0x47: {  	_ =	shalt  }
0x48: {  	_ =	shalt  }
0x49: {  	_ =	shalt  }
0x4a: {  	_ =	shalt  }
0x4b: {  	_ =	shalt  }
0x4c: {  	_ =	shalt  }
0x4d: {  	_ =	shalt  }
0x4e: {  	_ =	shalt  }
0x4f: {  	_ =	shalt  }
0x50: {  	_ =	shalt  }
0x51: {  	_ =	shalt  }
0x52: {  	_ =	shalt  }
0x53: {  	_ =	shalt  }
0x54: {  	_ =	shalt  }
0x55: {  	_ =	shalt  }
0x56: {  	_ =	shalt  }
0x57: {  	_ =	shalt  }
0x58: {  	_ =	shalt  }
0x59: {  	_ =	shalt  }
0x5a: {  	_ =	shalt  }
0x5b: {  	_ =	shalt  }
0x5c: {  	_ =	shalt  }
0x5d: {  	_ =	shalt  }
0x5e: {  	_ =	shalt  }
0x5f: {  	_ =	shalt  }
0x60: {  	_ =	shalt  }
0x61: {  	_ =	shalt  }
0x62: {  	_ =	shalt  }
0x63: {  	_ =	shalt  }
0x64: {  	_ =	shalt  }
0x65: {  	_ =	shalt  }
0x66: {  	_ =	shalt  }
0x67: {  	_ =	shalt  }
0x68: {  	_ =	shalt  }
0x69: {  	_ =	shalt  }
0x6a: {  	_ =	shalt  }
0x6b: {  	_ =	shalt  }
0x6c: {  	_ =	shalt  }
0x6d: {  	_ =	shalt  }
0x6e: {  	_ =	shalt  }
0x6f: {  	_ =	shalt  }
0x70: {  	_ =	shalt  }
0x71: {  	_ =	shalt  }
0x72: {  	_ =	shalt  }
0x73: {  	_ =	shalt  }
0x74: {  	_ =	shalt  }
0x75: {  	_ =	shalt  }
0x76: {  	_ =	shalt  }
0x77: {  	_ =	shalt  }
0x78: {  	_ =	shalt  }
0x79: {  	_ =	shalt  }
0x7a: {  	_ =	shalt  }
0x7b: {  	_ =	shalt  }
0x7c: {  	_ =	shalt  }
0x7d: {  	_ =	shalt  }
0x7e: {  	_ =	shalt  }
0x7f: {  	_ =	shalt  }
0x80: {  	_ =	shalt  }
0x81: {  	_ =	shalt  }
0x82: {  	_ =	shalt  }
0x83: {  	_ =	shalt  }
0x84: {  	_ =	shalt  }
0x85: {  	_ =	shalt  }
0x86: {  	_ =	shalt  }
0x87: {  	_ =	shalt  }
.Lfunc_end0:
.L_simem_size_0:
called_computation.1_lowered:
.L_overlay_start_0:
0x88: {  	s2 =	sld [smem:$0x3FD9]  }
0x89: {  	s3 =	sld [smem:$0x3FFE];
	_ =	sdelay $0x1  }
0x8a: {  	s1 =	srdreg.scid  }
0x8b: {  	s0 =	sand.u32 $0x1, s1  }
0x8c: {  	s17 =	sshll.u32 s0, $0xA;
	s2 =	sadd.s32 s3, s2  }
0x8d: {  	s2 =	sadd.s32 s2, s17  }
0x8e: {  	[smem:$0x3FB3] =	sst s2  }
0x8f: {  	_ = 	snop  }
0x90: {  	s2 =	sld [smem:$0x3FC8]  }
0x91: {  	s18 =	sld [smem:$0x3FC7]  }
0x92: {  	s4 =	sld [smem:$0x3FC5]  }
0x93: {  	s5 =	sld [smem:$0x3FC4]  }
0x94: {  	s6 =	sld [smem:$0x3FD0];
	(tm) =	ssettm $0x1  }
0x95: {  	s7 =	sld [smem:$0x3FFB];
	_ =	sdelay $0x3  }
0x96: {  	_ =	strace s7  }
0x97: {  	s7 =	sld [smem:$0x3FFC];
	_ =	sdelay $0x3  }
0x98: {  	_ =	strace s7  }
0x99: {  	s7 =	sld [smem:$0x3FFD];
	_ =	sdelay $0x3  }
0x9a: {  	_ =	strace s7  }
0x9b: {  	_ =	strace $0x8FFFFFFF  }
0x9c: {  	s19 =	sld [smem:$0x3FDB];
	_ =	sdelay $0x1  }
0x9d: {  	s8 =	simm.s32 $_scs_section_size  }
0x9e: {  	s9 =	simm.s32 $_size__tile_overlayer_lowered;
	s10 =	simm.s32 $_tile_overlayer_lowered  }
0x9f: {  	s22 =	simm.s32 $0x1BFF;
	s21 =	sshll.u32 s10, $0x1;
	s7 =	sadd.s32 s8, s19  }
0xa0: {  	s11 =	simm.s32 $0x0;
	s20 =	sshll.u32 s9, $0x1;
	s9 =	sadd.s32 s21, s7  }
0xa1: {  	[timem:s11], [sflag:s22] =	dma.local [hbm:s9], s20  }
0xa2: {  	_ =	swait.ge [sflag:s22], s20  }
0xa3: {  	s8 =	ssub.s32 $0x0, s20;
	[sflag:s22] =	ssyncset.done $0x0  }
0xa4: {  	[sflag:s22] =	ssyncadd.s32 s8;
	_ =	sdelay $0x1  }
0xa5: {  	s23 =	simm.s32 $0x1B8B  }
0xa6: {  	_ =	swait.ge [sflag:s23], $0x1  }
0xa7: {  	[sflag:s23] =	ssyncset.done $0x0  }
0xa8: {  	s25 =	simm.s32 $0x1B8E;
	s24 =	sld [smem:$0x3FFE];
	[sflag:s23] =	ssyncadd.s32 $0xFFFFFFFF  }
0xa9: {  	s26 =	simm.s32 $execute0_lowered;
	[smem:$0x3FD2] =	sst s25  }
0xaa: {  	s9 =	sshll.u32 s26, $0x1;
	_ =	strace $0x80000049;
	[dreg:$0x1] =	wrdreg $0xFFFFFFFF  }
0xab: {  	s28 =	simm.s32 $_size_execute0_lowered;
	s7 =	sadd.s32 s7, s9;
	[dreg:$0x0] =	wrdreg $0x0  }
0xac: {  	s9 =	sshll.u32 s28, $0x1;
	[dreg:$0x2] =	wrdreg s7  }
0xad: {  	[dreg:$0x3] =	wrdreg s9  }
0xae: {  	[dreg:$0x4] =	wrdreg $0xC0  }
0xaf: {  	_ =	task [dreg:s11], $0x5FFFF  }
0xb0: {  	[dreg:$0x1] =	wrdreg $0xFFFFFFFF  }
0xb1: {  	[dreg:$0x0] =	wrdreg $0x60  }
0xb2: {  	[dreg:$0x2] =	wrdreg s24  }
0xb3: {  	[dreg:$0x3] =	wrdreg s2  }
0xb4: {  	[dreg:$0x4] =	wrdreg s18  }
0xb5: {  	[dreg:$0x5] =	wrdreg s4  }
0xb6: {  	[dreg:$0x6] =	wrdreg s5  }
0xb7: {  	[dreg:$0x7] =	wrdreg s6  }
0xb8: {  	[dreg:$0x8] =	wrdreg $0x9  }
0xb9: {  	_ =	task.clear_ibuf [dreg:s11], $0x9FFFF;
	_ =	strace $0x90000049  }
0xba: {  	s29 =	simm.s32 $0x9;
	_ =	strace $0x8000004B  }
0xbb: {  	_ =	swait.ge [sflag:s29], $0x1  }
0xbc: {  	[sflag:s29] =	ssyncadd.s32 $0xFFFFFFFF  }
0xbd: {  	_ =	strace $0x9000004B  }
0xbe: {  	_ =	sfence  }
0xbf: {  	s30 =	sld [smem:$0x0];
	_ =	sdelay $0x2  }
0xc0: {  	s31 =	sshll.u32 s1, $0xD;
	s1 =	sshrl.u32 s1, $0x2  }
0xc1: {  	s3 =	sand.u32 $0x4000, s31;
	s1 =	sadd.s32 s1, s30  }
0xc2: {  	s0 =	sor.u32 s3, s0;
	s1 =	sshll.u32 s1, $0x11  }
0xc3: {  	s0 =	sor.u32 s1, s0  }
0xc4: {  	s0 =	sadd.s32 $0x8F2B, s0  }
0xc5: {  	[sflag:s0] =	ssyncadd.remote.s32 $0x1  }
0xc6: {  	_ =	sfence.sel $0xFFFF  }
0xc7: {  	[dreg:$0x0] =	wrdreg $0xFFFFFFFF;
	(pc) =	sbr.abs _section_cstart, $3  }
0xc8: {  	[dreg:$0x1] =	wrdreg $0xFFFFFFFF  }
0xc9: {  	_ =	task.clear_ibuf [dreg:s11], $0x2FFFF;
	_ =	strace $0x9FFFFFFF  }
0xca: {  	(tm) =	ssettm $0x7FFFFFFF  }
0xcb: {  	_ =	shalt  }
tec
execute0_lowered:
.L_overlay_start_1:
0x0: {  	(tag) =	ssettag $0x1  }
0x1: {  	s17 =	rddreg [dreg:$0x0]  }
0x2: {  	s3 =	rddreg [dreg:$0x1]  }
0x3: {  	s5 =	rddreg [dreg:$0x2]  }
0x4: {  	s7 =	rddreg [dreg:$0x3];
	s1 =	srdreg.scid  }
0x5: {  	s9 =	rddreg [dreg:$0x4];
	s0 =	stileid.u32;
	s23 =	sand.u32 $0x1, s1  }
0x6: {  	s20 =	rddreg [dreg:$0x5];
	s4 =	sshll.u32 s0, $0x8;
	s6 =	sshll.u32 s23, $0x7  }
0x7: {  	s2 =	simm.s32 $0x0;
	s1 =	rddreg [dreg:$0x6];
	s21 =	sor.u32 s6, s4  }
0x8: {  	[smem:$0x7FF] =	sst s2;
	s10 =	sshrl.u32 s21, $0x3  }
0x9: {  	_ =	strace $0x8000004A;
	s4 =	sadd.s32 s3, s10;
	s3 =	simm.s32 $0x2  }
0xa: {  	[tilespmem:s2], [sflag:$0x2] =	stream.linear.gather [hbm4b:s4+s2], $0x80, $0x38;
	[tilespmem:$0x4200] =	vst v63  }
0xb: {  	_ =	swait.ge [sflag:s3], $0x80  }
0xc: {  	[sflag:s3] =	ssyncset.done $0x0  }
0xd: {  	s6 =	simm.s32 $0x80;
	s5 =	sadd.s32 s5, s10;
	[sflag:s3] =	ssyncadd.s32 $0xFFFFFF80  }
0xe: {  	[tilespmem:s6], [sflag:$0x2] =	stream.linear.gather [hbm4b:s5+s2], $0x80, $0x38;
	[tilespmem:$0x4200] =	vst v63  }
0xf: {  	_ =	swait.ge [sflag:s3], $0x80  }
0x10: {  	[sflag:s3] =	ssyncset.done $0x0  }
0x11: {  	s8 =	simm.s32 $0x100;
	s7 =	sadd.s32 s7, s10;
	[sflag:s3] =	ssyncadd.s32 $0xFFFFFF80  }
0x12: {  	[tilespmem:s8], [sflag:$0x2] =	stream.linear.gather [hbm4b:s7+s2], $0x80, $0x38;
	[tilespmem:$0x4200] =	vst v63  }
0x13: {  	_ =	swait.ge [sflag:s3], $0x80  }
0x14: {  	[sflag:s3] =	ssyncset.done $0x0  }
0x15: {  	s9 =	sadd.s32 s9, s10;
	s10 =	simm.s32 $0x180;
	[sflag:s3] =	ssyncadd.s32 $0xFFFFFF80  }
0x16: {  	[tilespmem:s10], [sflag:$0x2] =	stream.linear.gather [hbm4b:s9+s2], $0x80, $0x38;
	[tilespmem:$0x4200] =	vst v63  }
0x17: {  	_ =	swait.ge [sflag:s3], $0x80  }
0x18: {  	[sflag:s3] =	ssyncset.done $0x0  }
0x19: {  	s12 =	simm.s32 $0x200;
	s11 =	sadd.s32 $0xBC00, s17;
	[sflag:s3] =	ssyncadd.s32 $0xFFFFFF80  }
0x1a: {  	[tilespmem:s12], [sflag:$0x1] =	stream.indirect.gather [hbm4b:s11+s6], $0x20, s2, s6, $0xb8;
	[tilespmem:$0x4200] =	vst v63  }
0x1b: {  	s14 =	simm.s32 $0x1200;
	s13 =	sadd.s32 $0xAA00, s17  }
0x1c: {  	[tilespmem:s14], [sflag:$0x1] =	stream.indirect.gather [hbm4b:s13+s6], $0x20, s6, s6, $0xb8;
	[tilespmem:$0x4200] =	vst v63  }
0x1d: {  	s16 =	simm.s32 $0x2200;
	s15 =	sadd.s32 $0xAC00, s17  }
0x1e: {  	[tilespmem:s16], [sflag:$0x1] =	stream.indirect.gather [hbm4b:s15+s6], $0x20, s8, s6, $0xb8;
	[tilespmem:$0x4200] =	vst v63  }
0x1f: {  	s18 =	simm.s32 $0x3200;
	s19 =	simm.s32 $0x1;
	s17 =	sadd.s32 $0x15A00, s17  }
0x20: {  	[tilespmem:s18], [sflag:$0x1] =	stream.indirect.gather [hbm4b:s17+s6], $0x20, s10, s6, $0xb8;
	[tilespmem:$0x4200] =	vst v63  }
0x21: {  	_ =	swait.ge [sflag:s19], $0x1000  }
0x22: {  	[sflag:s19] =	ssyncset.done $0x0  }
0x23: {  	[sflag:s19] =	ssyncadd.s32 $0xFFFFF000  }
0x24: {  	_ =	swait.ge [sflag:s19], $0x1000  }
0x25: {  	[sflag:s19] =	ssyncset.done $0x0  }
0x26: {  	[sflag:s19] =	ssyncadd.s32 $0xFFFFF000  }
0x27: {  	_ =	swait.ge [sflag:s19], $0x1000  }
0x28: {  	[sflag:s19] =	ssyncset.done $0x0  }
0x29: {  	[sflag:s19] =	ssyncadd.s32 $0xFFFFF000  }
0x2a: {  	_ =	swait.ge [sflag:s19], $0x1000  }
0x2b: {  	s21 =	sshll.u32 s21, $0x4;
	[sflag:s19] =	ssyncset.done $0x0  }
0x2c: {  	s20 =	sadd.s32 s20, s21;
	s21 =	simm.s32 $0x20;
	[sflag:s19] =	ssyncadd.s32 $0xFFFFF000  }
0x2d: {  	[hbm4b:s20+s21] =	stream.strided.scatter [tilespmem:s12], [sflag:$0x2], $0x1000, s6, s21, $0x38;
	[tilespmem:$0x4200] =	vst v63  }
0x2e: {  	_ =	swait.ge [sflag:s3], $0x1000  }
0x2f: {  	[sflag:s3] =	ssyncset.done $0x0  }
0x30: {  	s24 =	ssub.s32 $0x2, s23;
	s22 =	sadd.s32 $0x4, s20;
	[sflag:s3] =	ssyncadd.s32 $0xFFFFF000  }
0x31: {  	[hbm4b:s22+s21] =	stream.strided.scatter [tilespmem:s14], [sflag:$0x2], $0x1000, s6, s21, $0x38;
	[tilespmem:$0x4200] =	vst v63  }
0x32: {  	s25 =	sshrl.u32 s24, $0x1;
	_ =	swait.ge [sflag:s3], $0x1000  }
0x33: {  	s25 =	ssub.s32 s24, s25;
	[sflag:s3] =	ssyncset.done $0x0  }
0x34: {  	s25 =	smax.u32 s25, $0x1;
	s23 =	sadd.s32 $0x8, s20;
	[sflag:s3] =	ssyncadd.s32 $0xFFFFF000  }
0x35: {  	[hbm4b:s23+s21] =	stream.strided.scatter [tilespmem:s16], [sflag:$0x2], $0x1000, s6, s21, $0x38;
	[tilespmem:$0x4200] =	vst v63  }
0x36: {  	p0 =	sne.s32 s25, $0x1;
	_ =	swait.ge [sflag:s3], $0x1000  }
.Ltmp0:
0x37: {  	[sflag:s3] =	ssyncset.done $0x0;
	(pc) =	sbr.rel @!p0 .LBB2_2-.Ltmp0, $4  }
0x38: {  	s24 =	sadd.s32 $0xC, s20;
	[sflag:s3] =	ssyncadd.s32 $0xFFFFF000  }
0x39: {  	[hbm4b:s24+s21] =	stream.strided.scatter [tilespmem:s18], [sflag:$0x2], $0x1000, s6, s21, $0x38;
	[tilespmem:$0x4200] =	vst v63  }
0x3a: {  	_ =	swait.ge [sflag:s3], $0x1000  }
0x3b: {  	s25 =	sadd.s32 $0xFFFFFFFF, s25;
	[sflag:s3] =	ssyncset.done $0x0  }
.LBB2_1:
0x3c: {  	p0 =	sne.s32 s25, $0x1;
	s25 =	sadd.s32 $0xFFFFFFFF, s25;
	[sflag:s3] =	ssyncadd.s32 $0xFFFFF000  }
0x3d: {  	[tilespmem:s2], [sflag:$0x2] =	stream.linear.gather [hbm4b:s4+s2], $0x80, $0x38;
	[tilespmem:$0x4200] =	vst v63  }
0x3e: {  	_ =	swait.ge [sflag:s3], $0x80  }
0x3f: {  	[sflag:s3] =	ssyncset.done $0x0  }
0x40: {  	[sflag:s3] =	ssyncadd.s32 $0xFFFFFF80  }
0x41: {  	[tilespmem:s6], [sflag:$0x2] =	stream.linear.gather [hbm4b:s5+s2], $0x80, $0x38;
	[tilespmem:$0x4200] =	vst v63  }
0x42: {  	_ =	swait.ge [sflag:s3], $0x80  }
0x43: {  	[sflag:s3] =	ssyncset.done $0x0  }
0x44: {  	[sflag:s3] =	ssyncadd.s32 $0xFFFFFF80  }
0x45: {  	[tilespmem:s8], [sflag:$0x2] =	stream.linear.gather [hbm4b:s7+s2], $0x80, $0x38;
	[tilespmem:$0x4200] =	vst v63  }
0x46: {  	_ =	swait.ge [sflag:s3], $0x80  }
0x47: {  	[sflag:s3] =	ssyncset.done $0x0  }
0x48: {  	[sflag:s3] =	ssyncadd.s32 $0xFFFFFF80  }
0x49: {  	[tilespmem:s10], [sflag:$0x2] =	stream.linear.gather [hbm4b:s9+s2], $0x80, $0x38;
	[tilespmem:$0x4200] =	vst v63  }
0x4a: {  	_ =	swait.ge [sflag:s3], $0x80  }
0x4b: {  	[sflag:s3] =	ssyncset.done $0x0  }
0x4c: {  	[sflag:s3] =	ssyncadd.s32 $0xFFFFFF80  }
0x4d: {  	[tilespmem:s12], [sflag:$0x1] =	stream.indirect.gather [hbm4b:s11+s6], $0x20, s2, s6, $0xb8;
	[tilespmem:$0x4200] =	vst v63  }
0x4e: {  	_ = 	snop  }
0x4f: {  	[tilespmem:s14], [sflag:$0x1] =	stream.indirect.gather [hbm4b:s13+s6], $0x20, s6, s6, $0xb8;
	[tilespmem:$0x4200] =	vst v63  }
0x50: {  	_ = 	snop  }
0x51: {  	[tilespmem:s16], [sflag:$0x1] =	stream.indirect.gather [hbm4b:s15+s6], $0x20, s8, s6, $0xb8;
	[tilespmem:$0x4200] =	vst v63  }
0x52: {  	_ = 	snop  }
0x53: {  	[tilespmem:s18], [sflag:$0x1] =	stream.indirect.gather [hbm4b:s17+s6], $0x20, s10, s6, $0xb8;
	[tilespmem:$0x4200] =	vst v63  }
0x54: {  	_ =	swait.ge [sflag:s19], $0x1000  }
0x55: {  	[sflag:s19] =	ssyncset.done $0x0  }
0x56: {  	[sflag:s19] =	ssyncadd.s32 $0xFFFFF000  }
0x57: {  	_ =	swait.ge [sflag:s19], $0x1000  }
0x58: {  	[sflag:s19] =	ssyncset.done $0x0  }
0x59: {  	[sflag:s19] =	ssyncadd.s32 $0xFFFFF000  }
0x5a: {  	_ =	swait.ge [sflag:s19], $0x1000  }
0x5b: {  	[sflag:s19] =	ssyncset.done $0x0  }
0x5c: {  	[sflag:s19] =	ssyncadd.s32 $0xFFFFF000  }
0x5d: {  	_ =	swait.ge [sflag:s19], $0x1000  }
0x5e: {  	[sflag:s19] =	ssyncset.done $0x0  }
0x5f: {  	[sflag:s19] =	ssyncadd.s32 $0xFFFFF000  }
0x60: {  	[hbm4b:s20+s21] =	stream.strided.scatter [tilespmem:s12], [sflag:$0x2], $0x1000, s6, s21, $0x38;
	[tilespmem:$0x4200] =	vst v63  }
0x61: {  	_ =	swait.ge [sflag:s3], $0x1000  }
0x62: {  	[sflag:s3] =	ssyncset.done $0x0  }
0x63: {  	[sflag:s3] =	ssyncadd.s32 $0xFFFFF000  }
0x64: {  	[hbm4b:s22+s21] =	stream.strided.scatter [tilespmem:s14], [sflag:$0x2], $0x1000, s6, s21, $0x38;
	[tilespmem:$0x4200] =	vst v63  }
0x65: {  	_ =	swait.ge [sflag:s3], $0x1000  }
0x66: {  	[sflag:s3] =	ssyncset.done $0x0  }
0x67: {  	[sflag:s3] =	ssyncadd.s32 $0xFFFFF000  }
0x68: {  	[hbm4b:s23+s21] =	stream.strided.scatter [tilespmem:s16], [sflag:$0x2], $0x1000, s6, s21, $0x38;
	[tilespmem:$0x4200] =	vst v63  }
0x69: {  	_ =	swait.ge [sflag:s3], $0x1000  }
.Ltmp1:
0x6a: {  	[sflag:s3] =	ssyncset.done $0x0;
	(pc) =	sbr.rel @p0 .LBB2_1-.Ltmp1, $4  }
0x6b: {  	[sflag:s3] =	ssyncadd.s32 $0xFFFFF000  }
0x6c: {  	[hbm4b:s24+s21] =	stream.strided.scatter [tilespmem:s18], [sflag:$0x2], $0x1000, s6, s21, $0x38;
	[tilespmem:$0x4200] =	vst v63  }
0x6d: {  	_ =	swait.ge [sflag:s3], $0x1000  }
0x6e: {  	[sflag:s3] =	ssyncset.done $0x0  }
.LBB2_2:
0x6f: {  	[sflag:s3] =	ssyncadd.s32 $0xFFFFF000  }
0x70: {  	_ =	sfence.sel $0x180000  }
0x71: {  	[bflag:$0x0] =	sbarrier.arrive $0xFFFF  }
0x72: {  	p0 =	sne.s32 s0, $0x0;
	_ =	strace $0x9000004A  }
0x73: {  	s0 =	sadd.s32 @!p0 $0x100000, s1;
	[bflag:$0x2] =	sbarrier.arrive $0xFFFF  }
0x74: {  	[sflag:s0] =	ssyncadd.tile.s32 @!p0 $0x1;
	_ =	shalt  }
.Lfunc_end2:
_tile_overlayer_lowered:
.L_overlay_start_2:
0x75: {  	(tag) =	ssettag $0x2  }
0x76: {  	s0 =	rddreg [dreg:$0x0];
	s2 =	stileid.u32  }
0x77: {  	s1 =	rddreg [dreg:$0x1];
	p0 =	sne.s32 s2, $0x0  }
0x78: {  	s3 =	rddreg [dreg:$0x2];
	[bflag:$0x3] =	sbarrier.arrive $0xFFFF;
	s2 =	simm.s32 @!p0 $0x1C02  }
0x79: {  	[timem:s3], [sflag:s2] =	dma.local @!p0 [hbm:s0], s1  }
0x7a: {  	s0 =	simm.s32 @!p0 $0x2  }
0x7b: {  	_ =	swait.ge @!p0 [sflag:s0], s1  }
0x7c: {  	s1 =	ssub.s32 @!p0 $0x0, s1;
	[sflag:s0] =	ssyncset.done @!p0 $0x0  }
0x7d: {  	[sflag:s0] =	ssyncadd.s32 @!p0 s1  }
0x7e: {  	[bflag:$0x3] =	sbarrier.arrive $0xFFFF  }
0x7f: {  	_ =	shalt  }

</sc_bundles>
